<compile_context>
chip_gen: v7x
topology: tpu7x:2x2x1
jax: 0.10.2.dev20260603
libtpu: 0.0.44.dev20260713+nightly
codegen_flags: <defaults>
</compile_context>

<pallas_src>
import functools

import jax
import jax.numpy as jnp
from jax import lax
from jax.experimental import pallas as pl
from jax.experimental.pallas import tpu as pltpu
from jax.experimental.pallas import tpu_sc as plsc

N = 10000
E = 320000
D = 128

NC = 2
NS = 16
NW = NC * NS
CHUNK = 105
IDXB = 24
NCH0 = 144
NCH1 = 48
TOTC = NS * (NCH0 + NCH1) + 96
NPROC = NS * (NCH0 + NCH1)
EPAD = TOTC * CHUNK
NP = 10008
RPT = 632
RL_OUT = NP - 15 * RPT
RL_S = N - 15 * RPT

@functools.cache
def _get_mesh():
  return plsc.VectorSubcoreMesh(core_axis_name="c", subcore_axis_name="s",
                                num_cores=NC, num_subcores=NS)



def _init_acc(c, s, init_hbm, zeros_hbm, acc):
  last = s == NS - 1

  @pl.when(jnp.logical_and(c == 0, jnp.logical_not(last)))
  def _():
    pltpu.sync_copy(init_hbm.at[pl.ds(s * RPT, RPT)],
                    acc.at[pl.ds(s * RPT, RPT)])

  @pl.when(jnp.logical_and(c == 0, last))
  def _():
    pltpu.sync_copy(init_hbm.at[pl.ds(15 * RPT, RL_S)],
                    acc.at[pl.ds(15 * RPT, RL_S)])

  @pl.when(jnp.logical_and(c == 1, jnp.logical_not(last)))
  def _():
    pltpu.sync_copy(zeros_hbm.at[pl.ds(s * RPT, RPT)],
                    acc.at[pl.ds(s * RPT, RPT)])

  @pl.when(jnp.logical_and(c == 1, last))
  def _():
    pltpu.sync_copy(zeros_hbm.at[pl.ds(15 * RPT, RL_OUT)],
                    acc.at[pl.ds(15 * RPT, RL_OUT)])


def _writeout(c, s, acc, out_hbm):
  last = s == NS - 1

  @pl.when(jnp.logical_not(last))
  def _():
    pltpu.sync_copy(acc.at[pl.ds(s * RPT, RPT)],
                    out_hbm.at[c, pl.ds(s * RPT, RPT)])

  @pl.when(last)
  def _():
    pltpu.sync_copy(acc.at[pl.ds(15 * RPT, RL_OUT)],
                    out_hbm.at[c, pl.ds(15 * RPT, RL_OUT)])


def _sc_scatter_body(s_hbm, rows_hbm, cols_hbm, zeros_hbm, out_hbm,
                     rowA, colA, rowB, colB, g0, g1,
                     isA, isB, gs0, gs1, ss0, ss1, acc):
  c = lax.axis_index("c")
  s = lax.axis_index("s")
  cbase = jnp.where(c == 0, s * NCH0, NS * NCH0 + s * NCH1)
  nblk = jnp.where(c == 0, NCH0 // IDXB, NCH1 // IDXB)
  npairs = jnp.where(c == 0, NCH0 // (2 * IDXB), NCH1 // (2 * IDXB))
  pltpu.async_copy(rows_hbm.at[pl.ds(cbase, IDXB)], rowA, isA)
  pltpu.async_copy(cols_hbm.at[pl.ds(cbase, IDXB)], colA, isA)
  pltpu.async_copy(rows_hbm.at[pl.ds(cbase + IDXB, IDXB)], rowB, isB)
  pltpu.async_copy(cols_hbm.at[pl.ds(cbase + IDXB, IDXB)], colB, isB)
  _init_acc(c, s, s_hbm, zeros_hbm, acc)
  plsc.subcore_barrier()

  def process(rb, cb, isem):
    pltpu.make_async_copy(rows_hbm.at[pl.ds(0, IDXB)], rb, isem).wait()
    pltpu.make_async_copy(cols_hbm.at[pl.ds(0, IDXB)], cb, isem).wait()
    pltpu.async_copy(s_hbm.at[rb.at[0]], g0, gs0)
    pltpu.async_copy(s_hbm.at[rb.at[1]], g1, gs1)

    def body(k, c2):
      j0 = 2 * k
      j1 = j0 + 1
      jn0 = jnp.minimum(j0 + 2, IDXB - 1)
      jn1 = jnp.minimum(j0 + 3, IDXB - 1)
      pltpu.make_async_copy(s_hbm.at[rb.at[j0]], g0, gs0).wait()
      pltpu.async_copy(g0, acc.at[cb.at[j0]], ss0, add=True)
      pltpu.make_async_copy(s_hbm.at[rb.at[j1]], g1, gs1).wait()
      pltpu.async_copy(g1, acc.at[cb.at[j1]], ss1, add=True)
      pltpu.make_async_copy(g0, acc.at[cb.at[j0]], ss0).wait()
      pltpu.async_copy(s_hbm.at[rb.at[jn0]], g0, gs0)
      pltpu.make_async_copy(g1, acc.at[cb.at[j1]], ss1).wait()
      pltpu.async_copy(s_hbm.at[rb.at[jn1]], g1, gs1)
      return c2

    lax.fori_loop(0, IDXB // 2, body, 0)
    pltpu.make_async_copy(s_hbm.at[rb.at[IDXB - 1]], g0, gs0).wait()
    pltpu.make_async_copy(s_hbm.at[rb.at[IDXB - 1]], g1, gs1).wait()

  def prefetch(rb, cb, isem, blk):
    pltpu.async_copy(rows_hbm.at[pl.ds(cbase + blk * IDXB, IDXB)], rb, isem)
    pltpu.async_copy(cols_hbm.at[pl.ds(cbase + blk * IDXB, IDXB)], cb, isem)

  def hbody(h, carry):
    process(rowA, colA, isA)
    prefetch(rowA, colA, isA, jnp.minimum(2 * h + 2, nblk - 1))
    process(rowB, colB, isB)
    prefetch(rowB, colB, isB, jnp.minimum(2 * h + 3, nblk - 1))
    return carry

  lax.fori_loop(0, npairs, hbody, 0)
  pltpu.make_async_copy(rows_hbm.at[pl.ds(0, IDXB)], rowA, isA).wait()
  pltpu.make_async_copy(cols_hbm.at[pl.ds(0, IDXB)], colA, isA).wait()
  pltpu.make_async_copy(rows_hbm.at[pl.ds(0, IDXB)], rowB, isB).wait()
  pltpu.make_async_copy(cols_hbm.at[pl.ds(0, IDXB)], colB, isB).wait()
  plsc.subcore_barrier()
  _writeout(c, s, acc, out_hbm)


def _sc_scatter(s_val, rows3d, cols3d, zerosN):
  k = pl.kernel(
      _sc_scatter_body,
      out_type=jax.ShapeDtypeStruct((NC, NP, D), jnp.float32),
      mesh=_get_mesh(),
      scratch_types=[
          pltpu.VMEM((IDXB, CHUNK), jnp.int32),
          pltpu.VMEM((IDXB, CHUNK), jnp.int32),
          pltpu.VMEM((IDXB, CHUNK), jnp.int32),
          pltpu.VMEM((IDXB, CHUNK), jnp.int32),
          pltpu.VMEM((CHUNK, D), jnp.float32),
          pltpu.VMEM((CHUNK, D), jnp.float32),
          pltpu.SemaphoreType.DMA,
          pltpu.SemaphoreType.DMA,
          pltpu.SemaphoreType.DMA,
          pltpu.SemaphoreType.DMA,
          pltpu.SemaphoreType.DMA,
          pltpu.SemaphoreType.DMA,
          pltpu.VMEM_SHARED((NP, D), jnp.float32),
      ],
  )
  return k(s_val, rows3d, cols3d, zerosN)


def _sc_deg_body(ones_hbm, cols_hbm, zeros_hbm, out_hbm, colbuf, onesbuf, sem0,
                 acc):
  c = lax.axis_index("c")
  s = lax.axis_index("s")
  wid = c * NS + s
  pltpu.sync_copy(ones_hbm.at[pl.ds(0, 112)], onesbuf)
  _init_acc(c, s, ones_hbm, zeros_hbm, acc)
  pltpu.sync_copy(cols_hbm.at[pl.ds(wid * (NPROC // NW), NPROC // NW)], colbuf)
  plsc.subcore_barrier()

  def body(j, c2):
    pltpu.async_copy(onesbuf.at[pl.ds(0, CHUNK)], acc.at[colbuf.at[j]], sem0,
                     add=True)
    return c2

  lax.fori_loop(0, NPROC // NW, body, 0)

  def drain(j, c2):
    pltpu.make_async_copy(onesbuf.at[pl.ds(0, CHUNK)], acc.at[colbuf.at[j]],
                          sem0).wait()
    return c2

  lax.fori_loop(0, NPROC // NW, drain, 0)
  plsc.subcore_barrier()
  _writeout(c, s, acc, out_hbm)


def _sc_deg(onesN, cols3d, zerosN):
  k = pl.kernel(
      _sc_deg_body,
      out_type=jax.ShapeDtypeStruct((NC, NP, D), jnp.float32),
      mesh=_get_mesh(),
      scratch_types=[
          pltpu.VMEM((NPROC // NW, CHUNK), jnp.int32),
          pltpu.VMEM((112, D), jnp.float32),
          pltpu.SemaphoreType.DMA,
          pltpu.VMEM_SHARED((NP, D), jnp.float32),
      ],
  )
  return k(onesN, cols3d, zerosN)



R = 2000
G = N // R

_DOT = dict(precision=lax.Precision.DEFAULT, preferred_element_type=jnp.float32)


def _ln(h, g, b):
  mu = jnp.mean(h, axis=-1, keepdims=True)
  d = h - mu
  var = jnp.mean(d * d, axis=-1, keepdims=True)
  return d * lax.rsqrt(var + 1e-5) * g + b


def _dinv(dd):
  return lax.rsqrt(dd[0, :, 0:1] + dd[1, :, 0:1])


def _gelu(x):
  return 0.5 * x * (1.0 + lax.erf(x * 0.7071067811865476))


def _tc1_body(x_ref, wp_ref, bp_ref, gp_ref, bep_ref, w1_ref, dd_ref,
              h0_ref, s1_ref):
  h = lax.dot_general(x_ref[...], wp_ref[...], (((1,), (1,)), ((), ())), **_DOT)
  h = _ln(h + bp_ref[...], gp_ref[...], bep_ref[...])
  h0_ref[...] = h
  s1_ref[...] = _dinv(dd_ref) * lax.dot_general(
      h, w1_ref[...], (((1,), (1,)), ((), ())), **_DOT)


def _tc_mid_body(h_ref, p_ref, dd_ref, b_ref, g_ref, be_ref, wn_ref,
                 hn_ref, sn_ref):
  dinv = _dinv(dd_ref)
  m = _gelu(dinv * (p_ref[0] + p_ref[1]) + b_ref[...])
  hn = _ln(h_ref[...] + m, g_ref[...], be_ref[...])
  hn_ref[...] = hn
  sn_ref[...] = dinv * lax.dot_general(
      hn, wn_ref[...], (((1,), (1,)), ((), ())), **_DOT)


def _tc_fin_body(h_ref, p_ref, dd_ref, b_ref, g_ref, be_ref, hn_ref):
  dinv = _dinv(dd_ref)
  m = _gelu(dinv * (p_ref[0] + p_ref[1]) + b_ref[...])
  hn_ref[...] = _ln(h_ref[...] + m, g_ref[...], be_ref[...])


_ROW = pl.BlockSpec((R, D), lambda i: (i, 0))
_W = pl.BlockSpec((D, D), lambda i: (0, 0))
_VEC = pl.BlockSpec((1, D), lambda i: (0, 0))
_DD = pl.BlockSpec((NC, R, D), lambda i: (0, i, 0))
_P = pl.BlockSpec((NC, R, D), lambda i: (0, i, 0))
_OUT2 = [jax.ShapeDtypeStruct((N, D), jnp.float32)] * 2
_OUT1 = jax.ShapeDtypeStruct((N, D), jnp.float32)


def _tc1(x, wp, bp, gp, bep, w1, dd):
  return pl.pallas_call(
      _tc1_body, grid=(G,),
      in_specs=[_ROW, _W, _VEC, _VEC, _VEC, _W, _DD],
      out_specs=[_ROW, _ROW], out_shape=_OUT2,
  )(x, wp, bp, gp, bep, w1, dd)


def _tc_mid(h, p, dd, b, g, be, wn):
  return pl.pallas_call(
      _tc_mid_body, grid=(G,),
      in_specs=[_ROW, _P, _DD, _VEC, _VEC, _VEC, _W],
      out_specs=[_ROW, _ROW], out_shape=_OUT2,
  )(h, p, dd, b, g, be, wn)


def _tc_fin(h, p, dd, b, g, be):
  return pl.pallas_call(
      _tc_fin_body, grid=(G,),
      in_specs=[_ROW, _P, _DD, _VEC, _VEC, _VEC],
      out_specs=_ROW, out_shape=_OUT1,
  )(h, p, dd, b, g, be)



def kernel(x, edge_index, W_proj, b_proj, g_proj, be_proj,
           W1, b1, g1, be1, W2, b2, g2, be2, W3, b3, g3, be3):
  pad = EPAD - E
  rows = jnp.concatenate([edge_index[0], jnp.zeros((pad,), jnp.int32)])
  cols = jnp.concatenate([edge_index[1], jnp.full((pad,), N, jnp.int32)])
  rows3d = rows.reshape(TOTC, CHUNK)
  cols3d = cols.reshape(TOTC, CHUNK)
  zerosN = jnp.zeros((NP, D), jnp.float32)
  onesN = jnp.ones((N, D), jnp.float32)

  dd = _sc_deg(onesN, cols3d, zerosN)

  r2 = lambda v: v.reshape(1, D)
  h0, s1 = _tc1(x, W_proj, r2(b_proj), r2(g_proj), r2(be_proj), W1, dd)
  p1 = _sc_scatter(s1, rows3d, cols3d, zerosN)
  h1, s2 = _tc_mid(h0, p1, dd, r2(b1), r2(g1), r2(be1), W2)
  p2 = _sc_scatter(s2, rows3d, cols3d, zerosN)
  h2, s3 = _tc_mid(h1, p2, dd, r2(b2), r2(g2), r2(be2), W3)
  p3 = _sc_scatter(s3, rows3d, cols3d, zerosN)
  return _tc_fin(h2, p3, dd, r2(b3), r2(g3), r2(be3))

# --- scband reference (transcript-rebuilt; emitter-appended) ---
"""Pipeline reference for scband-gcncontext-31035433681339 (READ-ONLY COPY).

The authoritative reference and input builder live on the scoring server;
editing this copy changes nothing except your own understanding.
"""

import jax, jax.numpy as jnp
import numpy as np

N = 10000
E = 320000
D_IN = 128
D_H = 128


def _layer_norm(x, g, b):
    mu = jnp.mean(x, axis=-1, keepdims=True)
    var = jnp.mean((x - mu) ** 2, axis=-1, keepdims=True)
    return (x - mu) / jnp.sqrt(var + 1e-5) * g + b


def _gcn_conv(x, edge_index, W, b):
    # PyG GCNConv with add_self_loops=True, normalize=True:
    # h = x @ W.T ; A_hat = D^{-1/2} (A + I) D^{-1/2} ; out = A_hat h + b
    h = x @ W.T
    row = edge_index[0]
    col = edge_index[1]
    loop = jnp.arange(N, dtype=row.dtype)
    row = jnp.concatenate([row, loop])
    col = jnp.concatenate([col, loop])
    deg = jnp.zeros((N,), x.dtype).at[col].add(1.0)
    dinv = jnp.where(deg > 0, 1.0 / jnp.sqrt(deg), 0.0)
    norm = dinv[row] * dinv[col]
    msg = h[row] * norm[:, None]
    out = jnp.zeros((N, h.shape[1]), x.dtype).at[col].add(msg)
    return out + b


def setup_inputs(seed: int = 0):
    key = jax.random.key(seed)
    ks = jax.random.split(key, 24)
    inp = {}
    inp['x'] = jax.random.normal(ks[0], (N, D_IN), dtype=jnp.float32)
    inp['edge_index'] = jax.random.randint(ks[1], (2, E), 0, N, dtype=jnp.int32)
    s = 0.05
    inp['W_proj'] = jax.random.normal(ks[2], (D_H, D_IN), dtype=jnp.float32) * s
    inp['b_proj'] = jnp.zeros((D_H,), jnp.float32)
    inp['g_proj'] = jnp.ones((D_H,), jnp.float32)
    inp['be_proj'] = jnp.zeros((D_H,), jnp.float32)
    for i in range(1, 4):
        inp['W%d' % i] = jax.random.normal(ks[2 + i], (D_H, D_H), dtype=jnp.float32) * s
        inp['b%d' % i] = jnp.zeros((D_H,), jnp.float32)
        inp['g%d' % i] = jnp.ones((D_H,), jnp.float32)
        inp['be%d' % i] = jnp.zeros((D_H,), jnp.float32)
    return inp


def reference(x, edge_index, W_proj, b_proj, g_proj, be_proj, W1, b1, g1, be1, W2, b2, g2, be2, W3, b3, g3, be3):
    # proj: Linear + LayerNorm
    h = _layer_norm(x @ W_proj.T + b_proj, g_proj, be_proj)
    # 3 hops of GCNConv -> GELU -> residual -> LayerNorm (dropout=0.0 -> identity)
    for (W, b, g, be) in ((W1, b1, g1, be1), (W2, b2, g2, be2), (W3, b3, g3, be3)):
        m = jax.nn.gelu(_gcn_conv(h, edge_index, W, b), approximate=False)
        h = _layer_norm(h + m, g, be)
    return h

if __name__ == "__main__":
    import jax
    _d = setup_inputs()
    print(jax.jit(kernel)(*tuple(_d.values())))

</pallas_src>

<mosaic_0001>
#map = affine_map<(d0, d1) -> (0, 0)>
#map1 = affine_map<(d0, d1) -> (0, 0, 0)>
module attributes {stable_mosaic.version = 14 : i64} {
  func.func @_sc_scatter_body(%arg0: i32, %arg1: i32, %arg2: memref<10000x128xf32, #tpu.memory_space<hbm>>, %arg3: memref<3168x105xi32, #tpu.memory_space<hbm>>, %arg4: memref<3168x105xi32, #tpu.memory_space<hbm>>, %arg5: memref<10008x128xf32, #tpu.memory_space<hbm>>, %arg6: memref<2x10008x128xf32, #tpu.memory_space<hbm>>, %arg7: memref<24x105xi32, #tpu.memory_space<vmem>>, %arg8: memref<24x105xi32, #tpu.memory_space<vmem>>, %arg9: memref<24x105xi32, #tpu.memory_space<vmem>>, %arg10: memref<24x105xi32, #tpu.memory_space<vmem>>, %arg11: memref<105x128xf32, #tpu.memory_space<vmem>>, %arg12: memref<105x128xf32, #tpu.memory_space<vmem>>, %arg13: memref<!tpu.dma_semaphore, #tpu.memory_space<semaphore_mem>>, %arg14: memref<!tpu.dma_semaphore, #tpu.memory_space<semaphore_mem>>, %arg15: memref<!tpu.dma_semaphore, #tpu.memory_space<semaphore_mem>>, %arg16: memref<!tpu.dma_semaphore, #tpu.memory_space<semaphore_mem>>, %arg17: memref<!tpu.dma_semaphore, #tpu.memory_space<semaphore_mem>>, %arg18: memref<!tpu.dma_semaphore, #tpu.memory_space<semaphore_mem>>, %arg19: memref<10008x128xf32, #tpu.memory_space<vmem_shared>>) attributes {dimension_semantics = [#tpu.dimension_semantics<core_parallel>, #tpu.dimension_semantics<subcore_parallel>], iteration_bounds = array<i64: 2, 16>, scalar_prefetch = 0 : i64, scratch_operands = 13 : i64, tpu.core_type = #tpu.core_type<sc_vector_subcore>, window_params = [{transform_indices = #map}, {transform_indices = #map}, {transform_indices = #map}, {transform_indices = #map}, {transform_indices = #map1}]} {
    %eq3A = arith.constant 0 : i32
    %eq3A_0 = arith.cmpi eq, %arg0, %eq3A : i32
    %mul3A = arith.constant 144 : i32
    %mul3A_1 = arith.muli %arg1, %mul3A : i32
    %mul3A_2 = arith.constant 48 : i32
    %mul3A_3 = arith.muli %arg1, %mul3A_2 : i32
    %add3A = arith.constant 2304 : i32
    %add3A_4 = arith.addi %add3A, %mul3A_3 : i32
    %select_n3A = arith.select %eq3A_0, %mul3A_1, %add3A_4 : i32
    %eq3A_5 = arith.constant 0 : i32
    %eq3A_6 = arith.cmpi eq, %arg0, %eq3A_5 : i32
    %jit3A = arith.constant 6 : i32
    %jit3A_7 = arith.constant 2 : i32
    %select_n3A_8 = arith.select %eq3A_6, %jit3A, %jit3A_7 : i32
    %eq3A_9 = arith.constant 0 : i32
    %eq3A_10 = arith.cmpi eq, %arg0, %eq3A_9 : i32
    %jit3A_11 = arith.constant 3 : i32
    %jit3A_12 = arith.constant 1 : i32
    %select_n3A_13 = arith.select %eq3A_10, %jit3A_11, %jit3A_12 : i32
    %dma_start3A = arith.constant 0 : i32
    %dma_start3A_14 = tpu.memref_slice %arg3[%select_n3A, %dma_start3A] : memref<3168x105xi32, #tpu.memory_space<hbm>> -> memref<24x105xi32, #tpu.memory_space<hbm>>
    %dma_start3A_15 = arith.constant 0 : i32
    %dma_start3A_16 = tpu.memref_slice %arg3[%select_n3A, %dma_start3A_15] : memref<3168x105xi32, #tpu.memory_space<hbm>> -> memref<24x105xi32, #tpu.memory_space<hbm>>
    tpu.enqueue_dma source(%dma_start3A_16 : memref<24x105xi32, #tpu.memory_space<hbm>>) target(%arg7 : memref<24x105xi32, #tpu.memory_space<vmem>>) target_semaphore(%arg13 : memref<!tpu.dma_semaphore, #tpu.memory_space<semaphore_mem>>)
    %dma_start3A_17 = arith.constant 0 : i32
    %dma_start3A_18 = tpu.memref_slice %arg4[%select_n3A, %dma_start3A_17] : memref<3168x105xi32, #tpu.memory_space<hbm>> -> memref<24x105xi32, #tpu.memory_space<hbm>>
    %dma_start3A_19 = arith.constant 0 : i32
    %dma_start3A_20 = tpu.memref_slice %arg4[%select_n3A, %dma_start3A_19] : memref<3168x105xi32, #tpu.memory_space<hbm>> -> memref<24x105xi32, #tpu.memory_space<hbm>>
    tpu.enqueue_dma source(%dma_start3A_20 : memref<24x105xi32, #tpu.memory_space<hbm>>) target(%arg8 : memref<24x105xi32, #tpu.memory_space<vmem>>) target_semaphore(%arg13 : memref<!tpu.dma_semaphore, #tpu.memory_space<semaphore_mem>>)
    %add3A_21 = arith.constant 24 : i32
    %add3A_22 = arith.addi %select_n3A, %add3A_21 : i32
    %dma_start3A_23 = arith.constant 0 : i32
    %dma_start3A_24 = tpu.memref_slice %arg3[%add3A_22, %dma_start3A_23] : memref<3168x105xi32, #tpu.memory_space<hbm>> -> memref<24x105xi32, #tpu.memory_space<hbm>>
    %dma_start3A_25 = arith.constant 0 : i32
    %dma_start3A_26 = tpu.memref_slice %arg3[%add3A_22, %dma_start3A_25] : memref<3168x105xi32, #tpu.memory_space<hbm>> -> memref<24x105xi32, #tpu.memory_space<hbm>>
    tpu.enqueue_dma source(%dma_start3A_26 : memref<24x105xi32, #tpu.memory_space<hbm>>) target(%arg9 : memref<24x105xi32, #tpu.memory_space<vmem>>) target_semaphore(%arg14 : memref<!tpu.dma_semaphore, #tpu.memory_space<semaphore_mem>>)
    %add3A_27 = arith.constant 24 : i32
    %add3A_28 = arith.addi %select_n3A, %add3A_27 : i32
    %dma_start3A_29 = arith.constant 0 : i32
    %dma_start3A_30 = tpu.memref_slice %arg4[%add3A_28, %dma_start3A_29] : memref<3168x105xi32, #tpu.memory_space<hbm>> -> memref<24x105xi32, #tpu.memory_space<hbm>>
    %dma_start3A_31 = arith.constant 0 : i32
    %dma_start3A_32 = tpu.memref_slice %arg4[%add3A_28, %dma_start3A_31] : memref<3168x105xi32, #tpu.memory_space<hbm>> -> memref<24x105xi32, #tpu.memory_space<hbm>>
    tpu.enqueue_dma source(%dma_start3A_32 : memref<24x105xi32, #tpu.memory_space<hbm>>) target(%arg10 : memref<24x105xi32, #tpu.memory_space<vmem>>) target_semaphore(%arg14 : memref<!tpu.dma_semaphore, #tpu.memory_space<semaphore_mem>>)
    %eq3A_33 = arith.constant 15 : i32
    %eq3A_34 = arith.cmpi eq, %arg1, %eq3A_33 : i32
    %eq3A_35 = arith.constant 0 : i32
    %eq3A_36 = arith.cmpi eq, %arg0, %eq3A_35 : i32
    %not3A = arith.constant true
    %not3A_37 = arith.xori %eq3A_34, %not3A : i1
    %and3A = arith.andi %eq3A_36, %not3A_37 : i1
    %convert_element_type3A = arith.extui %and3A : i1 to i32
    %cond3A = arith.constant 0 : i32
    %cond3A_38 = arith.cmpi ne, %convert_element_type3A, %cond3A : i32
    scf.if %cond3A_38 {
      %mul3A_102 = arith.constant 632 : i32
      %mul3A_103 = arith.muli %arg1, %mul3A_102 : i32
      %mul3A_104 = arith.constant 632 : i32
      %mul3A_105 = arith.muli %arg1, %mul3A_104 : i32
      "tpu.region"() ({
        %run_scoped3A = tpu.sem_alloc : memref<!tpu.dma_semaphore, #tpu.memory_space<semaphore_mem>>
        %dma_start3A_106 = arith.constant 0 : i32
        %dma_start3A_107 = tpu.memref_slice %arg19[%mul3A_105, %dma_start3A_106] : memref<10008x128xf32, #tpu.memory_space<vmem_shared>> -> memref<632x128xf32, #tpu.memory_space<vmem_shared>>
        %dma_start3A_108 = arith.constant 0 : i32
        %dma_start3A_109 = tpu.memref_slice %arg2[%mul3A_103, %dma_start3A_108] : memref<10000x128xf32, #tpu.memory_space<hbm>> -> memref<632x128xf32, #tpu.memory_space<hbm>>
        tpu.enqueue_dma source(%dma_start3A_109 : memref<632x128xf32, #tpu.memory_space<hbm>>) target(%dma_start3A_107 : memref<632x128xf32, #tpu.memory_space<vmem_shared>>) target_semaphore(%run_scoped3A : memref<!tpu.dma_semaphore, #tpu.memory_space<semaphore_mem>>)
        %dma_wait3A_110 = arith.constant 0 : i32
        %dma_wait3A_111 = tpu.memref_slice %arg19[%mul3A_105, %dma_wait3A_110] : memref<10008x128xf32, #tpu.memory_space<vmem_shared>> -> memref<632x128xf32, #tpu.memory_space<vmem_shared>>
        %dma_wait3A_112 = arith.constant 0 : i32
        %dma_wait3A_113 = tpu.memref_slice %arg2[%mul3A_103, %dma_wait3A_112] : memref<10000x128xf32, #tpu.memory_space<hbm>> -> memref<632x128xf32, #tpu.memory_space<hbm>>
        tpu.wait_dma2 semaphore(%run_scoped3A : memref<!tpu.dma_semaphore, #tpu.memory_space<semaphore_mem>>) src(%dma_wait3A_113 : memref<632x128xf32, #tpu.memory_space<hbm>>) dst(%dma_wait3A_111 : memref<632x128xf32, #tpu.memory_space<vmem_shared>>)
        tpu.yield
      }) : () -> ()
    } else {
    }
    %eq3A_39 = arith.constant 0 : i32
    %eq3A_40 = arith.cmpi eq, %arg0, %eq3A_39 : i32
    %and3A_41 = arith.andi %eq3A_40, %eq3A_34 : i1
    %convert_element_type3A_42 = arith.extui %and3A_41 : i1 to i32
    %cond3A_43 = arith.constant 0 : i32
    %cond3A_44 = arith.cmpi ne, %convert_element_type3A_42, %cond3A_43 : i32
    scf.if %cond3A_44 {
      "tpu.region"() ({
        %run_scoped3A = tpu.sem_alloc : memref<!tpu.dma_semaphore, #tpu.memory_space<semaphore_mem>>
        %dma_start3A_102 = arith.constant 9480 : i32
        %dma_start3A_103 = arith.constant 0 : i32
        %dma_start3A_104 = tpu.memref_slice %arg19[%dma_start3A_102, %dma_start3A_103] : memref<10008x128xf32, #tpu.memory_space<vmem_shared>> -> memref<520x128xf32, #tpu.memory_space<vmem_shared>>
        %dma_start3A_105 = arith.constant 9480 : i32
        %dma_start3A_106 = arith.constant 0 : i32
        %dma_start3A_107 = tpu.memref_slice %arg2[%dma_start3A_105, %dma_start3A_106] : memref<10000x128xf32, #tpu.memory_space<hbm>> -> memref<520x128xf32, #tpu.memory_space<hbm>>
        tpu.enqueue_dma source(%dma_start3A_107 : memref<520x128xf32, #tpu.memory_space<hbm>>) target(%dma_start3A_104 : memref<520x128xf32, #tpu.memory_space<vmem_shared>>) target_semaphore(%run_scoped3A : memref<!tpu.dma_semaphore, #tpu.memory_space<semaphore_mem>>)
        %dma_wait3A_108 = arith.constant 9480 : i32
        %dma_wait3A_109 = arith.constant 0 : i32
        %dma_wait3A_110 = tpu.memref_slice %arg19[%dma_wait3A_108, %dma_wait3A_109] : memref<10008x128xf32, #tpu.memory_space<vmem_shared>> -> memref<520x128xf32, #tpu.memory_space<vmem_shared>>
        %dma_wait3A_111 = arith.constant 9480 : i32
        %dma_wait3A_112 = arith.constant 0 : i32
        %dma_wait3A_113 = tpu.memref_slice %arg2[%dma_wait3A_111, %dma_wait3A_112] : memref<10000x128xf32, #tpu.memory_space<hbm>> -> memref<520x128xf32, #tpu.memory_space<hbm>>
        tpu.wait_dma2 semaphore(%run_scoped3A : memref<!tpu.dma_semaphore, #tpu.memory_space<semaphore_mem>>) src(%dma_wait3A_113 : memref<520x128xf32, #tpu.memory_space<hbm>>) dst(%dma_wait3A_110 : memref<520x128xf32, #tpu.memory_space<vmem_shared>>)
        tpu.yield
      }) : () -> ()
    } else {
    }
    %eq3A_45 = arith.constant 1 : i32
    %eq3A_46 = arith.cmpi eq, %arg0, %eq3A_45 : i32
    %not3A_47 = arith.constant true
    %not3A_48 = arith.xori %eq3A_34, %not3A_47 : i1
    %and3A_49 = arith.andi %eq3A_46, %not3A_48 : i1
    %convert_element_type3A_50 = arith.extui %and3A_49 : i1 to i32
    %cond3A_51 = arith.constant 0 : i32
    %cond3A_52 = arith.cmpi ne, %convert_element_type3A_50, %cond3A_51 : i32
    scf.if %cond3A_52 {
      %mul3A_102 = arith.constant 632 : i32
      %mul3A_103 = arith.muli %arg1, %mul3A_102 : i32
      %mul3A_104 = arith.constant 632 : i32
      %mul3A_105 = arith.muli %arg1, %mul3A_104 : i32
      "tpu.region"() ({
        %run_scoped3A = tpu.sem_alloc : memref<!tpu.dma_semaphore, #tpu.memory_space<semaphore_mem>>
        %dma_start3A_106 = arith.constant 0 : i32
        %dma_start3A_107 = tpu.memref_slice %arg19[%mul3A_105, %dma_start3A_106] : memref<10008x128xf32, #tpu.memory_space<vmem_shared>> -> memref<632x128xf32, #tpu.memory_space<vmem_shared>>
        %dma_start3A_108 = arith.constant 0 : i32
        %dma_start3A_109 = tpu.memref_slice %arg5[%mul3A_103, %dma_start3A_108] : memref<10008x128xf32, #tpu.memory_space<hbm>> -> memref<632x128xf32, #tpu.memory_space<hbm>>
        tpu.enqueue_dma source(%dma_start3A_109 : memref<632x128xf32, #tpu.memory_space<hbm>>) target(%dma_start3A_107 : memref<632x128xf32, #tpu.memory_space<vmem_shared>>) target_semaphore(%run_scoped3A : memref<!tpu.dma_semaphore, #tpu.memory_space<semaphore_mem>>)
        %dma_wait3A_110 = arith.constant 0 : i32
        %dma_wait3A_111 = tpu.memref_slice %arg19[%mul3A_105, %dma_wait3A_110] : memref<10008x128xf32, #tpu.memory_space<vmem_shared>> -> memref<632x128xf32, #tpu.memory_space<vmem_shared>>
        %dma_wait3A_112 = arith.constant 0 : i32
        %dma_wait3A_113 = tpu.memref_slice %arg5[%mul3A_103, %dma_wait3A_112] : memref<10008x128xf32, #tpu.memory_space<hbm>> -> memref<632x128xf32, #tpu.memory_space<hbm>>
        tpu.wait_dma2 semaphore(%run_scoped3A : memref<!tpu.dma_semaphore, #tpu.memory_space<semaphore_mem>>) src(%dma_wait3A_113 : memref<632x128xf32, #tpu.memory_space<hbm>>) dst(%dma_wait3A_111 : memref<632x128xf32, #tpu.memory_space<vmem_shared>>)
        tpu.yield
      }) : () -> ()
    } else {
    }
    %eq3A_53 = arith.constant 1 : i32
    %eq3A_54 = arith.cmpi eq, %arg0, %eq3A_53 : i32
    %and3A_55 = arith.andi %eq3A_54, %eq3A_34 : i1
    %convert_element_type3A_56 = arith.extui %and3A_55 : i1 to i32
    %cond3A_57 = arith.constant 0 : i32
    %cond3A_58 = arith.cmpi ne, %convert_element_type3A_56, %cond3A_57 : i32
    scf.if %cond3A_58 {
      "tpu.region"() ({
        %run_scoped3A = tpu.sem_alloc : memref<!tpu.dma_semaphore, #tpu.memory_space<semaphore_mem>>
        %dma_start3A_102 = arith.constant 9480 : i32
        %dma_start3A_103 = arith.constant 0 : i32
        %dma_start3A_104 = tpu.memref_slice %arg19[%dma_start3A_102, %dma_start3A_103] : memref<10008x128xf32, #tpu.memory_space<vmem_shared>> -> memref<528x128xf32, #tpu.memory_space<vmem_shared>>
        %dma_start3A_105 = arith.constant 9480 : i32
        %dma_start3A_106 = arith.constant 0 : i32
        %dma_start3A_107 = tpu.memref_slice %arg5[%dma_start3A_105, %dma_start3A_106] : memref<10008x128xf32, #tpu.memory_space<hbm>> -> memref<528x128xf32, #tpu.memory_space<hbm>>
        tpu.enqueue_dma source(%dma_start3A_107 : memref<528x128xf32, #tpu.memory_space<hbm>>) target(%dma_start3A_104 : memref<528x128xf32, #tpu.memory_space<vmem_shared>>) target_semaphore(%run_scoped3A : memref<!tpu.dma_semaphore, #tpu.memory_space<semaphore_mem>>)
        %dma_wait3A_108 = arith.constant 9480 : i32
        %dma_wait3A_109 = arith.constant 0 : i32
        %dma_wait3A_110 = tpu.memref_slice %arg19[%dma_wait3A_108, %dma_wait3A_109] : memref<10008x128xf32, #tpu.memory_space<vmem_shared>> -> memref<528x128xf32, #tpu.memory_space<vmem_shared>>
        %dma_wait3A_111 = arith.constant 9480 : i32
        %dma_wait3A_112 = arith.constant 0 : i32
        %dma_wait3A_113 = tpu.memref_slice %arg5[%dma_wait3A_111, %dma_wait3A_112] : memref<10008x128xf32, #tpu.memory_space<hbm>> -> memref<528x128xf32, #tpu.memory_space<hbm>>
        tpu.wait_dma2 semaphore(%run_scoped3A : memref<!tpu.dma_semaphore, #tpu.memory_space<semaphore_mem>>) src(%dma_wait3A_113 : memref<528x128xf32, #tpu.memory_space<hbm>>) dst(%dma_wait3A_110 : memref<528x128xf32, #tpu.memory_space<vmem_shared>>)
        tpu.yield
      }) : () -> ()
    } else {
    }
    %barrier3A = arith.constant 0 : index
    tpu.barrier barrier_id(%barrier3A)
    %while3A = arith.constant 0 : i32
    %while3A_59 = arith.constant 0 : i32
    %while3A_60 = arith.subi %select_n3A_13, %while3A_59 : i32
    %while3A_61 = arith.addi %while3A_59, %while3A_60 : i32
    %while3A_62 = arith.constant 1 : i32
    %while3A_63 = arith.divsi %while3A_60, %while3A_62 : i32
    %while3A_64 = arith.muli %while3A_63, %while3A_62 : i32
    %while3A_65 = arith.addi %while3A_59, %while3A_64 : i32
    %while3A_66 = arith.constant 1 : i32
    scf.for %while3A_102 = %while3A_59 to %while3A_65 step %while3A_66  : i32 {
      %dma_wait3A_103 = arith.constant 0 : i32
      %dma_wait3A_104 = arith.constant 0 : i32
      %dma_wait3A_105 = tpu.memref_slice %arg3[%dma_wait3A_103, %dma_wait3A_104] : memref<3168x105xi32, #tpu.memory_space<hbm>> -> memref<24x105xi32, #tpu.memory_space<hbm>>
      %dma_wait3A_106 = arith.constant 0 : i32
      %dma_wait3A_107 = arith.constant 0 : i32
      %dma_wait3A_108 = tpu.memref_slice %arg3[%dma_wait3A_106, %dma_wait3A_107] : memref<3168x105xi32, #tpu.memory_space<hbm>> -> memref<24x105xi32, #tpu.memory_space<hbm>>
      tpu.wait_dma2 semaphore(%arg13 : memref<!tpu.dma_semaphore, #tpu.memory_space<semaphore_mem>>) src(%dma_wait3A_108 : memref<24x105xi32, #tpu.memory_space<hbm>>) dst(%arg7 : memref<24x105xi32, #tpu.memory_space<vmem>>)
      %dma_wait3A_109 = arith.constant 0 : i32
      %dma_wait3A_110 = arith.constant 0 : i32
      %dma_wait3A_111 = tpu.memref_slice %arg4[%dma_wait3A_109, %dma_wait3A_110] : memref<3168x105xi32, #tpu.memory_space<hbm>> -> memref<24x105xi32, #tpu.memory_space<hbm>>
      %dma_wait3A_112 = arith.constant 0 : i32
      %dma_wait3A_113 = arith.constant 0 : i32
      %dma_wait3A_114 = tpu.memref_slice %arg4[%dma_wait3A_112, %dma_wait3A_113] : memref<3168x105xi32, #tpu.memory_space<hbm>> -> memref<24x105xi32, #tpu.memory_space<hbm>>
      tpu.wait_dma2 semaphore(%arg13 : memref<!tpu.dma_semaphore, #tpu.memory_space<semaphore_mem>>) src(%dma_wait3A_114 : memref<24x105xi32, #tpu.memory_space<hbm>>) dst(%arg8 : memref<24x105xi32, #tpu.memory_space<vmem>>)
      %dma_start3A_115 = arith.constant 0 : i32
      %dma_start3A_116 = arith.constant 0 : i32
      %dma_start3A_117 = tpu.memref_slice %arg7[%dma_start3A_115, %dma_start3A_116] : memref<24x105xi32, #tpu.memory_space<vmem>> -> memref<1x105xi32, #tpu.memory_space<vmem>>
      %dma_start3A_118 = tpu.memref_squeeze %dma_start3A_117 : memref<1x105xi32, #tpu.memory_space<vmem>> -> memref<105xi32, #tpu.memory_space<vmem>>
      %dma_start3A_119 = arith.constant 0 : i32
      %dma_start3A_120 = arith.constant 0 : i32
      %dma_start3A_121 = tpu.memref_slice %arg2[%dma_start3A_119, %dma_start3A_120] : memref<10000x128xf32, #tpu.memory_space<hbm>> -> memref<10000x128xf32, #tpu.memory_space<hbm>>
      tpu.enqueue_indirect_dma source(%dma_start3A_121 : memref<10000x128xf32, #tpu.memory_space<hbm>>) target(%arg11 : memref<105x128xf32, #tpu.memory_space<vmem>>) offsets(%dma_start3A_118 : memref<105xi32, #tpu.memory_space<vmem>>) semaphore(%arg15 : memref<!tpu.dma_semaphore, #tpu.memory_space<semaphore_mem>>)
      %dma_start3A_122 = arith.constant 1 : i32
      %dma_start3A_123 = arith.constant 0 : i32
      %dma_start3A_124 = tpu.memref_slice %arg7[%dma_start3A_122, %dma_start3A_123] : memref<24x105xi32, #tpu.memory_space<vmem>> -> memref<1x105xi32, #tpu.memory_space<vmem>>
      %dma_start3A_125 = tpu.memref_squeeze %dma_start3A_124 : memref<1x105xi32, #tpu.memory_space<vmem>> -> memref<105xi32, #tpu.memory_space<vmem>>
      %dma_start3A_126 = arith.constant 0 : i32
      %dma_start3A_127 = arith.constant 0 : i32
      %dma_start3A_128 = tpu.memref_slice %arg2[%dma_start3A_126, %dma_start3A_127] : memref<10000x128xf32, #tpu.memory_space<hbm>> -> memref<10000x128xf32, #tpu.memory_space<hbm>>
      tpu.enqueue_indirect_dma source(%dma_start3A_128 : memref<10000x128xf32, #tpu.memory_space<hbm>>) target(%arg12 : memref<105x128xf32, #tpu.memory_space<vmem>>) offsets(%dma_start3A_125 : memref<105xi32, #tpu.memory_space<vmem>>) semaphore(%arg16 : memref<!tpu.dma_semaphore, #tpu.memory_space<semaphore_mem>>)
      %scan3A = arith.constant 0 : i32
      %scan3A_129 = arith.constant 0 : i32
      %scan3A_130 = arith.constant 12 : i32
      %scan3A_131 = arith.addi %scan3A_129, %scan3A_130 : i32
      %scan3A_132 = arith.constant 1 : i32
      scf.for %scan3A_234 = %scan3A_129 to %scan3A_131 step %scan3A_132  : i32 {
        %mul3A_235 = arith.constant 2 : i32
        %mul3A_236 = arith.muli %mul3A_235, %scan3A_234 : i32
        %add3A_237 = arith.constant 1 : i32
        %add3A_238 = arith.addi %mul3A_236, %add3A_237 : i32
        %add3A_239 = arith.constant 2 : i32
        %add3A_240 = arith.addi %mul3A_236, %add3A_239 : i32
        %min3A_241 = arith.constant 23 : i32
        %min3A_242 = arith.minsi %add3A_240, %min3A_241 : i32
        %add3A_243 = arith.constant 3 : i32
        %add3A_244 = arith.addi %mul3A_236, %add3A_243 : i32
        %min3A_245 = arith.constant 23 : i32
        %min3A_246 = arith.minsi %add3A_244, %min3A_245 : i32
        %dma_wait3A_247 = arith.constant 0 : i32
        %dma_wait3A_248 = tpu.memref_slice %arg7[%mul3A_236, %dma_wait3A_247] : memref<24x105xi32, #tpu.memory_space<vmem>> -> memref<1x105xi32, #tpu.memory_space<vmem>>
        %dma_wait3A_249 = tpu.memref_squeeze %dma_wait3A_248 : memref<1x105xi32, #tpu.memory_space<vmem>> -> memref<105xi32, #tpu.memory_space<vmem>>
        %dma_wait3A_250 = arith.constant 0 : i32
        %dma_wait3A_251 = arith.constant 0 : i32
        %dma_wait3A_252 = tpu.memref_slice %arg2[%dma_wait3A_250, %dma_wait3A_251] : memref<10000x128xf32, #tpu.memory_space<hbm>> -> memref<10000x128xf32, #tpu.memory_space<hbm>>
        tpu.wait_indirect_dma semaphore(%arg15 : memref<!tpu.dma_semaphore, #tpu.memory_space<semaphore_mem>>) src(%dma_wait3A_252 : memref<10000x128xf32, #tpu.memory_space<hbm>>) dst(%arg11 : memref<105x128xf32, #tpu.memory_space<vmem>>)
        %dma_start3A_253 = arith.constant 0 : i32
        %dma_start3A_254 = tpu.memref_slice %arg8[%mul3A_236, %dma_start3A_253] : memref<24x105xi32, #tpu.memory_space<vmem>> -> memref<1x105xi32, #tpu.memory_space<vmem>>
        %dma_start3A_255 = tpu.memref_squeeze %dma_start3A_254 : memref<1x105xi32, #tpu.memory_space<vmem>> -> memref<105xi32, #tpu.memory_space<vmem>>
        %dma_start3A_256 = arith.constant 0 : i32
        %dma_start3A_257 = arith.constant 0 : i32
        %dma_start3A_258 = tpu.memref_slice %arg19[%dma_start3A_256, %dma_start3A_257] : memref<10008x128xf32, #tpu.memory_space<vmem_shared>> -> memref<10008x128xf32, #tpu.memory_space<vmem_shared>>
        tpu.enqueue_indirect_dma source(%arg11 : memref<105x128xf32, #tpu.memory_space<vmem>>) target(%dma_start3A_258 : memref<10008x128xf32, #tpu.memory_space<vmem_shared>>) offsets(%dma_start3A_255 : memref<105xi32, #tpu.memory_space<vmem>>) semaphore(%arg17 : memref<!tpu.dma_semaphore, #tpu.memory_space<semaphore_mem>>) {add = true}
        %dma_wait3A_259 = arith.constant 0 : i32
        %dma_wait3A_260 = tpu.memref_slice %arg7[%add3A_238, %dma_wait3A_259] : memref<24x105xi32, #tpu.memory_space<vmem>> -> memref<1x105xi32, #tpu.memory_space<vmem>>
        %dma_wait3A_261 = tpu.memref_squeeze %dma_wait3A_260 : memref<1x105xi32, #tpu.memory_space<vmem>> -> memref<105xi32, #tpu.memory_space<vmem>>
        %dma_wait3A_262 = arith.constant 0 : i32
        %dma_wait3A_263 = arith.constant 0 : i32
        %dma_wait3A_264 = tpu.memref_slice %arg2[%dma_wait3A_262, %dma_wait3A_263] : memref<10000x128xf32, #tpu.memory_space<hbm>> -> memref<10000x128xf32, #tpu.memory_space<hbm>>
        tpu.wait_indirect_dma semaphore(%arg16 : memref<!tpu.dma_semaphore, #tpu.memory_space<semaphore_mem>>) src(%dma_wait3A_264 : memref<10000x128xf32, #tpu.memory_space<hbm>>) dst(%arg12 : memref<105x128xf32, #tpu.memory_space<vmem>>)
        %dma_start3A_265 = arith.constant 0 : i32
        %dma_start3A_266 = tpu.memref_slice %arg8[%add3A_238, %dma_start3A_265] : memref<24x105xi32, #tpu.memory_space<vmem>> -> memref<1x105xi32, #tpu.memory_space<vmem>>
        %dma_start3A_267 = tpu.memref_squeeze %dma_start3A_266 : memref<1x105xi32, #tpu.memory_space<vmem>> -> memref<105xi32, #tpu.memory_space<vmem>>
        %dma_start3A_268 = arith.constant 0 : i32
        %dma_start3A_269 = arith.constant 0 : i32
        %dma_start3A_270 = tpu.memref_slice %arg19[%dma_start3A_268, %dma_start3A_269] : memref<10008x128xf32, #tpu.memory_space<vmem_shared>> -> memref<10008x128xf32, #tpu.memory_space<vmem_shared>>
        tpu.enqueue_indirect_dma source(%arg12 : memref<105x128xf32, #tpu.memory_space<vmem>>) target(%dma_start3A_270 : memref<10008x128xf32, #tpu.memory_space<vmem_shared>>) offsets(%dma_start3A_267 : memref<105xi32, #tpu.memory_space<vmem>>) semaphore(%arg18 : memref<!tpu.dma_semaphore, #tpu.memory_space<semaphore_mem>>) {add = true}
        %dma_wait3A_271 = arith.constant 0 : i32
        %dma_wait3A_272 = tpu.memref_slice %arg8[%mul3A_236, %dma_wait3A_271] : memref<24x105xi32, #tpu.memory_space<vmem>> -> memref<1x105xi32, #tpu.memory_space<vmem>>
        %dma_wait3A_273 = tpu.memref_squeeze %dma_wait3A_272 : memref<1x105xi32, #tpu.memory_space<vmem>> -> memref<105xi32, #tpu.memory_space<vmem>>
        %dma_wait3A_274 = arith.constant 0 : i32
        %dma_wait3A_275 = arith.constant 0 : i32
        %dma_wait3A_276 = tpu.memref_slice %arg19[%dma_wait3A_274, %dma_wait3A_275] : memref<10008x128xf32, #tpu.memory_space<vmem_shared>> -> memref<10008x128xf32, #tpu.memory_space<vmem_shared>>
        tpu.wait_indirect_dma semaphore(%arg17 : memref<!tpu.dma_semaphore, #tpu.memory_space<semaphore_mem>>) src(%arg11 : memref<105x128xf32, #tpu.memory_space<vmem>>) dst(%dma_wait3A_276 : memref<10008x128xf32, #tpu.memory_space<vmem_shared>>)
        %dma_start3A_277 = arith.constant 0 : i32
        %dma_start3A_278 = tpu.memref_slice %arg7[%min3A_242, %dma_start3A_277] : memref<24x105xi32, #tpu.memory_space<vmem>> -> memref<1x105xi32, #tpu.memory_space<vmem>>
        %dma_start3A_279 = tpu.memref_squeeze %dma_start3A_278 : memref<1x105xi32, #tpu.memory_space<vmem>> -> memref<105xi32, #tpu.memory_space<vmem>>
        %dma_start3A_280 = arith.constant 0 : i32
        %dma_start3A_281 = arith.constant 0 : i32
        %dma_start3A_282 = tpu.memref_slice %arg2[%dma_start3A_280, %dma_start3A_281] : memref<10000x128xf32, #tpu.memory_space<hbm>> -> memref<10000x128xf32, #tpu.memory_space<hbm>>
        tpu.enqueue_indirect_dma source(%dma_start3A_282 : memref<10000x128xf32, #tpu.memory_space<hbm>>) target(%arg11 : memref<105x128xf32, #tpu.memory_space<vmem>>) offsets(%dma_start3A_279 : memref<105xi32, #tpu.memory_space<vmem>>) semaphore(%arg15 : memref<!tpu.dma_semaphore, #tpu.memory_space<semaphore_mem>>)
        %dma_wait3A_283 = arith.constant 0 : i32
        %dma_wait3A_284 = tpu.memref_slice %arg8[%add3A_238, %dma_wait3A_283] : memref<24x105xi32, #tpu.memory_space<vmem>> -> memref<1x105xi32, #tpu.memory_space<vmem>>
        %dma_wait3A_285 = tpu.memref_squeeze %dma_wait3A_284 : memref<1x105xi32, #tpu.memory_space<vmem>> -> memref<105xi32, #tpu.memory_space<vmem>>
        %dma_wait3A_286 = arith.constant 0 : i32
        %dma_wait3A_287 = arith.constant 0 : i32
        %dma_wait3A_288 = tpu.memref_slice %arg19[%dma_wait3A_286, %dma_wait3A_287] : memref<10008x128xf32, #tpu.memory_space<vmem_shared>> -> memref<10008x128xf32, #tpu.memory_space<vmem_shared>>
        tpu.wait_indirect_dma semaphore(%arg18 : memref<!tpu.dma_semaphore, #tpu.memory_space<semaphore_mem>>) src(%arg12 : memref<105x128xf32, #tpu.memory_space<vmem>>) dst(%dma_wait3A_288 : memref<10008x128xf32, #tpu.memory_space<vmem_shared>>)
        %dma_start3A_289 = arith.constant 0 : i32
        %dma_start3A_290 = tpu.memref_slice %arg7[%min3A_246, %dma_start3A_289] : memref<24x105xi32, #tpu.memory_space<vmem>> -> memref<1x105xi32, #tpu.memory_space<vmem>>
        %dma_start3A_291 = tpu.memref_squeeze %dma_start3A_290 : memref<1x105xi32, #tpu.memory_space<vmem>> -> memref<105xi32, #tpu.memory_space<vmem>>
        %dma_start3A_292 = arith.constant 0 : i32
        %dma_start3A_293 = arith.constant 0 : i32
        %dma_start3A_294 = tpu.memref_slice %arg2[%dma_start3A_292, %dma_start3A_293] : memref<10000x128xf32, #tpu.memory_space<hbm>> -> memref<10000x128xf32, #tpu.memory_space<hbm>>
        tpu.enqueue_indirect_dma source(%dma_start3A_294 : memref<10000x128xf32, #tpu.memory_space<hbm>>) target(%arg12 : memref<105x128xf32, #tpu.memory_space<vmem>>) offsets(%dma_start3A_291 : memref<105xi32, #tpu.memory_space<vmem>>) semaphore(%arg16 : memref<!tpu.dma_semaphore, #tpu.memory_space<semaphore_mem>>)
      }
      %scan3A_133 = arith.constant 12 : i32
      %dma_wait3A_134 = arith.constant 23 : i32
      %dma_wait3A_135 = arith.constant 0 : i32
      %dma_wait3A_136 = tpu.memref_slice %arg7[%dma_wait3A_134, %dma_wait3A_135] : memref<24x105xi32, #tpu.memory_space<vmem>> -> memref<1x105xi32, #tpu.memory_space<vmem>>
      %dma_wait3A_137 = tpu.memref_squeeze %dma_wait3A_136 : memref<1x105xi32, #tpu.memory_space<vmem>> -> memref<105xi32, #tpu.memory_space<vmem>>
      %dma_wait3A_138 = arith.constant 0 : i32
      %dma_wait3A_139 = arith.constant 0 : i32
      %dma_wait3A_140 = tpu.memref_slice %arg2[%dma_wait3A_138, %dma_wait3A_139] : memref<10000x128xf32, #tpu.memory_space<hbm>> -> memref<10000x128xf32, #tpu.memory_space<hbm>>
      tpu.wait_indirect_dma semaphore(%arg15 : memref<!tpu.dma_semaphore, #tpu.memory_space<semaphore_mem>>) src(%dma_wait3A_140 : memref<10000x128xf32, #tpu.memory_space<hbm>>) dst(%arg11 : memref<105x128xf32, #tpu.memory_space<vmem>>)
      %dma_wait3A_141 = arith.constant 23 : i32
      %dma_wait3A_142 = arith.constant 0 : i32
      %dma_wait3A_143 = tpu.memref_slice %arg7[%dma_wait3A_141, %dma_wait3A_142] : memref<24x105xi32, #tpu.memory_space<vmem>> -> memref<1x105xi32, #tpu.memory_space<vmem>>
      %dma_wait3A_144 = tpu.memref_squeeze %dma_wait3A_143 : memref<1x105xi32, #tpu.memory_space<vmem>> -> memref<105xi32, #tpu.memory_space<vmem>>
      %dma_wait3A_145 = arith.constant 0 : i32
      %dma_wait3A_146 = arith.constant 0 : i32
      %dma_wait3A_147 = tpu.memref_slice %arg2[%dma_wait3A_145, %dma_wait3A_146] : memref<10000x128xf32, #tpu.memory_space<hbm>> -> memref<10000x128xf32, #tpu.memory_space<hbm>>
      tpu.wait_indirect_dma semaphore(%arg16 : memref<!tpu.dma_semaphore, #tpu.memory_space<semaphore_mem>>) src(%dma_wait3A_147 : memref<10000x128xf32, #tpu.memory_space<hbm>>) dst(%arg12 : memref<105x128xf32, #tpu.memory_space<vmem>>)
      %mul3A_148 = arith.constant 2 : i32
      %mul3A_149 = arith.muli %mul3A_148, %while3A_102 : i32
      %add3A_150 = arith.constant 2 : i32
      %add3A_151 = arith.addi %mul3A_149, %add3A_150 : i32
      %sub3A = arith.constant 1 : i32
      %sub3A_152 = arith.subi %select_n3A_8, %sub3A : i32
      %min3A = arith.minsi %add3A_151, %sub3A_152 : i32
      %mul3A_153 = arith.constant 24 : i32
      %mul3A_154 = arith.muli %min3A, %mul3A_153 : i32
      %add3A_155 = arith.addi %select_n3A, %mul3A_154 : i32
      %dma_start3A_156 = arith.constant 0 : i32
      %dma_start3A_157 = tpu.memref_slice %arg3[%add3A_155, %dma_start3A_156] : memref<3168x105xi32, #tpu.memory_space<hbm>> -> memref<24x105xi32, #tpu.memory_space<hbm>>
      %dma_start3A_158 = arith.constant 0 : i32
      %dma_start3A_159 = tpu.memref_slice %arg3[%add3A_155, %dma_start3A_158] : memref<3168x105xi32, #tpu.memory_space<hbm>> -> memref<24x105xi32, #tpu.memory_space<hbm>>
      tpu.enqueue_dma source(%dma_start3A_159 : memref<24x105xi32, #tpu.memory_space<hbm>>) target(%arg7 : memref<24x105xi32, #tpu.memory_space<vmem>>) target_semaphore(%arg13 : memref<!tpu.dma_semaphore, #tpu.memory_space<semaphore_mem>>)
      %mul3A_160 = arith.constant 24 : i32
      %mul3A_161 = arith.muli %min3A, %mul3A_160 : i32
      %add3A_162 = arith.addi %select_n3A, %mul3A_161 : i32
      %dma_start3A_163 = arith.constant 0 : i32
      %dma_start3A_164 = tpu.memref_slice %arg4[%add3A_162, %dma_start3A_163] : memref<3168x105xi32, #tpu.memory_space<hbm>> -> memref<24x105xi32, #tpu.memory_space<hbm>>
      %dma_start3A_165 = arith.constant 0 : i32
      %dma_start3A_166 = tpu.memref_slice %arg4[%add3A_162, %dma_start3A_165] : memref<3168x105xi32, #tpu.memory_space<hbm>> -> memref<24x105xi32, #tpu.memory_space<hbm>>
      tpu.enqueue_dma source(%dma_start3A_166 : memref<24x105xi32, #tpu.memory_space<hbm>>) target(%arg8 : memref<24x105xi32, #tpu.memory_space<vmem>>) target_semaphore(%arg13 : memref<!tpu.dma_semaphore, #tpu.memory_space<semaphore_mem>>)
      %dma_wait3A_167 = arith.constant 0 : i32
      %dma_wait3A_168 = arith.constant 0 : i32
      %dma_wait3A_169 = tpu.memref_slice %arg3[%dma_wait3A_167, %dma_wait3A_168] : memref<3168x105xi32, #tpu.memory_space<hbm>> -> memref<24x105xi32, #tpu.memory_space<hbm>>
      %dma_wait3A_170 = arith.constant 0 : i32
      %dma_wait3A_171 = arith.constant 0 : i32
      %dma_wait3A_172 = tpu.memref_slice %arg3[%dma_wait3A_170, %dma_wait3A_171] : memref<3168x105xi32, #tpu.memory_space<hbm>> -> memref<24x105xi32, #tpu.memory_space<hbm>>
      tpu.wait_dma2 semaphore(%arg14 : memref<!tpu.dma_semaphore, #tpu.memory_space<semaphore_mem>>) src(%dma_wait3A_172 : memref<24x105xi32, #tpu.memory_space<hbm>>) dst(%arg9 : memref<24x105xi32, #tpu.memory_space<vmem>>)
      %dma_wait3A_173 = arith.constant 0 : i32
      %dma_wait3A_174 = arith.constant 0 : i32
      %dma_wait3A_175 = tpu.memref_slice %arg4[%dma_wait3A_173, %dma_wait3A_174] : memref<3168x105xi32, #tpu.memory_space<hbm>> -> memref<24x105xi32, #tpu.memory_space<hbm>>
      %dma_wait3A_176 = arith.constant 0 : i32
      %dma_wait3A_177 = arith.constant 0 : i32
      %dma_wait3A_178 = tpu.memref_slice %arg4[%dma_wait3A_176, %dma_wait3A_177] : memref<3168x105xi32, #tpu.memory_space<hbm>> -> memref<24x105xi32, #tpu.memory_space<hbm>>
      tpu.wait_dma2 semaphore(%arg14 : memref<!tpu.dma_semaphore, #tpu.memory_space<semaphore_mem>>) src(%dma_wait3A_178 : memref<24x105xi32, #tpu.memory_space<hbm>>) dst(%arg10 : memref<24x105xi32, #tpu.memory_space<vmem>>)
      %dma_start3A_179 = arith.constant 0 : i32
      %dma_start3A_180 = arith.constant 0 : i32
      %dma_start3A_181 = tpu.memref_slice %arg9[%dma_start3A_179, %dma_start3A_180] : memref<24x105xi32, #tpu.memory_space<vmem>> -> memref<1x105xi32, #tpu.memory_space<vmem>>
      %dma_start3A_182 = tpu.memref_squeeze %dma_start3A_181 : memref<1x105xi32, #tpu.memory_space<vmem>> -> memref<105xi32, #tpu.memory_space<vmem>>
      %dma_start3A_183 = arith.constant 0 : i32
      %dma_start3A_184 = arith.constant 0 : i32
      %dma_start3A_185 = tpu.memref_slice %arg2[%dma_start3A_183, %dma_start3A_184] : memref<10000x128xf32, #tpu.memory_space<hbm>> -> memref<10000x128xf32, #tpu.memory_space<hbm>>
      tpu.enqueue_indirect_dma source(%dma_start3A_185 : memref<10000x128xf32, #tpu.memory_space<hbm>>) target(%arg11 : memref<105x128xf32, #tpu.memory_space<vmem>>) offsets(%dma_start3A_182 : memref<105xi32, #tpu.memory_space<vmem>>) semaphore(%arg15 : memref<!tpu.dma_semaphore, #tpu.memory_space<semaphore_mem>>)
      %dma_start3A_186 = arith.constant 1 : i32
      %dma_start3A_187 = arith.constant 0 : i32
      %dma_start3A_188 = tpu.memref_slice %arg9[%dma_start3A_186, %dma_start3A_187] : memref<24x105xi32, #tpu.memory_space<vmem>> -> memref<1x105xi32, #tpu.memory_space<vmem>>
      %dma_start3A_189 = tpu.memref_squeeze %dma_start3A_188 : memref<1x105xi32, #tpu.memory_space<vmem>> -> memref<105xi32, #tpu.memory_space<vmem>>
      %dma_start3A_190 = arith.constant 0 : i32
      %dma_start3A_191 = arith.constant 0 : i32
      %dma_start3A_192 = tpu.memref_slice %arg2[%dma_start3A_190, %dma_start3A_191] : memref<10000x128xf32, #tpu.memory_space<hbm>> -> memref<10000x128xf32, #tpu.memory_space<hbm>>
      tpu.enqueue_indirect_dma source(%dma_start3A_192 : memref<10000x128xf32, #tpu.memory_space<hbm>>) target(%arg12 : memref<105x128xf32, #tpu.memory_space<vmem>>) offsets(%dma_start3A_189 : memref<105xi32, #tpu.memory_space<vmem>>) semaphore(%arg16 : memref<!tpu.dma_semaphore, #tpu.memory_space<semaphore_mem>>)
      %scan3A_193 = arith.constant 0 : i32
      %scan3A_194 = arith.constant 0 : i32
      %scan3A_195 = arith.constant 12 : i32
      %scan3A_196 = arith.addi %scan3A_194, %scan3A_195 : i32
      %scan3A_197 = arith.constant 1 : i32
      scf.for %scan3A_234 = %scan3A_194 to %scan3A_196 step %scan3A_197  : i32 {
        %mul3A_235 = arith.constant 2 : i32
        %mul3A_236 = arith.muli %mul3A_235, %scan3A_234 : i32
        %add3A_237 = arith.constant 1 : i32
        %add3A_238 = arith.addi %mul3A_236, %add3A_237 : i32
        %add3A_239 = arith.constant 2 : i32
        %add3A_240 = arith.addi %mul3A_236, %add3A_239 : i32
        %min3A_241 = arith.constant 23 : i32
        %min3A_242 = arith.minsi %add3A_240, %min3A_241 : i32
        %add3A_243 = arith.constant 3 : i32
        %add3A_244 = arith.addi %mul3A_236, %add3A_243 : i32
        %min3A_245 = arith.constant 23 : i32
        %min3A_246 = arith.minsi %add3A_244, %min3A_245 : i32
        %dma_wait3A_247 = arith.constant 0 : i32
        %dma_wait3A_248 = tpu.memref_slice %arg9[%mul3A_236, %dma_wait3A_247] : memref<24x105xi32, #tpu.memory_space<vmem>> -> memref<1x105xi32, #tpu.memory_space<vmem>>
        %dma_wait3A_249 = tpu.memref_squeeze %dma_wait3A_248 : memref<1x105xi32, #tpu.memory_space<vmem>> -> memref<105xi32, #tpu.memory_space<vmem>>
        %dma_wait3A_250 = arith.constant 0 : i32
        %dma_wait3A_251 = arith.constant 0 : i32
        %dma_wait3A_252 = tpu.memref_slice %arg2[%dma_wait3A_250, %dma_wait3A_251] : memref<10000x128xf32, #tpu.memory_space<hbm>> -> memref<10000x128xf32, #tpu.memory_space<hbm>>
        tpu.wait_indirect_dma semaphore(%arg15 : memref<!tpu.dma_semaphore, #tpu.memory_space<semaphore_mem>>) src(%dma_wait3A_252 : memref<10000x128xf32, #tpu.memory_space<hbm>>) dst(%arg11 : memref<105x128xf32, #tpu.memory_space<vmem>>)
        %dma_start3A_253 = arith.constant 0 : i32
        %dma_start3A_254 = tpu.memref_slice %arg10[%mul3A_236, %dma_start3A_253] : memref<24x105xi32, #tpu.memory_space<vmem>> -> memref<1x105xi32, #tpu.memory_space<vmem>>
        %dma_start3A_255 = tpu.memref_squeeze %dma_start3A_254 : memref<1x105xi32, #tpu.memory_space<vmem>> -> memref<105xi32, #tpu.memory_space<vmem>>
        %dma_start3A_256 = arith.constant 0 : i32
        %dma_start3A_257 = arith.constant 0 : i32
        %dma_start3A_258 = tpu.memref_slice %arg19[%dma_start3A_256, %dma_start3A_257] : memref<10008x128xf32, #tpu.memory_space<vmem_shared>> -> memref<10008x128xf32, #tpu.memory_space<vmem_shared>>
        tpu.enqueue_indirect_dma source(%arg11 : memref<105x128xf32, #tpu.memory_space<vmem>>) target(%dma_start3A_258 : memref<10008x128xf32, #tpu.memory_space<vmem_shared>>) offsets(%dma_start3A_255 : memref<105xi32, #tpu.memory_space<vmem>>) semaphore(%arg17 : memref<!tpu.dma_semaphore, #tpu.memory_space<semaphore_mem>>) {add = true}
        %dma_wait3A_259 = arith.constant 0 : i32
        %dma_wait3A_260 = tpu.memref_slice %arg9[%add3A_238, %dma_wait3A_259] : memref<24x105xi32, #tpu.memory_space<vmem>> -> memref<1x105xi32, #tpu.memory_space<vmem>>
        %dma_wait3A_261 = tpu.memref_squeeze %dma_wait3A_260 : memref<1x105xi32, #tpu.memory_space<vmem>> -> memref<105xi32, #tpu.memory_space<vmem>>
        %dma_wait3A_262 = arith.constant 0 : i32
        %dma_wait3A_263 = arith.constant 0 : i32
        %dma_wait3A_264 = tpu.memref_slice %arg2[%dma_wait3A_262, %dma_wait3A_263] : memref<10000x128xf32, #tpu.memory_space<hbm>> -> memref<10000x128xf32, #tpu.memory_space<hbm>>
        tpu.wait_indirect_dma semaphore(%arg16 : memref<!tpu.dma_semaphore, #tpu.memory_space<semaphore_mem>>) src(%dma_wait3A_264 : memref<10000x128xf32, #tpu.memory_space<hbm>>) dst(%arg12 : memref<105x128xf32, #tpu.memory_space<vmem>>)
        %dma_start3A_265 = arith.constant 0 : i32
        %dma_start3A_266 = tpu.memref_slice %arg10[%add3A_238, %dma_start3A_265] : memref<24x105xi32, #tpu.memory_space<vmem>> -> memref<1x105xi32, #tpu.memory_space<vmem>>
        %dma_start3A_267 = tpu.memref_squeeze %dma_start3A_266 : memref<1x105xi32, #tpu.memory_space<vmem>> -> memref<105xi32, #tpu.memory_space<vmem>>
        %dma_start3A_268 = arith.constant 0 : i32
        %dma_start3A_269 = arith.constant 0 : i32
        %dma_start3A_270 = tpu.memref_slice %arg19[%dma_start3A_268, %dma_start3A_269] : memref<10008x128xf32, #tpu.memory_space<vmem_shared>> -> memref<10008x128xf32, #tpu.memory_space<vmem_shared>>
        tpu.enqueue_indirect_dma source(%arg12 : memref<105x128xf32, #tpu.memory_space<vmem>>) target(%dma_start3A_270 : memref<10008x128xf32, #tpu.memory_space<vmem_shared>>) offsets(%dma_start3A_267 : memref<105xi32, #tpu.memory_space<vmem>>) semaphore(%arg18 : memref<!tpu.dma_semaphore, #tpu.memory_space<semaphore_mem>>) {add = true}
        %dma_wait3A_271 = arith.constant 0 : i32
        %dma_wait3A_272 = tpu.memref_slice %arg10[%mul3A_236, %dma_wait3A_271] : memref<24x105xi32, #tpu.memory_space<vmem>> -> memref<1x105xi32, #tpu.memory_space<vmem>>
        %dma_wait3A_273 = tpu.memref_squeeze %dma_wait3A_272 : memref<1x105xi32, #tpu.memory_space<vmem>> -> memref<105xi32, #tpu.memory_space<vmem>>
        %dma_wait3A_274 = arith.constant 0 : i32
        %dma_wait3A_275 = arith.constant 0 : i32
        %dma_wait3A_276 = tpu.memref_slice %arg19[%dma_wait3A_274, %dma_wait3A_275] : memref<10008x128xf32, #tpu.memory_space<vmem_shared>> -> memref<10008x128xf32, #tpu.memory_space<vmem_shared>>
        tpu.wait_indirect_dma semaphore(%arg17 : memref<!tpu.dma_semaphore, #tpu.memory_space<semaphore_mem>>) src(%arg11 : memref<105x128xf32, #tpu.memory_space<vmem>>) dst(%dma_wait3A_276 : memref<10008x128xf32, #tpu.memory_space<vmem_shared>>)
        %dma_start3A_277 = arith.constant 0 : i32
        %dma_start3A_278 = tpu.memref_slice %arg9[%min3A_242, %dma_start3A_277] : memref<24x105xi32, #tpu.memory_space<vmem>> -> memref<1x105xi32, #tpu.memory_space<vmem>>
        %dma_start3A_279 = tpu.memref_squeeze %dma_start3A_278 : memref<1x105xi32, #tpu.memory_space<vmem>> -> memref<105xi32, #tpu.memory_space<vmem>>
        %dma_start3A_280 = arith.constant 0 : i32
        %dma_start3A_281 = arith.constant 0 : i32
        %dma_start3A_282 = tpu.memref_slice %arg2[%dma_start3A_280, %dma_start3A_281] : memref<10000x128xf32, #tpu.memory_space<hbm>> -> memref<10000x128xf32, #tpu.memory_space<hbm>>
        tpu.enqueue_indirect_dma source(%dma_start3A_282 : memref<10000x128xf32, #tpu.memory_space<hbm>>) target(%arg11 : memref<105x128xf32, #tpu.memory_space<vmem>>) offsets(%dma_start3A_279 : memref<105xi32, #tpu.memory_space<vmem>>) semaphore(%arg15 : memref<!tpu.dma_semaphore, #tpu.memory_space<semaphore_mem>>)
        %dma_wait3A_283 = arith.constant 0 : i32
        %dma_wait3A_284 = tpu.memref_slice %arg10[%add3A_238, %dma_wait3A_283] : memref<24x105xi32, #tpu.memory_space<vmem>> -> memref<1x105xi32, #tpu.memory_space<vmem>>
        %dma_wait3A_285 = tpu.memref_squeeze %dma_wait3A_284 : memref<1x105xi32, #tpu.memory_space<vmem>> -> memref<105xi32, #tpu.memory_space<vmem>>
        %dma_wait3A_286 = arith.constant 0 : i32
        %dma_wait3A_287 = arith.constant 0 : i32
        %dma_wait3A_288 = tpu.memref_slice %arg19[%dma_wait3A_286, %dma_wait3A_287] : memref<10008x128xf32, #tpu.memory_space<vmem_shared>> -> memref<10008x128xf32, #tpu.memory_space<vmem_shared>>
        tpu.wait_indirect_dma semaphore(%arg18 : memref<!tpu.dma_semaphore, #tpu.memory_space<semaphore_mem>>) src(%arg12 : memref<105x128xf32, #tpu.memory_space<vmem>>) dst(%dma_wait3A_288 : memref<10008x128xf32, #tpu.memory_space<vmem_shared>>)
        %dma_start3A_289 = arith.constant 0 : i32
        %dma_start3A_290 = tpu.memref_slice %arg9[%min3A_246, %dma_start3A_289] : memref<24x105xi32, #tpu.memory_space<vmem>> -> memref<1x105xi32, #tpu.memory_space<vmem>>
        %dma_start3A_291 = tpu.memref_squeeze %dma_start3A_290 : memref<1x105xi32, #tpu.memory_space<vmem>> -> memref<105xi32, #tpu.memory_space<vmem>>
        %dma_start3A_292 = arith.constant 0 : i32
        %dma_start3A_293 = arith.constant 0 : i32
        %dma_start3A_294 = tpu.memref_slice %arg2[%dma_start3A_292, %dma_start3A_293] : memref<10000x128xf32, #tpu.memory_space<hbm>> -> memref<10000x128xf32, #tpu.memory_space<hbm>>
        tpu.enqueue_indirect_dma source(%dma_start3A_294 : memref<10000x128xf32, #tpu.memory_space<hbm>>) target(%arg12 : memref<105x128xf32, #tpu.memory_space<vmem>>) offsets(%dma_start3A_291 : memref<105xi32, #tpu.memory_space<vmem>>) semaphore(%arg16 : memref<!tpu.dma_semaphore, #tpu.memory_space<semaphore_mem>>)
      }
      %scan3A_198 = arith.constant 12 : i32
      %dma_wait3A_199 = arith.constant 23 : i32
      %dma_wait3A_200 = arith.constant 0 : i32
      %dma_wait3A_201 = tpu.memref_slice %arg9[%dma_wait3A_199, %dma_wait3A_200] : memref<24x105xi32, #tpu.memory_space<vmem>> -> memref<1x105xi32, #tpu.memory_space<vmem>>
      %dma_wait3A_202 = tpu.memref_squeeze %dma_wait3A_201 : memref<1x105xi32, #tpu.memory_space<vmem>> -> memref<105xi32, #tpu.memory_space<vmem>>
      %dma_wait3A_203 = arith.constant 0 : i32
      %dma_wait3A_204 = arith.constant 0 : i32
      %dma_wait3A_205 = tpu.memref_slice %arg2[%dma_wait3A_203, %dma_wait3A_204] : memref<10000x128xf32, #tpu.memory_space<hbm>> -> memref<10000x128xf32, #tpu.memory_space<hbm>>
      tpu.wait_indirect_dma semaphore(%arg15 : memref<!tpu.dma_semaphore, #tpu.memory_space<semaphore_mem>>) src(%dma_wait3A_205 : memref<10000x128xf32, #tpu.memory_space<hbm>>) dst(%arg11 : memref<105x128xf32, #tpu.memory_space<vmem>>)
      %dma_wait3A_206 = arith.constant 23 : i32
      %dma_wait3A_207 = arith.constant 0 : i32
      %dma_wait3A_208 = tpu.memref_slice %arg9[%dma_wait3A_206, %dma_wait3A_207] : memref<24x105xi32, #tpu.memory_space<vmem>> -> memref<1x105xi32, #tpu.memory_space<vmem>>
      %dma_wait3A_209 = tpu.memref_squeeze %dma_wait3A_208 : memref<1x105xi32, #tpu.memory_space<vmem>> -> memref<105xi32, #tpu.memory_space<vmem>>
      %dma_wait3A_210 = arith.constant 0 : i32
      %dma_wait3A_211 = arith.constant 0 : i32
      %dma_wait3A_212 = tpu.memref_slice %arg2[%dma_wait3A_210, %dma_wait3A_211] : memref<10000x128xf32, #tpu.memory_space<hbm>> -> memref<10000x128xf32, #tpu.memory_space<hbm>>
      tpu.wait_indirect_dma semaphore(%arg16 : memref<!tpu.dma_semaphore, #tpu.memory_space<semaphore_mem>>) src(%dma_wait3A_212 : memref<10000x128xf32, #tpu.memory_space<hbm>>) dst(%arg12 : memref<105x128xf32, #tpu.memory_space<vmem>>)
      %mul3A_213 = arith.constant 2 : i32
      %mul3A_214 = arith.muli %mul3A_213, %while3A_102 : i32
      %add3A_215 = arith.constant 3 : i32
      %add3A_216 = arith.addi %mul3A_214, %add3A_215 : i32
      %sub3A_217 = arith.constant 1 : i32
      %sub3A_218 = arith.subi %select_n3A_8, %sub3A_217 : i32
      %min3A_219 = arith.minsi %add3A_216, %sub3A_218 : i32
      %mul3A_220 = arith.constant 24 : i32
      %mul3A_221 = arith.muli %min3A_219, %mul3A_220 : i32
      %add3A_222 = arith.addi %select_n3A, %mul3A_221 : i32
      %dma_start3A_223 = arith.constant 0 : i32
      %dma_start3A_224 = tpu.memref_slice %arg3[%add3A_222, %dma_start3A_223] : memref<3168x105xi32, #tpu.memory_space<hbm>> -> memref<24x105xi32, #tpu.memory_space<hbm>>
      %dma_start3A_225 = arith.constant 0 : i32
      %dma_start3A_226 = tpu.memref_slice %arg3[%add3A_222, %dma_start3A_225] : memref<3168x105xi32, #tpu.memory_space<hbm>> -> memref<24x105xi32, #tpu.memory_space<hbm>>
      tpu.enqueue_dma source(%dma_start3A_226 : memref<24x105xi32, #tpu.memory_space<hbm>>) target(%arg9 : memref<24x105xi32, #tpu.memory_space<vmem>>) target_semaphore(%arg14 : memref<!tpu.dma_semaphore, #tpu.memory_space<semaphore_mem>>)
      %mul3A_227 = arith.constant 24 : i32
      %mul3A_228 = arith.muli %min3A_219, %mul3A_227 : i32
      %add3A_229 = arith.addi %select_n3A, %mul3A_228 : i32
      %dma_start3A_230 = arith.constant 0 : i32
      %dma_start3A_231 = tpu.memref_slice %arg4[%add3A_229, %dma_start3A_230] : memref<3168x105xi32, #tpu.memory_space<hbm>> -> memref<24x105xi32, #tpu.memory_space<hbm>>
      %dma_start3A_232 = arith.constant 0 : i32
      %dma_start3A_233 = tpu.memref_slice %arg4[%add3A_229, %dma_start3A_232] : memref<3168x105xi32, #tpu.memory_space<hbm>> -> memref<24x105xi32, #tpu.memory_space<hbm>>
      tpu.enqueue_dma source(%dma_start3A_233 : memref<24x105xi32, #tpu.memory_space<hbm>>) target(%arg10 : memref<24x105xi32, #tpu.memory_space<vmem>>) target_semaphore(%arg14 : memref<!tpu.dma_semaphore, #tpu.memory_space<semaphore_mem>>)
    }
    %while3A_67 = arith.constant 1 : i32
    scf.for %while3A_102 = %while3A_65 to %while3A_61 step %while3A_67  : i32 {
      %dma_wait3A_103 = arith.constant 0 : i32
      %dma_wait3A_104 = arith.constant 0 : i32
      %dma_wait3A_105 = tpu.memref_slice %arg3[%dma_wait3A_103, %dma_wait3A_104] : memref<3168x105xi32, #tpu.memory_space<hbm>> -> memref<24x105xi32, #tpu.memory_space<hbm>>
      %dma_wait3A_106 = arith.constant 0 : i32
      %dma_wait3A_107 = arith.constant 0 : i32
      %dma_wait3A_108 = tpu.memref_slice %arg3[%dma_wait3A_106, %dma_wait3A_107] : memref<3168x105xi32, #tpu.memory_space<hbm>> -> memref<24x105xi32, #tpu.memory_space<hbm>>
      tpu.wait_dma2 semaphore(%arg13 : memref<!tpu.dma_semaphore, #tpu.memory_space<semaphore_mem>>) src(%dma_wait3A_108 : memref<24x105xi32, #tpu.memory_space<hbm>>) dst(%arg7 : memref<24x105xi32, #tpu.memory_space<vmem>>)
      %dma_wait3A_109 = arith.constant 0 : i32
      %dma_wait3A_110 = arith.constant 0 : i32
      %dma_wait3A_111 = tpu.memref_slice %arg4[%dma_wait3A_109, %dma_wait3A_110] : memref<3168x105xi32, #tpu.memory_space<hbm>> -> memref<24x105xi32, #tpu.memory_space<hbm>>
      %dma_wait3A_112 = arith.constant 0 : i32
      %dma_wait3A_113 = arith.constant 0 : i32
      %dma_wait3A_114 = tpu.memref_slice %arg4[%dma_wait3A_112, %dma_wait3A_113] : memref<3168x105xi32, #tpu.memory_space<hbm>> -> memref<24x105xi32, #tpu.memory_space<hbm>>
      tpu.wait_dma2 semaphore(%arg13 : memref<!tpu.dma_semaphore, #tpu.memory_space<semaphore_mem>>) src(%dma_wait3A_114 : memref<24x105xi32, #tpu.memory_space<hbm>>) dst(%arg8 : memref<24x105xi32, #tpu.memory_space<vmem>>)
      %dma_start3A_115 = arith.constant 0 : i32
      %dma_start3A_116 = arith.constant 0 : i32
      %dma_start3A_117 = tpu.memref_slice %arg7[%dma_start3A_115, %dma_start3A_116] : memref<24x105xi32, #tpu.memory_space<vmem>> -> memref<1x105xi32, #tpu.memory_space<vmem>>
      %dma_start3A_118 = tpu.memref_squeeze %dma_start3A_117 : memref<1x105xi32, #tpu.memory_space<vmem>> -> memref<105xi32, #tpu.memory_space<vmem>>
      %dma_start3A_119 = arith.constant 0 : i32
      %dma_start3A_120 = arith.constant 0 : i32
      %dma_start3A_121 = tpu.memref_slice %arg2[%dma_start3A_119, %dma_start3A_120] : memref<10000x128xf32, #tpu.memory_space<hbm>> -> memref<10000x128xf32, #tpu.memory_space<hbm>>
      tpu.enqueue_indirect_dma source(%dma_start3A_121 : memref<10000x128xf32, #tpu.memory_space<hbm>>) target(%arg11 : memref<105x128xf32, #tpu.memory_space<vmem>>) offsets(%dma_start3A_118 : memref<105xi32, #tpu.memory_space<vmem>>) semaphore(%arg15 : memref<!tpu.dma_semaphore, #tpu.memory_space<semaphore_mem>>)
      %dma_start3A_122 = arith.constant 1 : i32
      %dma_start3A_123 = arith.constant 0 : i32
      %dma_start3A_124 = tpu.memref_slice %arg7[%dma_start3A_122, %dma_start3A_123] : memref<24x105xi32, #tpu.memory_space<vmem>> -> memref<1x105xi32, #tpu.memory_space<vmem>>
      %dma_start3A_125 = tpu.memref_squeeze %dma_start3A_124 : memref<1x105xi32, #tpu.memory_space<vmem>> -> memref<105xi32, #tpu.memory_space<vmem>>
      %dma_start3A_126 = arith.constant 0 : i32
      %dma_start3A_127 = arith.constant 0 : i32
      %dma_start3A_128 = tpu.memref_slice %arg2[%dma_start3A_126, %dma_start3A_127] : memref<10000x128xf32, #tpu.memory_space<hbm>> -> memref<10000x128xf32, #tpu.memory_space<hbm>>
      tpu.enqueue_indirect_dma source(%dma_start3A_128 : memref<10000x128xf32, #tpu.memory_space<hbm>>) target(%arg12 : memref<105x128xf32, #tpu.memory_space<vmem>>) offsets(%dma_start3A_125 : memref<105xi32, #tpu.memory_space<vmem>>) semaphore(%arg16 : memref<!tpu.dma_semaphore, #tpu.memory_space<semaphore_mem>>)
      %scan3A = arith.constant 0 : i32
      %scan3A_129 = arith.constant 0 : i32
      %scan3A_130 = arith.constant 12 : i32
      %scan3A_131 = arith.addi %scan3A_129, %scan3A_130 : i32
      %scan3A_132 = arith.constant 1 : i32
      scf.for %scan3A_234 = %scan3A_129 to %scan3A_131 step %scan3A_132  : i32 {
        %mul3A_235 = arith.constant 2 : i32
        %mul3A_236 = arith.muli %mul3A_235, %scan3A_234 : i32
        %add3A_237 = arith.constant 1 : i32
        %add3A_238 = arith.addi %mul3A_236, %add3A_237 : i32
        %add3A_239 = arith.constant 2 : i32
        %add3A_240 = arith.addi %mul3A_236, %add3A_239 : i32
        %min3A_241 = arith.constant 23 : i32
        %min3A_242 = arith.minsi %add3A_240, %min3A_241 : i32
        %add3A_243 = arith.constant 3 : i32
        %add3A_244 = arith.addi %mul3A_236, %add3A_243 : i32
        %min3A_245 = arith.constant 23 : i32
        %min3A_246 = arith.minsi %add3A_244, %min3A_245 : i32
        %dma_wait3A_247 = arith.constant 0 : i32
        %dma_wait3A_248 = tpu.memref_slice %arg7[%mul3A_236, %dma_wait3A_247] : memref<24x105xi32, #tpu.memory_space<vmem>> -> memref<1x105xi32, #tpu.memory_space<vmem>>
        %dma_wait3A_249 = tpu.memref_squeeze %dma_wait3A_248 : memref<1x105xi32, #tpu.memory_space<vmem>> -> memref<105xi32, #tpu.memory_space<vmem>>
        %dma_wait3A_250 = arith.constant 0 : i32
        %dma_wait3A_251 = arith.constant 0 : i32
        %dma_wait3A_252 = tpu.memref_slice %arg2[%dma_wait3A_250, %dma_wait3A_251] : memref<10000x128xf32, #tpu.memory_space<hbm>> -> memref<10000x128xf32, #tpu.memory_space<hbm>>
        tpu.wait_indirect_dma semaphore(%arg15 : memref<!tpu.dma_semaphore, #tpu.memory_space<semaphore_mem>>) src(%dma_wait3A_252 : memref<10000x128xf32, #tpu.memory_space<hbm>>) dst(%arg11 : memref<105x128xf32, #tpu.memory_space<vmem>>)
        %dma_start3A_253 = arith.constant 0 : i32
        %dma_start3A_254 = tpu.memref_slice %arg8[%mul3A_236, %dma_start3A_253] : memref<24x105xi32, #tpu.memory_space<vmem>> -> memref<1x105xi32, #tpu.memory_space<vmem>>
        %dma_start3A_255 = tpu.memref_squeeze %dma_start3A_254 : memref<1x105xi32, #tpu.memory_space<vmem>> -> memref<105xi32, #tpu.memory_space<vmem>>
        %dma_start3A_256 = arith.constant 0 : i32
        %dma_start3A_257 = arith.constant 0 : i32
        %dma_start3A_258 = tpu.memref_slice %arg19[%dma_start3A_256, %dma_start3A_257] : memref<10008x128xf32, #tpu.memory_space<vmem_shared>> -> memref<10008x128xf32, #tpu.memory_space<vmem_shared>>
        tpu.enqueue_indirect_dma source(%arg11 : memref<105x128xf32, #tpu.memory_space<vmem>>) target(%dma_start3A_258 : memref<10008x128xf32, #tpu.memory_space<vmem_shared>>) offsets(%dma_start3A_255 : memref<105xi32, #tpu.memory_space<vmem>>) semaphore(%arg17 : memref<!tpu.dma_semaphore, #tpu.memory_space<semaphore_mem>>) {add = true}
        %dma_wait3A_259 = arith.constant 0 : i32
        %dma_wait3A_260 = tpu.memref_slice %arg7[%add3A_238, %dma_wait3A_259] : memref<24x105xi32, #tpu.memory_space<vmem>> -> memref<1x105xi32, #tpu.memory_space<vmem>>
        %dma_wait3A_261 = tpu.memref_squeeze %dma_wait3A_260 : memref<1x105xi32, #tpu.memory_space<vmem>> -> memref<105xi32, #tpu.memory_space<vmem>>
        %dma_wait3A_262 = arith.constant 0 : i32
        %dma_wait3A_263 = arith.constant 0 : i32
        %dma_wait3A_264 = tpu.memref_slice %arg2[%dma_wait3A_262, %dma_wait3A_263] : memref<10000x128xf32, #tpu.memory_space<hbm>> -> memref<10000x128xf32, #tpu.memory_space<hbm>>
        tpu.wait_indirect_dma semaphore(%arg16 : memref<!tpu.dma_semaphore, #tpu.memory_space<semaphore_mem>>) src(%dma_wait3A_264 : memref<10000x128xf32, #tpu.memory_space<hbm>>) dst(%arg12 : memref<105x128xf32, #tpu.memory_space<vmem>>)
        %dma_start3A_265 = arith.constant 0 : i32
        %dma_start3A_266 = tpu.memref_slice %arg8[%add3A_238, %dma_start3A_265] : memref<24x105xi32, #tpu.memory_space<vmem>> -> memref<1x105xi32, #tpu.memory_space<vmem>>
        %dma_start3A_267 = tpu.memref_squeeze %dma_start3A_266 : memref<1x105xi32, #tpu.memory_space<vmem>> -> memref<105xi32, #tpu.memory_space<vmem>>
        %dma_start3A_268 = arith.constant 0 : i32
        %dma_start3A_269 = arith.constant 0 : i32
        %dma_start3A_270 = tpu.memref_slice %arg19[%dma_start3A_268, %dma_start3A_269] : memref<10008x128xf32, #tpu.memory_space<vmem_shared>> -> memref<10008x128xf32, #tpu.memory_space<vmem_shared>>
        tpu.enqueue_indirect_dma source(%arg12 : memref<105x128xf32, #tpu.memory_space<vmem>>) target(%dma_start3A_270 : memref<10008x128xf32, #tpu.memory_space<vmem_shared>>) offsets(%dma_start3A_267 : memref<105xi32, #tpu.memory_space<vmem>>) semaphore(%arg18 : memref<!tpu.dma_semaphore, #tpu.memory_space<semaphore_mem>>) {add = true}
        %dma_wait3A_271 = arith.constant 0 : i32
        %dma_wait3A_272 = tpu.memref_slice %arg8[%mul3A_236, %dma_wait3A_271] : memref<24x105xi32, #tpu.memory_space<vmem>> -> memref<1x105xi32, #tpu.memory_space<vmem>>
        %dma_wait3A_273 = tpu.memref_squeeze %dma_wait3A_272 : memref<1x105xi32, #tpu.memory_space<vmem>> -> memref<105xi32, #tpu.memory_space<vmem>>
        %dma_wait3A_274 = arith.constant 0 : i32
        %dma_wait3A_275 = arith.constant 0 : i32
        %dma_wait3A_276 = tpu.memref_slice %arg19[%dma_wait3A_274, %dma_wait3A_275] : memref<10008x128xf32, #tpu.memory_space<vmem_shared>> -> memref<10008x128xf32, #tpu.memory_space<vmem_shared>>
        tpu.wait_indirect_dma semaphore(%arg17 : memref<!tpu.dma_semaphore, #tpu.memory_space<semaphore_mem>>) src(%arg11 : memref<105x128xf32, #tpu.memory_space<vmem>>) dst(%dma_wait3A_276 : memref<10008x128xf32, #tpu.memory_space<vmem_shared>>)
        %dma_start3A_277 = arith.constant 0 : i32
        %dma_start3A_278 = tpu.memref_slice %arg7[%min3A_242, %dma_start3A_277] : memref<24x105xi32, #tpu.memory_space<vmem>> -> memref<1x105xi32, #tpu.memory_space<vmem>>
        %dma_start3A_279 = tpu.memref_squeeze %dma_start3A_278 : memref<1x105xi32, #tpu.memory_space<vmem>> -> memref<105xi32, #tpu.memory_space<vmem>>
        %dma_start3A_280 = arith.constant 0 : i32
        %dma_start3A_281 = arith.constant 0 : i32
        %dma_start3A_282 = tpu.memref_slice %arg2[%dma_start3A_280, %dma_start3A_281] : memref<10000x128xf32, #tpu.memory_space<hbm>> -> memref<10000x128xf32, #tpu.memory_space<hbm>>
        tpu.enqueue_indirect_dma source(%dma_start3A_282 : memref<10000x128xf32, #tpu.memory_space<hbm>>) target(%arg11 : memref<105x128xf32, #tpu.memory_space<vmem>>) offsets(%dma_start3A_279 : memref<105xi32, #tpu.memory_space<vmem>>) semaphore(%arg15 : memref<!tpu.dma_semaphore, #tpu.memory_space<semaphore_mem>>)
        %dma_wait3A_283 = arith.constant 0 : i32
        %dma_wait3A_284 = tpu.memref_slice %arg8[%add3A_238, %dma_wait3A_283] : memref<24x105xi32, #tpu.memory_space<vmem>> -> memref<1x105xi32, #tpu.memory_space<vmem>>
        %dma_wait3A_285 = tpu.memref_squeeze %dma_wait3A_284 : memref<1x105xi32, #tpu.memory_space<vmem>> -> memref<105xi32, #tpu.memory_space<vmem>>
        %dma_wait3A_286 = arith.constant 0 : i32
        %dma_wait3A_287 = arith.constant 0 : i32
        %dma_wait3A_288 = tpu.memref_slice %arg19[%dma_wait3A_286, %dma_wait3A_287] : memref<10008x128xf32, #tpu.memory_space<vmem_shared>> -> memref<10008x128xf32, #tpu.memory_space<vmem_shared>>
        tpu.wait_indirect_dma semaphore(%arg18 : memref<!tpu.dma_semaphore, #tpu.memory_space<semaphore_mem>>) src(%arg12 : memref<105x128xf32, #tpu.memory_space<vmem>>) dst(%dma_wait3A_288 : memref<10008x128xf32, #tpu.memory_space<vmem_shared>>)
        %dma_start3A_289 = arith.constant 0 : i32
        %dma_start3A_290 = tpu.memref_slice %arg7[%min3A_246, %dma_start3A_289] : memref<24x105xi32, #tpu.memory_space<vmem>> -> memref<1x105xi32, #tpu.memory_space<vmem>>
        %dma_start3A_291 = tpu.memref_squeeze %dma_start3A_290 : memref<1x105xi32, #tpu.memory_space<vmem>> -> memref<105xi32, #tpu.memory_space<vmem>>
        %dma_start3A_292 = arith.constant 0 : i32
        %dma_start3A_293 = arith.constant 0 : i32
        %dma_start3A_294 = tpu.memref_slice %arg2[%dma_start3A_292, %dma_start3A_293] : memref<10000x128xf32, #tpu.memory_space<hbm>> -> memref<10000x128xf32, #tpu.memory_space<hbm>>
        tpu.enqueue_indirect_dma source(%dma_start3A_294 : memref<10000x128xf32, #tpu.memory_space<hbm>>) target(%arg12 : memref<105x128xf32, #tpu.memory_space<vmem>>) offsets(%dma_start3A_291 : memref<105xi32, #tpu.memory_space<vmem>>) semaphore(%arg16 : memref<!tpu.dma_semaphore, #tpu.memory_space<semaphore_mem>>)
      }
      %scan3A_133 = arith.constant 12 : i32
      %dma_wait3A_134 = arith.constant 23 : i32
      %dma_wait3A_135 = arith.constant 0 : i32
      %dma_wait3A_136 = tpu.memref_slice %arg7[%dma_wait3A_134, %dma_wait3A_135] : memref<24x105xi32, #tpu.memory_space<vmem>> -> memref<1x105xi32, #tpu.memory_space<vmem>>
      %dma_wait3A_137 = tpu.memref_squeeze %dma_wait3A_136 : memref<1x105xi32, #tpu.memory_space<vmem>> -> memref<105xi32, #tpu.memory_space<vmem>>
      %dma_wait3A_138 = arith.constant 0 : i32
      %dma_wait3A_139 = arith.constant 0 : i32
      %dma_wait3A_140 = tpu.memref_slice %arg2[%dma_wait3A_138, %dma_wait3A_139] : memref<10000x128xf32, #tpu.memory_space<hbm>> -> memref<10000x128xf32, #tpu.memory_space<hbm>>
      tpu.wait_indirect_dma semaphore(%arg15 : memref<!tpu.dma_semaphore, #tpu.memory_space<semaphore_mem>>) src(%dma_wait3A_140 : memref<10000x128xf32, #tpu.memory_space<hbm>>) dst(%arg11 : memref<105x128xf32, #tpu.memory_space<vmem>>)
      %dma_wait3A_141 = arith.constant 23 : i32
      %dma_wait3A_142 = arith.constant 0 : i32
      %dma_wait3A_143 = tpu.memref_slice %arg7[%dma_wait3A_141, %dma_wait3A_142] : memref<24x105xi32, #tpu.memory_space<vmem>> -> memref<1x105xi32, #tpu.memory_space<vmem>>
      %dma_wait3A_144 = tpu.memref_squeeze %dma_wait3A_143 : memref<1x105xi32, #tpu.memory_space<vmem>> -> memref<105xi32, #tpu.memory_space<vmem>>
      %dma_wait3A_145 = arith.constant 0 : i32
      %dma_wait3A_146 = arith.constant 0 : i32
      %dma_wait3A_147 = tpu.memref_slice %arg2[%dma_wait3A_145, %dma_wait3A_146] : memref<10000x128xf32, #tpu.memory_space<hbm>> -> memref<10000x128xf32, #tpu.memory_space<hbm>>
      tpu.wait_indirect_dma semaphore(%arg16 : memref<!tpu.dma_semaphore, #tpu.memory_space<semaphore_mem>>) src(%dma_wait3A_147 : memref<10000x128xf32, #tpu.memory_space<hbm>>) dst(%arg12 : memref<105x128xf32, #tpu.memory_space<vmem>>)
      %mul3A_148 = arith.constant 2 : i32
      %mul3A_149 = arith.muli %mul3A_148, %while3A_102 : i32
      %add3A_150 = arith.constant 2 : i32
      %add3A_151 = arith.addi %mul3A_149, %add3A_150 : i32
      %sub3A = arith.constant 1 : i32
      %sub3A_152 = arith.subi %select_n3A_8, %sub3A : i32
      %min3A = arith.minsi %add3A_151, %sub3A_152 : i32
      %mul3A_153 = arith.constant 24 : i32
      %mul3A_154 = arith.muli %min3A, %mul3A_153 : i32
      %add3A_155 = arith.addi %select_n3A, %mul3A_154 : i32
      %dma_start3A_156 = arith.constant 0 : i32
      %dma_start3A_157 = tpu.memref_slice %arg3[%add3A_155, %dma_start3A_156] : memref<3168x105xi32, #tpu.memory_space<hbm>> -> memref<24x105xi32, #tpu.memory_space<hbm>>
      %dma_start3A_158 = arith.constant 0 : i32
      %dma_start3A_159 = tpu.memref_slice %arg3[%add3A_155, %dma_start3A_158] : memref<3168x105xi32, #tpu.memory_space<hbm>> -> memref<24x105xi32, #tpu.memory_space<hbm>>
      tpu.enqueue_dma source(%dma_start3A_159 : memref<24x105xi32, #tpu.memory_space<hbm>>) target(%arg7 : memref<24x105xi32, #tpu.memory_space<vmem>>) target_semaphore(%arg13 : memref<!tpu.dma_semaphore, #tpu.memory_space<semaphore_mem>>)
      %mul3A_160 = arith.constant 24 : i32
      %mul3A_161 = arith.muli %min3A, %mul3A_160 : i32
      %add3A_162 = arith.addi %select_n3A, %mul3A_161 : i32
      %dma_start3A_163 = arith.constant 0 : i32
      %dma_start3A_164 = tpu.memref_slice %arg4[%add3A_162, %dma_start3A_163] : memref<3168x105xi32, #tpu.memory_space<hbm>> -> memref<24x105xi32, #tpu.memory_space<hbm>>
      %dma_start3A_165 = arith.constant 0 : i32
      %dma_start3A_166 = tpu.memref_slice %arg4[%add3A_162, %dma_start3A_165] : memref<3168x105xi32, #tpu.memory_space<hbm>> -> memref<24x105xi32, #tpu.memory_space<hbm>>
      tpu.enqueue_dma source(%dma_start3A_166 : memref<24x105xi32, #tpu.memory_space<hbm>>) target(%arg8 : memref<24x105xi32, #tpu.memory_space<vmem>>) target_semaphore(%arg13 : memref<!tpu.dma_semaphore, #tpu.memory_space<semaphore_mem>>)
      %dma_wait3A_167 = arith.constant 0 : i32
      %dma_wait3A_168 = arith.constant 0 : i32
      %dma_wait3A_169 = tpu.memref_slice %arg3[%dma_wait3A_167, %dma_wait3A_168] : memref<3168x105xi32, #tpu.memory_space<hbm>> -> memref<24x105xi32, #tpu.memory_space<hbm>>
      %dma_wait3A_170 = arith.constant 0 : i32
      %dma_wait3A_171 = arith.constant 0 : i32
      %dma_wait3A_172 = tpu.memref_slice %arg3[%dma_wait3A_170, %dma_wait3A_171] : memref<3168x105xi32, #tpu.memory_space<hbm>> -> memref<24x105xi32, #tpu.memory_space<hbm>>
      tpu.wait_dma2 semaphore(%arg14 : memref<!tpu.dma_semaphore, #tpu.memory_space<semaphore_mem>>) src(%dma_wait3A_172 : memref<24x105xi32, #tpu.memory_space<hbm>>) dst(%arg9 : memref<24x105xi32, #tpu.memory_space<vmem>>)
      %dma_wait3A_173 = arith.constant 0 : i32
      %dma_wait3A_174 = arith.constant 0 : i32
      %dma_wait3A_175 = tpu.memref_slice %arg4[%dma_wait3A_173, %dma_wait3A_174] : memref<3168x105xi32, #tpu.memory_space<hbm>> -> memref<24x105xi32, #tpu.memory_space<hbm>>
      %dma_wait3A_176 = arith.constant 0 : i32
      %dma_wait3A_177 = arith.constant 0 : i32
      %dma_wait3A_178 = tpu.memref_slice %arg4[%dma_wait3A_176, %dma_wait3A_177] : memref<3168x105xi32, #tpu.memory_space<hbm>> -> memref<24x105xi32, #tpu.memory_space<hbm>>
      tpu.wait_dma2 semaphore(%arg14 : memref<!tpu.dma_semaphore, #tpu.memory_space<semaphore_mem>>) src(%dma_wait3A_178 : memref<24x105xi32, #tpu.memory_space<hbm>>) dst(%arg10 : memref<24x105xi32, #tpu.memory_space<vmem>>)
      %dma_start3A_179 = arith.constant 0 : i32
      %dma_start3A_180 = arith.constant 0 : i32
      %dma_start3A_181 = tpu.memref_slice %arg9[%dma_start3A_179, %dma_start3A_180] : memref<24x105xi32, #tpu.memory_space<vmem>> -> memref<1x105xi32, #tpu.memory_space<vmem>>
      %dma_start3A_182 = tpu.memref_squeeze %dma_start3A_181 : memref<1x105xi32, #tpu.memory_space<vmem>> -> memref<105xi32, #tpu.memory_space<vmem>>
      %dma_start3A_183 = arith.constant 0 : i32
      %dma_start3A_184 = arith.constant 0 : i32
      %dma_start3A_185 = tpu.memref_slice %arg2[%dma_start3A_183, %dma_start3A_184] : memref<10000x128xf32, #tpu.memory_space<hbm>> -> memref<10000x128xf32, #tpu.memory_space<hbm>>
      tpu.enqueue_indirect_dma source(%dma_start3A_185 : memref<10000x128xf32, #tpu.memory_space<hbm>>) target(%arg11 : memref<105x128xf32, #tpu.memory_space<vmem>>) offsets(%dma_start3A_182 : memref<105xi32, #tpu.memory_space<vmem>>) semaphore(%arg15 : memref<!tpu.dma_semaphore, #tpu.memory_space<semaphore_mem>>)
      %dma_start3A_186 = arith.constant 1 : i32
      %dma_start3A_187 = arith.constant 0 : i32
      %dma_start3A_188 = tpu.memref_slice %arg9[%dma_start3A_186, %dma_start3A_187] : memref<24x105xi32, #tpu.memory_space<vmem>> -> memref<1x105xi32, #tpu.memory_space<vmem>>
      %dma_start3A_189 = tpu.memref_squeeze %dma_start3A_188 : memref<1x105xi32, #tpu.memory_space<vmem>> -> memref<105xi32, #tpu.memory_space<vmem>>
      %dma_start3A_190 = arith.constant 0 : i32
      %dma_start3A_191 = arith.constant 0 : i32
      %dma_start3A_192 = tpu.memref_slice %arg2[%dma_start3A_190, %dma_start3A_191] : memref<10000x128xf32, #tpu.memory_space<hbm>> -> memref<10000x128xf32, #tpu.memory_space<hbm>>
      tpu.enqueue_indirect_dma source(%dma_start3A_192 : memref<10000x128xf32, #tpu.memory_space<hbm>>) target(%arg12 : memref<105x128xf32, #tpu.memory_space<vmem>>) offsets(%dma_start3A_189 : memref<105xi32, #tpu.memory_space<vmem>>) semaphore(%arg16 : memref<!tpu.dma_semaphore, #tpu.memory_space<semaphore_mem>>)
      %scan3A_193 = arith.constant 0 : i32
      %scan3A_194 = arith.constant 0 : i32
      %scan3A_195 = arith.constant 12 : i32
      %scan3A_196 = arith.addi %scan3A_194, %scan3A_195 : i32
      %scan3A_197 = arith.constant 1 : i32
      scf.for %scan3A_234 = %scan3A_194 to %scan3A_196 step %scan3A_197  : i32 {
        %mul3A_235 = arith.constant 2 : i32
        %mul3A_236 = arith.muli %mul3A_235, %scan3A_234 : i32
        %add3A_237 = arith.constant 1 : i32
        %add3A_238 = arith.addi %mul3A_236, %add3A_237 : i32
        %add3A_239 = arith.constant 2 : i32
        %add3A_240 = arith.addi %mul3A_236, %add3A_239 : i32
        %min3A_241 = arith.constant 23 : i32
        %min3A_242 = arith.minsi %add3A_240, %min3A_241 : i32
        %add3A_243 = arith.constant 3 : i32
        %add3A_244 = arith.addi %mul3A_236, %add3A_243 : i32
        %min3A_245 = arith.constant 23 : i32
        %min3A_246 = arith.minsi %add3A_244, %min3A_245 : i32
        %dma_wait3A_247 = arith.constant 0 : i32
        %dma_wait3A_248 = tpu.memref_slice %arg9[%mul3A_236, %dma_wait3A_247] : memref<24x105xi32, #tpu.memory_space<vmem>> -> memref<1x105xi32, #tpu.memory_space<vmem>>
        %dma_wait3A_249 = tpu.memref_squeeze %dma_wait3A_248 : memref<1x105xi32, #tpu.memory_space<vmem>> -> memref<105xi32, #tpu.memory_space<vmem>>
        %dma_wait3A_250 = arith.constant 0 : i32
        %dma_wait3A_251 = arith.constant 0 : i32
        %dma_wait3A_252 = tpu.memref_slice %arg2[%dma_wait3A_250, %dma_wait3A_251] : memref<10000x128xf32, #tpu.memory_space<hbm>> -> memref<10000x128xf32, #tpu.memory_space<hbm>>
        tpu.wait_indirect_dma semaphore(%arg15 : memref<!tpu.dma_semaphore, #tpu.memory_space<semaphore_mem>>) src(%dma_wait3A_252 : memref<10000x128xf32, #tpu.memory_space<hbm>>) dst(%arg11 : memref<105x128xf32, #tpu.memory_space<vmem>>)
        %dma_start3A_253 = arith.constant 0 : i32
        %dma_start3A_254 = tpu.memref_slice %arg10[%mul3A_236, %dma_start3A_253] : memref<24x105xi32, #tpu.memory_space<vmem>> -> memref<1x105xi32, #tpu.memory_space<vmem>>
        %dma_start3A_255 = tpu.memref_squeeze %dma_start3A_254 : memref<1x105xi32, #tpu.memory_space<vmem>> -> memref<105xi32, #tpu.memory_space<vmem>>
        %dma_start3A_256 = arith.constant 0 : i32
        %dma_start3A_257 = arith.constant 0 : i32
        %dma_start3A_258 = tpu.memref_slice %arg19[%dma_start3A_256, %dma_start3A_257] : memref<10008x128xf32, #tpu.memory_space<vmem_shared>> -> memref<10008x128xf32, #tpu.memory_space<vmem_shared>>
        tpu.enqueue_indirect_dma source(%arg11 : memref<105x128xf32, #tpu.memory_space<vmem>>) target(%dma_start3A_258 : memref<10008x128xf32, #tpu.memory_space<vmem_shared>>) offsets(%dma_start3A_255 : memref<105xi32, #tpu.memory_space<vmem>>) semaphore(%arg17 : memref<!tpu.dma_semaphore, #tpu.memory_space<semaphore_mem>>) {add = true}
        %dma_wait3A_259 = arith.constant 0 : i32
        %dma_wait3A_260 = tpu.memref_slice %arg9[%add3A_238, %dma_wait3A_259] : memref<24x105xi32, #tpu.memory_space<vmem>> -> memref<1x105xi32, #tpu.memory_space<vmem>>
        %dma_wait3A_261 = tpu.memref_squeeze %dma_wait3A_260 : memref<1x105xi32, #tpu.memory_space<vmem>> -> memref<105xi32, #tpu.memory_space<vmem>>
        %dma_wait3A_262 = arith.constant 0 : i32
        %dma_wait3A_263 = arith.constant 0 : i32
        %dma_wait3A_264 = tpu.memref_slice %arg2[%dma_wait3A_262, %dma_wait3A_263] : memref<10000x128xf32, #tpu.memory_space<hbm>> -> memref<10000x128xf32, #tpu.memory_space<hbm>>
        tpu.wait_indirect_dma semaphore(%arg16 : memref<!tpu.dma_semaphore, #tpu.memory_space<semaphore_mem>>) src(%dma_wait3A_264 : memref<10000x128xf32, #tpu.memory_space<hbm>>) dst(%arg12 : memref<105x128xf32, #tpu.memory_space<vmem>>)
        %dma_start3A_265 = arith.constant 0 : i32
        %dma_start3A_266 = tpu.memref_slice %arg10[%add3A_238, %dma_start3A_265] : memref<24x105xi32, #tpu.memory_space<vmem>> -> memref<1x105xi32, #tpu.memory_space<vmem>>
        %dma_start3A_267 = tpu.memref_squeeze %dma_start3A_266 : memref<1x105xi32, #tpu.memory_space<vmem>> -> memref<105xi32, #tpu.memory_space<vmem>>
        %dma_start3A_268 = arith.constant 0 : i32
        %dma_start3A_269 = arith.constant 0 : i32
        %dma_start3A_270 = tpu.memref_slice %arg19[%dma_start3A_268, %dma_start3A_269] : memref<10008x128xf32, #tpu.memory_space<vmem_shared>> -> memref<10008x128xf32, #tpu.memory_space<vmem_shared>>
        tpu.enqueue_indirect_dma source(%arg12 : memref<105x128xf32, #tpu.memory_space<vmem>>) target(%dma_start3A_270 : memref<10008x128xf32, #tpu.memory_space<vmem_shared>>) offsets(%dma_start3A_267 : memref<105xi32, #tpu.memory_space<vmem>>) semaphore(%arg18 : memref<!tpu.dma_semaphore, #tpu.memory_space<semaphore_mem>>) {add = true}
        %dma_wait3A_271 = arith.constant 0 : i32
        %dma_wait3A_272 = tpu.memref_slice %arg10[%mul3A_236, %dma_wait3A_271] : memref<24x105xi32, #tpu.memory_space<vmem>> -> memref<1x105xi32, #tpu.memory_space<vmem>>
        %dma_wait3A_273 = tpu.memref_squeeze %dma_wait3A_272 : memref<1x105xi32, #tpu.memory_space<vmem>> -> memref<105xi32, #tpu.memory_space<vmem>>
        %dma_wait3A_274 = arith.constant 0 : i32
        %dma_wait3A_275 = arith.constant 0 : i32
        %dma_wait3A_276 = tpu.memref_slice %arg19[%dma_wait3A_274, %dma_wait3A_275] : memref<10008x128xf32, #tpu.memory_space<vmem_shared>> -> memref<10008x128xf32, #tpu.memory_space<vmem_shared>>
        tpu.wait_indirect_dma semaphore(%arg17 : memref<!tpu.dma_semaphore, #tpu.memory_space<semaphore_mem>>) src(%arg11 : memref<105x128xf32, #tpu.memory_space<vmem>>) dst(%dma_wait3A_276 : memref<10008x128xf32, #tpu.memory_space<vmem_shared>>)
        %dma_start3A_277 = arith.constant 0 : i32
        %dma_start3A_278 = tpu.memref_slice %arg9[%min3A_242, %dma_start3A_277] : memref<24x105xi32, #tpu.memory_space<vmem>> -> memref<1x105xi32, #tpu.memory_space<vmem>>
        %dma_start3A_279 = tpu.memref_squeeze %dma_start3A_278 : memref<1x105xi32, #tpu.memory_space<vmem>> -> memref<105xi32, #tpu.memory_space<vmem>>
        %dma_start3A_280 = arith.constant 0 : i32
        %dma_start3A_281 = arith.constant 0 : i32
        %dma_start3A_282 = tpu.memref_slice %arg2[%dma_start3A_280, %dma_start3A_281] : memref<10000x128xf32, #tpu.memory_space<hbm>> -> memref<10000x128xf32, #tpu.memory_space<hbm>>
        tpu.enqueue_indirect_dma source(%dma_start3A_282 : memref<10000x128xf32, #tpu.memory_space<hbm>>) target(%arg11 : memref<105x128xf32, #tpu.memory_space<vmem>>) offsets(%dma_start3A_279 : memref<105xi32, #tpu.memory_space<vmem>>) semaphore(%arg15 : memref<!tpu.dma_semaphore, #tpu.memory_space<semaphore_mem>>)
        %dma_wait3A_283 = arith.constant 0 : i32
        %dma_wait3A_284 = tpu.memref_slice %arg10[%add3A_238, %dma_wait3A_283] : memref<24x105xi32, #tpu.memory_space<vmem>> -> memref<1x105xi32, #tpu.memory_space<vmem>>
        %dma_wait3A_285 = tpu.memref_squeeze %dma_wait3A_284 : memref<1x105xi32, #tpu.memory_space<vmem>> -> memref<105xi32, #tpu.memory_space<vmem>>
        %dma_wait3A_286 = arith.constant 0 : i32
        %dma_wait3A_287 = arith.constant 0 : i32
        %dma_wait3A_288 = tpu.memref_slice %arg19[%dma_wait3A_286, %dma_wait3A_287] : memref<10008x128xf32, #tpu.memory_space<vmem_shared>> -> memref<10008x128xf32, #tpu.memory_space<vmem_shared>>
        tpu.wait_indirect_dma semaphore(%arg18 : memref<!tpu.dma_semaphore, #tpu.memory_space<semaphore_mem>>) src(%arg12 : memref<105x128xf32, #tpu.memory_space<vmem>>) dst(%dma_wait3A_288 : memref<10008x128xf32, #tpu.memory_space<vmem_shared>>)
        %dma_start3A_289 = arith.constant 0 : i32
        %dma_start3A_290 = tpu.memref_slice %arg9[%min3A_246, %dma_start3A_289] : memref<24x105xi32, #tpu.memory_space<vmem>> -> memref<1x105xi32, #tpu.memory_space<vmem>>
        %dma_start3A_291 = tpu.memref_squeeze %dma_start3A_290 : memref<1x105xi32, #tpu.memory_space<vmem>> -> memref<105xi32, #tpu.memory_space<vmem>>
        %dma_start3A_292 = arith.constant 0 : i32
        %dma_start3A_293 = arith.constant 0 : i32
        %dma_start3A_294 = tpu.memref_slice %arg2[%dma_start3A_292, %dma_start3A_293] : memref<10000x128xf32, #tpu.memory_space<hbm>> -> memref<10000x128xf32, #tpu.memory_space<hbm>>
        tpu.enqueue_indirect_dma source(%dma_start3A_294 : memref<10000x128xf32, #tpu.memory_space<hbm>>) target(%arg12 : memref<105x128xf32, #tpu.memory_space<vmem>>) offsets(%dma_start3A_291 : memref<105xi32, #tpu.memory_space<vmem>>) semaphore(%arg16 : memref<!tpu.dma_semaphore, #tpu.memory_space<semaphore_mem>>)
      }
      %scan3A_198 = arith.constant 12 : i32
      %dma_wait3A_199 = arith.constant 23 : i32
      %dma_wait3A_200 = arith.constant 0 : i32
      %dma_wait3A_201 = tpu.memref_slice %arg9[%dma_wait3A_199, %dma_wait3A_200] : memref<24x105xi32, #tpu.memory_space<vmem>> -> memref<1x105xi32, #tpu.memory_space<vmem>>
      %dma_wait3A_202 = tpu.memref_squeeze %dma_wait3A_201 : memref<1x105xi32, #tpu.memory_space<vmem>> -> memref<105xi32, #tpu.memory_space<vmem>>
      %dma_wait3A_203 = arith.constant 0 : i32
      %dma_wait3A_204 = arith.constant 0 : i32
      %dma_wait3A_205 = tpu.memref_slice %arg2[%dma_wait3A_203, %dma_wait3A_204] : memref<10000x128xf32, #tpu.memory_space<hbm>> -> memref<10000x128xf32, #tpu.memory_space<hbm>>
      tpu.wait_indirect_dma semaphore(%arg15 : memref<!tpu.dma_semaphore, #tpu.memory_space<semaphore_mem>>) src(%dma_wait3A_205 : memref<10000x128xf32, #tpu.memory_space<hbm>>) dst(%arg11 : memref<105x128xf32, #tpu.memory_space<vmem>>)
      %dma_wait3A_206 = arith.constant 23 : i32
      %dma_wait3A_207 = arith.constant 0 : i32
      %dma_wait3A_208 = tpu.memref_slice %arg9[%dma_wait3A_206, %dma_wait3A_207] : memref<24x105xi32, #tpu.memory_space<vmem>> -> memref<1x105xi32, #tpu.memory_space<vmem>>
      %dma_wait3A_209 = tpu.memref_squeeze %dma_wait3A_208 : memref<1x105xi32, #tpu.memory_space<vmem>> -> memref<105xi32, #tpu.memory_space<vmem>>
      %dma_wait3A_210 = arith.constant 0 : i32
      %dma_wait3A_211 = arith.constant 0 : i32
      %dma_wait3A_212 = tpu.memref_slice %arg2[%dma_wait3A_210, %dma_wait3A_211] : memref<10000x128xf32, #tpu.memory_space<hbm>> -> memref<10000x128xf32, #tpu.memory_space<hbm>>
      tpu.wait_indirect_dma semaphore(%arg16 : memref<!tpu.dma_semaphore, #tpu.memory_space<semaphore_mem>>) src(%dma_wait3A_212 : memref<10000x128xf32, #tpu.memory_space<hbm>>) dst(%arg12 : memref<105x128xf32, #tpu.memory_space<vmem>>)
      %mul3A_213 = arith.constant 2 : i32
      %mul3A_214 = arith.muli %mul3A_213, %while3A_102 : i32
      %add3A_215 = arith.constant 3 : i32
      %add3A_216 = arith.addi %mul3A_214, %add3A_215 : i32
      %sub3A_217 = arith.constant 1 : i32
      %sub3A_218 = arith.subi %select_n3A_8, %sub3A_217 : i32
      %min3A_219 = arith.minsi %add3A_216, %sub3A_218 : i32
      %mul3A_220 = arith.constant 24 : i32
      %mul3A_221 = arith.muli %min3A_219, %mul3A_220 : i32
      %add3A_222 = arith.addi %select_n3A, %mul3A_221 : i32
      %dma_start3A_223 = arith.constant 0 : i32
      %dma_start3A_224 = tpu.memref_slice %arg3[%add3A_222, %dma_start3A_223] : memref<3168x105xi32, #tpu.memory_space<hbm>> -> memref<24x105xi32, #tpu.memory_space<hbm>>
      %dma_start3A_225 = arith.constant 0 : i32
      %dma_start3A_226 = tpu.memref_slice %arg3[%add3A_222, %dma_start3A_225] : memref<3168x105xi32, #tpu.memory_space<hbm>> -> memref<24x105xi32, #tpu.memory_space<hbm>>
      tpu.enqueue_dma source(%dma_start3A_226 : memref<24x105xi32, #tpu.memory_space<hbm>>) target(%arg9 : memref<24x105xi32, #tpu.memory_space<vmem>>) target_semaphore(%arg14 : memref<!tpu.dma_semaphore, #tpu.memory_space<semaphore_mem>>)
      %mul3A_227 = arith.constant 24 : i32
      %mul3A_228 = arith.muli %min3A_219, %mul3A_227 : i32
      %add3A_229 = arith.addi %select_n3A, %mul3A_228 : i32
      %dma_start3A_230 = arith.constant 0 : i32
      %dma_start3A_231 = tpu.memref_slice %arg4[%add3A_229, %dma_start3A_230] : memref<3168x105xi32, #tpu.memory_space<hbm>> -> memref<24x105xi32, #tpu.memory_space<hbm>>
      %dma_start3A_232 = arith.constant 0 : i32
      %dma_start3A_233 = tpu.memref_slice %arg4[%add3A_229, %dma_start3A_232] : memref<3168x105xi32, #tpu.memory_space<hbm>> -> memref<24x105xi32, #tpu.memory_space<hbm>>
      tpu.enqueue_dma source(%dma_start3A_233 : memref<24x105xi32, #tpu.memory_space<hbm>>) target(%arg10 : memref<24x105xi32, #tpu.memory_space<vmem>>) target_semaphore(%arg14 : memref<!tpu.dma_semaphore, #tpu.memory_space<semaphore_mem>>)
    }
    %dma_wait3A = arith.constant 0 : i32
    %dma_wait3A_68 = arith.constant 0 : i32
    %dma_wait3A_69 = tpu.memref_slice %arg3[%dma_wait3A, %dma_wait3A_68] : memref<3168x105xi32, #tpu.memory_space<hbm>> -> memref<24x105xi32, #tpu.memory_space<hbm>>
    %dma_wait3A_70 = arith.constant 0 : i32
    %dma_wait3A_71 = arith.constant 0 : i32
    %dma_wait3A_72 = tpu.memref_slice %arg3[%dma_wait3A_70, %dma_wait3A_71] : memref<3168x105xi32, #tpu.memory_space<hbm>> -> memref<24x105xi32, #tpu.memory_space<hbm>>
    tpu.wait_dma2 semaphore(%arg13 : memref<!tpu.dma_semaphore, #tpu.memory_space<semaphore_mem>>) src(%dma_wait3A_72 : memref<24x105xi32, #tpu.memory_space<hbm>>) dst(%arg7 : memref<24x105xi32, #tpu.memory_space<vmem>>)
    %dma_wait3A_73 = arith.constant 0 : i32
    %dma_wait3A_74 = arith.constant 0 : i32
    %dma_wait3A_75 = tpu.memref_slice %arg4[%dma_wait3A_73, %dma_wait3A_74] : memref<3168x105xi32, #tpu.memory_space<hbm>> -> memref<24x105xi32, #tpu.memory_space<hbm>>
    %dma_wait3A_76 = arith.constant 0 : i32
    %dma_wait3A_77 = arith.constant 0 : i32
    %dma_wait3A_78 = tpu.memref_slice %arg4[%dma_wait3A_76, %dma_wait3A_77] : memref<3168x105xi32, #tpu.memory_space<hbm>> -> memref<24x105xi32, #tpu.memory_space<hbm>>
    tpu.wait_dma2 semaphore(%arg13 : memref<!tpu.dma_semaphore, #tpu.memory_space<semaphore_mem>>) src(%dma_wait3A_78 : memref<24x105xi32, #tpu.memory_space<hbm>>) dst(%arg8 : memref<24x105xi32, #tpu.memory_space<vmem>>)
    %dma_wait3A_79 = arith.constant 0 : i32
    %dma_wait3A_80 = arith.constant 0 : i32
    %dma_wait3A_81 = tpu.memref_slice %arg3[%dma_wait3A_79, %dma_wait3A_80] : memref<3168x105xi32, #tpu.memory_space<hbm>> -> memref<24x105xi32, #tpu.memory_space<hbm>>
    %dma_wait3A_82 = arith.constant 0 : i32
    %dma_wait3A_83 = arith.constant 0 : i32
    %dma_wait3A_84 = tpu.memref_slice %arg3[%dma_wait3A_82, %dma_wait3A_83] : memref<3168x105xi32, #tpu.memory_space<hbm>> -> memref<24x105xi32, #tpu.memory_space<hbm>>
    tpu.wait_dma2 semaphore(%arg14 : memref<!tpu.dma_semaphore, #tpu.memory_space<semaphore_mem>>) src(%dma_wait3A_84 : memref<24x105xi32, #tpu.memory_space<hbm>>) dst(%arg9 : memref<24x105xi32, #tpu.memory_space<vmem>>)
    %dma_wait3A_85 = arith.constant 0 : i32
    %dma_wait3A_86 = arith.constant 0 : i32
    %dma_wait3A_87 = tpu.memref_slice %arg4[%dma_wait3A_85, %dma_wait3A_86] : memref<3168x105xi32, #tpu.memory_space<hbm>> -> memref<24x105xi32, #tpu.memory_space<hbm>>
    %dma_wait3A_88 = arith.constant 0 : i32
    %dma_wait3A_89 = arith.constant 0 : i32
    %dma_wait3A_90 = tpu.memref_slice %arg4[%dma_wait3A_88, %dma_wait3A_89] : memref<3168x105xi32, #tpu.memory_space<hbm>> -> memref<24x105xi32, #tpu.memory_space<hbm>>
    tpu.wait_dma2 semaphore(%arg14 : memref<!tpu.dma_semaphore, #tpu.memory_space<semaphore_mem>>) src(%dma_wait3A_90 : memref<24x105xi32, #tpu.memory_space<hbm>>) dst(%arg10 : memref<24x105xi32, #tpu.memory_space<vmem>>)
    %barrier3A_91 = arith.constant 0 : index
    tpu.barrier barrier_id(%barrier3A_91)
    %eq3A_92 = arith.constant 15 : i32
    %eq3A_93 = arith.cmpi eq, %arg1, %eq3A_92 : i32
    %not3A_94 = arith.constant true
    %not3A_95 = arith.xori %eq3A_93, %not3A_94 : i1
    %convert_element_type3A_96 = arith.extui %not3A_95 : i1 to i32
    %cond3A_97 = arith.constant 0 : i32
    %cond3A_98 = arith.cmpi ne, %convert_element_type3A_96, %cond3A_97 : i32
    scf.if %cond3A_98 {
      %mul3A_102 = arith.constant 632 : i32
      %mul3A_103 = arith.muli %arg1, %mul3A_102 : i32
      %mul3A_104 = arith.constant 632 : i32
      %mul3A_105 = arith.muli %arg1, %mul3A_104 : i32
      "tpu.region"() ({
        %run_scoped3A = tpu.sem_alloc : memref<!tpu.dma_semaphore, #tpu.memory_space<semaphore_mem>>
        %dma_start3A_106 = arith.constant 0 : i32
        %dma_start3A_107 = tpu.memref_slice %arg6[%arg0, %mul3A_105, %dma_start3A_106] : memref<2x10008x128xf32, #tpu.memory_space<hbm>> -> memref<1x632x128xf32, #tpu.memory_space<hbm>>
        %dma_start3A_108 = tpu.memref_squeeze %dma_start3A_107 : memref<1x632x128xf32, #tpu.memory_space<hbm>> -> memref<632x128xf32, #tpu.memory_space<hbm>>
        %dma_start3A_109 = arith.constant 0 : i32
        %dma_start3A_110 = tpu.memref_slice %arg19[%mul3A_103, %dma_start3A_109] : memref<10008x128xf32, #tpu.memory_space<vmem_shared>> -> memref<632x128xf32, #tpu.memory_space<vmem_shared>>
        tpu.enqueue_dma source(%dma_start3A_110 : memref<632x128xf32, #tpu.memory_space<vmem_shared>>) target(%dma_start3A_108 : memref<632x128xf32, #tpu.memory_space<hbm>>) target_semaphore(%run_scoped3A : memref<!tpu.dma_semaphore, #tpu.memory_space<semaphore_mem>>)
        %dma_wait3A_111 = arith.constant 0 : i32
        %dma_wait3A_112 = tpu.memref_slice %arg6[%arg0, %mul3A_105, %dma_wait3A_111] : memref<2x10008x128xf32, #tpu.memory_space<hbm>> -> memref<1x632x128xf32, #tpu.memory_space<hbm>>
        %dma_wait3A_113 = tpu.memref_squeeze %dma_wait3A_112 : memref<1x632x128xf32, #tpu.memory_space<hbm>> -> memref<632x128xf32, #tpu.memory_space<hbm>>
        %dma_wait3A_114 = arith.constant 0 : i32
        %dma_wait3A_115 = tpu.memref_slice %arg19[%mul3A_103, %dma_wait3A_114] : memref<10008x128xf32, #tpu.memory_space<vmem_shared>> -> memref<632x128xf32, #tpu.memory_space<vmem_shared>>
        tpu.wait_dma2 semaphore(%run_scoped3A : memref<!tpu.dma_semaphore, #tpu.memory_space<semaphore_mem>>) src(%dma_wait3A_115 : memref<632x128xf32, #tpu.memory_space<vmem_shared>>) dst(%dma_wait3A_113 : memref<632x128xf32, #tpu.memory_space<hbm>>)
        tpu.yield
      }) : () -> ()
    } else {
    }
    %convert_element_type3A_99 = arith.extui %eq3A_93 : i1 to i32
    %cond3A_100 = arith.constant 0 : i32
    %cond3A_101 = arith.cmpi ne, %convert_element_type3A_99, %cond3A_100 : i32
    scf.if %cond3A_101 {
      "tpu.region"() ({
        %run_scoped3A = tpu.sem_alloc : memref<!tpu.dma_semaphore, #tpu.memory_space<semaphore_mem>>
        %dma_start3A_102 = arith.constant 9480 : i32
        %dma_start3A_103 = arith.constant 0 : i32
        %dma_start3A_104 = tpu.memref_slice %arg6[%arg0, %dma_start3A_102, %dma_start3A_103] : memref<2x10008x128xf32, #tpu.memory_space<hbm>> -> memref<1x528x128xf32, #tpu.memory_space<hbm>>
        %dma_start3A_105 = tpu.memref_squeeze %dma_start3A_104 : memref<1x528x128xf32, #tpu.memory_space<hbm>> -> memref<528x128xf32, #tpu.memory_space<hbm>>
        %dma_start3A_106 = arith.constant 9480 : i32
        %dma_start3A_107 = arith.constant 0 : i32
        %dma_start3A_108 = tpu.memref_slice %arg19[%dma_start3A_106, %dma_start3A_107] : memref<10008x128xf32, #tpu.memory_space<vmem_shared>> -> memref<528x128xf32, #tpu.memory_space<vmem_shared>>
        tpu.enqueue_dma source(%dma_start3A_108 : memref<528x128xf32, #tpu.memory_space<vmem_shared>>) target(%dma_start3A_105 : memref<528x128xf32, #tpu.memory_space<hbm>>) target_semaphore(%run_scoped3A : memref<!tpu.dma_semaphore, #tpu.memory_space<semaphore_mem>>)
        %dma_wait3A_109 = arith.constant 9480 : i32
        %dma_wait3A_110 = arith.constant 0 : i32
        %dma_wait3A_111 = tpu.memref_slice %arg6[%arg0, %dma_wait3A_109, %dma_wait3A_110] : memref<2x10008x128xf32, #tpu.memory_space<hbm>> -> memref<1x528x128xf32, #tpu.memory_space<hbm>>
        %dma_wait3A_112 = tpu.memref_squeeze %dma_wait3A_111 : memref<1x528x128xf32, #tpu.memory_space<hbm>> -> memref<528x128xf32, #tpu.memory_space<hbm>>
        %dma_wait3A_113 = arith.constant 9480 : i32
        %dma_wait3A_114 = arith.constant 0 : i32
        %dma_wait3A_115 = tpu.memref_slice %arg19[%dma_wait3A_113, %dma_wait3A_114] : memref<10008x128xf32, #tpu.memory_space<vmem_shared>> -> memref<528x128xf32, #tpu.memory_space<vmem_shared>>
        tpu.wait_dma2 semaphore(%run_scoped3A : memref<!tpu.dma_semaphore, #tpu.memory_space<semaphore_mem>>) src(%dma_wait3A_115 : memref<528x128xf32, #tpu.memory_space<vmem_shared>>) dst(%dma_wait3A_112 : memref<528x128xf32, #tpu.memory_space<hbm>>)
        tpu.yield
      }) : () -> ()
    } else {
    }
    return
  }
}

#map = affine_map<(d0, d1) -> (0, 0)>
#map1 = affine_map<(d0, d1) -> (0, 0, 0)>
module attributes {stable_mosaic.version = 14 : i64} {
  func.func @_sc_scatter_body(%arg0: i32, %arg1: i32, %arg2: memref<10000x128xf32, #tpu.memory_space<hbm>>, %arg3: memref<3168x105xi32, #tpu.memory_space<hbm>>, %arg4: memref<3168x105xi32, #tpu.memory_space<hbm>>, %arg5: memref<10008x128xf32, #tpu.memory_space<hbm>>, %arg6: memref<2x10008x128xf32, #tpu.memory_space<hbm>>, %arg7: memref<24x105xi32, #tpu.memory_space<vmem>>, %arg8: memref<24x105xi32, #tpu.memory_space<vmem>>, %arg9: memref<24x105xi32, #tpu.memory_space<vmem>>, %arg10: memref<24x105xi32, #tpu.memory_space<vmem>>, %arg11: memref<105x128xf32, #tpu.memory_space<vmem>>, %arg12: memref<105x128xf32, #tpu.memory_space<vmem>>, %arg13: memref<!tpu.dma_semaphore, #tpu.memory_space<semaphore_mem>>, %arg14: memref<!tpu.dma_semaphore, #tpu.memory_space<semaphore_mem>>, %arg15: memref<!tpu.dma_semaphore, #tpu.memory_space<semaphore_mem>>, %arg16: memref<!tpu.dma_semaphore, #tpu.memory_space<semaphore_mem>>, %arg17: memref<!tpu.dma_semaphore, #tpu.memory_space<semaphore_mem>>, %arg18: memref<!tpu.dma_semaphore, #tpu.memory_space<semaphore_mem>>, %arg19: memref<10008x128xf32, #tpu.memory_space<vmem_shared>>) attributes {dimension_semantics = [#tpu.dimension_semantics<core_parallel>, #tpu.dimension_semantics<subcore_parallel>], iteration_bounds = array<i64: 2, 16>, scalar_prefetch = 0 : i64, scratch_operands = 13 : i64, tpu.core_type = #tpu.core_type<sc_vector_subcore>, window_params = [{transform_indices = #map}, {transform_indices = #map}, {transform_indices = #map}, {transform_indices = #map}, {transform_indices = #map1}]} {
    %eq3A = arith.constant 0 : i32
    %eq3A_0 = arith.cmpi eq, %arg0, %eq3A : i32
    %mul3A = arith.constant 144 : i32
    %mul3A_1 = arith.muli %arg1, %mul3A : i32
    %mul3A_2 = arith.constant 48 : i32
    %mul3A_3 = arith.muli %arg1, %mul3A_2 : i32
    %add3A = arith.constant 2304 : i32
    %add3A_4 = arith.addi %add3A, %mul3A_3 : i32
    %select_n3A = arith.select %eq3A_0, %mul3A_1, %add3A_4 : i32
    %eq3A_5 = arith.constant 0 : i32
    %eq3A_6 = arith.cmpi eq, %arg0, %eq3A_5 : i32
    %jit3A = arith.constant 6 : i32
    %jit3A_7 = arith.constant 2 : i32
    %select_n3A_8 = arith.select %eq3A_6, %jit3A, %jit3A_7 : i32
    %eq3A_9 = arith.constant 0 : i32
    %eq3A_10 = arith.cmpi eq, %arg0, %eq3A_9 : i32
    %jit3A_11 = arith.constant 3 : i32
    %jit3A_12 = arith.constant 1 : i32
    %select_n3A_13 = arith.select %eq3A_10, %jit3A_11, %jit3A_12 : i32
    %dma_start3A = arith.constant 0 : i32
    %dma_start3A_14 = tpu.memref_slice %arg3[%select_n3A, %dma_start3A] : memref<3168x105xi32, #tpu.memory_space<hbm>> -> memref<24x105xi32, #tpu.memory_space<hbm>>
    %dma_start3A_15 = arith.constant 0 : i32
    %dma_start3A_16 = tpu.memref_slice %arg3[%select_n3A, %dma_start3A_15] : memref<3168x105xi32, #tpu.memory_space<hbm>> -> memref<24x105xi32, #tpu.memory_space<hbm>>
    tpu.enqueue_dma source(%dma_start3A_16 : memref<24x105xi32, #tpu.memory_space<hbm>>) target(%arg7 : memref<24x105xi32, #tpu.memory_space<vmem>>) target_semaphore(%arg13 : memref<!tpu.dma_semaphore, #tpu.memory_space<semaphore_mem>>)
    %dma_start3A_17 = arith.constant 0 : i32
    %dma_start3A_18 = tpu.memref_slice %arg4[%select_n3A, %dma_start3A_17] : memref<3168x105xi32, #tpu.memory_space<hbm>> -> memref<24x105xi32, #tpu.memory_space<hbm>>
    %dma_start3A_19 = arith.constant 0 : i32
    %dma_start3A_20 = tpu.memref_slice %arg4[%select_n3A, %dma_start3A_19] : memref<3168x105xi32, #tpu.memory_space<hbm>> -> memref<24x105xi32, #tpu.memory_space<hbm>>
    tpu.enqueue_dma source(%dma_start3A_20 : memref<24x105xi32, #tpu.memory_space<hbm>>) target(%arg8 : memref<24x105xi32, #tpu.memory_space<vmem>>) target_semaphore(%arg13 : memref<!tpu.dma_semaphore, #tpu.memory_space<semaphore_mem>>)
    %add3A_21 = arith.constant 24 : i32
    %add3A_22 = arith.addi %select_n3A, %add3A_21 : i32
    %dma_start3A_23 = arith.constant 0 : i32
    %dma_start3A_24 = tpu.memref_slice %arg3[%add3A_22, %dma_start3A_23] : memref<3168x105xi32, #tpu.memory_space<hbm>> -> memref<24x105xi32, #tpu.memory_space<hbm>>
    %dma_start3A_25 = arith.constant 0 : i32
    %dma_start3A_26 = tpu.memref_slice %arg3[%add3A_22, %dma_start3A_25] : memref<3168x105xi32, #tpu.memory_space<hbm>> -> memref<24x105xi32, #tpu.memory_space<hbm>>
    tpu.enqueue_dma source(%dma_start3A_26 : memref<24x105xi32, #tpu.memory_space<hbm>>) target(%arg9 : memref<24x105xi32, #tpu.memory_space<vmem>>) target_semaphore(%arg14 : memref<!tpu.dma_semaphore, #tpu.memory_space<semaphore_mem>>)
    %add3A_27 = arith.constant 24 : i32
    %add3A_28 = arith.addi %select_n3A, %add3A_27 : i32
    %dma_start3A_29 = arith.constant 0 : i32
    %dma_start3A_30 = tpu.memref_slice %arg4[%add3A_28, %dma_start3A_29] : memref<3168x105xi32, #tpu.memory_space<hbm>> -> memref<24x105xi32, #tpu.memory_space<hbm>>
    %dma_start3A_31 = arith.constant 0 : i32
    %dma_start3A_32 = tpu.memref_slice %arg4[%add3A_28, %dma_start3A_31] : memref<3168x105xi32, #tpu.memory_space<hbm>> -> memref<24x105xi32, #tpu.memory_space<hbm>>
    tpu.enqueue_dma source(%dma_start3A_32 : memref<24x105xi32, #tpu.memory_space<hbm>>) target(%arg10 : memref<24x105xi32, #tpu.memory_space<vmem>>) target_semaphore(%arg14 : memref<!tpu.dma_semaphore, #tpu.memory_space<semaphore_mem>>)
    %eq3A_33 = arith.constant 15 : i32
    %eq3A_34 = arith.cmpi eq, %arg1, %eq3A_33 : i32
    %eq3A_35 = arith.constant 0 : i32
    %eq3A_36 = arith.cmpi eq, %arg0, %eq3A_35 : i32
    %not3A = arith.constant true
    %not3A_37 = arith.xori %eq3A_34, %not3A : i1
    %and3A = arith.andi %eq3A_36, %not3A_37 : i1
    %convert_element_type3A = arith.extui %and3A : i1 to i32
    %cond3A = arith.constant 0 : i32
    %cond3A_38 = arith.cmpi ne, %convert_element_type3A, %cond3A : i32
    scf.if %cond3A_38 {
      %mul3A_102 = arith.constant 632 : i32
      %mul3A_103 = arith.muli %arg1, %mul3A_102 : i32
      %mul3A_104 = arith.constant 632 : i32
      %mul3A_105 = arith.muli %arg1, %mul3A_104 : i32
      "tpu.region"() ({
        %run_scoped3A = tpu.sem_alloc : memref<!tpu.dma_semaphore, #tpu.memory_space<semaphore_mem>>
        %dma_start3A_106 = arith.constant 0 : i32
        %dma_start3A_107 = tpu.memref_slice %arg19[%mul3A_105, %dma_start3A_106] : memref<10008x128xf32, #tpu.memory_space<vmem_shared>> -> memref<632x128xf32, #tpu.memory_space<vmem_shared>>
        %dma_start3A_108 = arith.constant 0 : i32
        %dma_start3A_109 = tpu.memref_slice %arg2[%mul3A_103, %dma_start3A_108] : memref<10000x128xf32, #tpu.memory_space<hbm>> -> memref<632x128xf32, #tpu.memory_space<hbm>>
        tpu.enqueue_dma source(%dma_start3A_109 : memref<632x128xf32, #tpu.memory_space<hbm>>) target(%dma_start3A_107 : memref<632x128xf32, #tpu.memory_space<vmem_shared>>) target_semaphore(%run_scoped3A : memref<!tpu.dma_semaphore, #tpu.memory_space<semaphore_mem>>)
        %dma_wait3A_110 = arith.constant 0 : i32
        %dma_wait3A_111 = tpu.memref_slice %arg19[%mul3A_105, %dma_wait3A_110] : memref<10008x128xf32, #tpu.memory_space<vmem_shared>> -> memref<632x128xf32, #tpu.memory_space<vmem_shared>>
        %dma_wait3A_112 = arith.constant 0 : i32
        %dma_wait3A_113 = tpu.memref_slice %arg2[%mul3A_103, %dma_wait3A_112] : memref<10000x128xf32, #tpu.memory_space<hbm>> -> memref<632x128xf32, #tpu.memory_space<hbm>>
        tpu.wait_dma2 semaphore(%run_scoped3A : memref<!tpu.dma_semaphore, #tpu.memory_space<semaphore_mem>>) src(%dma_wait3A_113 : memref<632x128xf32, #tpu.memory_space<hbm>>) dst(%dma_wait3A_111 : memref<632x128xf32, #tpu.memory_space<vmem_shared>>)
        tpu.yield
      }) : () -> ()
    } else {
    }
    %eq3A_39 = arith.constant 0 : i32
    %eq3A_40 = arith.cmpi eq, %arg0, %eq3A_39 : i32
    %and3A_41 = arith.andi %eq3A_40, %eq3A_34 : i1
    %convert_element_type3A_42 = arith.extui %and3A_41 : i1 to i32
    %cond3A_43 = arith.constant 0 : i32
    %cond3A_44 = arith.cmpi ne, %convert_element_type3A_42, %cond3A_43 : i32
    scf.if %cond3A_44 {
      "tpu.region"() ({
        %run_scoped3A = tpu.sem_alloc : memref<!tpu.dma_semaphore, #tpu.memory_space<semaphore_mem>>
        %dma_start3A_102 = arith.constant 9480 : i32
        %dma_start3A_103 = arith.constant 0 : i32
        %dma_start3A_104 = tpu.memref_slice %arg19[%dma_start3A_102, %dma_start3A_103] : memref<10008x128xf32, #tpu.memory_space<vmem_shared>> -> memref<520x128xf32, #tpu.memory_space<vmem_shared>>
        %dma_start3A_105 = arith.constant 9480 : i32
        %dma_start3A_106 = arith.constant 0 : i32
        %dma_start3A_107 = tpu.memref_slice %arg2[%dma_start3A_105, %dma_start3A_106] : memref<10000x128xf32, #tpu.memory_space<hbm>> -> memref<520x128xf32, #tpu.memory_space<hbm>>
        tpu.enqueue_dma source(%dma_start3A_107 : memref<520x128xf32, #tpu.memory_space<hbm>>) target(%dma_start3A_104 : memref<520x128xf32, #tpu.memory_space<vmem_shared>>) target_semaphore(%run_scoped3A : memref<!tpu.dma_semaphore, #tpu.memory_space<semaphore_mem>>)
        %dma_wait3A_108 = arith.constant 9480 : i32
        %dma_wait3A_109 = arith.constant 0 : i32
        %dma_wait3A_110 = tpu.memref_slice %arg19[%dma_wait3A_108, %dma_wait3A_109] : memref<10008x128xf32, #tpu.memory_space<vmem_shared>> -> memref<520x128xf32, #tpu.memory_space<vmem_shared>>
        %dma_wait3A_111 = arith.constant 9480 : i32
        %dma_wait3A_112 = arith.constant 0 : i32
        %dma_wait3A_113 = tpu.memref_slice %arg2[%dma_wait3A_111, %dma_wait3A_112] : memref<10000x128xf32, #tpu.memory_space<hbm>> -> memref<520x128xf32, #tpu.memory_space<hbm>>
        tpu.wait_dma2 semaphore(%run_scoped3A : memref<!tpu.dma_semaphore, #tpu.memory_space<semaphore_mem>>) src(%dma_wait3A_113 : memref<520x128xf32, #tpu.memory_space<hbm>>) dst(%dma_wait3A_110 : memref<520x128xf32, #tpu.memory_space<vmem_shared>>)
        tpu.yield
      }) : () -> ()
    } else {
    }
    %eq3A_45 = arith.constant 1 : i32
    %eq3A_46 = arith.cmpi eq, %arg0, %eq3A_45 : i32
    %not3A_47 = arith.constant true
    %not3A_48 = arith.xori %eq3A_34, %not3A_47 : i1
    %and3A_49 = arith.andi %eq3A_46, %not3A_48 : i1
    %convert_element_type3A_50 = arith.extui %and3A_49 : i1 to i32
    %cond3A_51 = arith.constant 0 : i32
    %cond3A_52 = arith.cmpi ne, %convert_element_type3A_50, %cond3A_51 : i32
    scf.if %cond3A_52 {
      %mul3A_102 = arith.constant 632 : i32
      %mul3A_103 = arith.muli %arg1, %mul3A_102 : i32
      %mul3A_104 = arith.constant 632 : i32
      %mul3A_105 = arith.muli %arg1, %mul3A_104 : i32
      "tpu.region"() ({
        %run_scoped3A = tpu.sem_alloc : memref<!tpu.dma_semaphore, #tpu.memory_space<semaphore_mem>>
        %dma_start3A_106 = arith.constant 0 : i32
        %dma_start3A_107 = tpu.memref_slice %arg19[%mul3A_105, %dma_start3A_106] : memref<10008x128xf32, #tpu.memory_space<vmem_shared>> -> memref<632x128xf32, #tpu.memory_space<vmem_shared>>
        %dma_start3A_108 = arith.constant 0 : i32
        %dma_start3A_109 = tpu.memref_slice %arg5[%mul3A_103, %dma_start3A_108] : memref<10008x128xf32, #tpu.memory_space<hbm>> -> memref<632x128xf32, #tpu.memory_space<hbm>>
        tpu.enqueue_dma source(%dma_start3A_109 : memref<632x128xf32, #tpu.memory_space<hbm>>) target(%dma_start3A_107 : memref<632x128xf32, #tpu.memory_space<vmem_shared>>) target_semaphore(%run_scoped3A : memref<!tpu.dma_semaphore, #tpu.memory_space<semaphore_mem>>)
        %dma_wait3A_110 = arith.constant 0 : i32
        %dma_wait3A_111 = tpu.memref_slice %arg19[%mul3A_105, %dma_wait3A_110] : memref<10008x128xf32, #tpu.memory_space<vmem_shared>> -> memref<632x128xf32, #tpu.memory_space<vmem_shared>>
        %dma_wait3A_112 = arith.constant 0 : i32
        %dma_wait3A_113 = tpu.memref_slice %arg5[%mul3A_103, %dma_wait3A_112] : memref<10008x128xf32, #tpu.memory_space<hbm>> -> memref<632x128xf32, #tpu.memory_space<hbm>>
        tpu.wait_dma2 semaphore(%run_scoped3A : memref<!tpu.dma_semaphore, #tpu.memory_space<semaphore_mem>>) src(%dma_wait3A_113 : memref<632x128xf32, #tpu.memory_space<hbm>>) dst(%dma_wait3A_111 : memref<632x128xf32, #tpu.memory_space<vmem_shared>>)
        tpu.yield
      }) : () -> ()
    } else {
    }
    %eq3A_53 = arith.constant 1 : i32
    %eq3A_54 = arith.cmpi eq, %arg0, %eq3A_53 : i32
    %and3A_55 = arith.andi %eq3A_54, %eq3A_34 : i1
    %convert_element_type3A_56 = arith.extui %and3A_55 : i1 to i32
    %cond3A_57 = arith.constant 0 : i32
    %cond3A_58 = arith.cmpi ne, %convert_element_type3A_56, %cond3A_57 : i32
    scf.if %cond3A_58 {
      "tpu.region"() ({
        %run_scoped3A = tpu.sem_alloc : memref<!tpu.dma_semaphore, #tpu.memory_space<semaphore_mem>>
        %dma_start3A_102 = arith.constant 9480 : i32
        %dma_start3A_103 = arith.constant 0 : i32
        %dma_start3A_104 = tpu.memref_slice %arg19[%dma_start3A_102, %dma_start3A_103] : memref<10008x128xf32, #tpu.memory_space<vmem_shared>> -> memref<528x128xf32, #tpu.memory_space<vmem_shared>>
        %dma_start3A_105 = arith.constant 9480 : i32
        %dma_start3A_106 = arith.constant 0 : i32
        %dma_start3A_107 = tpu.memref_slice %arg5[%dma_start3A_105, %dma_start3A_106] : memref<10008x128xf32, #tpu.memory_space<hbm>> -> memref<528x128xf32, #tpu.memory_space<hbm>>
        tpu.enqueue_dma source(%dma_start3A_107 : memref<528x128xf32, #tpu.memory_space<hbm>>) target(%dma_start3A_104 : memref<528x128xf32, #tpu.memory_space<vmem_shared>>) target_semaphore(%run_scoped3A : memref<!tpu.dma_semaphore, #tpu.memory_space<semaphore_mem>>)
        %dma_wait3A_108 = arith.constant 9480 : i32
        %dma_wait3A_109 = arith.constant 0 : i32
        %dma_wait3A_110 = tpu.memref_slice %arg19[%dma_wait3A_108, %dma_wait3A_109] : memref<10008x128xf32, #tpu.memory_space<vmem_shared>> -> memref<528x128xf32, #tpu.memory_space<vmem_shared>>
        %dma_wait3A_111 = arith.constant 9480 : i32
        %dma_wait3A_112 = arith.constant 0 : i32
        %dma_wait3A_113 = tpu.memref_slice %arg5[%dma_wait3A_111, %dma_wait3A_112] : memref<10008x128xf32, #tpu.memory_space<hbm>> -> memref<528x128xf32, #tpu.memory_space<hbm>>
        tpu.wait_dma2 semaphore(%run_scoped3A : memref<!tpu.dma_semaphore, #tpu.memory_space<semaphore_mem>>) src(%dma_wait3A_113 : memref<528x128xf32, #tpu.memory_space<hbm>>) dst(%dma_wait3A_110 : memref<528x128xf32, #tpu.memory_space<vmem_shared>>)
        tpu.yield
      }) : () -> ()
    } else {
    }
    %barrier3A = arith.constant 0 : index
    tpu.barrier barrier_id(%barrier3A)
    %while3A = arith.constant 0 : i32
    %while3A_59 = arith.constant 0 : i32
    %while3A_60 = arith.subi %select_n3A_13, %while3A_59 : i32
    %while3A_61 = arith.addi %while3A_59, %while3A_60 : i32
    %while3A_62 = arith.constant 1 : i32
    %while3A_63 = arith.divsi %while3A_60, %while3A_62 : i32
    %while3A_64 = arith.muli %while3A_63, %while3A_62 : i32
    %while3A_65 = arith.addi %while3A_59, %while3A_64 : i32
    %while3A_66 = arith.constant 1 : i32
    scf.for %while3A_102 = %while3A_59 to %while3A_65 step %while3A_66  : i32 {
      %dma_wait3A_103 = arith.constant 0 : i32
      %dma_wait3A_104 = arith.constant 0 : i32
      %dma_wait3A_105 = tpu.memref_slice %arg3[%dma_wait3A_103, %dma_wait3A_104] : memref<3168x105xi32, #tpu.memory_space<hbm>> -> memref<24x105xi32, #tpu.memory_space<hbm>>
      %dma_wait3A_106 = arith.constant 0 : i32
      %dma_wait3A_107 = arith.constant 0 : i32
      %dma_wait3A_108 = tpu.memref_slice %arg3[%dma_wait3A_106, %dma_wait3A_107] : memref<3168x105xi32, #tpu.memory_space<hbm>> -> memref<24x105xi32, #tpu.memory_space<hbm>>
      tpu.wait_dma2 semaphore(%arg13 : memref<!tpu.dma_semaphore, #tpu.memory_space<semaphore_mem>>) src(%dma_wait3A_108 : memref<24x105xi32, #tpu.memory_space<hbm>>) dst(%arg7 : memref<24x105xi32, #tpu.memory_space<vmem>>)
      %dma_wait3A_109 = arith.constant 0 : i32
      %dma_wait3A_110 = arith.constant 0 : i32
      %dma_wait3A_111 = tpu.memref_slice %arg4[%dma_wait3A_109, %dma_wait3A_110] : memref<3168x105xi32, #tpu.memory_space<hbm>> -> memref<24x105xi32, #tpu.memory_space<hbm>>
      %dma_wait3A_112 = arith.constant 0 : i32
      %dma_wait3A_113 = arith.constant 0 : i32
      %dma_wait3A_114 = tpu.memref_slice %arg4[%dma_wait3A_112, %dma_wait3A_113] : memref<3168x105xi32, #tpu.memory_space<hbm>> -> memref<24x105xi32, #tpu.memory_space<hbm>>
      tpu.wait_dma2 semaphore(%arg13 : memref<!tpu.dma_semaphore, #tpu.memory_space<semaphore_mem>>) src(%dma_wait3A_114 : memref<24x105xi32, #tpu.memory_space<hbm>>) dst(%arg8 : memref<24x105xi32, #tpu.memory_space<vmem>>)
      %dma_start3A_115 = arith.constant 0 : i32
      %dma_start3A_116 = arith.constant 0 : i32
      %dma_start3A_117 = tpu.memref_slice %arg7[%dma_start3A_115, %dma_start3A_116] : memref<24x105xi32, #tpu.memory_space<vmem>> -> memref<1x105xi32, #tpu.memory_space<vmem>>
      %dma_start3A_118 = tpu.memref_squeeze %dma_start3A_117 : memref<1x105xi32, #tpu.memory_space<vmem>> -> memref<105xi32, #tpu.memory_space<vmem>>
      %dma_start3A_119 = arith.constant 0 : i32
      %dma_start3A_120 = arith.constant 0 : i32
      %dma_start3A_121 = tpu.memref_slice %arg2[%dma_start3A_119, %dma_start3A_120] : memref<10000x128xf32, #tpu.memory_space<hbm>> -> memref<10000x128xf32, #tpu.memory_space<hbm>>
      tpu.enqueue_indirect_dma source(%dma_start3A_121 : memref<10000x128xf32, #tpu.memory_space<hbm>>) target(%arg11 : memref<105x128xf32, #tpu.memory_space<vmem>>) offsets(%dma_start3A_118 : memref<105xi32, #tpu.memory_space<vmem>>) semaphore(%arg15 : memref<!tpu.dma_semaphore, #tpu.memory_space<semaphore_mem>>)
      %dma_start3A_122 = arith.constant 1 : i32
      %dma_start3A_123 = arith.constant 0 : i32
      %dma_start3A_124 = tpu.memref_slice %arg7[%dma_start3A_122, %dma_start3A_123] : memref<24x105xi32, #tpu.memory_space<vmem>> -> memref<1x105xi32, #tpu.memory_space<vmem>>
      %dma_start3A_125 = tpu.memref_squeeze %dma_start3A_124 : memref<1x105xi32, #tpu.memory_space<vmem>> -> memref<105xi32, #tpu.memory_space<vmem>>
      %dma_start3A_126 = arith.constant 0 : i32
      %dma_start3A_127 = arith.constant 0 : i32
      %dma_start3A_128 = tpu.memref_slice %arg2[%dma_start3A_126, %dma_start3A_127] : memref<10000x128xf32, #tpu.memory_space<hbm>> -> memref<10000x128xf32, #tpu.memory_space<hbm>>
      tpu.enqueue_indirect_dma source(%dma_start3A_128 : memref<10000x128xf32, #tpu.memory_space<hbm>>) target(%arg12 : memref<105x128xf32, #tpu.memory_space<vmem>>) offsets(%dma_start3A_125 : memref<105xi32, #tpu.memory_space<vmem>>) semaphore(%arg16 : memref<!tpu.dma_semaphore, #tpu.memory_space<semaphore_mem>>)
      %scan3A = arith.constant 0 : i32
      %scan3A_129 = arith.constant 0 : i32
      %scan3A_130 = arith.constant 12 : i32
      %scan3A_131 = arith.addi %scan3A_129, %scan3A_130 : i32
      %scan3A_132 = arith.constant 1 : i32
      scf.for %scan3A_234 = %scan3A_129 to %scan3A_131 step %scan3A_132  : i32 {
        %mul3A_235 = arith.constant 2 : i32
        %mul3A_236 = arith.muli %mul3A_235, %scan3A_234 : i32
        %add3A_237 = arith.constant 1 : i32
        %add3A_238 = arith.addi %mul3A_236, %add3A_237 : i32
        %add3A_239 = arith.constant 2 : i32
        %add3A_240 = arith.addi %mul3A_236, %add3A_239 : i32
        %min3A_241 = arith.constant 23 : i32
        %min3A_242 = arith.minsi %add3A_240, %min3A_241 : i32
        %add3A_243 = arith.constant 3 : i32
        %add3A_244 = arith.addi %mul3A_236, %add3A_243 : i32
        %min3A_245 = arith.constant 23 : i32
        %min3A_246 = arith.minsi %add3A_244, %min3A_245 : i32
        %dma_wait3A_247 = arith.constant 0 : i32
        %dma_wait3A_248 = tpu.memref_slice %arg7[%mul3A_236, %dma_wait3A_247] : memref<24x105xi32, #tpu.memory_space<vmem>> -> memref<1x105xi32, #tpu.memory_space<vmem>>
        %dma_wait3A_249 = tpu.memref_squeeze %dma_wait3A_248 : memref<1x105xi32, #tpu.memory_space<vmem>> -> memref<105xi32, #tpu.memory_space<vmem>>
        %dma_wait3A_250 = arith.constant 0 : i32
        %dma_wait3A_251 = arith.constant 0 : i32
        %dma_wait3A_252 = tpu.memref_slice %arg2[%dma_wait3A_250, %dma_wait3A_251] : memref<10000x128xf32, #tpu.memory_space<hbm>> -> memref<10000x128xf32, #tpu.memory_space<hbm>>
        tpu.wait_indirect_dma semaphore(%arg15 : memref<!tpu.dma_semaphore, #tpu.memory_space<semaphore_mem>>) src(%dma_wait3A_252 : memref<10000x128xf32, #tpu.memory_space<hbm>>) dst(%arg11 : memref<105x128xf32, #tpu.memory_space<vmem>>)
        %dma_start3A_253 = arith.constant 0 : i32
        %dma_start3A_254 = tpu.memref_slice %arg8[%mul3A_236, %dma_start3A_253] : memref<24x105xi32, #tpu.memory_space<vmem>> -> memref<1x105xi32, #tpu.memory_space<vmem>>
        %dma_start3A_255 = tpu.memref_squeeze %dma_start3A_254 : memref<1x105xi32, #tpu.memory_space<vmem>> -> memref<105xi32, #tpu.memory_space<vmem>>
        %dma_start3A_256 = arith.constant 0 : i32
        %dma_start3A_257 = arith.constant 0 : i32
        %dma_start3A_258 = tpu.memref_slice %arg19[%dma_start3A_256, %dma_start3A_257] : memref<10008x128xf32, #tpu.memory_space<vmem_shared>> -> memref<10008x128xf32, #tpu.memory_space<vmem_shared>>
        tpu.enqueue_indirect_dma source(%arg11 : memref<105x128xf32, #tpu.memory_space<vmem>>) target(%dma_start3A_258 : memref<10008x128xf32, #tpu.memory_space<vmem_shared>>) offsets(%dma_start3A_255 : memref<105xi32, #tpu.memory_space<vmem>>) semaphore(%arg17 : memref<!tpu.dma_semaphore, #tpu.memory_space<semaphore_mem>>) {add = true}
        %dma_wait3A_259 = arith.constant 0 : i32
        %dma_wait3A_260 = tpu.memref_slice %arg7[%add3A_238, %dma_wait3A_259] : memref<24x105xi32, #tpu.memory_space<vmem>> -> memref<1x105xi32, #tpu.memory_space<vmem>>
        %dma_wait3A_261 = tpu.memref_squeeze %dma_wait3A_260 : memref<1x105xi32, #tpu.memory_space<vmem>> -> memref<105xi32, #tpu.memory_space<vmem>>
        %dma_wait3A_262 = arith.constant 0 : i32
        %dma_wait3A_263 = arith.constant 0 : i32
        %dma_wait3A_264 = tpu.memref_slice %arg2[%dma_wait3A_262, %dma_wait3A_263] : memref<10000x128xf32, #tpu.memory_space<hbm>> -> memref<10000x128xf32, #tpu.memory_space<hbm>>
        tpu.wait_indirect_dma semaphore(%arg16 : memref<!tpu.dma_semaphore, #tpu.memory_space<semaphore_mem>>) src(%dma_wait3A_264 : memref<10000x128xf32, #tpu.memory_space<hbm>>) dst(%arg12 : memref<105x128xf32, #tpu.memory_space<vmem>>)
        %dma_start3A_265 = arith.constant 0 : i32
        %dma_start3A_266 = tpu.memref_slice %arg8[%add3A_238, %dma_start3A_265] : memref<24x105xi32, #tpu.memory_space<vmem>> -> memref<1x105xi32, #tpu.memory_space<vmem>>
        %dma_start3A_267 = tpu.memref_squeeze %dma_start3A_266 : memref<1x105xi32, #tpu.memory_space<vmem>> -> memref<105xi32, #tpu.memory_space<vmem>>
        %dma_start3A_268 = arith.constant 0 : i32
        %dma_start3A_269 = arith.constant 0 : i32
        %dma_start3A_270 = tpu.memref_slice %arg19[%dma_start3A_268, %dma_start3A_269] : memref<10008x128xf32, #tpu.memory_space<vmem_shared>> -> memref<10008x128xf32, #tpu.memory_space<vmem_shared>>
        tpu.enqueue_indirect_dma source(%arg12 : memref<105x128xf32, #tpu.memory_space<vmem>>) target(%dma_start3A_270 : memref<10008x128xf32, #tpu.memory_space<vmem_shared>>) offsets(%dma_start3A_267 : memref<105xi32, #tpu.memory_space<vmem>>) semaphore(%arg18 : memref<!tpu.dma_semaphore, #tpu.memory_space<semaphore_mem>>) {add = true}
        %dma_wait3A_271 = arith.constant 0 : i32
        %dma_wait3A_272 = tpu.memref_slice %arg8[%mul3A_236, %dma_wait3A_271] : memref<24x105xi32, #tpu.memory_space<vmem>> -> memref<1x105xi32, #tpu.memory_space<vmem>>
        %dma_wait3A_273 = tpu.memref_squeeze %dma_wait3A_272 : memref<1x105xi32, #tpu.memory_space<vmem>> -> memref<105xi32, #tpu.memory_space<vmem>>
        %dma_wait3A_274 = arith.constant 0 : i32
        %dma_wait3A_275 = arith.constant 0 : i32
        %dma_wait3A_276 = tpu.memref_slice %arg19[%dma_wait3A_274, %dma_wait3A_275] : memref<10008x128xf32, #tpu.memory_space<vmem_shared>> -> memref<10008x128xf32, #tpu.memory_space<vmem_shared>>
        tpu.wait_indirect_dma semaphore(%arg17 : memref<!tpu.dma_semaphore, #tpu.memory_space<semaphore_mem>>) src(%arg11 : memref<105x128xf32, #tpu.memory_space<vmem>>) dst(%dma_wait3A_276 : memref<10008x128xf32, #tpu.memory_space<vmem_shared>>)
        %dma_start3A_277 = arith.constant 0 : i32
        %dma_start3A_278 = tpu.memref_slice %arg7[%min3A_242, %dma_start3A_277] : memref<24x105xi32, #tpu.memory_space<vmem>> -> memref<1x105xi32, #tpu.memory_space<vmem>>
        %dma_start3A_279 = tpu.memref_squeeze %dma_start3A_278 : memref<1x105xi32, #tpu.memory_space<vmem>> -> memref<105xi32, #tpu.memory_space<vmem>>
        %dma_start3A_280 = arith.constant 0 : i32
        %dma_start3A_281 = arith.constant 0 : i32
        %dma_start3A_282 = tpu.memref_slice %arg2[%dma_start3A_280, %dma_start3A_281] : memref<10000x128xf32, #tpu.memory_space<hbm>> -> memref<10000x128xf32, #tpu.memory_space<hbm>>
        tpu.enqueue_indirect_dma source(%dma_start3A_282 : memref<10000x128xf32, #tpu.memory_space<hbm>>) target(%arg11 : memref<105x128xf32, #tpu.memory_space<vmem>>) offsets(%dma_start3A_279 : memref<105xi32, #tpu.memory_space<vmem>>) semaphore(%arg15 : memref<!tpu.dma_semaphore, #tpu.memory_space<semaphore_mem>>)
        %dma_wait3A_283 = arith.constant 0 : i32
        %dma_wait3A_284 = tpu.memref_slice %arg8[%add3A_238, %dma_wait3A_283] : memref<24x105xi32, #tpu.memory_space<vmem>> -> memref<1x105xi32, #tpu.memory_space<vmem>>
        %dma_wait3A_285 = tpu.memref_squeeze %dma_wait3A_284 : memref<1x105xi32, #tpu.memory_space<vmem>> -> memref<105xi32, #tpu.memory_space<vmem>>
        %dma_wait3A_286 = arith.constant 0 : i32
        %dma_wait3A_287 = arith.constant 0 : i32
        %dma_wait3A_288 = tpu.memref_slice %arg19[%dma_wait3A_286, %dma_wait3A_287] : memref<10008x128xf32, #tpu.memory_space<vmem_shared>> -> memref<10008x128xf32, #tpu.memory_space<vmem_shared>>
        tpu.wait_indirect_dma semaphore(%arg18 : memref<!tpu.dma_semaphore, #tpu.memory_space<semaphore_mem>>) src(%arg12 : memref<105x128xf32, #tpu.memory_space<vmem>>) dst(%dma_wait3A_288 : memref<10008x128xf32, #tpu.memory_space<vmem_shared>>)
        %dma_start3A_289 = arith.constant 0 : i32
        %dma_start3A_290 = tpu.memref_slice %arg7[%min3A_246, %dma_start3A_289] : memref<24x105xi32, #tpu.memory_space<vmem>> -> memref<1x105xi32, #tpu.memory_space<vmem>>
        %dma_start3A_291 = tpu.memref_squeeze %dma_start3A_290 : memref<1x105xi32, #tpu.memory_space<vmem>> -> memref<105xi32, #tpu.memory_space<vmem>>
        %dma_start3A_292 = arith.constant 0 : i32
        %dma_start3A_293 = arith.constant 0 : i32
        %dma_start3A_294 = tpu.memref_slice %arg2[%dma_start3A_292, %dma_start3A_293] : memref<10000x128xf32, #tpu.memory_space<hbm>> -> memref<10000x128xf32, #tpu.memory_space<hbm>>
        tpu.enqueue_indirect_dma source(%dma_start3A_294 : memref<10000x128xf32, #tpu.memory_space<hbm>>) target(%arg12 : memref<105x128xf32, #tpu.memory_space<vmem>>) offsets(%dma_start3A_291 : memref<105xi32, #tpu.memory_space<vmem>>) semaphore(%arg16 : memref<!tpu.dma_semaphore, #tpu.memory_space<semaphore_mem>>)
      }
      %scan3A_133 = arith.constant 12 : i32
      %dma_wait3A_134 = arith.constant 23 : i32
      %dma_wait3A_135 = arith.constant 0 : i32
      %dma_wait3A_136 = tpu.memref_slice %arg7[%dma_wait3A_134, %dma_wait3A_135] : memref<24x105xi32, #tpu.memory_space<vmem>> -> memref<1x105xi32, #tpu.memory_space<vmem>>
      %dma_wait3A_137 = tpu.memref_squeeze %dma_wait3A_136 : memref<1x105xi32, #tpu.memory_space<vmem>> -> memref<105xi32, #tpu.memory_space<vmem>>
      %dma_wait3A_138 = arith.constant 0 : i32
      %dma_wait3A_139 = arith.constant 0 : i32
      %dma_wait3A_140 = tpu.memref_slice %arg2[%dma_wait3A_138, %dma_wait3A_139] : memref<10000x128xf32, #tpu.memory_space<hbm>> -> memref<10000x128xf32, #tpu.memory_space<hbm>>
      tpu.wait_indirect_dma semaphore(%arg15 : memref<!tpu.dma_semaphore, #tpu.memory_space<semaphore_mem>>) src(%dma_wait3A_140 : memref<10000x128xf32, #tpu.memory_space<hbm>>) dst(%arg11 : memref<105x128xf32, #tpu.memory_space<vmem>>)
      %dma_wait3A_141 = arith.constant 23 : i32
      %dma_wait3A_142 = arith.constant 0 : i32
      %dma_wait3A_143 = tpu.memref_slice %arg7[%dma_wait3A_141, %dma_wait3A_142] : memref<24x105xi32, #tpu.memory_space<vmem>> -> memref<1x105xi32, #tpu.memory_space<vmem>>
      %dma_wait3A_144 = tpu.memref_squeeze %dma_wait3A_143 : memref<1x105xi32, #tpu.memory_space<vmem>> -> memref<105xi32, #tpu.memory_space<vmem>>
      %dma_wait3A_145 = arith.constant 0 : i32
      %dma_wait3A_146 = arith.constant 0 : i32
      %dma_wait3A_147 = tpu.memref_slice %arg2[%dma_wait3A_145, %dma_wait3A_146] : memref<10000x128xf32, #tpu.memory_space<hbm>> -> memref<10000x128xf32, #tpu.memory_space<hbm>>
      tpu.wait_indirect_dma semaphore(%arg16 : memref<!tpu.dma_semaphore, #tpu.memory_space<semaphore_mem>>) src(%dma_wait3A_147 : memref<10000x128xf32, #tpu.memory_space<hbm>>) dst(%arg12 : memref<105x128xf32, #tpu.memory_space<vmem>>)
      %mul3A_148 = arith.constant 2 : i32
      %mul3A_149 = arith.muli %mul3A_148, %while3A_102 : i32
      %add3A_150 = arith.constant 2 : i32
      %add3A_151 = arith.addi %mul3A_149, %add3A_150 : i32
      %sub3A = arith.constant 1 : i32
      %sub3A_152 = arith.subi %select_n3A_8, %sub3A : i32
      %min3A = arith.minsi %add3A_151, %sub3A_152 : i32
      %mul3A_153 = arith.constant 24 : i32
      %mul3A_154 = arith.muli %min3A, %mul3A_153 : i32
      %add3A_155 = arith.addi %select_n3A, %mul3A_154 : i32
      %dma_start3A_156 = arith.constant 0 : i32
      %dma_start3A_157 = tpu.memref_slice %arg3[%add3A_155, %dma_start3A_156] : memref<3168x105xi32, #tpu.memory_space<hbm>> -> memref<24x105xi32, #tpu.memory_space<hbm>>
      %dma_start3A_158 = arith.constant 0 : i32
      %dma_start3A_159 = tpu.memref_slice %arg3[%add3A_155, %dma_start3A_158] : memref<3168x105xi32, #tpu.memory_space<hbm>> -> memref<24x105xi32, #tpu.memory_space<hbm>>
      tpu.enqueue_dma source(%dma_start3A_159 : memref<24x105xi32, #tpu.memory_space<hbm>>) target(%arg7 : memref<24x105xi32, #tpu.memory_space<vmem>>) target_semaphore(%arg13 : memref<!tpu.dma_semaphore, #tpu.memory_space<semaphore_mem>>)
      %mul3A_160 = arith.constant 24 : i32
      %mul3A_161 = arith.muli %min3A, %mul3A_160 : i32
      %add3A_162 = arith.addi %select_n3A, %mul3A_161 : i32
      %dma_start3A_163 = arith.constant 0 : i32
      %dma_start3A_164 = tpu.memref_slice %arg4[%add3A_162, %dma_start3A_163] : memref<3168x105xi32, #tpu.memory_space<hbm>> -> memref<24x105xi32, #tpu.memory_space<hbm>>
      %dma_start3A_165 = arith.constant 0 : i32
      %dma_start3A_166 = tpu.memref_slice %arg4[%add3A_162, %dma_start3A_165] : memref<3168x105xi32, #tpu.memory_space<hbm>> -> memref<24x105xi32, #tpu.memory_space<hbm>>
      tpu.enqueue_dma source(%dma_start3A_166 : memref<24x105xi32, #tpu.memory_space<hbm>>) target(%arg8 : memref<24x105xi32, #tpu.memory_space<vmem>>) target_semaphore(%arg13 : memref<!tpu.dma_semaphore, #tpu.memory_space<semaphore_mem>>)
      %dma_wait3A_167 = arith.constant 0 : i32
      %dma_wait3A_168 = arith.constant 0 : i32
      %dma_wait3A_169 = tpu.memref_slice %arg3[%dma_wait3A_167, %dma_wait3A_168] : memref<3168x105xi32, #tpu.memory_space<hbm>> -> memref<24x105xi32, #tpu.memory_space<hbm>>
      %dma_wait3A_170 = arith.constant 0 : i32
      %dma_wait3A_171 = arith.constant 0 : i32
      %dma_wait3A_172 = tpu.memref_slice %arg3[%dma_wait3A_170, %dma_wait3A_171] : memref<3168x105xi32, #tpu.memory_space<hbm>> -> memref<24x105xi32, #tpu.memory_space<hbm>>
      tpu.wait_dma2 semaphore(%arg14 : memref<!tpu.dma_semaphore, #tpu.memory_space<semaphore_mem>>) src(%dma_wait3A_172 : memref<24x105xi32, #tpu.memory_space<hbm>>) dst(%arg9 : memref<24x105xi32, #tpu.memory_space<vmem>>)
      %dma_wait3A_173 = arith.constant 0 : i32
      %dma_wait3A_174 = arith.constant 0 : i32
      %dma_wait3A_175 = tpu.memref_slice %arg4[%dma_wait3A_173, %dma_wait3A_174] : memref<3168x105xi32, #tpu.memory_space<hbm>> -> memref<24x105xi32, #tpu.memory_space<hbm>>
      %dma_wait3A_176 = arith.constant 0 : i32
      %dma_wait3A_177 = arith.constant 0 : i32
      %dma_wait3A_178 = tpu.memref_slice %arg4[%dma_wait3A_176, %dma_wait3A_177] : memref<3168x105xi32, #tpu.memory_space<hbm>> -> memref<24x105xi32, #tpu.memory_space<hbm>>
      tpu.wait_dma2 semaphore(%arg14 : memref<!tpu.dma_semaphore, #tpu.memory_space<semaphore_mem>>) src(%dma_wait3A_178 : memref<24x105xi32, #tpu.memory_space<hbm>>) dst(%arg10 : memref<24x105xi32, #tpu.memory_space<vmem>>)
      %dma_start3A_179 = arith.constant 0 : i32
      %dma_start3A_180 = arith.constant 0 : i32
      %dma_start3A_181 = tpu.memref_slice %arg9[%dma_start3A_179, %dma_start3A_180] : memref<24x105xi32, #tpu.memory_space<vmem>> -> memref<1x105xi32, #tpu.memory_space<vmem>>
      %dma_start3A_182 = tpu.memref_squeeze %dma_start3A_181 : memref<1x105xi32, #tpu.memory_space<vmem>> -> memref<105xi32, #tpu.memory_space<vmem>>
      %dma_start3A_183 = arith.constant 0 : i32
      %dma_start3A_184 = arith.constant 0 : i32
      %dma_start3A_185 = tpu.memref_slice %arg2[%dma_start3A_183, %dma_start3A_184] : memref<10000x128xf32, #tpu.memory_space<hbm>> -> memref<10000x128xf32, #tpu.memory_space<hbm>>
      tpu.enqueue_indirect_dma source(%dma_start3A_185 : memref<10000x128xf32, #tpu.memory_space<hbm>>) target(%arg11 : memref<105x128xf32, #tpu.memory_space<vmem>>) offsets(%dma_start3A_182 : memref<105xi32, #tpu.memory_space<vmem>>) semaphore(%arg15 : memref<!tpu.dma_semaphore, #tpu.memory_space<semaphore_mem>>)
      %dma_start3A_186 = arith.constant 1 : i32
      %dma_start3A_187 = arith.constant 0 : i32
      %dma_start3A_188 = tpu.memref_slice %arg9[%dma_start3A_186, %dma_start3A_187] : memref<24x105xi32, #tpu.memory_space<vmem>> -> memref<1x105xi32, #tpu.memory_space<vmem>>
      %dma_start3A_189 = tpu.memref_squeeze %dma_start3A_188 : memref<1x105xi32, #tpu.memory_space<vmem>> -> memref<105xi32, #tpu.memory_space<vmem>>
      %dma_start3A_190 = arith.constant 0 : i32
      %dma_start3A_191 = arith.constant 0 : i32
      %dma_start3A_192 = tpu.memref_slice %arg2[%dma_start3A_190, %dma_start3A_191] : memref<10000x128xf32, #tpu.memory_space<hbm>> -> memref<10000x128xf32, #tpu.memory_space<hbm>>
      tpu.enqueue_indirect_dma source(%dma_start3A_192 : memref<10000x128xf32, #tpu.memory_space<hbm>>) target(%arg12 : memref<105x128xf32, #tpu.memory_space<vmem>>) offsets(%dma_start3A_189 : memref<105xi32, #tpu.memory_space<vmem>>) semaphore(%arg16 : memref<!tpu.dma_semaphore, #tpu.memory_space<semaphore_mem>>)
      %scan3A_193 = arith.constant 0 : i32
      %scan3A_194 = arith.constant 0 : i32
      %scan3A_195 = arith.constant 12 : i32
      %scan3A_196 = arith.addi %scan3A_194, %scan3A_195 : i32
      %scan3A_197 = arith.constant 1 : i32
      scf.for %scan3A_234 = %scan3A_194 to %scan3A_196 step %scan3A_197  : i32 {
        %mul3A_235 = arith.constant 2 : i32
        %mul3A_236 = arith.muli %mul3A_235, %scan3A_234 : i32
        %add3A_237 = arith.constant 1 : i32
        %add3A_238 = arith.addi %mul3A_236, %add3A_237 : i32
        %add3A_239 = arith.constant 2 : i32
        %add3A_240 = arith.addi %mul3A_236, %add3A_239 : i32
        %min3A_241 = arith.constant 23 : i32
        %min3A_242 = arith.minsi %add3A_240, %min3A_241 : i32
        %add3A_243 = arith.constant 3 : i32
        %add3A_244 = arith.addi %mul3A_236, %add3A_243 : i32
        %min3A_245 = arith.constant 23 : i32
        %min3A_246 = arith.minsi %add3A_244, %min3A_245 : i32
        %dma_wait3A_247 = arith.constant 0 : i32
        %dma_wait3A_248 = tpu.memref_slice %arg9[%mul3A_236, %dma_wait3A_247] : memref<24x105xi32, #tpu.memory_space<vmem>> -> memref<1x105xi32, #tpu.memory_space<vmem>>
        %dma_wait3A_249 = tpu.memref_squeeze %dma_wait3A_248 : memref<1x105xi32, #tpu.memory_space<vmem>> -> memref<105xi32, #tpu.memory_space<vmem>>
        %dma_wait3A_250 = arith.constant 0 : i32
        %dma_wait3A_251 = arith.constant 0 : i32
        %dma_wait3A_252 = tpu.memref_slice %arg2[%dma_wait3A_250, %dma_wait3A_251] : memref<10000x128xf32, #tpu.memory_space<hbm>> -> memref<10000x128xf32, #tpu.memory_space<hbm>>
        tpu.wait_indirect_dma semaphore(%arg15 : memref<!tpu.dma_semaphore, #tpu.memory_space<semaphore_mem>>) src(%dma_wait3A_252 : memref<10000x128xf32, #tpu.memory_space<hbm>>) dst(%arg11 : memref<105x128xf32, #tpu.memory_space<vmem>>)
        %dma_start3A_253 = arith.constant 0 : i32
        %dma_start3A_254 = tpu.memref_slice %arg10[%mul3A_236, %dma_start3A_253] : memref<24x105xi32, #tpu.memory_space<vmem>> -> memref<1x105xi32, #tpu.memory_space<vmem>>
        %dma_start3A_255 = tpu.memref_squeeze %dma_start3A_254 : memref<1x105xi32, #tpu.memory_space<vmem>> -> memref<105xi32, #tpu.memory_space<vmem>>
        %dma_start3A_256 = arith.constant 0 : i32
        %dma_start3A_257 = arith.constant 0 : i32
        %dma_start3A_258 = tpu.memref_slice %arg19[%dma_start3A_256, %dma_start3A_257] : memref<10008x128xf32, #tpu.memory_space<vmem_shared>> -> memref<10008x128xf32, #tpu.memory_space<vmem_shared>>
        tpu.enqueue_indirect_dma source(%arg11 : memref<105x128xf32, #tpu.memory_space<vmem>>) target(%dma_start3A_258 : memref<10008x128xf32, #tpu.memory_space<vmem_shared>>) offsets(%dma_start3A_255 : memref<105xi32, #tpu.memory_space<vmem>>) semaphore(%arg17 : memref<!tpu.dma_semaphore, #tpu.memory_space<semaphore_mem>>) {add = true}
        %dma_wait3A_259 = arith.constant 0 : i32
        %dma_wait3A_260 = tpu.memref_slice %arg9[%add3A_238, %dma_wait3A_259] : memref<24x105xi32, #tpu.memory_space<vmem>> -> memref<1x105xi32, #tpu.memory_space<vmem>>
        %dma_wait3A_261 = tpu.memref_squeeze %dma_wait3A_260 : memref<1x105xi32, #tpu.memory_space<vmem>> -> memref<105xi32, #tpu.memory_space<vmem>>
        %dma_wait3A_262 = arith.constant 0 : i32
        %dma_wait3A_263 = arith.constant 0 : i32
        %dma_wait3A_264 = tpu.memref_slice %arg2[%dma_wait3A_262, %dma_wait3A_263] : memref<10000x128xf32, #tpu.memory_space<hbm>> -> memref<10000x128xf32, #tpu.memory_space<hbm>>
        tpu.wait_indirect_dma semaphore(%arg16 : memref<!tpu.dma_semaphore, #tpu.memory_space<semaphore_mem>>) src(%dma_wait3A_264 : memref<10000x128xf32, #tpu.memory_space<hbm>>) dst(%arg12 : memref<105x128xf32, #tpu.memory_space<vmem>>)
        %dma_start3A_265 = arith.constant 0 : i32
        %dma_start3A_266 = tpu.memref_slice %arg10[%add3A_238, %dma_start3A_265] : memref<24x105xi32, #tpu.memory_space<vmem>> -> memref<1x105xi32, #tpu.memory_space<vmem>>
        %dma_start3A_267 = tpu.memref_squeeze %dma_start3A_266 : memref<1x105xi32, #tpu.memory_space<vmem>> -> memref<105xi32, #tpu.memory_space<vmem>>
        %dma_start3A_268 = arith.constant 0 : i32
        %dma_start3A_269 = arith.constant 0 : i32
        %dma_start3A_270 = tpu.memref_slice %arg19[%dma_start3A_268, %dma_start3A_269] : memref<10008x128xf32, #tpu.memory_space<vmem_shared>> -> memref<10008x128xf32, #tpu.memory_space<vmem_shared>>
        tpu.enqueue_indirect_dma source(%arg12 : memref<105x128xf32, #tpu.memory_space<vmem>>) target(%dma_start3A_270 : memref<10008x128xf32, #tpu.memory_space<vmem_shared>>) offsets(%dma_start3A_267 : memref<105xi32, #tpu.memory_space<vmem>>) semaphore(%arg18 : memref<!tpu.dma_semaphore, #tpu.memory_space<semaphore_mem>>) {add = true}
        %dma_wait3A_271 = arith.constant 0 : i32
        %dma_wait3A_272 = tpu.memref_slice %arg10[%mul3A_236, %dma_wait3A_271] : memref<24x105xi32, #tpu.memory_space<vmem>> -> memref<1x105xi32, #tpu.memory_space<vmem>>
        %dma_wait3A_273 = tpu.memref_squeeze %dma_wait3A_272 : memref<1x105xi32, #tpu.memory_space<vmem>> -> memref<105xi32, #tpu.memory_space<vmem>>
        %dma_wait3A_274 = arith.constant 0 : i32
        %dma_wait3A_275 = arith.constant 0 : i32
        %dma_wait3A_276 = tpu.memref_slice %arg19[%dma_wait3A_274, %dma_wait3A_275] : memref<10008x128xf32, #tpu.memory_space<vmem_shared>> -> memref<10008x128xf32, #tpu.memory_space<vmem_shared>>
        tpu.wait_indirect_dma semaphore(%arg17 : memref<!tpu.dma_semaphore, #tpu.memory_space<semaphore_mem>>) src(%arg11 : memref<105x128xf32, #tpu.memory_space<vmem>>) dst(%dma_wait3A_276 : memref<10008x128xf32, #tpu.memory_space<vmem_shared>>)
        %dma_start3A_277 = arith.constant 0 : i32
        %dma_start3A_278 = tpu.memref_slice %arg9[%min3A_242, %dma_start3A_277] : memref<24x105xi32, #tpu.memory_space<vmem>> -> memref<1x105xi32, #tpu.memory_space<vmem>>
        %dma_start3A_279 = tpu.memref_squeeze %dma_start3A_278 : memref<1x105xi32, #tpu.memory_space<vmem>> -> memref<105xi32, #tpu.memory_space<vmem>>
        %dma_start3A_280 = arith.constant 0 : i32
        %dma_start3A_281 = arith.constant 0 : i32
        %dma_start3A_282 = tpu.memref_slice %arg2[%dma_start3A_280, %dma_start3A_281] : memref<10000x128xf32, #tpu.memory_space<hbm>> -> memref<10000x128xf32, #tpu.memory_space<hbm>>
        tpu.enqueue_indirect_dma source(%dma_start3A_282 : memref<10000x128xf32, #tpu.memory_space<hbm>>) target(%arg11 : memref<105x128xf32, #tpu.memory_space<vmem>>) offsets(%dma_start3A_279 : memref<105xi32, #tpu.memory_space<vmem>>) semaphore(%arg15 : memref<!tpu.dma_semaphore, #tpu.memory_space<semaphore_mem>>)
        %dma_wait3A_283 = arith.constant 0 : i32
        %dma_wait3A_284 = tpu.memref_slice %arg10[%add3A_238, %dma_wait3A_283] : memref<24x105xi32, #tpu.memory_space<vmem>> -> memref<1x105xi32, #tpu.memory_space<vmem>>
        %dma_wait3A_285 = tpu.memref_squeeze %dma_wait3A_284 : memref<1x105xi32, #tpu.memory_space<vmem>> -> memref<105xi32, #tpu.memory_space<vmem>>
        %dma_wait3A_286 = arith.constant 0 : i32
        %dma_wait3A_287 = arith.constant 0 : i32
        %dma_wait3A_288 = tpu.memref_slice %arg19[%dma_wait3A_286, %dma_wait3A_287] : memref<10008x128xf32, #tpu.memory_space<vmem_shared>> -> memref<10008x128xf32, #tpu.memory_space<vmem_shared>>
        tpu.wait_indirect_dma semaphore(%arg18 : memref<!tpu.dma_semaphore, #tpu.memory_space<semaphore_mem>>) src(%arg12 : memref<105x128xf32, #tpu.memory_space<vmem>>) dst(%dma_wait3A_288 : memref<10008x128xf32, #tpu.memory_space<vmem_shared>>)
        %dma_start3A_289 = arith.constant 0 : i32
        %dma_start3A_290 = tpu.memref_slice %arg9[%min3A_246, %dma_start3A_289] : memref<24x105xi32, #tpu.memory_space<vmem>> -> memref<1x105xi32, #tpu.memory_space<vmem>>
        %dma_start3A_291 = tpu.memref_squeeze %dma_start3A_290 : memref<1x105xi32, #tpu.memory_space<vmem>> -> memref<105xi32, #tpu.memory_space<vmem>>
        %dma_start3A_292 = arith.constant 0 : i32
        %dma_start3A_293 = arith.constant 0 : i32
        %dma_start3A_294 = tpu.memref_slice %arg2[%dma_start3A_292, %dma_start3A_293] : memref<10000x128xf32, #tpu.memory_space<hbm>> -> memref<10000x128xf32, #tpu.memory_space<hbm>>
        tpu.enqueue_indirect_dma source(%dma_start3A_294 : memref<10000x128xf32, #tpu.memory_space<hbm>>) target(%arg12 : memref<105x128xf32, #tpu.memory_space<vmem>>) offsets(%dma_start3A_291 : memref<105xi32, #tpu.memory_space<vmem>>) semaphore(%arg16 : memref<!tpu.dma_semaphore, #tpu.memory_space<semaphore_mem>>)
      }
      %scan3A_198 = arith.constant 12 : i32
      %dma_wait3A_199 = arith.constant 23 : i32
      %dma_wait3A_200 = arith.constant 0 : i32
      %dma_wait3A_201 = tpu.memref_slice %arg9[%dma_wait3A_199, %dma_wait3A_200] : memref<24x105xi32, #tpu.memory_space<vmem>> -> memref<1x105xi32, #tpu.memory_space<vmem>>
      %dma_wait3A_202 = tpu.memref_squeeze %dma_wait3A_201 : memref<1x105xi32, #tpu.memory_space<vmem>> -> memref<105xi32, #tpu.memory_space<vmem>>
      %dma_wait3A_203 = arith.constant 0 : i32
      %dma_wait3A_204 = arith.constant 0 : i32
      %dma_wait3A_205 = tpu.memref_slice %arg2[%dma_wait3A_203, %dma_wait3A_204] : memref<10000x128xf32, #tpu.memory_space<hbm>> -> memref<10000x128xf32, #tpu.memory_space<hbm>>
      tpu.wait_indirect_dma semaphore(%arg15 : memref<!tpu.dma_semaphore, #tpu.memory_space<semaphore_mem>>) src(%dma_wait3A_205 : memref<10000x128xf32, #tpu.memory_space<hbm>>) dst(%arg11 : memref<105x128xf32, #tpu.memory_space<vmem>>)
      %dma_wait3A_206 = arith.constant 23 : i32
      %dma_wait3A_207 = arith.constant 0 : i32
      %dma_wait3A_208 = tpu.memref_slice %arg9[%dma_wait3A_206, %dma_wait3A_207] : memref<24x105xi32, #tpu.memory_space<vmem>> -> memref<1x105xi32, #tpu.memory_space<vmem>>
      %dma_wait3A_209 = tpu.memref_squeeze %dma_wait3A_208 : memref<1x105xi32, #tpu.memory_space<vmem>> -> memref<105xi32, #tpu.memory_space<vmem>>
      %dma_wait3A_210 = arith.constant 0 : i32
      %dma_wait3A_211 = arith.constant 0 : i32
      %dma_wait3A_212 = tpu.memref_slice %arg2[%dma_wait3A_210, %dma_wait3A_211] : memref<10000x128xf32, #tpu.memory_space<hbm>> -> memref<10000x128xf32, #tpu.memory_space<hbm>>
      tpu.wait_indirect_dma semaphore(%arg16 : memref<!tpu.dma_semaphore, #tpu.memory_space<semaphore_mem>>) src(%dma_wait3A_212 : memref<10000x128xf32, #tpu.memory_space<hbm>>) dst(%arg12 : memref<105x128xf32, #tpu.memory_space<vmem>>)
      %mul3A_213 = arith.constant 2 : i32
      %mul3A_214 = arith.muli %mul3A_213, %while3A_102 : i32
      %add3A_215 = arith.constant 3 : i32
      %add3A_216 = arith.addi %mul3A_214, %add3A_215 : i32
      %sub3A_217 = arith.constant 1 : i32
      %sub3A_218 = arith.subi %select_n3A_8, %sub3A_217 : i32
      %min3A_219 = arith.minsi %add3A_216, %sub3A_218 : i32
      %mul3A_220 = arith.constant 24 : i32
      %mul3A_221 = arith.muli %min3A_219, %mul3A_220 : i32
      %add3A_222 = arith.addi %select_n3A, %mul3A_221 : i32
      %dma_start3A_223 = arith.constant 0 : i32
      %dma_start3A_224 = tpu.memref_slice %arg3[%add3A_222, %dma_start3A_223] : memref<3168x105xi32, #tpu.memory_space<hbm>> -> memref<24x105xi32, #tpu.memory_space<hbm>>
      %dma_start3A_225 = arith.constant 0 : i32
      %dma_start3A_226 = tpu.memref_slice %arg3[%add3A_222, %dma_start3A_225] : memref<3168x105xi32, #tpu.memory_space<hbm>> -> memref<24x105xi32, #tpu.memory_space<hbm>>
      tpu.enqueue_dma source(%dma_start3A_226 : memref<24x105xi32, #tpu.memory_space<hbm>>) target(%arg9 : memref<24x105xi32, #tpu.memory_space<vmem>>) target_semaphore(%arg14 : memref<!tpu.dma_semaphore, #tpu.memory_space<semaphore_mem>>)
      %mul3A_227 = arith.constant 24 : i32
      %mul3A_228 = arith.muli %min3A_219, %mul3A_227 : i32
      %add3A_229 = arith.addi %select_n3A, %mul3A_228 : i32
      %dma_start3A_230 = arith.constant 0 : i32
      %dma_start3A_231 = tpu.memref_slice %arg4[%add3A_229, %dma_start3A_230] : memref<3168x105xi32, #tpu.memory_space<hbm>> -> memref<24x105xi32, #tpu.memory_space<hbm>>
      %dma_start3A_232 = arith.constant 0 : i32
      %dma_start3A_233 = tpu.memref_slice %arg4[%add3A_229, %dma_start3A_232] : memref<3168x105xi32, #tpu.memory_space<hbm>> -> memref<24x105xi32, #tpu.memory_space<hbm>>
      tpu.enqueue_dma source(%dma_start3A_233 : memref<24x105xi32, #tpu.memory_space<hbm>>) target(%arg10 : memref<24x105xi32, #tpu.memory_space<vmem>>) target_semaphore(%arg14 : memref<!tpu.dma_semaphore, #tpu.memory_space<semaphore_mem>>)
    }
    %while3A_67 = arith.constant 1 : i32
    scf.for %while3A_102 = %while3A_65 to %while3A_61 step %while3A_67  : i32 {
      %dma_wait3A_103 = arith.constant 0 : i32
      %dma_wait3A_104 = arith.constant 0 : i32
      %dma_wait3A_105 = tpu.memref_slice %arg3[%dma_wait3A_103, %dma_wait3A_104] : memref<3168x105xi32, #tpu.memory_space<hbm>> -> memref<24x105xi32, #tpu.memory_space<hbm>>
      %dma_wait3A_106 = arith.constant 0 : i32
      %dma_wait3A_107 = arith.constant 0 : i32
      %dma_wait3A_108 = tpu.memref_slice %arg3[%dma_wait3A_106, %dma_wait3A_107] : memref<3168x105xi32, #tpu.memory_space<hbm>> -> memref<24x105xi32, #tpu.memory_space<hbm>>
      tpu.wait_dma2 semaphore(%arg13 : memref<!tpu.dma_semaphore, #tpu.memory_space<semaphore_mem>>) src(%dma_wait3A_108 : memref<24x105xi32, #tpu.memory_space<hbm>>) dst(%arg7 : memref<24x105xi32, #tpu.memory_space<vmem>>)
      %dma_wait3A_109 = arith.constant 0 : i32
      %dma_wait3A_110 = arith.constant 0 : i32
      %dma_wait3A_111 = tpu.memref_slice %arg4[%dma_wait3A_109, %dma_wait3A_110] : memref<3168x105xi32, #tpu.memory_space<hbm>> -> memref<24x105xi32, #tpu.memory_space<hbm>>
      %dma_wait3A_112 = arith.constant 0 : i32
      %dma_wait3A_113 = arith.constant 0 : i32
      %dma_wait3A_114 = tpu.memref_slice %arg4[%dma_wait3A_112, %dma_wait3A_113] : memref<3168x105xi32, #tpu.memory_space<hbm>> -> memref<24x105xi32, #tpu.memory_space<hbm>>
      tpu.wait_dma2 semaphore(%arg13 : memref<!tpu.dma_semaphore, #tpu.memory_space<semaphore_mem>>) src(%dma_wait3A_114 : memref<24x105xi32, #tpu.memory_space<hbm>>) dst(%arg8 : memref<24x105xi32, #tpu.memory_space<vmem>>)
      %dma_start3A_115 = arith.constant 0 : i32
      %dma_start3A_116 = arith.constant 0 : i32
      %dma_start3A_117 = tpu.memref_slice %arg7[%dma_start3A_115, %dma_start3A_116] : memref<24x105xi32, #tpu.memory_space<vmem>> -> memref<1x105xi32, #tpu.memory_space<vmem>>
      %dma_start3A_118 = tpu.memref_squeeze %dma_start3A_117 : memref<1x105xi32, #tpu.memory_space<vmem>> -> memref<105xi32, #tpu.memory_space<vmem>>
      %dma_start3A_119 = arith.constant 0 : i32
      %dma_start3A_120 = arith.constant 0 : i32
      %dma_start3A_121 = tpu.memref_slice %arg2[%dma_start3A_119, %dma_start3A_120] : memref<10000x128xf32, #tpu.memory_space<hbm>> -> memref<10000x128xf32, #tpu.memory_space<hbm>>
      tpu.enqueue_indirect_dma source(%dma_start3A_121 : memref<10000x128xf32, #tpu.memory_space<hbm>>) target(%arg11 : memref<105x128xf32, #tpu.memory_space<vmem>>) offsets(%dma_start3A_118 : memref<105xi32, #tpu.memory_space<vmem>>) semaphore(%arg15 : memref<!tpu.dma_semaphore, #tpu.memory_space<semaphore_mem>>)
      %dma_start3A_122 = arith.constant 1 : i32
      %dma_start3A_123 = arith.constant 0 : i32
      %dma_start3A_124 = tpu.memref_slice %arg7[%dma_start3A_122, %dma_start3A_123] : memref<24x105xi32, #tpu.memory_space<vmem>> -> memref<1x105xi32, #tpu.memory_space<vmem>>
      %dma_start3A_125 = tpu.memref_squeeze %dma_start3A_124 : memref<1x105xi32, #tpu.memory_space<vmem>> -> memref<105xi32, #tpu.memory_space<vmem>>
      %dma_start3A_126 = arith.constant 0 : i32
      %dma_start3A_127 = arith.constant 0 : i32
      %dma_start3A_128 = tpu.memref_slice %arg2[%dma_start3A_126, %dma_start3A_127] : memref<10000x128xf32, #tpu.memory_space<hbm>> -> memref<10000x128xf32, #tpu.memory_space<hbm>>
      tpu.enqueue_indirect_dma source(%dma_start3A_128 : memref<10000x128xf32, #tpu.memory_space<hbm>>) target(%arg12 : memref<105x128xf32, #tpu.memory_space<vmem>>) offsets(%dma_start3A_125 : memref<105xi32, #tpu.memory_space<vmem>>) semaphore(%arg16 : memref<!tpu.dma_semaphore, #tpu.memory_space<semaphore_mem>>)
      %scan3A = arith.constant 0 : i32
      %scan3A_129 = arith.constant 0 : i32
      %scan3A_130 = arith.constant 12 : i32
      %scan3A_131 = arith.addi %scan3A_129, %scan3A_130 : i32
      %scan3A_132 = arith.constant 1 : i32
      scf.for %scan3A_234 = %scan3A_129 to %scan3A_131 step %scan3A_132  : i32 {
        %mul3A_235 = arith.constant 2 : i32
        %mul3A_236 = arith.muli %mul3A_235, %scan3A_234 : i32
        %add3A_237 = arith.constant 1 : i32
        %add3A_238 = arith.addi %mul3A_236, %add3A_237 : i32
        %add3A_239 = arith.constant 2 : i32
        %add3A_240 = arith.addi %mul3A_236, %add3A_239 : i32
        %min3A_241 = arith.constant 23 : i32
        %min3A_242 = arith.minsi %add3A_240, %min3A_241 : i32
        %add3A_243 = arith.constant 3 : i32
        %add3A_244 = arith.addi %mul3A_236, %add3A_243 : i32
        %min3A_245 = arith.constant 23 : i32
        %min3A_246 = arith.minsi %add3A_244, %min3A_245 : i32
        %dma_wait3A_247 = arith.constant 0 : i32
        %dma_wait3A_248 = tpu.memref_slice %arg7[%mul3A_236, %dma_wait3A_247] : memref<24x105xi32, #tpu.memory_space<vmem>> -> memref<1x105xi32, #tpu.memory_space<vmem>>
        %dma_wait3A_249 = tpu.memref_squeeze %dma_wait3A_248 : memref<1x105xi32, #tpu.memory_space<vmem>> -> memref<105xi32, #tpu.memory_space<vmem>>
        %dma_wait3A_250 = arith.constant 0 : i32
        %dma_wait3A_251 = arith.constant 0 : i32
        %dma_wait3A_252 = tpu.memref_slice %arg2[%dma_wait3A_250, %dma_wait3A_251] : memref<10000x128xf32, #tpu.memory_space<hbm>> -> memref<10000x128xf32, #tpu.memory_space<hbm>>
        tpu.wait_indirect_dma semaphore(%arg15 : memref<!tpu.dma_semaphore, #tpu.memory_space<semaphore_mem>>) src(%dma_wait3A_252 : memref<10000x128xf32, #tpu.memory_space<hbm>>) dst(%arg11 : memref<105x128xf32, #tpu.memory_space<vmem>>)
        %dma_start3A_253 = arith.constant 0 : i32
        %dma_start3A_254 = tpu.memref_slice %arg8[%mul3A_236, %dma_start3A_253] : memref<24x105xi32, #tpu.memory_space<vmem>> -> memref<1x105xi32, #tpu.memory_space<vmem>>
        %dma_start3A_255 = tpu.memref_squeeze %dma_start3A_254 : memref<1x105xi32, #tpu.memory_space<vmem>> -> memref<105xi32, #tpu.memory_space<vmem>>
        %dma_start3A_256 = arith.constant 0 : i32
        %dma_start3A_257 = arith.constant 0 : i32
        %dma_start3A_258 = tpu.memref_slice %arg19[%dma_start3A_256, %dma_start3A_257] : memref<10008x128xf32, #tpu.memory_space<vmem_shared>> -> memref<10008x128xf32, #tpu.memory_space<vmem_shared>>
        tpu.enqueue_indirect_dma source(%arg11 : memref<105x128xf32, #tpu.memory_space<vmem>>) target(%dma_start3A_258 : memref<10008x128xf32, #tpu.memory_space<vmem_shared>>) offsets(%dma_start3A_255 : memref<105xi32, #tpu.memory_space<vmem>>) semaphore(%arg17 : memref<!tpu.dma_semaphore, #tpu.memory_space<semaphore_mem>>) {add = true}
        %dma_wait3A_259 = arith.constant 0 : i32
        %dma_wait3A_260 = tpu.memref_slice %arg7[%add3A_238, %dma_wait3A_259] : memref<24x105xi32, #tpu.memory_space<vmem>> -> memref<1x105xi32, #tpu.memory_space<vmem>>
        %dma_wait3A_261 = tpu.memref_squeeze %dma_wait3A_260 : memref<1x105xi32, #tpu.memory_space<vmem>> -> memref<105xi32, #tpu.memory_space<vmem>>
        %dma_wait3A_262 = arith.constant 0 : i32
        %dma_wait3A_263 = arith.constant 0 : i32
        %dma_wait3A_264 = tpu.memref_slice %arg2[%dma_wait3A_262, %dma_wait3A_263] : memref<10000x128xf32, #tpu.memory_space<hbm>> -> memref<10000x128xf32, #tpu.memory_space<hbm>>
        tpu.wait_indirect_dma semaphore(%arg16 : memref<!tpu.dma_semaphore, #tpu.memory_space<semaphore_mem>>) src(%dma_wait3A_264 : memref<10000x128xf32, #tpu.memory_space<hbm>>) dst(%arg12 : memref<105x128xf32, #tpu.memory_space<vmem>>)
        %dma_start3A_265 = arith.constant 0 : i32
        %dma_start3A_266 = tpu.memref_slice %arg8[%add3A_238, %dma_start3A_265] : memref<24x105xi32, #tpu.memory_space<vmem>> -> memref<1x105xi32, #tpu.memory_space<vmem>>
        %dma_start3A_267 = tpu.memref_squeeze %dma_start3A_266 : memref<1x105xi32, #tpu.memory_space<vmem>> -> memref<105xi32, #tpu.memory_space<vmem>>
        %dma_start3A_268 = arith.constant 0 : i32
        %dma_start3A_269 = arith.constant 0 : i32
        %dma_start3A_270 = tpu.memref_slice %arg19[%dma_start3A_268, %dma_start3A_269] : memref<10008x128xf32, #tpu.memory_space<vmem_shared>> -> memref<10008x128xf32, #tpu.memory_space<vmem_shared>>
        tpu.enqueue_indirect_dma source(%arg12 : memref<105x128xf32, #tpu.memory_space<vmem>>) target(%dma_start3A_270 : memref<10008x128xf32, #tpu.memory_space<vmem_shared>>) offsets(%dma_start3A_267 : memref<105xi32, #tpu.memory_space<vmem>>) semaphore(%arg18 : memref<!tpu.dma_semaphore, #tpu.memory_space<semaphore_mem>>) {add = true}
        %dma_wait3A_271 = arith.constant 0 : i32
        %dma_wait3A_272 = tpu.memref_slice %arg8[%mul3A_236, %dma_wait3A_271] : memref<24x105xi32, #tpu.memory_space<vmem>> -> memref<1x105xi32, #tpu.memory_space<vmem>>
        %dma_wait3A_273 = tpu.memref_squeeze %dma_wait3A_272 : memref<1x105xi32, #tpu.memory_space<vmem>> -> memref<105xi32, #tpu.memory_space<vmem>>
        %dma_wait3A_274 = arith.constant 0 : i32
        %dma_wait3A_275 = arith.constant 0 : i32
        %dma_wait3A_276 = tpu.memref_slice %arg19[%dma_wait3A_274, %dma_wait3A_275] : memref<10008x128xf32, #tpu.memory_space<vmem_shared>> -> memref<10008x128xf32, #tpu.memory_space<vmem_shared>>
        tpu.wait_indirect_dma semaphore(%arg17 : memref<!tpu.dma_semaphore, #tpu.memory_space<semaphore_mem>>) src(%arg11 : memref<105x128xf32, #tpu.memory_space<vmem>>) dst(%dma_wait3A_276 : memref<10008x128xf32, #tpu.memory_space<vmem_shared>>)
        %dma_start3A_277 = arith.constant 0 : i32
        %dma_start3A_278 = tpu.memref_slice %arg7[%min3A_242, %dma_start3A_277] : memref<24x105xi32, #tpu.memory_space<vmem>> -> memref<1x105xi32, #tpu.memory_space<vmem>>
        %dma_start3A_279 = tpu.memref_squeeze %dma_start3A_278 : memref<1x105xi32, #tpu.memory_space<vmem>> -> memref<105xi32, #tpu.memory_space<vmem>>
        %dma_start3A_280 = arith.constant 0 : i32
        %dma_start3A_281 = arith.constant 0 : i32
        %dma_start3A_282 = tpu.memref_slice %arg2[%dma_start3A_280, %dma_start3A_281] : memref<10000x128xf32, #tpu.memory_space<hbm>> -> memref<10000x128xf32, #tpu.memory_space<hbm>>
        tpu.enqueue_indirect_dma source(%dma_start3A_282 : memref<10000x128xf32, #tpu.memory_space<hbm>>) target(%arg11 : memref<105x128xf32, #tpu.memory_space<vmem>>) offsets(%dma_start3A_279 : memref<105xi32, #tpu.memory_space<vmem>>) semaphore(%arg15 : memref<!tpu.dma_semaphore, #tpu.memory_space<semaphore_mem>>)
        %dma_wait3A_283 = arith.constant 0 : i32
        %dma_wait3A_284 = tpu.memref_slice %arg8[%add3A_238, %dma_wait3A_283] : memref<24x105xi32, #tpu.memory_space<vmem>> -> memref<1x105xi32, #tpu.memory_space<vmem>>
        %dma_wait3A_285 = tpu.memref_squeeze %dma_wait3A_284 : memref<1x105xi32, #tpu.memory_space<vmem>> -> memref<105xi32, #tpu.memory_space<vmem>>
        %dma_wait3A_286 = arith.constant 0 : i32
        %dma_wait3A_287 = arith.constant 0 : i32
        %dma_wait3A_288 = tpu.memref_slice %arg19[%dma_wait3A_286, %dma_wait3A_287] : memref<10008x128xf32, #tpu.memory_space<vmem_shared>> -> memref<10008x128xf32, #tpu.memory_space<vmem_shared>>
        tpu.wait_indirect_dma semaphore(%arg18 : memref<!tpu.dma_semaphore, #tpu.memory_space<semaphore_mem>>) src(%arg12 : memref<105x128xf32, #tpu.memory_space<vmem>>) dst(%dma_wait3A_288 : memref<10008x128xf32, #tpu.memory_space<vmem_shared>>)
        %dma_start3A_289 = arith.constant 0 : i32
        %dma_start3A_290 = tpu.memref_slice %arg7[%min3A_246, %dma_start3A_289] : memref<24x105xi32, #tpu.memory_space<vmem>> -> memref<1x105xi32, #tpu.memory_space<vmem>>
        %dma_start3A_291 = tpu.memref_squeeze %dma_start3A_290 : memref<1x105xi32, #tpu.memory_space<vmem>> -> memref<105xi32, #tpu.memory_space<vmem>>
        %dma_start3A_292 = arith.constant 0 : i32
        %dma_start3A_293 = arith.constant 0 : i32
        %dma_start3A_294 = tpu.memref_slice %arg2[%dma_start3A_292, %dma_start3A_293] : memref<10000x128xf32, #tpu.memory_space<hbm>> -> memref<10000x128xf32, #tpu.memory_space<hbm>>
        tpu.enqueue_indirect_dma source(%dma_start3A_294 : memref<10000x128xf32, #tpu.memory_space<hbm>>) target(%arg12 : memref<105x128xf32, #tpu.memory_space<vmem>>) offsets(%dma_start3A_291 : memref<105xi32, #tpu.memory_space<vmem>>) semaphore(%arg16 : memref<!tpu.dma_semaphore, #tpu.memory_space<semaphore_mem>>)
      }
      %scan3A_133 = arith.constant 12 : i32
      %dma_wait3A_134 = arith.constant 23 : i32
      %dma_wait3A_135 = arith.constant 0 : i32
      %dma_wait3A_136 = tpu.memref_slice %arg7[%dma_wait3A_134, %dma_wait3A_135] : memref<24x105xi32, #tpu.memory_space<vmem>> -> memref<1x105xi32, #tpu.memory_space<vmem>>
      %dma_wait3A_137 = tpu.memref_squeeze %dma_wait3A_136 : memref<1x105xi32, #tpu.memory_space<vmem>> -> memref<105xi32, #tpu.memory_space<vmem>>
      %dma_wait3A_138 = arith.constant 0 : i32
      %dma_wait3A_139 = arith.constant 0 : i32
      %dma_wait3A_140 = tpu.memref_slice %arg2[%dma_wait3A_138, %dma_wait3A_139] : memref<10000x128xf32, #tpu.memory_space<hbm>> -> memref<10000x128xf32, #tpu.memory_space<hbm>>
      tpu.wait_indirect_dma semaphore(%arg15 : memref<!tpu.dma_semaphore, #tpu.memory_space<semaphore_mem>>) src(%dma_wait3A_140 : memref<10000x128xf32, #tpu.memory_space<hbm>>) dst(%arg11 : memref<105x128xf32, #tpu.memory_space<vmem>>)
      %dma_wait3A_141 = arith.constant 23 : i32
      %dma_wait3A_142 = arith.constant 0 : i32
      %dma_wait3A_143 = tpu.memref_slice %arg7[%dma_wait3A_141, %dma_wait3A_142] : memref<24x105xi32, #tpu.memory_space<vmem>> -> memref<1x105xi32, #tpu.memory_space<vmem>>
      %dma_wait3A_144 = tpu.memref_squeeze %dma_wait3A_143 : memref<1x105xi32, #tpu.memory_space<vmem>> -> memref<105xi32, #tpu.memory_space<vmem>>
      %dma_wait3A_145 = arith.constant 0 : i32
      %dma_wait3A_146 = arith.constant 0 : i32
      %dma_wait3A_147 = tpu.memref_slice %arg2[%dma_wait3A_145, %dma_wait3A_146] : memref<10000x128xf32, #tpu.memory_space<hbm>> -> memref<10000x128xf32, #tpu.memory_space<hbm>>
      tpu.wait_indirect_dma semaphore(%arg16 : memref<!tpu.dma_semaphore, #tpu.memory_space<semaphore_mem>>) src(%dma_wait3A_147 : memref<10000x128xf32, #tpu.memory_space<hbm>>) dst(%arg12 : memref<105x128xf32, #tpu.memory_space<vmem>>)
      %mul3A_148 = arith.constant 2 : i32
      %mul3A_149 = arith.muli %mul3A_148, %while3A_102 : i32
      %add3A_150 = arith.constant 2 : i32
      %add3A_151 = arith.addi %mul3A_149, %add3A_150 : i32
      %sub3A = arith.constant 1 : i32
      %sub3A_152 = arith.subi %select_n3A_8, %sub3A : i32
      %min3A = arith.minsi %add3A_151, %sub3A_152 : i32
      %mul3A_153 = arith.constant 24 : i32
      %mul3A_154 = arith.muli %min3A, %mul3A_153 : i32
      %add3A_155 = arith.addi %select_n3A, %mul3A_154 : i32
      %dma_start3A_156 = arith.constant 0 : i32
      %dma_start3A_157 = tpu.memref_slice %arg3[%add3A_155, %dma_start3A_156] : memref<3168x105xi32, #tpu.memory_space<hbm>> -> memref<24x105xi32, #tpu.memory_space<hbm>>
      %dma_start3A_158 = arith.constant 0 : i32
      %dma_start3A_159 = tpu.memref_slice %arg3[%add3A_155, %dma_start3A_158] : memref<3168x105xi32, #tpu.memory_space<hbm>> -> memref<24x105xi32, #tpu.memory_space<hbm>>
      tpu.enqueue_dma source(%dma_start3A_159 : memref<24x105xi32, #tpu.memory_space<hbm>>) target(%arg7 : memref<24x105xi32, #tpu.memory_space<vmem>>) target_semaphore(%arg13 : memref<!tpu.dma_semaphore, #tpu.memory_space<semaphore_mem>>)
      %mul3A_160 = arith.constant 24 : i32
      %mul3A_161 = arith.muli %min3A, %mul3A_160 : i32
      %add3A_162 = arith.addi %select_n3A, %mul3A_161 : i32
      %dma_start3A_163 = arith.constant 0 : i32
      %dma_start3A_164 = tpu.memref_slice %arg4[%add3A_162, %dma_start3A_163] : memref<3168x105xi32, #tpu.memory_space<hbm>> -> memref<24x105xi32, #tpu.memory_space<hbm>>
      %dma_start3A_165 = arith.constant 0 : i32
      %dma_start3A_166 = tpu.memref_slice %arg4[%add3A_162, %dma_start3A_165] : memref<3168x105xi32, #tpu.memory_space<hbm>> -> memref<24x105xi32, #tpu.memory_space<hbm>>
      tpu.enqueue_dma source(%dma_start3A_166 : memref<24x105xi32, #tpu.memory_space<hbm>>) target(%arg8 : memref<24x105xi32, #tpu.memory_space<vmem>>) target_semaphore(%arg13 : memref<!tpu.dma_semaphore, #tpu.memory_space<semaphore_mem>>)
      %dma_wait3A_167 = arith.constant 0 : i32
      %dma_wait3A_168 = arith.constant 0 : i32
      %dma_wait3A_169 = tpu.memref_slice %arg3[%dma_wait3A_167, %dma_wait3A_168] : memref<3168x105xi32, #tpu.memory_space<hbm>> -> memref<24x105xi32, #tpu.memory_space<hbm>>
      %dma_wait3A_170 = arith.constant 0 : i32
      %dma_wait3A_171 = arith.constant 0 : i32
      %dma_wait3A_172 = tpu.memref_slice %arg3[%dma_wait3A_170, %dma_wait3A_171] : memref<3168x105xi32, #tpu.memory_space<hbm>> -> memref<24x105xi32, #tpu.memory_space<hbm>>
      tpu.wait_dma2 semaphore(%arg14 : memref<!tpu.dma_semaphore, #tpu.memory_space<semaphore_mem>>) src(%dma_wait3A_172 : memref<24x105xi32, #tpu.memory_space<hbm>>) dst(%arg9 : memref<24x105xi32, #tpu.memory_space<vmem>>)
      %dma_wait3A_173 = arith.constant 0 : i32
      %dma_wait3A_174 = arith.constant 0 : i32
      %dma_wait3A_175 = tpu.memref_slice %arg4[%dma_wait3A_173, %dma_wait3A_174] : memref<3168x105xi32, #tpu.memory_space<hbm>> -> memref<24x105xi32, #tpu.memory_space<hbm>>
      %dma_wait3A_176 = arith.constant 0 : i32
      %dma_wait3A_177 = arith.constant 0 : i32
      %dma_wait3A_178 = tpu.memref_slice %arg4[%dma_wait3A_176, %dma_wait3A_177] : memref<3168x105xi32, #tpu.memory_space<hbm>> -> memref<24x105xi32, #tpu.memory_space<hbm>>
      tpu.wait_dma2 semaphore(%arg14 : memref<!tpu.dma_semaphore, #tpu.memory_space<semaphore_mem>>) src(%dma_wait3A_178 : memref<24x105xi32, #tpu.memory_space<hbm>>) dst(%arg10 : memref<24x105xi32, #tpu.memory_space<vmem>>)
      %dma_start3A_179 = arith.constant 0 : i32
      %dma_start3A_180 = arith.constant 0 : i32
      %dma_start3A_181 = tpu.memref_slice %arg9[%dma_start3A_179, %dma_start3A_180] : memref<24x105xi32, #tpu.memory_space<vmem>> -> memref<1x105xi32, #tpu.memory_space<vmem>>
      %dma_start3A_182 = tpu.memref_squeeze %dma_start3A_181 : memref<1x105xi32, #tpu.memory_space<vmem>> -> memref<105xi32, #tpu.memory_space<vmem>>
      %dma_start3A_183 = arith.constant 0 : i32
      %dma_start3A_184 = arith.constant 0 : i32
      %dma_start3A_185 = tpu.memref_slice %arg2[%dma_start3A_183, %dma_start3A_184] : memref<10000x128xf32, #tpu.memory_space<hbm>> -> memref<10000x128xf32, #tpu.memory_space<hbm>>
      tpu.enqueue_indirect_dma source(%dma_start3A_185 : memref<10000x128xf32, #tpu.memory_space<hbm>>) target(%arg11 : memref<105x128xf32, #tpu.memory_space<vmem>>) offsets(%dma_start3A_182 : memref<105xi32, #tpu.memory_space<vmem>>) semaphore(%arg15 : memref<!tpu.dma_semaphore, #tpu.memory_space<semaphore_mem>>)
      %dma_start3A_186 = arith.constant 1 : i32
      %dma_start3A_187 = arith.constant 0 : i32
      %dma_start3A_188 = tpu.memref_slice %arg9[%dma_start3A_186, %dma_start3A_187] : memref<24x105xi32, #tpu.memory_space<vmem>> -> memref<1x105xi32, #tpu.memory_space<vmem>>
      %dma_start3A_189 = tpu.memref_squeeze %dma_start3A_188 : memref<1x105xi32, #tpu.memory_space<vmem>> -> memref<105xi32, #tpu.memory_space<vmem>>
      %dma_start3A_190 = arith.constant 0 : i32
      %dma_start3A_191 = arith.constant 0 : i32
      %dma_start3A_192 = tpu.memref_slice %arg2[%dma_start3A_190, %dma_start3A_191] : memref<10000x128xf32, #tpu.memory_space<hbm>> -> memref<10000x128xf32, #tpu.memory_space<hbm>>
      tpu.enqueue_indirect_dma source(%dma_start3A_192 : memref<10000x128xf32, #tpu.memory_space<hbm>>) target(%arg12 : memref<105x128xf32, #tpu.memory_space<vmem>>) offsets(%dma_start3A_189 : memref<105xi32, #tpu.memory_space<vmem>>) semaphore(%arg16 : memref<!tpu.dma_semaphore, #tpu.memory_space<semaphore_mem>>)
      %scan3A_193 = arith.constant 0 : i32
      %scan3A_194 = arith.constant 0 : i32
      %scan3A_195 = arith.constant 12 : i32
      %scan3A_196 = arith.addi %scan3A_194, %scan3A_195 : i32
      %scan3A_197 = arith.constant 1 : i32
      scf.for %scan3A_234 = %scan3A_194 to %scan3A_196 step %scan3A_197  : i32 {
        %mul3A_235 = arith.constant 2 : i32
        %mul3A_236 = arith.muli %mul3A_235, %scan3A_234 : i32
        %add3A_237 = arith.constant 1 : i32
        %add3A_238 = arith.addi %mul3A_236, %add3A_237 : i32
        %add3A_239 = arith.constant 2 : i32
        %add3A_240 = arith.addi %mul3A_236, %add3A_239 : i32
        %min3A_241 = arith.constant 23 : i32
        %min3A_242 = arith.minsi %add3A_240, %min3A_241 : i32
        %add3A_243 = arith.constant 3 : i32
        %add3A_244 = arith.addi %mul3A_236, %add3A_243 : i32
        %min3A_245 = arith.constant 23 : i32
        %min3A_246 = arith.minsi %add3A_244, %min3A_245 : i32
        %dma_wait3A_247 = arith.constant 0 : i32
        %dma_wait3A_248 = tpu.memref_slice %arg9[%mul3A_236, %dma_wait3A_247] : memref<24x105xi32, #tpu.memory_space<vmem>> -> memref<1x105xi32, #tpu.memory_space<vmem>>
        %dma_wait3A_249 = tpu.memref_squeeze %dma_wait3A_248 : memref<1x105xi32, #tpu.memory_space<vmem>> -> memref<105xi32, #tpu.memory_space<vmem>>
        %dma_wait3A_250 = arith.constant 0 : i32
        %dma_wait3A_251 = arith.constant 0 : i32
        %dma_wait3A_252 = tpu.memref_slice %arg2[%dma_wait3A_250, %dma_wait3A_251] : memref<10000x128xf32, #tpu.memory_space<hbm>> -> memref<10000x128xf32, #tpu.memory_space<hbm>>
        tpu.wait_indirect_dma semaphore(%arg15 : memref<!tpu.dma_semaphore, #tpu.memory_space<semaphore_mem>>) src(%dma_wait3A_252 : memref<10000x128xf32, #tpu.memory_space<hbm>>) dst(%arg11 : memref<105x128xf32, #tpu.memory_space<vmem>>)
        %dma_start3A_253 = arith.constant 0 : i32
        %dma_start3A_254 = tpu.memref_slice %arg10[%mul3A_236, %dma_start3A_253] : memref<24x105xi32, #tpu.memory_space<vmem>> -> memref<1x105xi32, #tpu.memory_space<vmem>>
        %dma_start3A_255 = tpu.memref_squeeze %dma_start3A_254 : memref<1x105xi32, #tpu.memory_space<vmem>> -> memref<105xi32, #tpu.memory_space<vmem>>
        %dma_start3A_256 = arith.constant 0 : i32
        %dma_start3A_257 = arith.constant 0 : i32
        %dma_start3A_258 = tpu.memref_slice %arg19[%dma_start3A_256, %dma_start3A_257] : memref<10008x128xf32, #tpu.memory_space<vmem_shared>> -> memref<10008x128xf32, #tpu.memory_space<vmem_shared>>
        tpu.enqueue_indirect_dma source(%arg11 : memref<105x128xf32, #tpu.memory_space<vmem>>) target(%dma_start3A_258 : memref<10008x128xf32, #tpu.memory_space<vmem_shared>>) offsets(%dma_start3A_255 : memref<105xi32, #tpu.memory_space<vmem>>) semaphore(%arg17 : memref<!tpu.dma_semaphore, #tpu.memory_space<semaphore_mem>>) {add = true}
        %dma_wait3A_259 = arith.constant 0 : i32
        %dma_wait3A_260 = tpu.memref_slice %arg9[%add3A_238, %dma_wait3A_259] : memref<24x105xi32, #tpu.memory_space<vmem>> -> memref<1x105xi32, #tpu.memory_space<vmem>>
        %dma_wait3A_261 = tpu.memref_squeeze %dma_wait3A_260 : memref<1x105xi32, #tpu.memory_space<vmem>> -> memref<105xi32, #tpu.memory_space<vmem>>
        %dma_wait3A_262 = arith.constant 0 : i32
        %dma_wait3A_263 = arith.constant 0 : i32
        %dma_wait3A_264 = tpu.memref_slice %arg2[%dma_wait3A_262, %dma_wait3A_263] : memref<10000x128xf32, #tpu.memory_space<hbm>> -> memref<10000x128xf32, #tpu.memory_space<hbm>>
        tpu.wait_indirect_dma semaphore(%arg16 : memref<!tpu.dma_semaphore, #tpu.memory_space<semaphore_mem>>) src(%dma_wait3A_264 : memref<10000x128xf32, #tpu.memory_space<hbm>>) dst(%arg12 : memref<105x128xf32, #tpu.memory_space<vmem>>)
        %dma_start3A_265 = arith.constant 0 : i32
        %dma_start3A_266 = tpu.memref_slice %arg10[%add3A_238, %dma_start3A_265] : memref<24x105xi32, #tpu.memory_space<vmem>> -> memref<1x105xi32, #tpu.memory_space<vmem>>
        %dma_start3A_267 = tpu.memref_squeeze %dma_start3A_266 : memref<1x105xi32, #tpu.memory_space<vmem>> -> memref<105xi32, #tpu.memory_space<vmem>>
        %dma_start3A_268 = arith.constant 0 : i32
        %dma_start3A_269 = arith.constant 0 : i32
        %dma_start3A_270 = tpu.memref_slice %arg19[%dma_start3A_268, %dma_start3A_269] : memref<10008x128xf32, #tpu.memory_space<vmem_shared>> -> memref<10008x128xf32, #tpu.memory_space<vmem_shared>>
        tpu.enqueue_indirect_dma source(%arg12 : memref<105x128xf32, #tpu.memory_space<vmem>>) target(%dma_start3A_270 : memref<10008x128xf32, #tpu.memory_space<vmem_shared>>) offsets(%dma_start3A_267 : memref<105xi32, #tpu.memory_space<vmem>>) semaphore(%arg18 : memref<!tpu.dma_semaphore, #tpu.memory_space<semaphore_mem>>) {add = true}
        %dma_wait3A_271 = arith.constant 0 : i32
        %dma_wait3A_272 = tpu.memref_slice %arg10[%mul3A_236, %dma_wait3A_271] : memref<24x105xi32, #tpu.memory_space<vmem>> -> memref<1x105xi32, #tpu.memory_space<vmem>>
        %dma_wait3A_273 = tpu.memref_squeeze %dma_wait3A_272 : memref<1x105xi32, #tpu.memory_space<vmem>> -> memref<105xi32, #tpu.memory_space<vmem>>
        %dma_wait3A_274 = arith.constant 0 : i32
        %dma_wait3A_275 = arith.constant 0 : i32
        %dma_wait3A_276 = tpu.memref_slice %arg19[%dma_wait3A_274, %dma_wait3A_275] : memref<10008x128xf32, #tpu.memory_space<vmem_shared>> -> memref<10008x128xf32, #tpu.memory_space<vmem_shared>>
        tpu.wait_indirect_dma semaphore(%arg17 : memref<!tpu.dma_semaphore, #tpu.memory_space<semaphore_mem>>) src(%arg11 : memref<105x128xf32, #tpu.memory_space<vmem>>) dst(%dma_wait3A_276 : memref<10008x128xf32, #tpu.memory_space<vmem_shared>>)
        %dma_start3A_277 = arith.constant 0 : i32
        %dma_start3A_278 = tpu.memref_slice %arg9[%min3A_242, %dma_start3A_277] : memref<24x105xi32, #tpu.memory_space<vmem>> -> memref<1x105xi32, #tpu.memory_space<vmem>>
        %dma_start3A_279 = tpu.memref_squeeze %dma_start3A_278 : memref<1x105xi32, #tpu.memory_space<vmem>> -> memref<105xi32, #tpu.memory_space<vmem>>
        %dma_start3A_280 = arith.constant 0 : i32
        %dma_start3A_281 = arith.constant 0 : i32
        %dma_start3A_282 = tpu.memref_slice %arg2[%dma_start3A_280, %dma_start3A_281] : memref<10000x128xf32, #tpu.memory_space<hbm>> -> memref<10000x128xf32, #tpu.memory_space<hbm>>
        tpu.enqueue_indirect_dma source(%dma_start3A_282 : memref<10000x128xf32, #tpu.memory_space<hbm>>) target(%arg11 : memref<105x128xf32, #tpu.memory_space<vmem>>) offsets(%dma_start3A_279 : memref<105xi32, #tpu.memory_space<vmem>>) semaphore(%arg15 : memref<!tpu.dma_semaphore, #tpu.memory_space<semaphore_mem>>)
        %dma_wait3A_283 = arith.constant 0 : i32
        %dma_wait3A_284 = tpu.memref_slice %arg10[%add3A_238, %dma_wait3A_283] : memref<24x105xi32, #tpu.memory_space<vmem>> -> memref<1x105xi32, #tpu.memory_space<vmem>>
        %dma_wait3A_285 = tpu.memref_squeeze %dma_wait3A_284 : memref<1x105xi32, #tpu.memory_space<vmem>> -> memref<105xi32, #tpu.memory_space<vmem>>
        %dma_wait3A_286 = arith.constant 0 : i32
        %dma_wait3A_287 = arith.constant 0 : i32
        %dma_wait3A_288 = tpu.memref_slice %arg19[%dma_wait3A_286, %dma_wait3A_287] : memref<10008x128xf32, #tpu.memory_space<vmem_shared>> -> memref<10008x128xf32, #tpu.memory_space<vmem_shared>>
        tpu.wait_indirect_dma semaphore(%arg18 : memref<!tpu.dma_semaphore, #tpu.memory_space<semaphore_mem>>) src(%arg12 : memref<105x128xf32, #tpu.memory_space<vmem>>) dst(%dma_wait3A_288 : memref<10008x128xf32, #tpu.memory_space<vmem_shared>>)
        %dma_start3A_289 = arith.constant 0 : i32
        %dma_start3A_290 = tpu.memref_slice %arg9[%min3A_246, %dma_start3A_289] : memref<24x105xi32, #tpu.memory_space<vmem>> -> memref<1x105xi32, #tpu.memory_space<vmem>>
        %dma_start3A_291 = tpu.memref_squeeze %dma_start3A_290 : memref<1x105xi32, #tpu.memory_space<vmem>> -> memref<105xi32, #tpu.memory_space<vmem>>
        %dma_start3A_292 = arith.constant 0 : i32
        %dma_start3A_293 = arith.constant 0 : i32
        %dma_start3A_294 = tpu.memref_slice %arg2[%dma_start3A_292, %dma_start3A_293] : memref<10000x128xf32, #tpu.memory_space<hbm>> -> memref<10000x128xf32, #tpu.memory_space<hbm>>
        tpu.enqueue_indirect_dma source(%dma_start3A_294 : memref<10000x128xf32, #tpu.memory_space<hbm>>) target(%arg12 : memref<105x128xf32, #tpu.memory_space<vmem>>) offsets(%dma_start3A_291 : memref<105xi32, #tpu.memory_space<vmem>>) semaphore(%arg16 : memref<!tpu.dma_semaphore, #tpu.memory_space<semaphore_mem>>)
      }
      %scan3A_198 = arith.constant 12 : i32
      %dma_wait3A_199 = arith.constant 23 : i32
      %dma_wait3A_200 = arith.constant 0 : i32
      %dma_wait3A_201 = tpu.memref_slice %arg9[%dma_wait3A_199, %dma_wait3A_200] : memref<24x105xi32, #tpu.memory_space<vmem>> -> memref<1x105xi32, #tpu.memory_space<vmem>>
      %dma_wait3A_202 = tpu.memref_squeeze %dma_wait3A_201 : memref<1x105xi32, #tpu.memory_space<vmem>> -> memref<105xi32, #tpu.memory_space<vmem>>
      %dma_wait3A_203 = arith.constant 0 : i32
      %dma_wait3A_204 = arith.constant 0 : i32
      %dma_wait3A_205 = tpu.memref_slice %arg2[%dma_wait3A_203, %dma_wait3A_204] : memref<10000x128xf32, #tpu.memory_space<hbm>> -> memref<10000x128xf32, #tpu.memory_space<hbm>>
      tpu.wait_indirect_dma semaphore(%arg15 : memref<!tpu.dma_semaphore, #tpu.memory_space<semaphore_mem>>) src(%dma_wait3A_205 : memref<10000x128xf32, #tpu.memory_space<hbm>>) dst(%arg11 : memref<105x128xf32, #tpu.memory_space<vmem>>)
      %dma_wait3A_206 = arith.constant 23 : i32
      %dma_wait3A_207 = arith.constant 0 : i32
      %dma_wait3A_208 = tpu.memref_slice %arg9[%dma_wait3A_206, %dma_wait3A_207] : memref<24x105xi32, #tpu.memory_space<vmem>> -> memref<1x105xi32, #tpu.memory_space<vmem>>
      %dma_wait3A_209 = tpu.memref_squeeze %dma_wait3A_208 : memref<1x105xi32, #tpu.memory_space<vmem>> -> memref<105xi32, #tpu.memory_space<vmem>>
      %dma_wait3A_210 = arith.constant 0 : i32
      %dma_wait3A_211 = arith.constant 0 : i32
      %dma_wait3A_212 = tpu.memref_slice %arg2[%dma_wait3A_210, %dma_wait3A_211] : memref<10000x128xf32, #tpu.memory_space<hbm>> -> memref<10000x128xf32, #tpu.memory_space<hbm>>
      tpu.wait_indirect_dma semaphore(%arg16 : memref<!tpu.dma_semaphore, #tpu.memory_space<semaphore_mem>>) src(%dma_wait3A_212 : memref<10000x128xf32, #tpu.memory_space<hbm>>) dst(%arg12 : memref<105x128xf32, #tpu.memory_space<vmem>>)
      %mul3A_213 = arith.constant 2 : i32
      %mul3A_214 = arith.muli %mul3A_213, %while3A_102 : i32
      %add3A_215 = arith.constant 3 : i32
      %add3A_216 = arith.addi %mul3A_214, %add3A_215 : i32
      %sub3A_217 = arith.constant 1 : i32
      %sub3A_218 = arith.subi %select_n3A_8, %sub3A_217 : i32
      %min3A_219 = arith.minsi %add3A_216, %sub3A_218 : i32
      %mul3A_220 = arith.constant 24 : i32
      %mul3A_221 = arith.muli %min3A_219, %mul3A_220 : i32
      %add3A_222 = arith.addi %select_n3A, %mul3A_221 : i32
      %dma_start3A_223 = arith.constant 0 : i32
      %dma_start3A_224 = tpu.memref_slice %arg3[%add3A_222, %dma_start3A_223] : memref<3168x105xi32, #tpu.memory_space<hbm>> -> memref<24x105xi32, #tpu.memory_space<hbm>>
      %dma_start3A_225 = arith.constant 0 : i32
      %dma_start3A_226 = tpu.memref_slice %arg3[%add3A_222, %dma_start3A_225] : memref<3168x105xi32, #tpu.memory_space<hbm>> -> memref<24x105xi32, #tpu.memory_space<hbm>>
      tpu.enqueue_dma source(%dma_start3A_226 : memref<24x105xi32, #tpu.memory_space<hbm>>) target(%arg9 : memref<24x105xi32, #tpu.memory_space<vmem>>) target_semaphore(%arg14 : memref<!tpu.dma_semaphore, #tpu.memory_space<semaphore_mem>>)
      %mul3A_227 = arith.constant 24 : i32
      %mul3A_228 = arith.muli %min3A_219, %mul3A_227 : i32
      %add3A_229 = arith.addi %select_n3A, %mul3A_228 : i32
      %dma_start3A_230 = arith.constant 0 : i32
      %dma_start3A_231 = tpu.memref_slice %arg4[%add3A_229, %dma_start3A_230] : memref<3168x105xi32, #tpu.memory_space<hbm>> -> memref<24x105xi32, #tpu.memory_space<hbm>>
      %dma_start3A_232 = arith.constant 0 : i32
      %dma_start3A_233 = tpu.memref_slice %arg4[%add3A_229, %dma_start3A_232] : memref<3168x105xi32, #tpu.memory_space<hbm>> -> memref<24x105xi32, #tpu.memory_space<hbm>>
      tpu.enqueue_dma source(%dma_start3A_233 : memref<24x105xi32, #tpu.memory_space<hbm>>) target(%arg10 : memref<24x105xi32, #tpu.memory_space<vmem>>) target_semaphore(%arg14 : memref<!tpu.dma_semaphore, #tpu.memory_space<semaphore_mem>>)
    }
    %dma_wait3A = arith.constant 0 : i32
    %dma_wait3A_68 = arith.constant 0 : i32
    %dma_wait3A_69 = tpu.memref_slice %arg3[%dma_wait3A, %dma_wait3A_68] : memref<3168x105xi32, #tpu.memory_space<hbm>> -> memref<24x105xi32, #tpu.memory_space<hbm>>
    %dma_wait3A_70 = arith.constant 0 : i32
    %dma_wait3A_71 = arith.constant 0 : i32
    %dma_wait3A_72 = tpu.memref_slice %arg3[%dma_wait3A_70, %dma_wait3A_71] : memref<3168x105xi32, #tpu.memory_space<hbm>> -> memref<24x105xi32, #tpu.memory_space<hbm>>
    tpu.wait_dma2 semaphore(%arg13 : memref<!tpu.dma_semaphore, #tpu.memory_space<semaphore_mem>>) src(%dma_wait3A_72 : memref<24x105xi32, #tpu.memory_space<hbm>>) dst(%arg7 : memref<24x105xi32, #tpu.memory_space<vmem>>)
    %dma_wait3A_73 = arith.constant 0 : i32
    %dma_wait3A_74 = arith.constant 0 : i32
    %dma_wait3A_75 = tpu.memref_slice %arg4[%dma_wait3A_73, %dma_wait3A_74] : memref<3168x105xi32, #tpu.memory_space<hbm>> -> memref<24x105xi32, #tpu.memory_space<hbm>>
    %dma_wait3A_76 = arith.constant 0 : i32
    %dma_wait3A_77 = arith.constant 0 : i32
    %dma_wait3A_78 = tpu.memref_slice %arg4[%dma_wait3A_76, %dma_wait3A_77] : memref<3168x105xi32, #tpu.memory_space<hbm>> -> memref<24x105xi32, #tpu.memory_space<hbm>>
    tpu.wait_dma2 semaphore(%arg13 : memref<!tpu.dma_semaphore, #tpu.memory_space<semaphore_mem>>) src(%dma_wait3A_78 : memref<24x105xi32, #tpu.memory_space<hbm>>) dst(%arg8 : memref<24x105xi32, #tpu.memory_space<vmem>>)
    %dma_wait3A_79 = arith.constant 0 : i32
    %dma_wait3A_80 = arith.constant 0 : i32
    %dma_wait3A_81 = tpu.memref_slice %arg3[%dma_wait3A_79, %dma_wait3A_80] : memref<3168x105xi32, #tpu.memory_space<hbm>> -> memref<24x105xi32, #tpu.memory_space<hbm>>
    %dma_wait3A_82 = arith.constant 0 : i32
    %dma_wait3A_83 = arith.constant 0 : i32
    %dma_wait3A_84 = tpu.memref_slice %arg3[%dma_wait3A_82, %dma_wait3A_83] : memref<3168x105xi32, #tpu.memory_space<hbm>> -> memref<24x105xi32, #tpu.memory_space<hbm>>
    tpu.wait_dma2 semaphore(%arg14 : memref<!tpu.dma_semaphore, #tpu.memory_space<semaphore_mem>>) src(%dma_wait3A_84 : memref<24x105xi32, #tpu.memory_space<hbm>>) dst(%arg9 : memref<24x105xi32, #tpu.memory_space<vmem>>)
    %dma_wait3A_85 = arith.constant 0 : i32
    %dma_wait3A_86 = arith.constant 0 : i32
    %dma_wait3A_87 = tpu.memref_slice %arg4[%dma_wait3A_85, %dma_wait3A_86] : memref<3168x105xi32, #tpu.memory_space<hbm>> -> memref<24x105xi32, #tpu.memory_space<hbm>>
    %dma_wait3A_88 = arith.constant 0 : i32
    %dma_wait3A_89 = arith.constant 0 : i32
    %dma_wait3A_90 = tpu.memref_slice %arg4[%dma_wait3A_88, %dma_wait3A_89] : memref<3168x105xi32, #tpu.memory_space<hbm>> -> memref<24x105xi32, #tpu.memory_space<hbm>>
    tpu.wait_dma2 semaphore(%arg14 : memref<!tpu.dma_semaphore, #tpu.memory_space<semaphore_mem>>) src(%dma_wait3A_90 : memref<24x105xi32, #tpu.memory_space<hbm>>) dst(%arg10 : memref<24x105xi32, #tpu.memory_space<vmem>>)
    %barrier3A_91 = arith.constant 0 : index
    tpu.barrier barrier_id(%barrier3A_91)
    %eq3A_92 = arith.constant 15 : i32
    %eq3A_93 = arith.cmpi eq, %arg1, %eq3A_92 : i32
    %not3A_94 = arith.constant true
    %not3A_95 = arith.xori %eq3A_93, %not3A_94 : i1
    %convert_element_type3A_96 = arith.extui %not3A_95 : i1 to i32
    %cond3A_97 = arith.constant 0 : i32
    %cond3A_98 = arith.cmpi ne, %convert_element_type3A_96, %cond3A_97 : i32
    scf.if %cond3A_98 {
      %mul3A_102 = arith.constant 632 : i32
      %mul3A_103 = arith.muli %arg1, %mul3A_102 : i32
      %mul3A_104 = arith.constant 632 : i32
      %mul3A_105 = arith.muli %arg1, %mul3A_104 : i32
      "tpu.region"() ({
        %run_scoped3A = tpu.sem_alloc : memref<!tpu.dma_semaphore, #tpu.memory_space<semaphore_mem>>
        %dma_start3A_106 = arith.constant 0 : i32
        %dma_start3A_107 = tpu.memref_slice %arg6[%arg0, %mul3A_105, %dma_start3A_106] : memref<2x10008x128xf32, #tpu.memory_space<hbm>> -> memref<1x632x128xf32, #tpu.memory_space<hbm>>
        %dma_start3A_108 = tpu.memref_squeeze %dma_start3A_107 : memref<1x632x128xf32, #tpu.memory_space<hbm>> -> memref<632x128xf32, #tpu.memory_space<hbm>>
        %dma_start3A_109 = arith.constant 0 : i32
        %dma_start3A_110 = tpu.memref_slice %arg19[%mul3A_103, %dma_start3A_109] : memref<10008x128xf32, #tpu.memory_space<vmem_shared>> -> memref<632x128xf32, #tpu.memory_space<vmem_shared>>
        tpu.enqueue_dma source(%dma_start3A_110 : memref<632x128xf32, #tpu.memory_space<vmem_shared>>) target(%dma_start3A_108 : memref<632x128xf32, #tpu.memory_space<hbm>>) target_semaphore(%run_scoped3A : memref<!tpu.dma_semaphore, #tpu.memory_space<semaphore_mem>>)
        %dma_wait3A_111 = arith.constant 0 : i32
        %dma_wait3A_112 = tpu.memref_slice %arg6[%arg0, %mul3A_105, %dma_wait3A_111] : memref<2x10008x128xf32, #tpu.memory_space<hbm>> -> memref<1x632x128xf32, #tpu.memory_space<hbm>>
        %dma_wait3A_113 = tpu.memref_squeeze %dma_wait3A_112 : memref<1x632x128xf32, #tpu.memory_space<hbm>> -> memref<632x128xf32, #tpu.memory_space<hbm>>
        %dma_wait3A_114 = arith.constant 0 : i32
        %dma_wait3A_115 = tpu.memref_slice %arg19[%mul3A_103, %dma_wait3A_114] : memref<10008x128xf32, #tpu.memory_space<vmem_shared>> -> memref<632x128xf32, #tpu.memory_space<vmem_shared>>
        tpu.wait_dma2 semaphore(%run_scoped3A : memref<!tpu.dma_semaphore, #tpu.memory_space<semaphore_mem>>) src(%dma_wait3A_115 : memref<632x128xf32, #tpu.memory_space<vmem_shared>>) dst(%dma_wait3A_113 : memref<632x128xf32, #tpu.memory_space<hbm>>)
        tpu.yield
      }) : () -> ()
    } else {
    }
    %convert_element_type3A_99 = arith.extui %eq3A_93 : i1 to i32
    %cond3A_100 = arith.constant 0 : i32
    %cond3A_101 = arith.cmpi ne, %convert_element_type3A_99, %cond3A_100 : i32
    scf.if %cond3A_101 {
      "tpu.region"() ({
        %run_scoped3A = tpu.sem_alloc : memref<!tpu.dma_semaphore, #tpu.memory_space<semaphore_mem>>
        %dma_start3A_102 = arith.constant 9480 : i32
        %dma_start3A_103 = arith.constant 0 : i32
        %dma_start3A_104 = tpu.memref_slice %arg6[%arg0, %dma_start3A_102, %dma_start3A_103] : memref<2x10008x128xf32, #tpu.memory_space<hbm>> -> memref<1x528x128xf32, #tpu.memory_space<hbm>>
        %dma_start3A_105 = tpu.memref_squeeze %dma_start3A_104 : memref<1x528x128xf32, #tpu.memory_space<hbm>> -> memref<528x128xf32, #tpu.memory_space<hbm>>
        %dma_start3A_106 = arith.constant 9480 : i32
        %dma_start3A_107 = arith.constant 0 : i32
        %dma_start3A_108 = tpu.memref_slice %arg19[%dma_start3A_106, %dma_start3A_107] : memref<10008x128xf32, #tpu.memory_space<vmem_shared>> -> memref<528x128xf32, #tpu.memory_space<vmem_shared>>
        tpu.enqueue_dma source(%dma_start3A_108 : memref<528x128xf32, #tpu.memory_space<vmem_shared>>) target(%dma_start3A_105 : memref<528x128xf32, #tpu.memory_space<hbm>>) target_semaphore(%run_scoped3A : memref<!tpu.dma_semaphore, #tpu.memory_space<semaphore_mem>>)
        %dma_wait3A_109 = arith.constant 9480 : i32
        %dma_wait3A_110 = arith.constant 0 : i32
        %dma_wait3A_111 = tpu.memref_slice %arg6[%arg0, %dma_wait3A_109, %dma_wait3A_110] : memref<2x10008x128xf32, #tpu.memory_space<hbm>> -> memref<1x528x128xf32, #tpu.memory_space<hbm>>
        %dma_wait3A_112 = tpu.memref_squeeze %dma_wait3A_111 : memref<1x528x128xf32, #tpu.memory_space<hbm>> -> memref<528x128xf32, #tpu.memory_space<hbm>>
        %dma_wait3A_113 = arith.constant 9480 : i32
        %dma_wait3A_114 = arith.constant 0 : i32
        %dma_wait3A_115 = tpu.memref_slice %arg19[%dma_wait3A_113, %dma_wait3A_114] : memref<10008x128xf32, #tpu.memory_space<vmem_shared>> -> memref<528x128xf32, #tpu.memory_space<vmem_shared>>
        tpu.wait_dma2 semaphore(%run_scoped3A : memref<!tpu.dma_semaphore, #tpu.memory_space<semaphore_mem>>) src(%dma_wait3A_115 : memref<528x128xf32, #tpu.memory_space<vmem_shared>>) dst(%dma_wait3A_112 : memref<528x128xf32, #tpu.memory_space<hbm>>)
        tpu.yield
      }) : () -> ()
    } else {
    }
    return
  }
}

#map = affine_map<(d0, d1) -> (0, 0)>
#map1 = affine_map<(d0, d1) -> (0, 0, 0)>
module attributes {stable_mosaic.version = 14 : i64} {
  func.func @_sc_deg_body(%arg0: i32, %arg1: i32, %arg2: memref<10000x128xf32, #tpu.memory_space<hbm>>, %arg3: memref<3168x105xi32, #tpu.memory_space<hbm>>, %arg4: memref<10008x128xf32, #tpu.memory_space<hbm>>, %arg5: memref<2x10008x128xf32, #tpu.memory_space<hbm>>, %arg6: memref<96x105xi32, #tpu.memory_space<vmem>>, %arg7: memref<112x128xf32, #tpu.memory_space<vmem>>, %arg8: memref<!tpu.dma_semaphore, #tpu.memory_space<semaphore_mem>>, %arg9: memref<10008x128xf32, #tpu.memory_space<vmem_shared>>) attributes {dimension_semantics = [#tpu.dimension_semantics<core_parallel>, #tpu.dimension_semantics<subcore_parallel>], iteration_bounds = array<i64: 2, 16>, scalar_prefetch = 0 : i64, scratch_operands = 4 : i64, tpu.core_type = #tpu.core_type<sc_vector_subcore>, window_params = [{transform_indices = #map}, {transform_indices = #map}, {transform_indices = #map}, {transform_indices = #map1}]} {
    %mul3A = arith.constant 16 : i32
    %mul3A_0 = arith.muli %arg0, %mul3A : i32
    %add3A = arith.addi %mul3A_0, %arg1 : i32
    "tpu.region"() ({
      %run_scoped3A = tpu.sem_alloc : memref<!tpu.dma_semaphore, #tpu.memory_space<semaphore_mem>>
      %dma_start3A = arith.constant 0 : i32
      %dma_start3A_50 = arith.constant 0 : i32
      %dma_start3A_51 = tpu.memref_slice %arg2[%dma_start3A, %dma_start3A_50] : memref<10000x128xf32, #tpu.memory_space<hbm>> -> memref<112x128xf32, #tpu.memory_space<hbm>>
      %dma_start3A_52 = arith.constant 0 : i32
      %dma_start3A_53 = arith.constant 0 : i32
      %dma_start3A_54 = tpu.memref_slice %arg2[%dma_start3A_52, %dma_start3A_53] : memref<10000x128xf32, #tpu.memory_space<hbm>> -> memref<112x128xf32, #tpu.memory_space<hbm>>
      tpu.enqueue_dma source(%dma_start3A_54 : memref<112x128xf32, #tpu.memory_space<hbm>>) target(%arg7 : memref<112x128xf32, #tpu.memory_space<vmem>>) target_semaphore(%run_scoped3A : memref<!tpu.dma_semaphore, #tpu.memory_space<semaphore_mem>>)
      %dma_wait3A = arith.constant 0 : i32
      %dma_wait3A_55 = arith.constant 0 : i32
      %dma_wait3A_56 = tpu.memref_slice %arg2[%dma_wait3A, %dma_wait3A_55] : memref<10000x128xf32, #tpu.memory_space<hbm>> -> memref<112x128xf32, #tpu.memory_space<hbm>>
      %dma_wait3A_57 = arith.constant 0 : i32
      %dma_wait3A_58 = arith.constant 0 : i32
      %dma_wait3A_59 = tpu.memref_slice %arg2[%dma_wait3A_57, %dma_wait3A_58] : memref<10000x128xf32, #tpu.memory_space<hbm>> -> memref<112x128xf32, #tpu.memory_space<hbm>>
      tpu.wait_dma2 semaphore(%run_scoped3A : memref<!tpu.dma_semaphore, #tpu.memory_space<semaphore_mem>>) src(%dma_wait3A_59 : memref<112x128xf32, #tpu.memory_space<hbm>>) dst(%arg7 : memref<112x128xf32, #tpu.memory_space<vmem>>)
      tpu.yield
    }) : () -> ()
    %eq3A = arith.constant 15 : i32
    %eq3A_1 = arith.cmpi eq, %arg1, %eq3A : i32
    %eq3A_2 = arith.constant 0 : i32
    %eq3A_3 = arith.cmpi eq, %arg0, %eq3A_2 : i32
    %not3A = arith.constant true
    %not3A_4 = arith.xori %eq3A_1, %not3A : i1
    %and3A = arith.andi %eq3A_3, %not3A_4 : i1
    %convert_element_type3A = arith.extui %and3A : i1 to i32
    %cond3A = arith.constant 0 : i32
    %cond3A_5 = arith.cmpi ne, %convert_element_type3A, %cond3A : i32
    scf.if %cond3A_5 {
      %mul3A_50 = arith.constant 632 : i32
      %mul3A_51 = arith.muli %arg1, %mul3A_50 : i32
      %mul3A_52 = arith.constant 632 : i32
      %mul3A_53 = arith.muli %arg1, %mul3A_52 : i32
      "tpu.region"() ({
        %run_scoped3A = tpu.sem_alloc : memref<!tpu.dma_semaphore, #tpu.memory_space<semaphore_mem>>
        %dma_start3A = arith.constant 0 : i32
        %dma_start3A_54 = tpu.memref_slice %arg9[%mul3A_53, %dma_start3A] : memref<10008x128xf32, #tpu.memory_space<vmem_shared>> -> memref<632x128xf32, #tpu.memory_space<vmem_shared>>
        %dma_start3A_55 = arith.constant 0 : i32
        %dma_start3A_56 = tpu.memref_slice %arg2[%mul3A_51, %dma_start3A_55] : memref<10000x128xf32, #tpu.memory_space<hbm>> -> memref<632x128xf32, #tpu.memory_space<hbm>>
        tpu.enqueue_dma source(%dma_start3A_56 : memref<632x128xf32, #tpu.memory_space<hbm>>) target(%dma_start3A_54 : memref<632x128xf32, #tpu.memory_space<vmem_shared>>) target_semaphore(%run_scoped3A : memref<!tpu.dma_semaphore, #tpu.memory_space<semaphore_mem>>)
        %dma_wait3A = arith.constant 0 : i32
        %dma_wait3A_57 = tpu.memref_slice %arg9[%mul3A_53, %dma_wait3A] : memref<10008x128xf32, #tpu.memory_space<vmem_shared>> -> memref<632x128xf32, #tpu.memory_space<vmem_shared>>
        %dma_wait3A_58 = arith.constant 0 : i32
        %dma_wait3A_59 = tpu.memref_slice %arg2[%mul3A_51, %dma_wait3A_58] : memref<10000x128xf32, #tpu.memory_space<hbm>> -> memref<632x128xf32, #tpu.memory_space<hbm>>
        tpu.wait_dma2 semaphore(%run_scoped3A : memref<!tpu.dma_semaphore, #tpu.memory_space<semaphore_mem>>) src(%dma_wait3A_59 : memref<632x128xf32, #tpu.memory_space<hbm>>) dst(%dma_wait3A_57 : memref<632x128xf32, #tpu.memory_space<vmem_shared>>)
        tpu.yield
      }) : () -> ()
    } else {
    }
    %eq3A_6 = arith.constant 0 : i32
    %eq3A_7 = arith.cmpi eq, %arg0, %eq3A_6 : i32
    %and3A_8 = arith.andi %eq3A_7, %eq3A_1 : i1
    %convert_element_type3A_9 = arith.extui %and3A_8 : i1 to i32
    %cond3A_10 = arith.constant 0 : i32
    %cond3A_11 = arith.cmpi ne, %convert_element_type3A_9, %cond3A_10 : i32
    scf.if %cond3A_11 {
      "tpu.region"() ({
        %run_scoped3A = tpu.sem_alloc : memref<!tpu.dma_semaphore, #tpu.memory_space<semaphore_mem>>
        %dma_start3A = arith.constant 9480 : i32
        %dma_start3A_50 = arith.constant 0 : i32
        %dma_start3A_51 = tpu.memref_slice %arg9[%dma_start3A, %dma_start3A_50] : memref<10008x128xf32, #tpu.memory_space<vmem_shared>> -> memref<520x128xf32, #tpu.memory_space<vmem_shared>>
        %dma_start3A_52 = arith.constant 9480 : i32
        %dma_start3A_53 = arith.constant 0 : i32
        %dma_start3A_54 = tpu.memref_slice %arg2[%dma_start3A_52, %dma_start3A_53] : memref<10000x128xf32, #tpu.memory_space<hbm>> -> memref<520x128xf32, #tpu.memory_space<hbm>>
        tpu.enqueue_dma source(%dma_start3A_54 : memref<520x128xf32, #tpu.memory_space<hbm>>) target(%dma_start3A_51 : memref<520x128xf32, #tpu.memory_space<vmem_shared>>) target_semaphore(%run_scoped3A : memref<!tpu.dma_semaphore, #tpu.memory_space<semaphore_mem>>)
        %dma_wait3A = arith.constant 9480 : i32
        %dma_wait3A_55 = arith.constant 0 : i32
        %dma_wait3A_56 = tpu.memref_slice %arg9[%dma_wait3A, %dma_wait3A_55] : memref<10008x128xf32, #tpu.memory_space<vmem_shared>> -> memref<520x128xf32, #tpu.memory_space<vmem_shared>>
        %dma_wait3A_57 = arith.constant 9480 : i32
        %dma_wait3A_58 = arith.constant 0 : i32
        %dma_wait3A_59 = tpu.memref_slice %arg2[%dma_wait3A_57, %dma_wait3A_58] : memref<10000x128xf32, #tpu.memory_space<hbm>> -> memref<520x128xf32, #tpu.memory_space<hbm>>
        tpu.wait_dma2 semaphore(%run_scoped3A : memref<!tpu.dma_semaphore, #tpu.memory_space<semaphore_mem>>) src(%dma_wait3A_59 : memref<520x128xf32, #tpu.memory_space<hbm>>) dst(%dma_wait3A_56 : memref<520x128xf32, #tpu.memory_space<vmem_shared>>)
        tpu.yield
      }) : () -> ()
    } else {
    }
    %eq3A_12 = arith.constant 1 : i32
    %eq3A_13 = arith.cmpi eq, %arg0, %eq3A_12 : i32
    %not3A_14 = arith.constant true
    %not3A_15 = arith.xori %eq3A_1, %not3A_14 : i1
    %and3A_16 = arith.andi %eq3A_13, %not3A_15 : i1
    %convert_element_type3A_17 = arith.extui %and3A_16 : i1 to i32
    %cond3A_18 = arith.constant 0 : i32
    %cond3A_19 = arith.cmpi ne, %convert_element_type3A_17, %cond3A_18 : i32
    scf.if %cond3A_19 {
      %mul3A_50 = arith.constant 632 : i32
      %mul3A_51 = arith.muli %arg1, %mul3A_50 : i32
      %mul3A_52 = arith.constant 632 : i32
      %mul3A_53 = arith.muli %arg1, %mul3A_52 : i32
      "tpu.region"() ({
        %run_scoped3A = tpu.sem_alloc : memref<!tpu.dma_semaphore, #tpu.memory_space<semaphore_mem>>
        %dma_start3A = arith.constant 0 : i32
        %dma_start3A_54 = tpu.memref_slice %arg9[%mul3A_53, %dma_start3A] : memref<10008x128xf32, #tpu.memory_space<vmem_shared>> -> memref<632x128xf32, #tpu.memory_space<vmem_shared>>
        %dma_start3A_55 = arith.constant 0 : i32
        %dma_start3A_56 = tpu.memref_slice %arg4[%mul3A_51, %dma_start3A_55] : memref<10008x128xf32, #tpu.memory_space<hbm>> -> memref<632x128xf32, #tpu.memory_space<hbm>>
        tpu.enqueue_dma source(%dma_start3A_56 : memref<632x128xf32, #tpu.memory_space<hbm>>) target(%dma_start3A_54 : memref<632x128xf32, #tpu.memory_space<vmem_shared>>) target_semaphore(%run_scoped3A : memref<!tpu.dma_semaphore, #tpu.memory_space<semaphore_mem>>)
        %dma_wait3A = arith.constant 0 : i32
        %dma_wait3A_57 = tpu.memref_slice %arg9[%mul3A_53, %dma_wait3A] : memref<10008x128xf32, #tpu.memory_space<vmem_shared>> -> memref<632x128xf32, #tpu.memory_space<vmem_shared>>
        %dma_wait3A_58 = arith.constant 0 : i32
        %dma_wait3A_59 = tpu.memref_slice %arg4[%mul3A_51, %dma_wait3A_58] : memref<10008x128xf32, #tpu.memory_space<hbm>> -> memref<632x128xf32, #tpu.memory_space<hbm>>
        tpu.wait_dma2 semaphore(%run_scoped3A : memref<!tpu.dma_semaphore, #tpu.memory_space<semaphore_mem>>) src(%dma_wait3A_59 : memref<632x128xf32, #tpu.memory_space<hbm>>) dst(%dma_wait3A_57 : memref<632x128xf32, #tpu.memory_space<vmem_shared>>)
        tpu.yield
      }) : () -> ()
    } else {
    }
    %eq3A_20 = arith.constant 1 : i32
    %eq3A_21 = arith.cmpi eq, %arg0, %eq3A_20 : i32
    %and3A_22 = arith.andi %eq3A_21, %eq3A_1 : i1
    %convert_element_type3A_23 = arith.extui %and3A_22 : i1 to i32
    %cond3A_24 = arith.constant 0 : i32
    %cond3A_25 = arith.cmpi ne, %convert_element_type3A_23, %cond3A_24 : i32
    scf.if %cond3A_25 {
      "tpu.region"() ({
        %run_scoped3A = tpu.sem_alloc : memref<!tpu.dma_semaphore, #tpu.memory_space<semaphore_mem>>
        %dma_start3A = arith.constant 9480 : i32
        %dma_start3A_50 = arith.constant 0 : i32
        %dma_start3A_51 = tpu.memref_slice %arg9[%dma_start3A, %dma_start3A_50] : memref<10008x128xf32, #tpu.memory_space<vmem_shared>> -> memref<528x128xf32, #tpu.memory_space<vmem_shared>>
        %dma_start3A_52 = arith.constant 9480 : i32
        %dma_start3A_53 = arith.constant 0 : i32
        %dma_start3A_54 = tpu.memref_slice %arg4[%dma_start3A_52, %dma_start3A_53] : memref<10008x128xf32, #tpu.memory_space<hbm>> -> memref<528x128xf32, #tpu.memory_space<hbm>>
        tpu.enqueue_dma source(%dma_start3A_54 : memref<528x128xf32, #tpu.memory_space<hbm>>) target(%dma_start3A_51 : memref<528x128xf32, #tpu.memory_space<vmem_shared>>) target_semaphore(%run_scoped3A : memref<!tpu.dma_semaphore, #tpu.memory_space<semaphore_mem>>)
        %dma_wait3A = arith.constant 9480 : i32
        %dma_wait3A_55 = arith.constant 0 : i32
        %dma_wait3A_56 = tpu.memref_slice %arg9[%dma_wait3A, %dma_wait3A_55] : memref<10008x128xf32, #tpu.memory_space<vmem_shared>> -> memref<528x128xf32, #tpu.memory_space<vmem_shared>>
        %dma_wait3A_57 = arith.constant 9480 : i32
        %dma_wait3A_58 = arith.constant 0 : i32
        %dma_wait3A_59 = tpu.memref_slice %arg4[%dma_wait3A_57, %dma_wait3A_58] : memref<10008x128xf32, #tpu.memory_space<hbm>> -> memref<528x128xf32, #tpu.memory_space<hbm>>
        tpu.wait_dma2 semaphore(%run_scoped3A : memref<!tpu.dma_semaphore, #tpu.memory_space<semaphore_mem>>) src(%dma_wait3A_59 : memref<528x128xf32, #tpu.memory_space<hbm>>) dst(%dma_wait3A_56 : memref<528x128xf32, #tpu.memory_space<vmem_shared>>)
        tpu.yield
      }) : () -> ()
    } else {
    }
    %mul3A_26 = arith.constant 96 : i32
    %mul3A_27 = arith.muli %add3A, %mul3A_26 : i32
    "tpu.region"() ({
      %run_scoped3A = tpu.sem_alloc : memref<!tpu.dma_semaphore, #tpu.memory_space<semaphore_mem>>
      %dma_start3A = arith.constant 0 : i32
      %dma_start3A_50 = tpu.memref_slice %arg3[%mul3A_27, %dma_start3A] : memref<3168x105xi32, #tpu.memory_space<hbm>> -> memref<96x105xi32, #tpu.memory_space<hbm>>
      %dma_start3A_51 = arith.constant 0 : i32
      %dma_start3A_52 = tpu.memref_slice %arg3[%mul3A_27, %dma_start3A_51] : memref<3168x105xi32, #tpu.memory_space<hbm>> -> memref<96x105xi32, #tpu.memory_space<hbm>>
      tpu.enqueue_dma source(%dma_start3A_52 : memref<96x105xi32, #tpu.memory_space<hbm>>) target(%arg6 : memref<96x105xi32, #tpu.memory_space<vmem>>) target_semaphore(%run_scoped3A : memref<!tpu.dma_semaphore, #tpu.memory_space<semaphore_mem>>)
      %dma_wait3A = arith.constant 0 : i32
      %dma_wait3A_53 = tpu.memref_slice %arg3[%mul3A_27, %dma_wait3A] : memref<3168x105xi32, #tpu.memory_space<hbm>> -> memref<96x105xi32, #tpu.memory_space<hbm>>
      %dma_wait3A_54 = arith.constant 0 : i32
      %dma_wait3A_55 = tpu.memref_slice %arg3[%mul3A_27, %dma_wait3A_54] : memref<3168x105xi32, #tpu.memory_space<hbm>> -> memref<96x105xi32, #tpu.memory_space<hbm>>
      tpu.wait_dma2 semaphore(%run_scoped3A : memref<!tpu.dma_semaphore, #tpu.memory_space<semaphore_mem>>) src(%dma_wait3A_55 : memref<96x105xi32, #tpu.memory_space<hbm>>) dst(%arg6 : memref<96x105xi32, #tpu.memory_space<vmem>>)
      tpu.yield
    }) : () -> ()
    %barrier3A = arith.constant 0 : index
    tpu.barrier barrier_id(%barrier3A)
    %scan3A = arith.constant 0 : i32
    %scan3A_28 = arith.constant 0 : i32
    %scan3A_29 = arith.constant 96 : i32
    %scan3A_30 = arith.addi %scan3A_28, %scan3A_29 : i32
    %scan3A_31 = arith.constant 1 : i32
    scf.for %scan3A_50 = %scan3A_28 to %scan3A_30 step %scan3A_31  : i32 {
      %dma_start3A = arith.constant 0 : i32
      %dma_start3A_51 = arith.constant 0 : i32
      %dma_start3A_52 = tpu.memref_slice %arg7[%dma_start3A, %dma_start3A_51] : memref<112x128xf32, #tpu.memory_space<vmem>> -> memref<105x128xf32, #tpu.memory_space<vmem>>
      %dma_start3A_53 = arith.constant 0 : i32
      %dma_start3A_54 = tpu.memref_slice %arg6[%scan3A_50, %dma_start3A_53] : memref<96x105xi32, #tpu.memory_space<vmem>> -> memref<1x105xi32, #tpu.memory_space<vmem>>
      %dma_start3A_55 = tpu.memref_squeeze %dma_start3A_54 : memref<1x105xi32, #tpu.memory_space<vmem>> -> memref<105xi32, #tpu.memory_space<vmem>>
      %dma_start3A_56 = arith.constant 0 : i32
      %dma_start3A_57 = arith.constant 0 : i32
      %dma_start3A_58 = tpu.memref_slice %arg9[%dma_start3A_56, %dma_start3A_57] : memref<10008x128xf32, #tpu.memory_space<vmem_shared>> -> memref<10008x128xf32, #tpu.memory_space<vmem_shared>>
      tpu.enqueue_indirect_dma source(%dma_start3A_52 : memref<105x128xf32, #tpu.memory_space<vmem>>) target(%dma_start3A_58 : memref<10008x128xf32, #tpu.memory_space<vmem_shared>>) offsets(%dma_start3A_55 : memref<105xi32, #tpu.memory_space<vmem>>) semaphore(%arg8 : memref<!tpu.dma_semaphore, #tpu.memory_space<semaphore_mem>>) {add = true}
    }
    %scan3A_32 = arith.constant 96 : i32
    %scan3A_33 = arith.constant 0 : i32
    %scan3A_34 = arith.constant 0 : i32
    %scan3A_35 = arith.constant 96 : i32
    %scan3A_36 = arith.addi %scan3A_34, %scan3A_35 : i32
    %scan3A_37 = arith.constant 1 : i32
    scf.for %scan3A_50 = %scan3A_34 to %scan3A_36 step %scan3A_37  : i32 {
      %dma_wait3A = arith.constant 0 : i32
      %dma_wait3A_51 = arith.constant 0 : i32
      %dma_wait3A_52 = tpu.memref_slice %arg7[%dma_wait3A, %dma_wait3A_51] : memref<112x128xf32, #tpu.memory_space<vmem>> -> memref<105x128xf32, #tpu.memory_space<vmem>>
      %dma_wait3A_53 = arith.constant 0 : i32
      %dma_wait3A_54 = tpu.memref_slice %arg6[%scan3A_50, %dma_wait3A_53] : memref<96x105xi32, #tpu.memory_space<vmem>> -> memref<1x105xi32, #tpu.memory_space<vmem>>
      %dma_wait3A_55 = tpu.memref_squeeze %dma_wait3A_54 : memref<1x105xi32, #tpu.memory_space<vmem>> -> memref<105xi32, #tpu.memory_space<vmem>>
      %dma_wait3A_56 = arith.constant 0 : i32
      %dma_wait3A_57 = arith.constant 0 : i32
      %dma_wait3A_58 = tpu.memref_slice %arg9[%dma_wait3A_56, %dma_wait3A_57] : memref<10008x128xf32, #tpu.memory_space<vmem_shared>> -> memref<10008x128xf32, #tpu.memory_space<vmem_shared>>
      tpu.wait_indirect_dma semaphore(%arg8 : memref<!tpu.dma_semaphore, #tpu.memory_space<semaphore_mem>>) src(%dma_wait3A_52 : memref<105x128xf32, #tpu.memory_space<vmem>>) dst(%dma_wait3A_58 : memref<10008x128xf32, #tpu.memory_space<vmem_shared>>)
    }
    %scan3A_38 = arith.constant 96 : i32
    %barrier3A_39 = arith.constant 0 : index
    tpu.barrier barrier_id(%barrier3A_39)
    %eq3A_40 = arith.constant 15 : i32
    %eq3A_41 = arith.cmpi eq, %arg1, %eq3A_40 : i32
    %not3A_42 = arith.constant true
    %not3A_43 = arith.xori %eq3A_41, %not3A_42 : i1
    %convert_element_type3A_44 = arith.extui %not3A_43 : i1 to i32
    %cond3A_45 = arith.constant 0 : i32
    %cond3A_46 = arith.cmpi ne, %convert_element_type3A_44, %cond3A_45 : i32
    scf.if %cond3A_46 {
      %mul3A_50 = arith.constant 632 : i32
      %mul3A_51 = arith.muli %arg1, %mul3A_50 : i32
      %mul3A_52 = arith.constant 632 : i32
      %mul3A_53 = arith.muli %arg1, %mul3A_52 : i32
      "tpu.region"() ({
        %run_scoped3A = tpu.sem_alloc : memref<!tpu.dma_semaphore, #tpu.memory_space<semaphore_mem>>
        %dma_start3A = arith.constant 0 : i32
        %dma_start3A_54 = tpu.memref_slice %arg5[%arg0, %mul3A_53, %dma_start3A] : memref<2x10008x128xf32, #tpu.memory_space<hbm>> -> memref<1x632x128xf32, #tpu.memory_space<hbm>>
        %dma_start3A_55 = tpu.memref_squeeze %dma_start3A_54 : memref<1x632x128xf32, #tpu.memory_space<hbm>> -> memref<632x128xf32, #tpu.memory_space<hbm>>
        %dma_start3A_56 = arith.constant 0 : i32
        %dma_start3A_57 = tpu.memref_slice %arg9[%mul3A_51, %dma_start3A_56] : memref<10008x128xf32, #tpu.memory_space<vmem_shared>> -> memref<632x128xf32, #tpu.memory_space<vmem_shared>>
        tpu.enqueue_dma source(%dma_start3A_57 : memref<632x128xf32, #tpu.memory_space<vmem_shared>>) target(%dma_start3A_55 : memref<632x128xf32, #tpu.memory_space<hbm>>) target_semaphore(%run_scoped3A : memref<!tpu.dma_semaphore, #tpu.memory_space<semaphore_mem>>)
        %dma_wait3A = arith.constant 0 : i32
        %dma_wait3A_58 = tpu.memref_slice %arg5[%arg0, %mul3A_53, %dma_wait3A] : memref<2x10008x128xf32, #tpu.memory_space<hbm>> -> memref<1x632x128xf32, #tpu.memory_space<hbm>>
        %dma_wait3A_59 = tpu.memref_squeeze %dma_wait3A_58 : memref<1x632x128xf32, #tpu.memory_space<hbm>> -> memref<632x128xf32, #tpu.memory_space<hbm>>
        %dma_wait3A_60 = arith.constant 0 : i32
        %dma_wait3A_61 = tpu.memref_slice %arg9[%mul3A_51, %dma_wait3A_60] : memref<10008x128xf32, #tpu.memory_space<vmem_shared>> -> memref<632x128xf32, #tpu.memory_space<vmem_shared>>
        tpu.wait_dma2 semaphore(%run_scoped3A : memref<!tpu.dma_semaphore, #tpu.memory_space<semaphore_mem>>) src(%dma_wait3A_61 : memref<632x128xf32, #tpu.memory_space<vmem_shared>>) dst(%dma_wait3A_59 : memref<632x128xf32, #tpu.memory_space<hbm>>)
        tpu.yield
      }) : () -> ()
    } else {
    }
    %convert_element_type3A_47 = arith.extui %eq3A_41 : i1 to i32
    %cond3A_48 = arith.constant 0 : i32
    %cond3A_49 = arith.cmpi ne, %convert_element_type3A_47, %cond3A_48 : i32
    scf.if %cond3A_49 {
      "tpu.region"() ({
        %run_scoped3A = tpu.sem_alloc : memref<!tpu.dma_semaphore, #tpu.memory_space<semaphore_mem>>
        %dma_start3A = arith.constant 9480 : i32
        %dma_start3A_50 = arith.constant 0 : i32
        %dma_start3A_51 = tpu.memref_slice %arg5[%arg0, %dma_start3A, %dma_start3A_50] : memref<2x10008x128xf32, #tpu.memory_space<hbm>> -> memref<1x528x128xf32, #tpu.memory_space<hbm>>
        %dma_start3A_52 = tpu.memref_squeeze %dma_start3A_51 : memref<1x528x128xf32, #tpu.memory_space<hbm>> -> memref<528x128xf32, #tpu.memory_space<hbm>>
        %dma_start3A_53 = arith.constant 9480 : i32
        %dma_start3A_54 = arith.constant 0 : i32
        %dma_start3A_55 = tpu.memref_slice %arg9[%dma_start3A_53, %dma_start3A_54] : memref<10008x128xf32, #tpu.memory_space<vmem_shared>> -> memref<528x128xf32, #tpu.memory_space<vmem_shared>>
        tpu.enqueue_dma source(%dma_start3A_55 : memref<528x128xf32, #tpu.memory_space<vmem_shared>>) target(%dma_start3A_52 : memref<528x128xf32, #tpu.memory_space<hbm>>) target_semaphore(%run_scoped3A : memref<!tpu.dma_semaphore, #tpu.memory_space<semaphore_mem>>)
        %dma_wait3A = arith.constant 9480 : i32
        %dma_wait3A_56 = arith.constant 0 : i32
        %dma_wait3A_57 = tpu.memref_slice %arg5[%arg0, %dma_wait3A, %dma_wait3A_56] : memref<2x10008x128xf32, #tpu.memory_space<hbm>> -> memref<1x528x128xf32, #tpu.memory_space<hbm>>
        %dma_wait3A_58 = tpu.memref_squeeze %dma_wait3A_57 : memref<1x528x128xf32, #tpu.memory_space<hbm>> -> memref<528x128xf32, #tpu.memory_space<hbm>>
        %dma_wait3A_59 = arith.constant 9480 : i32
        %dma_wait3A_60 = arith.constant 0 : i32
        %dma_wait3A_61 = tpu.memref_slice %arg9[%dma_wait3A_59, %dma_wait3A_60] : memref<10008x128xf32, #tpu.memory_space<vmem_shared>> -> memref<528x128xf32, #tpu.memory_space<vmem_shared>>
        tpu.wait_dma2 semaphore(%run_scoped3A : memref<!tpu.dma_semaphore, #tpu.memory_space<semaphore_mem>>) src(%dma_wait3A_61 : memref<528x128xf32, #tpu.memory_space<vmem_shared>>) dst(%dma_wait3A_58 : memref<528x128xf32, #tpu.memory_space<hbm>>)
        tpu.yield
      }) : () -> ()
    } else {
    }
    return
  }
}

#map = affine_map<(d0, d1) -> (0, 0)>
#map1 = affine_map<(d0, d1) -> (0, 0, 0)>
module attributes {stable_mosaic.version = 14 : i64} {
  func.func @_sc_scatter_body(%arg0: i32, %arg1: i32, %arg2: memref<10000x128xf32, #tpu.memory_space<hbm>>, %arg3: memref<3168x105xi32, #tpu.memory_space<hbm>>, %arg4: memref<3168x105xi32, #tpu.memory_space<hbm>>, %arg5: memref<10008x128xf32, #tpu.memory_space<hbm>>, %arg6: memref<2x10008x128xf32, #tpu.memory_space<hbm>>, %arg7: memref<24x105xi32, #tpu.memory_space<vmem>>, %arg8: memref<24x105xi32, #tpu.memory_space<vmem>>, %arg9: memref<24x105xi32, #tpu.memory_space<vmem>>, %arg10: memref<24x105xi32, #tpu.memory_space<vmem>>, %arg11: memref<105x128xf32, #tpu.memory_space<vmem>>, %arg12: memref<105x128xf32, #tpu.memory_space<vmem>>, %arg13: memref<!tpu.dma_semaphore, #tpu.memory_space<semaphore_mem>>, %arg14: memref<!tpu.dma_semaphore, #tpu.memory_space<semaphore_mem>>, %arg15: memref<!tpu.dma_semaphore, #tpu.memory_space<semaphore_mem>>, %arg16: memref<!tpu.dma_semaphore, #tpu.memory_space<semaphore_mem>>, %arg17: memref<!tpu.dma_semaphore, #tpu.memory_space<semaphore_mem>>, %arg18: memref<!tpu.dma_semaphore, #tpu.memory_space<semaphore_mem>>, %arg19: memref<10008x128xf32, #tpu.memory_space<vmem_shared>>) attributes {dimension_semantics = [#tpu.dimension_semantics<core_parallel>, #tpu.dimension_semantics<subcore_parallel>], iteration_bounds = array<i64: 2, 16>, scalar_prefetch = 0 : i64, scratch_operands = 13 : i64, tpu.core_type = #tpu.core_type<sc_vector_subcore>, window_params = [{transform_indices = #map}, {transform_indices = #map}, {transform_indices = #map}, {transform_indices = #map}, {transform_indices = #map1}]} {
    %eq3A = arith.constant 0 : i32
    %eq3A_0 = arith.cmpi eq, %arg0, %eq3A : i32
    %mul3A = arith.constant 144 : i32
    %mul3A_1 = arith.muli %arg1, %mul3A : i32
    %mul3A_2 = arith.constant 48 : i32
    %mul3A_3 = arith.muli %arg1, %mul3A_2 : i32
    %add3A = arith.constant 2304 : i32
    %add3A_4 = arith.addi %add3A, %mul3A_3 : i32
    %select_n3A = arith.select %eq3A_0, %mul3A_1, %add3A_4 : i32
    %eq3A_5 = arith.constant 0 : i32
    %eq3A_6 = arith.cmpi eq, %arg0, %eq3A_5 : i32
    %jit3A = arith.constant 6 : i32
    %jit3A_7 = arith.constant 2 : i32
    %select_n3A_8 = arith.select %eq3A_6, %jit3A, %jit3A_7 : i32
    %eq3A_9 = arith.constant 0 : i32
    %eq3A_10 = arith.cmpi eq, %arg0, %eq3A_9 : i32
    %jit3A_11 = arith.constant 3 : i32
    %jit3A_12 = arith.constant 1 : i32
    %select_n3A_13 = arith.select %eq3A_10, %jit3A_11, %jit3A_12 : i32
    %dma_start3A = arith.constant 0 : i32
    %dma_start3A_14 = tpu.memref_slice %arg3[%select_n3A, %dma_start3A] : memref<3168x105xi32, #tpu.memory_space<hbm>> -> memref<24x105xi32, #tpu.memory_space<hbm>>
    %dma_start3A_15 = arith.constant 0 : i32
    %dma_start3A_16 = tpu.memref_slice %arg3[%select_n3A, %dma_start3A_15] : memref<3168x105xi32, #tpu.memory_space<hbm>> -> memref<24x105xi32, #tpu.memory_space<hbm>>
    tpu.enqueue_dma source(%dma_start3A_16 : memref<24x105xi32, #tpu.memory_space<hbm>>) target(%arg7 : memref<24x105xi32, #tpu.memory_space<vmem>>) target_semaphore(%arg13 : memref<!tpu.dma_semaphore, #tpu.memory_space<semaphore_mem>>)
    %dma_start3A_17 = arith.constant 0 : i32
    %dma_start3A_18 = tpu.memref_slice %arg4[%select_n3A, %dma_start3A_17] : memref<3168x105xi32, #tpu.memory_space<hbm>> -> memref<24x105xi32, #tpu.memory_space<hbm>>
    %dma_start3A_19 = arith.constant 0 : i32
    %dma_start3A_20 = tpu.memref_slice %arg4[%select_n3A, %dma_start3A_19] : memref<3168x105xi32, #tpu.memory_space<hbm>> -> memref<24x105xi32, #tpu.memory_space<hbm>>
    tpu.enqueue_dma source(%dma_start3A_20 : memref<24x105xi32, #tpu.memory_space<hbm>>) target(%arg8 : memref<24x105xi32, #tpu.memory_space<vmem>>) target_semaphore(%arg13 : memref<!tpu.dma_semaphore, #tpu.memory_space<semaphore_mem>>)
    %add3A_21 = arith.constant 24 : i32
    %add3A_22 = arith.addi %select_n3A, %add3A_21 : i32
    %dma_start3A_23 = arith.constant 0 : i32
    %dma_start3A_24 = tpu.memref_slice %arg3[%add3A_22, %dma_start3A_23] : memref<3168x105xi32, #tpu.memory_space<hbm>> -> memref<24x105xi32, #tpu.memory_space<hbm>>
    %dma_start3A_25 = arith.constant 0 : i32
    %dma_start3A_26 = tpu.memref_slice %arg3[%add3A_22, %dma_start3A_25] : memref<3168x105xi32, #tpu.memory_space<hbm>> -> memref<24x105xi32, #tpu.memory_space<hbm>>
    tpu.enqueue_dma source(%dma_start3A_26 : memref<24x105xi32, #tpu.memory_space<hbm>>) target(%arg9 : memref<24x105xi32, #tpu.memory_space<vmem>>) target_semaphore(%arg14 : memref<!tpu.dma_semaphore, #tpu.memory_space<semaphore_mem>>)
    %add3A_27 = arith.constant 24 : i32
    %add3A_28 = arith.addi %select_n3A, %add3A_27 : i32
    %dma_start3A_29 = arith.constant 0 : i32
    %dma_start3A_30 = tpu.memref_slice %arg4[%add3A_28, %dma_start3A_29] : memref<3168x105xi32, #tpu.memory_space<hbm>> -> memref<24x105xi32, #tpu.memory_space<hbm>>
    %dma_start3A_31 = arith.constant 0 : i32
    %dma_start3A_32 = tpu.memref_slice %arg4[%add3A_28, %dma_start3A_31] : memref<3168x105xi32, #tpu.memory_space<hbm>> -> memref<24x105xi32, #tpu.memory_space<hbm>>
    tpu.enqueue_dma source(%dma_start3A_32 : memref<24x105xi32, #tpu.memory_space<hbm>>) target(%arg10 : memref<24x105xi32, #tpu.memory_space<vmem>>) target_semaphore(%arg14 : memref<!tpu.dma_semaphore, #tpu.memory_space<semaphore_mem>>)
    %eq3A_33 = arith.constant 15 : i32
    %eq3A_34 = arith.cmpi eq, %arg1, %eq3A_33 : i32
    %eq3A_35 = arith.constant 0 : i32
    %eq3A_36 = arith.cmpi eq, %arg0, %eq3A_35 : i32
    %not3A = arith.constant true
    %not3A_37 = arith.xori %eq3A_34, %not3A : i1
    %and3A = arith.andi %eq3A_36, %not3A_37 : i1
    %convert_element_type3A = arith.extui %and3A : i1 to i32
    %cond3A = arith.constant 0 : i32
    %cond3A_38 = arith.cmpi ne, %convert_element_type3A, %cond3A : i32
    scf.if %cond3A_38 {
      %mul3A_102 = arith.constant 632 : i32
      %mul3A_103 = arith.muli %arg1, %mul3A_102 : i32
      %mul3A_104 = arith.constant 632 : i32
      %mul3A_105 = arith.muli %arg1, %mul3A_104 : i32
      "tpu.region"() ({
        %run_scoped3A = tpu.sem_alloc : memref<!tpu.dma_semaphore, #tpu.memory_space<semaphore_mem>>
        %dma_start3A_106 = arith.constant 0 : i32
        %dma_start3A_107 = tpu.memref_slice %arg19[%mul3A_105, %dma_start3A_106] : memref<10008x128xf32, #tpu.memory_space<vmem_shared>> -> memref<632x128xf32, #tpu.memory_space<vmem_shared>>
        %dma_start3A_108 = arith.constant 0 : i32
        %dma_start3A_109 = tpu.memref_slice %arg2[%mul3A_103, %dma_start3A_108] : memref<10000x128xf32, #tpu.memory_space<hbm>> -> memref<632x128xf32, #tpu.memory_space<hbm>>
        tpu.enqueue_dma source(%dma_start3A_109 : memref<632x128xf32, #tpu.memory_space<hbm>>) target(%dma_start3A_107 : memref<632x128xf32, #tpu.memory_space<vmem_shared>>) target_semaphore(%run_scoped3A : memref<!tpu.dma_semaphore, #tpu.memory_space<semaphore_mem>>)
        %dma_wait3A_110 = arith.constant 0 : i32
        %dma_wait3A_111 = tpu.memref_slice %arg19[%mul3A_105, %dma_wait3A_110] : memref<10008x128xf32, #tpu.memory_space<vmem_shared>> -> memref<632x128xf32, #tpu.memory_space<vmem_shared>>
        %dma_wait3A_112 = arith.constant 0 : i32
        %dma_wait3A_113 = tpu.memref_slice %arg2[%mul3A_103, %dma_wait3A_112] : memref<10000x128xf32, #tpu.memory_space<hbm>> -> memref<632x128xf32, #tpu.memory_space<hbm>>
        tpu.wait_dma2 semaphore(%run_scoped3A : memref<!tpu.dma_semaphore, #tpu.memory_space<semaphore_mem>>) src(%dma_wait3A_113 : memref<632x128xf32, #tpu.memory_space<hbm>>) dst(%dma_wait3A_111 : memref<632x128xf32, #tpu.memory_space<vmem_shared>>)
        tpu.yield
      }) : () -> ()
    } else {
    }
    %eq3A_39 = arith.constant 0 : i32
    %eq3A_40 = arith.cmpi eq, %arg0, %eq3A_39 : i32
    %and3A_41 = arith.andi %eq3A_40, %eq3A_34 : i1
    %convert_element_type3A_42 = arith.extui %and3A_41 : i1 to i32
    %cond3A_43 = arith.constant 0 : i32
    %cond3A_44 = arith.cmpi ne, %convert_element_type3A_42, %cond3A_43 : i32
    scf.if %cond3A_44 {
      "tpu.region"() ({
        %run_scoped3A = tpu.sem_alloc : memref<!tpu.dma_semaphore, #tpu.memory_space<semaphore_mem>>
        %dma_start3A_102 = arith.constant 9480 : i32
        %dma_start3A_103 = arith.constant 0 : i32
        %dma_start3A_104 = tpu.memref_slice %arg19[%dma_start3A_102, %dma_start3A_103] : memref<10008x128xf32, #tpu.memory_space<vmem_shared>> -> memref<520x128xf32, #tpu.memory_space<vmem_shared>>
        %dma_start3A_105 = arith.constant 9480 : i32
        %dma_start3A_106 = arith.constant 0 : i32
        %dma_start3A_107 = tpu.memref_slice %arg2[%dma_start3A_105, %dma_start3A_106] : memref<10000x128xf32, #tpu.memory_space<hbm>> -> memref<520x128xf32, #tpu.memory_space<hbm>>
        tpu.enqueue_dma source(%dma_start3A_107 : memref<520x128xf32, #tpu.memory_space<hbm>>) target(%dma_start3A_104 : memref<520x128xf32, #tpu.memory_space<vmem_shared>>) target_semaphore(%run_scoped3A : memref<!tpu.dma_semaphore, #tpu.memory_space<semaphore_mem>>)
        %dma_wait3A_108 = arith.constant 9480 : i32
        %dma_wait3A_109 = arith.constant 0 : i32
        %dma_wait3A_110 = tpu.memref_slice %arg19[%dma_wait3A_108, %dma_wait3A_109] : memref<10008x128xf32, #tpu.memory_space<vmem_shared>> -> memref<520x128xf32, #tpu.memory_space<vmem_shared>>
        %dma_wait3A_111 = arith.constant 9480 : i32
        %dma_wait3A_112 = arith.constant 0 : i32
        %dma_wait3A_113 = tpu.memref_slice %arg2[%dma_wait3A_111, %dma_wait3A_112] : memref<10000x128xf32, #tpu.memory_space<hbm>> -> memref<520x128xf32, #tpu.memory_space<hbm>>
        tpu.wait_dma2 semaphore(%run_scoped3A : memref<!tpu.dma_semaphore, #tpu.memory_space<semaphore_mem>>) src(%dma_wait3A_113 : memref<520x128xf32, #tpu.memory_space<hbm>>) dst(%dma_wait3A_110 : memref<520x128xf32, #tpu.memory_space<vmem_shared>>)
        tpu.yield
      }) : () -> ()
    } else {
    }
    %eq3A_45 = arith.constant 1 : i32
    %eq3A_46 = arith.cmpi eq, %arg0, %eq3A_45 : i32
    %not3A_47 = arith.constant true
    %not3A_48 = arith.xori %eq3A_34, %not3A_47 : i1
    %and3A_49 = arith.andi %eq3A_46, %not3A_48 : i1
    %convert_element_type3A_50 = arith.extui %and3A_49 : i1 to i32
    %cond3A_51 = arith.constant 0 : i32
    %cond3A_52 = arith.cmpi ne, %convert_element_type3A_50, %cond3A_51 : i32
    scf.if %cond3A_52 {
      %mul3A_102 = arith.constant 632 : i32
      %mul3A_103 = arith.muli %arg1, %mul3A_102 : i32
      %mul3A_104 = arith.constant 632 : i32
      %mul3A_105 = arith.muli %arg1, %mul3A_104 : i32
      "tpu.region"() ({
        %run_scoped3A = tpu.sem_alloc : memref<!tpu.dma_semaphore, #tpu.memory_space<semaphore_mem>>
        %dma_start3A_106 = arith.constant 0 : i32
        %dma_start3A_107 = tpu.memref_slice %arg19[%mul3A_105, %dma_start3A_106] : memref<10008x128xf32, #tpu.memory_space<vmem_shared>> -> memref<632x128xf32, #tpu.memory_space<vmem_shared>>
        %dma_start3A_108 = arith.constant 0 : i32
        %dma_start3A_109 = tpu.memref_slice %arg5[%mul3A_103, %dma_start3A_108] : memref<10008x128xf32, #tpu.memory_space<hbm>> -> memref<632x128xf32, #tpu.memory_space<hbm>>
        tpu.enqueue_dma source(%dma_start3A_109 : memref<632x128xf32, #tpu.memory_space<hbm>>) target(%dma_start3A_107 : memref<632x128xf32, #tpu.memory_space<vmem_shared>>) target_semaphore(%run_scoped3A : memref<!tpu.dma_semaphore, #tpu.memory_space<semaphore_mem>>)
        %dma_wait3A_110 = arith.constant 0 : i32
        %dma_wait3A_111 = tpu.memref_slice %arg19[%mul3A_105, %dma_wait3A_110] : memref<10008x128xf32, #tpu.memory_space<vmem_shared>> -> memref<632x128xf32, #tpu.memory_space<vmem_shared>>
        %dma_wait3A_112 = arith.constant 0 : i32
        %dma_wait3A_113 = tpu.memref_slice %arg5[%mul3A_103, %dma_wait3A_112] : memref<10008x128xf32, #tpu.memory_space<hbm>> -> memref<632x128xf32, #tpu.memory_space<hbm>>
        tpu.wait_dma2 semaphore(%run_scoped3A : memref<!tpu.dma_semaphore, #tpu.memory_space<semaphore_mem>>) src(%dma_wait3A_113 : memref<632x128xf32, #tpu.memory_space<hbm>>) dst(%dma_wait3A_111 : memref<632x128xf32, #tpu.memory_space<vmem_shared>>)
        tpu.yield
      }) : () -> ()
    } else {
    }
    %eq3A_53 = arith.constant 1 : i32
    %eq3A_54 = arith.cmpi eq, %arg0, %eq3A_53 : i32
    %and3A_55 = arith.andi %eq3A_54, %eq3A_34 : i1
    %convert_element_type3A_56 = arith.extui %and3A_55 : i1 to i32
    %cond3A_57 = arith.constant 0 : i32
    %cond3A_58 = arith.cmpi ne, %convert_element_type3A_56, %cond3A_57 : i32
    scf.if %cond3A_58 {
      "tpu.region"() ({
        %run_scoped3A = tpu.sem_alloc : memref<!tpu.dma_semaphore, #tpu.memory_space<semaphore_mem>>
        %dma_start3A_102 = arith.constant 9480 : i32
        %dma_start3A_103 = arith.constant 0 : i32
        %dma_start3A_104 = tpu.memref_slice %arg19[%dma_start3A_102, %dma_start3A_103] : memref<10008x128xf32, #tpu.memory_space<vmem_shared>> -> memref<528x128xf32, #tpu.memory_space<vmem_shared>>
        %dma_start3A_105 = arith.constant 9480 : i32
        %dma_start3A_106 = arith.constant 0 : i32
        %dma_start3A_107 = tpu.memref_slice %arg5[%dma_start3A_105, %dma_start3A_106] : memref<10008x128xf32, #tpu.memory_space<hbm>> -> memref<528x128xf32, #tpu.memory_space<hbm>>
        tpu.enqueue_dma source(%dma_start3A_107 : memref<528x128xf32, #tpu.memory_space<hbm>>) target(%dma_start3A_104 : memref<528x128xf32, #tpu.memory_space<vmem_shared>>) target_semaphore(%run_scoped3A : memref<!tpu.dma_semaphore, #tpu.memory_space<semaphore_mem>>)
        %dma_wait3A_108 = arith.constant 9480 : i32
        %dma_wait3A_109 = arith.constant 0 : i32
        %dma_wait3A_110 = tpu.memref_slice %arg19[%dma_wait3A_108, %dma_wait3A_109] : memref<10008x128xf32, #tpu.memory_space<vmem_shared>> -> memref<528x128xf32, #tpu.memory_space<vmem_shared>>
        %dma_wait3A_111 = arith.constant 9480 : i32
        %dma_wait3A_112 = arith.constant 0 : i32
        %dma_wait3A_113 = tpu.memref_slice %arg5[%dma_wait3A_111, %dma_wait3A_112] : memref<10008x128xf32, #tpu.memory_space<hbm>> -> memref<528x128xf32, #tpu.memory_space<hbm>>
        tpu.wait_dma2 semaphore(%run_scoped3A : memref<!tpu.dma_semaphore, #tpu.memory_space<semaphore_mem>>) src(%dma_wait3A_113 : memref<528x128xf32, #tpu.memory_space<hbm>>) dst(%dma_wait3A_110 : memref<528x128xf32, #tpu.memory_space<vmem_shared>>)
        tpu.yield
      }) : () -> ()
    } else {
    }
    %barrier3A = arith.constant 0 : index
    tpu.barrier barrier_id(%barrier3A)
    %while3A = arith.constant 0 : i32
    %while3A_59 = arith.constant 0 : i32
    %while3A_60 = arith.subi %select_n3A_13, %while3A_59 : i32
    %while3A_61 = arith.addi %while3A_59, %while3A_60 : i32
    %while3A_62 = arith.constant 1 : i32
    %while3A_63 = arith.divsi %while3A_60, %while3A_62 : i32
    %while3A_64 = arith.muli %while3A_63, %while3A_62 : i32
    %while3A_65 = arith.addi %while3A_59, %while3A_64 : i32
    %while3A_66 = arith.constant 1 : i32
    scf.for %while3A_102 = %while3A_59 to %while3A_65 step %while3A_66  : i32 {
      %dma_wait3A_103 = arith.constant 0 : i32
      %dma_wait3A_104 = arith.constant 0 : i32
      %dma_wait3A_105 = tpu.memref_slice %arg3[%dma_wait3A_103, %dma_wait3A_104] : memref<3168x105xi32, #tpu.memory_space<hbm>> -> memref<24x105xi32, #tpu.memory_space<hbm>>
      %dma_wait3A_106 = arith.constant 0 : i32
      %dma_wait3A_107 = arith.constant 0 : i32
      %dma_wait3A_108 = tpu.memref_slice %arg3[%dma_wait3A_106, %dma_wait3A_107] : memref<3168x105xi32, #tpu.memory_space<hbm>> -> memref<24x105xi32, #tpu.memory_space<hbm>>
      tpu.wait_dma2 semaphore(%arg13 : memref<!tpu.dma_semaphore, #tpu.memory_space<semaphore_mem>>) src(%dma_wait3A_108 : memref<24x105xi32, #tpu.memory_space<hbm>>) dst(%arg7 : memref<24x105xi32, #tpu.memory_space<vmem>>)
      %dma_wait3A_109 = arith.constant 0 : i32
      %dma_wait3A_110 = arith.constant 0 : i32
      %dma_wait3A_111 = tpu.memref_slice %arg4[%dma_wait3A_109, %dma_wait3A_110] : memref<3168x105xi32, #tpu.memory_space<hbm>> -> memref<24x105xi32, #tpu.memory_space<hbm>>
      %dma_wait3A_112 = arith.constant 0 : i32
      %dma_wait3A_113 = arith.constant 0 : i32
      %dma_wait3A_114 = tpu.memref_slice %arg4[%dma_wait3A_112, %dma_wait3A_113] : memref<3168x105xi32, #tpu.memory_space<hbm>> -> memref<24x105xi32, #tpu.memory_space<hbm>>
      tpu.wait_dma2 semaphore(%arg13 : memref<!tpu.dma_semaphore, #tpu.memory_space<semaphore_mem>>) src(%dma_wait3A_114 : memref<24x105xi32, #tpu.memory_space<hbm>>) dst(%arg8 : memref<24x105xi32, #tpu.memory_space<vmem>>)
      %dma_start3A_115 = arith.constant 0 : i32
      %dma_start3A_116 = arith.constant 0 : i32
      %dma_start3A_117 = tpu.memref_slice %arg7[%dma_start3A_115, %dma_start3A_116] : memref<24x105xi32, #tpu.memory_space<vmem>> -> memref<1x105xi32, #tpu.memory_space<vmem>>
      %dma_start3A_118 = tpu.memref_squeeze %dma_start3A_117 : memref<1x105xi32, #tpu.memory_space<vmem>> -> memref<105xi32, #tpu.memory_space<vmem>>
      %dma_start3A_119 = arith.constant 0 : i32
      %dma_start3A_120 = arith.constant 0 : i32
      %dma_start3A_121 = tpu.memref_slice %arg2[%dma_start3A_119, %dma_start3A_120] : memref<10000x128xf32, #tpu.memory_space<hbm>> -> memref<10000x128xf32, #tpu.memory_space<hbm>>
      tpu.enqueue_indirect_dma source(%dma_start3A_121 : memref<10000x128xf32, #tpu.memory_space<hbm>>) target(%arg11 : memref<105x128xf32, #tpu.memory_space<vmem>>) offsets(%dma_start3A_118 : memref<105xi32, #tpu.memory_space<vmem>>) semaphore(%arg15 : memref<!tpu.dma_semaphore, #tpu.memory_space<semaphore_mem>>)
      %dma_start3A_122 = arith.constant 1 : i32
      %dma_start3A_123 = arith.constant 0 : i32
      %dma_start3A_124 = tpu.memref_slice %arg7[%dma_start3A_122, %dma_start3A_123] : memref<24x105xi32, #tpu.memory_space<vmem>> -> memref<1x105xi32, #tpu.memory_space<vmem>>
      %dma_start3A_125 = tpu.memref_squeeze %dma_start3A_124 : memref<1x105xi32, #tpu.memory_space<vmem>> -> memref<105xi32, #tpu.memory_space<vmem>>
      %dma_start3A_126 = arith.constant 0 : i32
      %dma_start3A_127 = arith.constant 0 : i32
      %dma_start3A_128 = tpu.memref_slice %arg2[%dma_start3A_126, %dma_start3A_127] : memref<10000x128xf32, #tpu.memory_space<hbm>> -> memref<10000x128xf32, #tpu.memory_space<hbm>>
      tpu.enqueue_indirect_dma source(%dma_start3A_128 : memref<10000x128xf32, #tpu.memory_space<hbm>>) target(%arg12 : memref<105x128xf32, #tpu.memory_space<vmem>>) offsets(%dma_start3A_125 : memref<105xi32, #tpu.memory_space<vmem>>) semaphore(%arg16 : memref<!tpu.dma_semaphore, #tpu.memory_space<semaphore_mem>>)
      %scan3A = arith.constant 0 : i32
      %scan3A_129 = arith.constant 0 : i32
      %scan3A_130 = arith.constant 12 : i32
      %scan3A_131 = arith.addi %scan3A_129, %scan3A_130 : i32
      %scan3A_132 = arith.constant 1 : i32
      scf.for %scan3A_234 = %scan3A_129 to %scan3A_131 step %scan3A_132  : i32 {
        %mul3A_235 = arith.constant 2 : i32
        %mul3A_236 = arith.muli %mul3A_235, %scan3A_234 : i32
        %add3A_237 = arith.constant 1 : i32
        %add3A_238 = arith.addi %mul3A_236, %add3A_237 : i32
        %add3A_239 = arith.constant 2 : i32
        %add3A_240 = arith.addi %mul3A_236, %add3A_239 : i32
        %min3A_241 = arith.constant 23 : i32
        %min3A_242 = arith.minsi %add3A_240, %min3A_241 : i32
        %add3A_243 = arith.constant 3 : i32
        %add3A_244 = arith.addi %mul3A_236, %add3A_243 : i32
        %min3A_245 = arith.constant 23 : i32
        %min3A_246 = arith.minsi %add3A_244, %min3A_245 : i32
        %dma_wait3A_247 = arith.constant 0 : i32
        %dma_wait3A_248 = tpu.memref_slice %arg7[%mul3A_236, %dma_wait3A_247] : memref<24x105xi32, #tpu.memory_space<vmem>> -> memref<1x105xi32, #tpu.memory_space<vmem>>
        %dma_wait3A_249 = tpu.memref_squeeze %dma_wait3A_248 : memref<1x105xi32, #tpu.memory_space<vmem>> -> memref<105xi32, #tpu.memory_space<vmem>>
        %dma_wait3A_250 = arith.constant 0 : i32
        %dma_wait3A_251 = arith.constant 0 : i32
        %dma_wait3A_252 = tpu.memref_slice %arg2[%dma_wait3A_250, %dma_wait3A_251] : memref<10000x128xf32, #tpu.memory_space<hbm>> -> memref<10000x128xf32, #tpu.memory_space<hbm>>
        tpu.wait_indirect_dma semaphore(%arg15 : memref<!tpu.dma_semaphore, #tpu.memory_space<semaphore_mem>>) src(%dma_wait3A_252 : memref<10000x128xf32, #tpu.memory_space<hbm>>) dst(%arg11 : memref<105x128xf32, #tpu.memory_space<vmem>>)
        %dma_start3A_253 = arith.constant 0 : i32
        %dma_start3A_254 = tpu.memref_slice %arg8[%mul3A_236, %dma_start3A_253] : memref<24x105xi32, #tpu.memory_space<vmem>> -> memref<1x105xi32, #tpu.memory_space<vmem>>
        %dma_start3A_255 = tpu.memref_squeeze %dma_start3A_254 : memref<1x105xi32, #tpu.memory_space<vmem>> -> memref<105xi32, #tpu.memory_space<vmem>>
        %dma_start3A_256 = arith.constant 0 : i32
        %dma_start3A_257 = arith.constant 0 : i32
        %dma_start3A_258 = tpu.memref_slice %arg19[%dma_start3A_256, %dma_start3A_257] : memref<10008x128xf32, #tpu.memory_space<vmem_shared>> -> memref<10008x128xf32, #tpu.memory_space<vmem_shared>>
        tpu.enqueue_indirect_dma source(%arg11 : memref<105x128xf32, #tpu.memory_space<vmem>>) target(%dma_start3A_258 : memref<10008x128xf32, #tpu.memory_space<vmem_shared>>) offsets(%dma_start3A_255 : memref<105xi32, #tpu.memory_space<vmem>>) semaphore(%arg17 : memref<!tpu.dma_semaphore, #tpu.memory_space<semaphore_mem>>) {add = true}
        %dma_wait3A_259 = arith.constant 0 : i32
        %dma_wait3A_260 = tpu.memref_slice %arg7[%add3A_238, %dma_wait3A_259] : memref<24x105xi32, #tpu.memory_space<vmem>> -> memref<1x105xi32, #tpu.memory_space<vmem>>
        %dma_wait3A_261 = tpu.memref_squeeze %dma_wait3A_260 : memref<1x105xi32, #tpu.memory_space<vmem>> -> memref<105xi32, #tpu.memory_space<vmem>>
        %dma_wait3A_262 = arith.constant 0 : i32
        %dma_wait3A_263 = arith.constant 0 : i32
        %dma_wait3A_264 = tpu.memref_slice %arg2[%dma_wait3A_262, %dma_wait3A_263] : memref<10000x128xf32, #tpu.memory_space<hbm>> -> memref<10000x128xf32, #tpu.memory_space<hbm>>
        tpu.wait_indirect_dma semaphore(%arg16 : memref<!tpu.dma_semaphore, #tpu.memory_space<semaphore_mem>>) src(%dma_wait3A_264 : memref<10000x128xf32, #tpu.memory_space<hbm>>) dst(%arg12 : memref<105x128xf32, #tpu.memory_space<vmem>>)
        %dma_start3A_265 = arith.constant 0 : i32
        %dma_start3A_266 = tpu.memref_slice %arg8[%add3A_238, %dma_start3A_265] : memref<24x105xi32, #tpu.memory_space<vmem>> -> memref<1x105xi32, #tpu.memory_space<vmem>>
        %dma_start3A_267 = tpu.memref_squeeze %dma_start3A_266 : memref<1x105xi32, #tpu.memory_space<vmem>> -> memref<105xi32, #tpu.memory_space<vmem>>
        %dma_start3A_268 = arith.constant 0 : i32
        %dma_start3A_269 = arith.constant 0 : i32
        %dma_start3A_270 = tpu.memref_slice %arg19[%dma_start3A_268, %dma_start3A_269] : memref<10008x128xf32, #tpu.memory_space<vmem_shared>> -> memref<10008x128xf32, #tpu.memory_space<vmem_shared>>
        tpu.enqueue_indirect_dma source(%arg12 : memref<105x128xf32, #tpu.memory_space<vmem>>) target(%dma_start3A_270 : memref<10008x128xf32, #tpu.memory_space<vmem_shared>>) offsets(%dma_start3A_267 : memref<105xi32, #tpu.memory_space<vmem>>) semaphore(%arg18 : memref<!tpu.dma_semaphore, #tpu.memory_space<semaphore_mem>>) {add = true}
        %dma_wait3A_271 = arith.constant 0 : i32
        %dma_wait3A_272 = tpu.memref_slice %arg8[%mul3A_236, %dma_wait3A_271] : memref<24x105xi32, #tpu.memory_space<vmem>> -> memref<1x105xi32, #tpu.memory_space<vmem>>
        %dma_wait3A_273 = tpu.memref_squeeze %dma_wait3A_272 : memref<1x105xi32, #tpu.memory_space<vmem>> -> memref<105xi32, #tpu.memory_space<vmem>>
        %dma_wait3A_274 = arith.constant 0 : i32
        %dma_wait3A_275 = arith.constant 0 : i32
        %dma_wait3A_276 = tpu.memref_slice %arg19[%dma_wait3A_274, %dma_wait3A_275] : memref<10008x128xf32, #tpu.memory_space<vmem_shared>> -> memref<10008x128xf32, #tpu.memory_space<vmem_shared>>
        tpu.wait_indirect_dma semaphore(%arg17 : memref<!tpu.dma_semaphore, #tpu.memory_space<semaphore_mem>>) src(%arg11 : memref<105x128xf32, #tpu.memory_space<vmem>>) dst(%dma_wait3A_276 : memref<10008x128xf32, #tpu.memory_space<vmem_shared>>)
        %dma_start3A_277 = arith.constant 0 : i32
        %dma_start3A_278 = tpu.memref_slice %arg7[%min3A_242, %dma_start3A_277] : memref<24x105xi32, #tpu.memory_space<vmem>> -> memref<1x105xi32, #tpu.memory_space<vmem>>
        %dma_start3A_279 = tpu.memref_squeeze %dma_start3A_278 : memref<1x105xi32, #tpu.memory_space<vmem>> -> memref<105xi32, #tpu.memory_space<vmem>>
        %dma_start3A_280 = arith.constant 0 : i32
        %dma_start3A_281 = arith.constant 0 : i32
        %dma_start3A_282 = tpu.memref_slice %arg2[%dma_start3A_280, %dma_start3A_281] : memref<10000x128xf32, #tpu.memory_space<hbm>> -> memref<10000x128xf32, #tpu.memory_space<hbm>>
        tpu.enqueue_indirect_dma source(%dma_start3A_282 : memref<10000x128xf32, #tpu.memory_space<hbm>>) target(%arg11 : memref<105x128xf32, #tpu.memory_space<vmem>>) offsets(%dma_start3A_279 : memref<105xi32, #tpu.memory_space<vmem>>) semaphore(%arg15 : memref<!tpu.dma_semaphore, #tpu.memory_space<semaphore_mem>>)
        %dma_wait3A_283 = arith.constant 0 : i32
        %dma_wait3A_284 = tpu.memref_slice %arg8[%add3A_238, %dma_wait3A_283] : memref<24x105xi32, #tpu.memory_space<vmem>> -> memref<1x105xi32, #tpu.memory_space<vmem>>
        %dma_wait3A_285 = tpu.memref_squeeze %dma_wait3A_284 : memref<1x105xi32, #tpu.memory_space<vmem>> -> memref<105xi32, #tpu.memory_space<vmem>>
        %dma_wait3A_286 = arith.constant 0 : i32
        %dma_wait3A_287 = arith.constant 0 : i32
        %dma_wait3A_288 = tpu.memref_slice %arg19[%dma_wait3A_286, %dma_wait3A_287] : memref<10008x128xf32, #tpu.memory_space<vmem_shared>> -> memref<10008x128xf32, #tpu.memory_space<vmem_shared>>
        tpu.wait_indirect_dma semaphore(%arg18 : memref<!tpu.dma_semaphore, #tpu.memory_space<semaphore_mem>>) src(%arg12 : memref<105x128xf32, #tpu.memory_space<vmem>>) dst(%dma_wait3A_288 : memref<10008x128xf32, #tpu.memory_space<vmem_shared>>)
        %dma_start3A_289 = arith.constant 0 : i32
        %dma_start3A_290 = tpu.memref_slice %arg7[%min3A_246, %dma_start3A_289] : memref<24x105xi32, #tpu.memory_space<vmem>> -> memref<1x105xi32, #tpu.memory_space<vmem>>
        %dma_start3A_291 = tpu.memref_squeeze %dma_start3A_290 : memref<1x105xi32, #tpu.memory_space<vmem>> -> memref<105xi32, #tpu.memory_space<vmem>>
        %dma_start3A_292 = arith.constant 0 : i32
        %dma_start3A_293 = arith.constant 0 : i32
        %dma_start3A_294 = tpu.memref_slice %arg2[%dma_start3A_292, %dma_start3A_293] : memref<10000x128xf32, #tpu.memory_space<hbm>> -> memref<10000x128xf32, #tpu.memory_space<hbm>>
        tpu.enqueue_indirect_dma source(%dma_start3A_294 : memref<10000x128xf32, #tpu.memory_space<hbm>>) target(%arg12 : memref<105x128xf32, #tpu.memory_space<vmem>>) offsets(%dma_start3A_291 : memref<105xi32, #tpu.memory_space<vmem>>) semaphore(%arg16 : memref<!tpu.dma_semaphore, #tpu.memory_space<semaphore_mem>>)
      }
      %scan3A_133 = arith.constant 12 : i32
      %dma_wait3A_134 = arith.constant 23 : i32
      %dma_wait3A_135 = arith.constant 0 : i32
      %dma_wait3A_136 = tpu.memref_slice %arg7[%dma_wait3A_134, %dma_wait3A_135] : memref<24x105xi32, #tpu.memory_space<vmem>> -> memref<1x105xi32, #tpu.memory_space<vmem>>
      %dma_wait3A_137 = tpu.memref_squeeze %dma_wait3A_136 : memref<1x105xi32, #tpu.memory_space<vmem>> -> memref<105xi32, #tpu.memory_space<vmem>>
      %dma_wait3A_138 = arith.constant 0 : i32
      %dma_wait3A_139 = arith.constant 0 : i32
      %dma_wait3A_140 = tpu.memref_slice %arg2[%dma_wait3A_138, %dma_wait3A_139] : memref<10000x128xf32, #tpu.memory_space<hbm>> -> memref<10000x128xf32, #tpu.memory_space<hbm>>
      tpu.wait_indirect_dma semaphore(%arg15 : memref<!tpu.dma_semaphore, #tpu.memory_space<semaphore_mem>>) src(%dma_wait3A_140 : memref<10000x128xf32, #tpu.memory_space<hbm>>) dst(%arg11 : memref<105x128xf32, #tpu.memory_space<vmem>>)
      %dma_wait3A_141 = arith.constant 23 : i32
      %dma_wait3A_142 = arith.constant 0 : i32
      %dma_wait3A_143 = tpu.memref_slice %arg7[%dma_wait3A_141, %dma_wait3A_142] : memref<24x105xi32, #tpu.memory_space<vmem>> -> memref<1x105xi32, #tpu.memory_space<vmem>>
      %dma_wait3A_144 = tpu.memref_squeeze %dma_wait3A_143 : memref<1x105xi32, #tpu.memory_space<vmem>> -> memref<105xi32, #tpu.memory_space<vmem>>
      %dma_wait3A_145 = arith.constant 0 : i32
      %dma_wait3A_146 = arith.constant 0 : i32
      %dma_wait3A_147 = tpu.memref_slice %arg2[%dma_wait3A_145, %dma_wait3A_146] : memref<10000x128xf32, #tpu.memory_space<hbm>> -> memref<10000x128xf32, #tpu.memory_space<hbm>>
      tpu.wait_indirect_dma semaphore(%arg16 : memref<!tpu.dma_semaphore, #tpu.memory_space<semaphore_mem>>) src(%dma_wait3A_147 : memref<10000x128xf32, #tpu.memory_space<hbm>>) dst(%arg12 : memref<105x128xf32, #tpu.memory_space<vmem>>)
      %mul3A_148 = arith.constant 2 : i32
      %mul3A_149 = arith.muli %mul3A_148, %while3A_102 : i32
      %add3A_150 = arith.constant 2 : i32
      %add3A_151 = arith.addi %mul3A_149, %add3A_150 : i32
      %sub3A = arith.constant 1 : i32
      %sub3A_152 = arith.subi %select_n3A_8, %sub3A : i32
      %min3A = arith.minsi %add3A_151, %sub3A_152 : i32
      %mul3A_153 = arith.constant 24 : i32
      %mul3A_154 = arith.muli %min3A, %mul3A_153 : i32
      %add3A_155 = arith.addi %select_n3A, %mul3A_154 : i32
      %dma_start3A_156 = arith.constant 0 : i32
      %dma_start3A_157 = tpu.memref_slice %arg3[%add3A_155, %dma_start3A_156] : memref<3168x105xi32, #tpu.memory_space<hbm>> -> memref<24x105xi32, #tpu.memory_space<hbm>>
      %dma_start3A_158 = arith.constant 0 : i32
      %dma_start3A_159 = tpu.memref_slice %arg3[%add3A_155, %dma_start3A_158] : memref<3168x105xi32, #tpu.memory_space<hbm>> -> memref<24x105xi32, #tpu.memory_space<hbm>>
      tpu.enqueue_dma source(%dma_start3A_159 : memref<24x105xi32, #tpu.memory_space<hbm>>) target(%arg7 : memref<24x105xi32, #tpu.memory_space<vmem>>) target_semaphore(%arg13 : memref<!tpu.dma_semaphore, #tpu.memory_space<semaphore_mem>>)
      %mul3A_160 = arith.constant 24 : i32
      %mul3A_161 = arith.muli %min3A, %mul3A_160 : i32
      %add3A_162 = arith.addi %select_n3A, %mul3A_161 : i32
      %dma_start3A_163 = arith.constant 0 : i32
      %dma_start3A_164 = tpu.memref_slice %arg4[%add3A_162, %dma_start3A_163] : memref<3168x105xi32, #tpu.memory_space<hbm>> -> memref<24x105xi32, #tpu.memory_space<hbm>>
      %dma_start3A_165 = arith.constant 0 : i32
      %dma_start3A_166 = tpu.memref_slice %arg4[%add3A_162, %dma_start3A_165] : memref<3168x105xi32, #tpu.memory_space<hbm>> -> memref<24x105xi32, #tpu.memory_space<hbm>>
      tpu.enqueue_dma source(%dma_start3A_166 : memref<24x105xi32, #tpu.memory_space<hbm>>) target(%arg8 : memref<24x105xi32, #tpu.memory_space<vmem>>) target_semaphore(%arg13 : memref<!tpu.dma_semaphore, #tpu.memory_space<semaphore_mem>>)
      %dma_wait3A_167 = arith.constant 0 : i32
      %dma_wait3A_168 = arith.constant 0 : i32
      %dma_wait3A_169 = tpu.memref_slice %arg3[%dma_wait3A_167, %dma_wait3A_168] : memref<3168x105xi32, #tpu.memory_space<hbm>> -> memref<24x105xi32, #tpu.memory_space<hbm>>
      %dma_wait3A_170 = arith.constant 0 : i32
      %dma_wait3A_171 = arith.constant 0 : i32
      %dma_wait3A_172 = tpu.memref_slice %arg3[%dma_wait3A_170, %dma_wait3A_171] : memref<3168x105xi32, #tpu.memory_space<hbm>> -> memref<24x105xi32, #tpu.memory_space<hbm>>
      tpu.wait_dma2 semaphore(%arg14 : memref<!tpu.dma_semaphore, #tpu.memory_space<semaphore_mem>>) src(%dma_wait3A_172 : memref<24x105xi32, #tpu.memory_space<hbm>>) dst(%arg9 : memref<24x105xi32, #tpu.memory_space<vmem>>)
      %dma_wait3A_173 = arith.constant 0 : i32
      %dma_wait3A_174 = arith.constant 0 : i32
      %dma_wait3A_175 = tpu.memref_slice %arg4[%dma_wait3A_173, %dma_wait3A_174] : memref<3168x105xi32, #tpu.memory_space<hbm>> -> memref<24x105xi32, #tpu.memory_space<hbm>>
      %dma_wait3A_176 = arith.constant 0 : i32
      %dma_wait3A_177 = arith.constant 0 : i32
      %dma_wait3A_178 = tpu.memref_slice %arg4[%dma_wait3A_176, %dma_wait3A_177] : memref<3168x105xi32, #tpu.memory_space<hbm>> -> memref<24x105xi32, #tpu.memory_space<hbm>>
      tpu.wait_dma2 semaphore(%arg14 : memref<!tpu.dma_semaphore, #tpu.memory_space<semaphore_mem>>) src(%dma_wait3A_178 : memref<24x105xi32, #tpu.memory_space<hbm>>) dst(%arg10 : memref<24x105xi32, #tpu.memory_space<vmem>>)
      %dma_start3A_179 = arith.constant 0 : i32
      %dma_start3A_180 = arith.constant 0 : i32
      %dma_start3A_181 = tpu.memref_slice %arg9[%dma_start3A_179, %dma_start3A_180] : memref<24x105xi32, #tpu.memory_space<vmem>> -> memref<1x105xi32, #tpu.memory_space<vmem>>
      %dma_start3A_182 = tpu.memref_squeeze %dma_start3A_181 : memref<1x105xi32, #tpu.memory_space<vmem>> -> memref<105xi32, #tpu.memory_space<vmem>>
      %dma_start3A_183 = arith.constant 0 : i32
      %dma_start3A_184 = arith.constant 0 : i32
      %dma_start3A_185 = tpu.memref_slice %arg2[%dma_start3A_183, %dma_start3A_184] : memref<10000x128xf32, #tpu.memory_space<hbm>> -> memref<10000x128xf32, #tpu.memory_space<hbm>>
      tpu.enqueue_indirect_dma source(%dma_start3A_185 : memref<10000x128xf32, #tpu.memory_space<hbm>>) target(%arg11 : memref<105x128xf32, #tpu.memory_space<vmem>>) offsets(%dma_start3A_182 : memref<105xi32, #tpu.memory_space<vmem>>) semaphore(%arg15 : memref<!tpu.dma_semaphore, #tpu.memory_space<semaphore_mem>>)
      %dma_start3A_186 = arith.constant 1 : i32
      %dma_start3A_187 = arith.constant 0 : i32
      %dma_start3A_188 = tpu.memref_slice %arg9[%dma_start3A_186, %dma_start3A_187] : memref<24x105xi32, #tpu.memory_space<vmem>> -> memref<1x105xi32, #tpu.memory_space<vmem>>
      %dma_start3A_189 = tpu.memref_squeeze %dma_start3A_188 : memref<1x105xi32, #tpu.memory_space<vmem>> -> memref<105xi32, #tpu.memory_space<vmem>>
      %dma_start3A_190 = arith.constant 0 : i32
      %dma_start3A_191 = arith.constant 0 : i32
      %dma_start3A_192 = tpu.memref_slice %arg2[%dma_start3A_190, %dma_start3A_191] : memref<10000x128xf32, #tpu.memory_space<hbm>> -> memref<10000x128xf32, #tpu.memory_space<hbm>>
      tpu.enqueue_indirect_dma source(%dma_start3A_192 : memref<10000x128xf32, #tpu.memory_space<hbm>>) target(%arg12 : memref<105x128xf32, #tpu.memory_space<vmem>>) offsets(%dma_start3A_189 : memref<105xi32, #tpu.memory_space<vmem>>) semaphore(%arg16 : memref<!tpu.dma_semaphore, #tpu.memory_space<semaphore_mem>>)
      %scan3A_193 = arith.constant 0 : i32
      %scan3A_194 = arith.constant 0 : i32
      %scan3A_195 = arith.constant 12 : i32
      %scan3A_196 = arith.addi %scan3A_194, %scan3A_195 : i32
      %scan3A_197 = arith.constant 1 : i32
      scf.for %scan3A_234 = %scan3A_194 to %scan3A_196 step %scan3A_197  : i32 {
        %mul3A_235 = arith.constant 2 : i32
        %mul3A_236 = arith.muli %mul3A_235, %scan3A_234 : i32
        %add3A_237 = arith.constant 1 : i32
        %add3A_238 = arith.addi %mul3A_236, %add3A_237 : i32
        %add3A_239 = arith.constant 2 : i32
        %add3A_240 = arith.addi %mul3A_236, %add3A_239 : i32
        %min3A_241 = arith.constant 23 : i32
        %min3A_242 = arith.minsi %add3A_240, %min3A_241 : i32
        %add3A_243 = arith.constant 3 : i32
        %add3A_244 = arith.addi %mul3A_236, %add3A_243 : i32
        %min3A_245 = arith.constant 23 : i32
        %min3A_246 = arith.minsi %add3A_244, %min3A_245 : i32
        %dma_wait3A_247 = arith.constant 0 : i32
        %dma_wait3A_248 = tpu.memref_slice %arg9[%mul3A_236, %dma_wait3A_247] : memref<24x105xi32, #tpu.memory_space<vmem>> -> memref<1x105xi32, #tpu.memory_space<vmem>>
        %dma_wait3A_249 = tpu.memref_squeeze %dma_wait3A_248 : memref<1x105xi32, #tpu.memory_space<vmem>> -> memref<105xi32, #tpu.memory_space<vmem>>
        %dma_wait3A_250 = arith.constant 0 : i32
        %dma_wait3A_251 = arith.constant 0 : i32
        %dma_wait3A_252 = tpu.memref_slice %arg2[%dma_wait3A_250, %dma_wait3A_251] : memref<10000x128xf32, #tpu.memory_space<hbm>> -> memref<10000x128xf32, #tpu.memory_space<hbm>>
        tpu.wait_indirect_dma semaphore(%arg15 : memref<!tpu.dma_semaphore, #tpu.memory_space<semaphore_mem>>) src(%dma_wait3A_252 : memref<10000x128xf32, #tpu.memory_space<hbm>>) dst(%arg11 : memref<105x128xf32, #tpu.memory_space<vmem>>)
        %dma_start3A_253 = arith.constant 0 : i32
        %dma_start3A_254 = tpu.memref_slice %arg10[%mul3A_236, %dma_start3A_253] : memref<24x105xi32, #tpu.memory_space<vmem>> -> memref<1x105xi32, #tpu.memory_space<vmem>>
        %dma_start3A_255 = tpu.memref_squeeze %dma_start3A_254 : memref<1x105xi32, #tpu.memory_space<vmem>> -> memref<105xi32, #tpu.memory_space<vmem>>
        %dma_start3A_256 = arith.constant 0 : i32
        %dma_start3A_257 = arith.constant 0 : i32
        %dma_start3A_258 = tpu.memref_slice %arg19[%dma_start3A_256, %dma_start3A_257] : memref<10008x128xf32, #tpu.memory_space<vmem_shared>> -> memref<10008x128xf32, #tpu.memory_space<vmem_shared>>
        tpu.enqueue_indirect_dma source(%arg11 : memref<105x128xf32, #tpu.memory_space<vmem>>) target(%dma_start3A_258 : memref<10008x128xf32, #tpu.memory_space<vmem_shared>>) offsets(%dma_start3A_255 : memref<105xi32, #tpu.memory_space<vmem>>) semaphore(%arg17 : memref<!tpu.dma_semaphore, #tpu.memory_space<semaphore_mem>>) {add = true}
        %dma_wait3A_259 = arith.constant 0 : i32
        %dma_wait3A_260 = tpu.memref_slice %arg9[%add3A_238, %dma_wait3A_259] : memref<24x105xi32, #tpu.memory_space<vmem>> -> memref<1x105xi32, #tpu.memory_space<vmem>>
        %dma_wait3A_261 = tpu.memref_squeeze %dma_wait3A_260 : memref<1x105xi32, #tpu.memory_space<vmem>> -> memref<105xi32, #tpu.memory_space<vmem>>
        %dma_wait3A_262 = arith.constant 0 : i32
        %dma_wait3A_263 = arith.constant 0 : i32
        %dma_wait3A_264 = tpu.memref_slice %arg2[%dma_wait3A_262, %dma_wait3A_263] : memref<10000x128xf32, #tpu.memory_space<hbm>> -> memref<10000x128xf32, #tpu.memory_space<hbm>>
        tpu.wait_indirect_dma semaphore(%arg16 : memref<!tpu.dma_semaphore, #tpu.memory_space<semaphore_mem>>) src(%dma_wait3A_264 : memref<10000x128xf32, #tpu.memory_space<hbm>>) dst(%arg12 : memref<105x128xf32, #tpu.memory_space<vmem>>)
        %dma_start3A_265 = arith.constant 0 : i32
        %dma_start3A_266 = tpu.memref_slice %arg10[%add3A_238, %dma_start3A_265] : memref<24x105xi32, #tpu.memory_space<vmem>> -> memref<1x105xi32, #tpu.memory_space<vmem>>
        %dma_start3A_267 = tpu.memref_squeeze %dma_start3A_266 : memref<1x105xi32, #tpu.memory_space<vmem>> -> memref<105xi32, #tpu.memory_space<vmem>>
        %dma_start3A_268 = arith.constant 0 : i32
        %dma_start3A_269 = arith.constant 0 : i32
        %dma_start3A_270 = tpu.memref_slice %arg19[%dma_start3A_268, %dma_start3A_269] : memref<10008x128xf32, #tpu.memory_space<vmem_shared>> -> memref<10008x128xf32, #tpu.memory_space<vmem_shared>>
        tpu.enqueue_indirect_dma source(%arg12 : memref<105x128xf32, #tpu.memory_space<vmem>>) target(%dma_start3A_270 : memref<10008x128xf32, #tpu.memory_space<vmem_shared>>) offsets(%dma_start3A_267 : memref<105xi32, #tpu.memory_space<vmem>>) semaphore(%arg18 : memref<!tpu.dma_semaphore, #tpu.memory_space<semaphore_mem>>) {add = true}
        %dma_wait3A_271 = arith.constant 0 : i32
        %dma_wait3A_272 = tpu.memref_slice %arg10[%mul3A_236, %dma_wait3A_271] : memref<24x105xi32, #tpu.memory_space<vmem>> -> memref<1x105xi32, #tpu.memory_space<vmem>>
        %dma_wait3A_273 = tpu.memref_squeeze %dma_wait3A_272 : memref<1x105xi32, #tpu.memory_space<vmem>> -> memref<105xi32, #tpu.memory_space<vmem>>
        %dma_wait3A_274 = arith.constant 0 : i32
        %dma_wait3A_275 = arith.constant 0 : i32
        %dma_wait3A_276 = tpu.memref_slice %arg19[%dma_wait3A_274, %dma_wait3A_275] : memref<10008x128xf32, #tpu.memory_space<vmem_shared>> -> memref<10008x128xf32, #tpu.memory_space<vmem_shared>>
        tpu.wait_indirect_dma semaphore(%arg17 : memref<!tpu.dma_semaphore, #tpu.memory_space<semaphore_mem>>) src(%arg11 : memref<105x128xf32, #tpu.memory_space<vmem>>) dst(%dma_wait3A_276 : memref<10008x128xf32, #tpu.memory_space<vmem_shared>>)
        %dma_start3A_277 = arith.constant 0 : i32
        %dma_start3A_278 = tpu.memref_slice %arg9[%min3A_242, %dma_start3A_277] : memref<24x105xi32, #tpu.memory_space<vmem>> -> memref<1x105xi32, #tpu.memory_space<vmem>>
        %dma_start3A_279 = tpu.memref_squeeze %dma_start3A_278 : memref<1x105xi32, #tpu.memory_space<vmem>> -> memref<105xi32, #tpu.memory_space<vmem>>
        %dma_start3A_280 = arith.constant 0 : i32
        %dma_start3A_281 = arith.constant 0 : i32
        %dma_start3A_282 = tpu.memref_slice %arg2[%dma_start3A_280, %dma_start3A_281] : memref<10000x128xf32, #tpu.memory_space<hbm>> -> memref<10000x128xf32, #tpu.memory_space<hbm>>
        tpu.enqueue_indirect_dma source(%dma_start3A_282 : memref<10000x128xf32, #tpu.memory_space<hbm>>) target(%arg11 : memref<105x128xf32, #tpu.memory_space<vmem>>) offsets(%dma_start3A_279 : memref<105xi32, #tpu.memory_space<vmem>>) semaphore(%arg15 : memref<!tpu.dma_semaphore, #tpu.memory_space<semaphore_mem>>)
        %dma_wait3A_283 = arith.constant 0 : i32
        %dma_wait3A_284 = tpu.memref_slice %arg10[%add3A_238, %dma_wait3A_283] : memref<24x105xi32, #tpu.memory_space<vmem>> -> memref<1x105xi32, #tpu.memory_space<vmem>>
        %dma_wait3A_285 = tpu.memref_squeeze %dma_wait3A_284 : memref<1x105xi32, #tpu.memory_space<vmem>> -> memref<105xi32, #tpu.memory_space<vmem>>
        %dma_wait3A_286 = arith.constant 0 : i32
        %dma_wait3A_287 = arith.constant 0 : i32
        %dma_wait3A_288 = tpu.memref_slice %arg19[%dma_wait3A_286, %dma_wait3A_287] : memref<10008x128xf32, #tpu.memory_space<vmem_shared>> -> memref<10008x128xf32, #tpu.memory_space<vmem_shared>>
        tpu.wait_indirect_dma semaphore(%arg18 : memref<!tpu.dma_semaphore, #tpu.memory_space<semaphore_mem>>) src(%arg12 : memref<105x128xf32, #tpu.memory_space<vmem>>) dst(%dma_wait3A_288 : memref<10008x128xf32, #tpu.memory_space<vmem_shared>>)
        %dma_start3A_289 = arith.constant 0 : i32
        %dma_start3A_290 = tpu.memref_slice %arg9[%min3A_246, %dma_start3A_289] : memref<24x105xi32, #tpu.memory_space<vmem>> -> memref<1x105xi32, #tpu.memory_space<vmem>>
        %dma_start3A_291 = tpu.memref_squeeze %dma_start3A_290 : memref<1x105xi32, #tpu.memory_space<vmem>> -> memref<105xi32, #tpu.memory_space<vmem>>
        %dma_start3A_292 = arith.constant 0 : i32
        %dma_start3A_293 = arith.constant 0 : i32
        %dma_start3A_294 = tpu.memref_slice %arg2[%dma_start3A_292, %dma_start3A_293] : memref<10000x128xf32, #tpu.memory_space<hbm>> -> memref<10000x128xf32, #tpu.memory_space<hbm>>
        tpu.enqueue_indirect_dma source(%dma_start3A_294 : memref<10000x128xf32, #tpu.memory_space<hbm>>) target(%arg12 : memref<105x128xf32, #tpu.memory_space<vmem>>) offsets(%dma_start3A_291 : memref<105xi32, #tpu.memory_space<vmem>>) semaphore(%arg16 : memref<!tpu.dma_semaphore, #tpu.memory_space<semaphore_mem>>)
      }
      %scan3A_198 = arith.constant 12 : i32
      %dma_wait3A_199 = arith.constant 23 : i32
      %dma_wait3A_200 = arith.constant 0 : i32
      %dma_wait3A_201 = tpu.memref_slice %arg9[%dma_wait3A_199, %dma_wait3A_200] : memref<24x105xi32, #tpu.memory_space<vmem>> -> memref<1x105xi32, #tpu.memory_space<vmem>>
      %dma_wait3A_202 = tpu.memref_squeeze %dma_wait3A_201 : memref<1x105xi32, #tpu.memory_space<vmem>> -> memref<105xi32, #tpu.memory_space<vmem>>
      %dma_wait3A_203 = arith.constant 0 : i32
      %dma_wait3A_204 = arith.constant 0 : i32
      %dma_wait3A_205 = tpu.memref_slice %arg2[%dma_wait3A_203, %dma_wait3A_204] : memref<10000x128xf32, #tpu.memory_space<hbm>> -> memref<10000x128xf32, #tpu.memory_space<hbm>>
      tpu.wait_indirect_dma semaphore(%arg15 : memref<!tpu.dma_semaphore, #tpu.memory_space<semaphore_mem>>) src(%dma_wait3A_205 : memref<10000x128xf32, #tpu.memory_space<hbm>>) dst(%arg11 : memref<105x128xf32, #tpu.memory_space<vmem>>)
      %dma_wait3A_206 = arith.constant 23 : i32
      %dma_wait3A_207 = arith.constant 0 : i32
      %dma_wait3A_208 = tpu.memref_slice %arg9[%dma_wait3A_206, %dma_wait3A_207] : memref<24x105xi32, #tpu.memory_space<vmem>> -> memref<1x105xi32, #tpu.memory_space<vmem>>
      %dma_wait3A_209 = tpu.memref_squeeze %dma_wait3A_208 : memref<1x105xi32, #tpu.memory_space<vmem>> -> memref<105xi32, #tpu.memory_space<vmem>>
      %dma_wait3A_210 = arith.constant 0 : i32
      %dma_wait3A_211 = arith.constant 0 : i32
      %dma_wait3A_212 = tpu.memref_slice %arg2[%dma_wait3A_210, %dma_wait3A_211] : memref<10000x128xf32, #tpu.memory_space<hbm>> -> memref<10000x128xf32, #tpu.memory_space<hbm>>
      tpu.wait_indirect_dma semaphore(%arg16 : memref<!tpu.dma_semaphore, #tpu.memory_space<semaphore_mem>>) src(%dma_wait3A_212 : memref<10000x128xf32, #tpu.memory_space<hbm>>) dst(%arg12 : memref<105x128xf32, #tpu.memory_space<vmem>>)
      %mul3A_213 = arith.constant 2 : i32
      %mul3A_214 = arith.muli %mul3A_213, %while3A_102 : i32
      %add3A_215 = arith.constant 3 : i32
      %add3A_216 = arith.addi %mul3A_214, %add3A_215 : i32
      %sub3A_217 = arith.constant 1 : i32
      %sub3A_218 = arith.subi %select_n3A_8, %sub3A_217 : i32
      %min3A_219 = arith.minsi %add3A_216, %sub3A_218 : i32
      %mul3A_220 = arith.constant 24 : i32
      %mul3A_221 = arith.muli %min3A_219, %mul3A_220 : i32
      %add3A_222 = arith.addi %select_n3A, %mul3A_221 : i32
      %dma_start3A_223 = arith.constant 0 : i32
      %dma_start3A_224 = tpu.memref_slice %arg3[%add3A_222, %dma_start3A_223] : memref<3168x105xi32, #tpu.memory_space<hbm>> -> memref<24x105xi32, #tpu.memory_space<hbm>>
      %dma_start3A_225 = arith.constant 0 : i32
      %dma_start3A_226 = tpu.memref_slice %arg3[%add3A_222, %dma_start3A_225] : memref<3168x105xi32, #tpu.memory_space<hbm>> -> memref<24x105xi32, #tpu.memory_space<hbm>>
      tpu.enqueue_dma source(%dma_start3A_226 : memref<24x105xi32, #tpu.memory_space<hbm>>) target(%arg9 : memref<24x105xi32, #tpu.memory_space<vmem>>) target_semaphore(%arg14 : memref<!tpu.dma_semaphore, #tpu.memory_space<semaphore_mem>>)
      %mul3A_227 = arith.constant 24 : i32
      %mul3A_228 = arith.muli %min3A_219, %mul3A_227 : i32
      %add3A_229 = arith.addi %select_n3A, %mul3A_228 : i32
      %dma_start3A_230 = arith.constant 0 : i32
      %dma_start3A_231 = tpu.memref_slice %arg4[%add3A_229, %dma_start3A_230] : memref<3168x105xi32, #tpu.memory_space<hbm>> -> memref<24x105xi32, #tpu.memory_space<hbm>>
      %dma_start3A_232 = arith.constant 0 : i32
      %dma_start3A_233 = tpu.memref_slice %arg4[%add3A_229, %dma_start3A_232] : memref<3168x105xi32, #tpu.memory_space<hbm>> -> memref<24x105xi32, #tpu.memory_space<hbm>>
      tpu.enqueue_dma source(%dma_start3A_233 : memref<24x105xi32, #tpu.memory_space<hbm>>) target(%arg10 : memref<24x105xi32, #tpu.memory_space<vmem>>) target_semaphore(%arg14 : memref<!tpu.dma_semaphore, #tpu.memory_space<semaphore_mem>>)
    }
    %while3A_67 = arith.constant 1 : i32
    scf.for %while3A_102 = %while3A_65 to %while3A_61 step %while3A_67  : i32 {
      %dma_wait3A_103 = arith.constant 0 : i32
      %dma_wait3A_104 = arith.constant 0 : i32
      %dma_wait3A_105 = tpu.memref_slice %arg3[%dma_wait3A_103, %dma_wait3A_104] : memref<3168x105xi32, #tpu.memory_space<hbm>> -> memref<24x105xi32, #tpu.memory_space<hbm>>
      %dma_wait3A_106 = arith.constant 0 : i32
      %dma_wait3A_107 = arith.constant 0 : i32
      %dma_wait3A_108 = tpu.memref_slice %arg3[%dma_wait3A_106, %dma_wait3A_107] : memref<3168x105xi32, #tpu.memory_space<hbm>> -> memref<24x105xi32, #tpu.memory_space<hbm>>
      tpu.wait_dma2 semaphore(%arg13 : memref<!tpu.dma_semaphore, #tpu.memory_space<semaphore_mem>>) src(%dma_wait3A_108 : memref<24x105xi32, #tpu.memory_space<hbm>>) dst(%arg7 : memref<24x105xi32, #tpu.memory_space<vmem>>)
      %dma_wait3A_109 = arith.constant 0 : i32
      %dma_wait3A_110 = arith.constant 0 : i32
      %dma_wait3A_111 = tpu.memref_slice %arg4[%dma_wait3A_109, %dma_wait3A_110] : memref<3168x105xi32, #tpu.memory_space<hbm>> -> memref<24x105xi32, #tpu.memory_space<hbm>>
      %dma_wait3A_112 = arith.constant 0 : i32
      %dma_wait3A_113 = arith.constant 0 : i32
      %dma_wait3A_114 = tpu.memref_slice %arg4[%dma_wait3A_112, %dma_wait3A_113] : memref<3168x105xi32, #tpu.memory_space<hbm>> -> memref<24x105xi32, #tpu.memory_space<hbm>>
      tpu.wait_dma2 semaphore(%arg13 : memref<!tpu.dma_semaphore, #tpu.memory_space<semaphore_mem>>) src(%dma_wait3A_114 : memref<24x105xi32, #tpu.memory_space<hbm>>) dst(%arg8 : memref<24x105xi32, #tpu.memory_space<vmem>>)
      %dma_start3A_115 = arith.constant 0 : i32
      %dma_start3A_116 = arith.constant 0 : i32
      %dma_start3A_117 = tpu.memref_slice %arg7[%dma_start3A_115, %dma_start3A_116] : memref<24x105xi32, #tpu.memory_space<vmem>> -> memref<1x105xi32, #tpu.memory_space<vmem>>
      %dma_start3A_118 = tpu.memref_squeeze %dma_start3A_117 : memref<1x105xi32, #tpu.memory_space<vmem>> -> memref<105xi32, #tpu.memory_space<vmem>>
      %dma_start3A_119 = arith.constant 0 : i32
      %dma_start3A_120 = arith.constant 0 : i32
      %dma_start3A_121 = tpu.memref_slice %arg2[%dma_start3A_119, %dma_start3A_120] : memref<10000x128xf32, #tpu.memory_space<hbm>> -> memref<10000x128xf32, #tpu.memory_space<hbm>>
      tpu.enqueue_indirect_dma source(%dma_start3A_121 : memref<10000x128xf32, #tpu.memory_space<hbm>>) target(%arg11 : memref<105x128xf32, #tpu.memory_space<vmem>>) offsets(%dma_start3A_118 : memref<105xi32, #tpu.memory_space<vmem>>) semaphore(%arg15 : memref<!tpu.dma_semaphore, #tpu.memory_space<semaphore_mem>>)
      %dma_start3A_122 = arith.constant 1 : i32
      %dma_start3A_123 = arith.constant 0 : i32
      %dma_start3A_124 = tpu.memref_slice %arg7[%dma_start3A_122, %dma_start3A_123] : memref<24x105xi32, #tpu.memory_space<vmem>> -> memref<1x105xi32, #tpu.memory_space<vmem>>
      %dma_start3A_125 = tpu.memref_squeeze %dma_start3A_124 : memref<1x105xi32, #tpu.memory_space<vmem>> -> memref<105xi32, #tpu.memory_space<vmem>>
      %dma_start3A_126 = arith.constant 0 : i32
      %dma_start3A_127 = arith.constant 0 : i32
      %dma_start3A_128 = tpu.memref_slice %arg2[%dma_start3A_126, %dma_start3A_127] : memref<10000x128xf32, #tpu.memory_space<hbm>> -> memref<10000x128xf32, #tpu.memory_space<hbm>>
      tpu.enqueue_indirect_dma source(%dma_start3A_128 : memref<10000x128xf32, #tpu.memory_space<hbm>>) target(%arg12 : memref<105x128xf32, #tpu.memory_space<vmem>>) offsets(%dma_start3A_125 : memref<105xi32, #tpu.memory_space<vmem>>) semaphore(%arg16 : memref<!tpu.dma_semaphore, #tpu.memory_space<semaphore_mem>>)
      %scan3A = arith.constant 0 : i32
      %scan3A_129 = arith.constant 0 : i32
      %scan3A_130 = arith.constant 12 : i32
      %scan3A_131 = arith.addi %scan3A_129, %scan3A_130 : i32
      %scan3A_132 = arith.constant 1 : i32
      scf.for %scan3A_234 = %scan3A_129 to %scan3A_131 step %scan3A_132  : i32 {
        %mul3A_235 = arith.constant 2 : i32
        %mul3A_236 = arith.muli %mul3A_235, %scan3A_234 : i32
        %add3A_237 = arith.constant 1 : i32
        %add3A_238 = arith.addi %mul3A_236, %add3A_237 : i32
        %add3A_239 = arith.constant 2 : i32
        %add3A_240 = arith.addi %mul3A_236, %add3A_239 : i32
        %min3A_241 = arith.constant 23 : i32
        %min3A_242 = arith.minsi %add3A_240, %min3A_241 : i32
        %add3A_243 = arith.constant 3 : i32
        %add3A_244 = arith.addi %mul3A_236, %add3A_243 : i32
        %min3A_245 = arith.constant 23 : i32
        %min3A_246 = arith.minsi %add3A_244, %min3A_245 : i32
        %dma_wait3A_247 = arith.constant 0 : i32
        %dma_wait3A_248 = tpu.memref_slice %arg7[%mul3A_236, %dma_wait3A_247] : memref<24x105xi32, #tpu.memory_space<vmem>> -> memref<1x105xi32, #tpu.memory_space<vmem>>
        %dma_wait3A_249 = tpu.memref_squeeze %dma_wait3A_248 : memref<1x105xi32, #tpu.memory_space<vmem>> -> memref<105xi32, #tpu.memory_space<vmem>>
        %dma_wait3A_250 = arith.constant 0 : i32
        %dma_wait3A_251 = arith.constant 0 : i32
        %dma_wait3A_252 = tpu.memref_slice %arg2[%dma_wait3A_250, %dma_wait3A_251] : memref<10000x128xf32, #tpu.memory_space<hbm>> -> memref<10000x128xf32, #tpu.memory_space<hbm>>
        tpu.wait_indirect_dma semaphore(%arg15 : memref<!tpu.dma_semaphore, #tpu.memory_space<semaphore_mem>>) src(%dma_wait3A_252 : memref<10000x128xf32, #tpu.memory_space<hbm>>) dst(%arg11 : memref<105x128xf32, #tpu.memory_space<vmem>>)
        %dma_start3A_253 = arith.constant 0 : i32
        %dma_start3A_254 = tpu.memref_slice %arg8[%mul3A_236, %dma_start3A_253] : memref<24x105xi32, #tpu.memory_space<vmem>> -> memref<1x105xi32, #tpu.memory_space<vmem>>
        %dma_start3A_255 = tpu.memref_squeeze %dma_start3A_254 : memref<1x105xi32, #tpu.memory_space<vmem>> -> memref<105xi32, #tpu.memory_space<vmem>>
        %dma_start3A_256 = arith.constant 0 : i32
        %dma_start3A_257 = arith.constant 0 : i32
        %dma_start3A_258 = tpu.memref_slice %arg19[%dma_start3A_256, %dma_start3A_257] : memref<10008x128xf32, #tpu.memory_space<vmem_shared>> -> memref<10008x128xf32, #tpu.memory_space<vmem_shared>>
        tpu.enqueue_indirect_dma source(%arg11 : memref<105x128xf32, #tpu.memory_space<vmem>>) target(%dma_start3A_258 : memref<10008x128xf32, #tpu.memory_space<vmem_shared>>) offsets(%dma_start3A_255 : memref<105xi32, #tpu.memory_space<vmem>>) semaphore(%arg17 : memref<!tpu.dma_semaphore, #tpu.memory_space<semaphore_mem>>) {add = true}
        %dma_wait3A_259 = arith.constant 0 : i32
        %dma_wait3A_260 = tpu.memref_slice %arg7[%add3A_238, %dma_wait3A_259] : memref<24x105xi32, #tpu.memory_space<vmem>> -> memref<1x105xi32, #tpu.memory_space<vmem>>
        %dma_wait3A_261 = tpu.memref_squeeze %dma_wait3A_260 : memref<1x105xi32, #tpu.memory_space<vmem>> -> memref<105xi32, #tpu.memory_space<vmem>>
        %dma_wait3A_262 = arith.constant 0 : i32
        %dma_wait3A_263 = arith.constant 0 : i32
        %dma_wait3A_264 = tpu.memref_slice %arg2[%dma_wait3A_262, %dma_wait3A_263] : memref<10000x128xf32, #tpu.memory_space<hbm>> -> memref<10000x128xf32, #tpu.memory_space<hbm>>
        tpu.wait_indirect_dma semaphore(%arg16 : memref<!tpu.dma_semaphore, #tpu.memory_space<semaphore_mem>>) src(%dma_wait3A_264 : memref<10000x128xf32, #tpu.memory_space<hbm>>) dst(%arg12 : memref<105x128xf32, #tpu.memory_space<vmem>>)
        %dma_start3A_265 = arith.constant 0 : i32
        %dma_start3A_266 = tpu.memref_slice %arg8[%add3A_238, %dma_start3A_265] : memref<24x105xi32, #tpu.memory_space<vmem>> -> memref<1x105xi32, #tpu.memory_space<vmem>>
        %dma_start3A_267 = tpu.memref_squeeze %dma_start3A_266 : memref<1x105xi32, #tpu.memory_space<vmem>> -> memref<105xi32, #tpu.memory_space<vmem>>
        %dma_start3A_268 = arith.constant 0 : i32
        %dma_start3A_269 = arith.constant 0 : i32
        %dma_start3A_270 = tpu.memref_slice %arg19[%dma_start3A_268, %dma_start3A_269] : memref<10008x128xf32, #tpu.memory_space<vmem_shared>> -> memref<10008x128xf32, #tpu.memory_space<vmem_shared>>
        tpu.enqueue_indirect_dma source(%arg12 : memref<105x128xf32, #tpu.memory_space<vmem>>) target(%dma_start3A_270 : memref<10008x128xf32, #tpu.memory_space<vmem_shared>>) offsets(%dma_start3A_267 : memref<105xi32, #tpu.memory_space<vmem>>) semaphore(%arg18 : memref<!tpu.dma_semaphore, #tpu.memory_space<semaphore_mem>>) {add = true}
        %dma_wait3A_271 = arith.constant 0 : i32
        %dma_wait3A_272 = tpu.memref_slice %arg8[%mul3A_236, %dma_wait3A_271] : memref<24x105xi32, #tpu.memory_space<vmem>> -> memref<1x105xi32, #tpu.memory_space<vmem>>
        %dma_wait3A_273 = tpu.memref_squeeze %dma_wait3A_272 : memref<1x105xi32, #tpu.memory_space<vmem>> -> memref<105xi32, #tpu.memory_space<vmem>>
        %dma_wait3A_274 = arith.constant 0 : i32
        %dma_wait3A_275 = arith.constant 0 : i32
        %dma_wait3A_276 = tpu.memref_slice %arg19[%dma_wait3A_274, %dma_wait3A_275] : memref<10008x128xf32, #tpu.memory_space<vmem_shared>> -> memref<10008x128xf32, #tpu.memory_space<vmem_shared>>
        tpu.wait_indirect_dma semaphore(%arg17 : memref<!tpu.dma_semaphore, #tpu.memory_space<semaphore_mem>>) src(%arg11 : memref<105x128xf32, #tpu.memory_space<vmem>>) dst(%dma_wait3A_276 : memref<10008x128xf32, #tpu.memory_space<vmem_shared>>)
        %dma_start3A_277 = arith.constant 0 : i32
        %dma_start3A_278 = tpu.memref_slice %arg7[%min3A_242, %dma_start3A_277] : memref<24x105xi32, #tpu.memory_space<vmem>> -> memref<1x105xi32, #tpu.memory_space<vmem>>
        %dma_start3A_279 = tpu.memref_squeeze %dma_start3A_278 : memref<1x105xi32, #tpu.memory_space<vmem>> -> memref<105xi32, #tpu.memory_space<vmem>>
        %dma_start3A_280 = arith.constant 0 : i32
        %dma_start3A_281 = arith.constant 0 : i32
        %dma_start3A_282 = tpu.memref_slice %arg2[%dma_start3A_280, %dma_start3A_281] : memref<10000x128xf32, #tpu.memory_space<hbm>> -> memref<10000x128xf32, #tpu.memory_space<hbm>>
        tpu.enqueue_indirect_dma source(%dma_start3A_282 : memref<10000x128xf32, #tpu.memory_space<hbm>>) target(%arg11 : memref<105x128xf32, #tpu.memory_space<vmem>>) offsets(%dma_start3A_279 : memref<105xi32, #tpu.memory_space<vmem>>) semaphore(%arg15 : memref<!tpu.dma_semaphore, #tpu.memory_space<semaphore_mem>>)
        %dma_wait3A_283 = arith.constant 0 : i32
        %dma_wait3A_284 = tpu.memref_slice %arg8[%add3A_238, %dma_wait3A_283] : memref<24x105xi32, #tpu.memory_space<vmem>> -> memref<1x105xi32, #tpu.memory_space<vmem>>
        %dma_wait3A_285 = tpu.memref_squeeze %dma_wait3A_284 : memref<1x105xi32, #tpu.memory_space<vmem>> -> memref<105xi32, #tpu.memory_space<vmem>>
        %dma_wait3A_286 = arith.constant 0 : i32
        %dma_wait3A_287 = arith.constant 0 : i32
        %dma_wait3A_288 = tpu.memref_slice %arg19[%dma_wait3A_286, %dma_wait3A_287] : memref<10008x128xf32, #tpu.memory_space<vmem_shared>> -> memref<10008x128xf32, #tpu.memory_space<vmem_shared>>
        tpu.wait_indirect_dma semaphore(%arg18 : memref<!tpu.dma_semaphore, #tpu.memory_space<semaphore_mem>>) src(%arg12 : memref<105x128xf32, #tpu.memory_space<vmem>>) dst(%dma_wait3A_288 : memref<10008x128xf32, #tpu.memory_space<vmem_shared>>)
        %dma_start3A_289 = arith.constant 0 : i32
        %dma_start3A_290 = tpu.memref_slice %arg7[%min3A_246, %dma_start3A_289] : memref<24x105xi32, #tpu.memory_space<vmem>> -> memref<1x105xi32, #tpu.memory_space<vmem>>
        %dma_start3A_291 = tpu.memref_squeeze %dma_start3A_290 : memref<1x105xi32, #tpu.memory_space<vmem>> -> memref<105xi32, #tpu.memory_space<vmem>>
        %dma_start3A_292 = arith.constant 0 : i32
        %dma_start3A_293 = arith.constant 0 : i32
        %dma_start3A_294 = tpu.memref_slice %arg2[%dma_start3A_292, %dma_start3A_293] : memref<10000x128xf32, #tpu.memory_space<hbm>> -> memref<10000x128xf32, #tpu.memory_space<hbm>>
        tpu.enqueue_indirect_dma source(%dma_start3A_294 : memref<10000x128xf32, #tpu.memory_space<hbm>>) target(%arg12 : memref<105x128xf32, #tpu.memory_space<vmem>>) offsets(%dma_start3A_291 : memref<105xi32, #tpu.memory_space<vmem>>) semaphore(%arg16 : memref<!tpu.dma_semaphore, #tpu.memory_space<semaphore_mem>>)
      }
      %scan3A_133 = arith.constant 12 : i32
      %dma_wait3A_134 = arith.constant 23 : i32
      %dma_wait3A_135 = arith.constant 0 : i32
      %dma_wait3A_136 = tpu.memref_slice %arg7[%dma_wait3A_134, %dma_wait3A_135] : memref<24x105xi32, #tpu.memory_space<vmem>> -> memref<1x105xi32, #tpu.memory_space<vmem>>
      %dma_wait3A_137 = tpu.memref_squeeze %dma_wait3A_136 : memref<1x105xi32, #tpu.memory_space<vmem>> -> memref<105xi32, #tpu.memory_space<vmem>>
      %dma_wait3A_138 = arith.constant 0 : i32
      %dma_wait3A_139 = arith.constant 0 : i32
      %dma_wait3A_140 = tpu.memref_slice %arg2[%dma_wait3A_138, %dma_wait3A_139] : memref<10000x128xf32, #tpu.memory_space<hbm>> -> memref<10000x128xf32, #tpu.memory_space<hbm>>
      tpu.wait_indirect_dma semaphore(%arg15 : memref<!tpu.dma_semaphore, #tpu.memory_space<semaphore_mem>>) src(%dma_wait3A_140 : memref<10000x128xf32, #tpu.memory_space<hbm>>) dst(%arg11 : memref<105x128xf32, #tpu.memory_space<vmem>>)
      %dma_wait3A_141 = arith.constant 23 : i32
      %dma_wait3A_142 = arith.constant 0 : i32
      %dma_wait3A_143 = tpu.memref_slice %arg7[%dma_wait3A_141, %dma_wait3A_142] : memref<24x105xi32, #tpu.memory_space<vmem>> -> memref<1x105xi32, #tpu.memory_space<vmem>>
      %dma_wait3A_144 = tpu.memref_squeeze %dma_wait3A_143 : memref<1x105xi32, #tpu.memory_space<vmem>> -> memref<105xi32, #tpu.memory_space<vmem>>
      %dma_wait3A_145 = arith.constant 0 : i32
      %dma_wait3A_146 = arith.constant 0 : i32
      %dma_wait3A_147 = tpu.memref_slice %arg2[%dma_wait3A_145, %dma_wait3A_146] : memref<10000x128xf32, #tpu.memory_space<hbm>> -> memref<10000x128xf32, #tpu.memory_space<hbm>>
      tpu.wait_indirect_dma semaphore(%arg16 : memref<!tpu.dma_semaphore, #tpu.memory_space<semaphore_mem>>) src(%dma_wait3A_147 : memref<10000x128xf32, #tpu.memory_space<hbm>>) dst(%arg12 : memref<105x128xf32, #tpu.memory_space<vmem>>)
      %mul3A_148 = arith.constant 2 : i32
      %mul3A_149 = arith.muli %mul3A_148, %while3A_102 : i32
      %add3A_150 = arith.constant 2 : i32
      %add3A_151 = arith.addi %mul3A_149, %add3A_150 : i32
      %sub3A = arith.constant 1 : i32
      %sub3A_152 = arith.subi %select_n3A_8, %sub3A : i32
      %min3A = arith.minsi %add3A_151, %sub3A_152 : i32
      %mul3A_153 = arith.constant 24 : i32
      %mul3A_154 = arith.muli %min3A, %mul3A_153 : i32
      %add3A_155 = arith.addi %select_n3A, %mul3A_154 : i32
      %dma_start3A_156 = arith.constant 0 : i32
      %dma_start3A_157 = tpu.memref_slice %arg3[%add3A_155, %dma_start3A_156] : memref<3168x105xi32, #tpu.memory_space<hbm>> -> memref<24x105xi32, #tpu.memory_space<hbm>>
      %dma_start3A_158 = arith.constant 0 : i32
      %dma_start3A_159 = tpu.memref_slice %arg3[%add3A_155, %dma_start3A_158] : memref<3168x105xi32, #tpu.memory_space<hbm>> -> memref<24x105xi32, #tpu.memory_space<hbm>>
      tpu.enqueue_dma source(%dma_start3A_159 : memref<24x105xi32, #tpu.memory_space<hbm>>) target(%arg7 : memref<24x105xi32, #tpu.memory_space<vmem>>) target_semaphore(%arg13 : memref<!tpu.dma_semaphore, #tpu.memory_space<semaphore_mem>>)
      %mul3A_160 = arith.constant 24 : i32
      %mul3A_161 = arith.muli %min3A, %mul3A_160 : i32
      %add3A_162 = arith.addi %select_n3A, %mul3A_161 : i32
      %dma_start3A_163 = arith.constant 0 : i32
      %dma_start3A_164 = tpu.memref_slice %arg4[%add3A_162, %dma_start3A_163] : memref<3168x105xi32, #tpu.memory_space<hbm>> -> memref<24x105xi32, #tpu.memory_space<hbm>>
      %dma_start3A_165 = arith.constant 0 : i32
      %dma_start3A_166 = tpu.memref_slice %arg4[%add3A_162, %dma_start3A_165] : memref<3168x105xi32, #tpu.memory_space<hbm>> -> memref<24x105xi32, #tpu.memory_space<hbm>>
      tpu.enqueue_dma source(%dma_start3A_166 : memref<24x105xi32, #tpu.memory_space<hbm>>) target(%arg8 : memref<24x105xi32, #tpu.memory_space<vmem>>) target_semaphore(%arg13 : memref<!tpu.dma_semaphore, #tpu.memory_space<semaphore_mem>>)
      %dma_wait3A_167 = arith.constant 0 : i32
      %dma_wait3A_168 = arith.constant 0 : i32
      %dma_wait3A_169 = tpu.memref_slice %arg3[%dma_wait3A_167, %dma_wait3A_168] : memref<3168x105xi32, #tpu.memory_space<hbm>> -> memref<24x105xi32, #tpu.memory_space<hbm>>
      %dma_wait3A_170 = arith.constant 0 : i32
      %dma_wait3A_171 = arith.constant 0 : i32
      %dma_wait3A_172 = tpu.memref_slice %arg3[%dma_wait3A_170, %dma_wait3A_171] : memref<3168x105xi32, #tpu.memory_space<hbm>> -> memref<24x105xi32, #tpu.memory_space<hbm>>
      tpu.wait_dma2 semaphore(%arg14 : memref<!tpu.dma_semaphore, #tpu.memory_space<semaphore_mem>>) src(%dma_wait3A_172 : memref<24x105xi32, #tpu.memory_space<hbm>>) dst(%arg9 : memref<24x105xi32, #tpu.memory_space<vmem>>)
      %dma_wait3A_173 = arith.constant 0 : i32
      %dma_wait3A_174 = arith.constant 0 : i32
      %dma_wait3A_175 = tpu.memref_slice %arg4[%dma_wait3A_173, %dma_wait3A_174] : memref<3168x105xi32, #tpu.memory_space<hbm>> -> memref<24x105xi32, #tpu.memory_space<hbm>>
      %dma_wait3A_176 = arith.constant 0 : i32
      %dma_wait3A_177 = arith.constant 0 : i32
      %dma_wait3A_178 = tpu.memref_slice %arg4[%dma_wait3A_176, %dma_wait3A_177] : memref<3168x105xi32, #tpu.memory_space<hbm>> -> memref<24x105xi32, #tpu.memory_space<hbm>>
      tpu.wait_dma2 semaphore(%arg14 : memref<!tpu.dma_semaphore, #tpu.memory_space<semaphore_mem>>) src(%dma_wait3A_178 : memref<24x105xi32, #tpu.memory_space<hbm>>) dst(%arg10 : memref<24x105xi32, #tpu.memory_space<vmem>>)
      %dma_start3A_179 = arith.constant 0 : i32
      %dma_start3A_180 = arith.constant 0 : i32
      %dma_start3A_181 = tpu.memref_slice %arg9[%dma_start3A_179, %dma_start3A_180] : memref<24x105xi32, #tpu.memory_space<vmem>> -> memref<1x105xi32, #tpu.memory_space<vmem>>
      %dma_start3A_182 = tpu.memref_squeeze %dma_start3A_181 : memref<1x105xi32, #tpu.memory_space<vmem>> -> memref<105xi32, #tpu.memory_space<vmem>>
      %dma_start3A_183 = arith.constant 0 : i32
      %dma_start3A_184 = arith.constant 0 : i32
      %dma_start3A_185 = tpu.memref_slice %arg2[%dma_start3A_183, %dma_start3A_184] : memref<10000x128xf32, #tpu.memory_space<hbm>> -> memref<10000x128xf32, #tpu.memory_space<hbm>>
      tpu.enqueue_indirect_dma source(%dma_start3A_185 : memref<10000x128xf32, #tpu.memory_space<hbm>>) target(%arg11 : memref<105x128xf32, #tpu.memory_space<vmem>>) offsets(%dma_start3A_182 : memref<105xi32, #tpu.memory_space<vmem>>) semaphore(%arg15 : memref<!tpu.dma_semaphore, #tpu.memory_space<semaphore_mem>>)
      %dma_start3A_186 = arith.constant 1 : i32
      %dma_start3A_187 = arith.constant 0 : i32
      %dma_start3A_188 = tpu.memref_slice %arg9[%dma_start3A_186, %dma_start3A_187] : memref<24x105xi32, #tpu.memory_space<vmem>> -> memref<1x105xi32, #tpu.memory_space<vmem>>
      %dma_start3A_189 = tpu.memref_squeeze %dma_start3A_188 : memref<1x105xi32, #tpu.memory_space<vmem>> -> memref<105xi32, #tpu.memory_space<vmem>>
      %dma_start3A_190 = arith.constant 0 : i32
      %dma_start3A_191 = arith.constant 0 : i32
      %dma_start3A_192 = tpu.memref_slice %arg2[%dma_start3A_190, %dma_start3A_191] : memref<10000x128xf32, #tpu.memory_space<hbm>> -> memref<10000x128xf32, #tpu.memory_space<hbm>>
      tpu.enqueue_indirect_dma source(%dma_start3A_192 : memref<10000x128xf32, #tpu.memory_space<hbm>>) target(%arg12 : memref<105x128xf32, #tpu.memory_space<vmem>>) offsets(%dma_start3A_189 : memref<105xi32, #tpu.memory_space<vmem>>) semaphore(%arg16 : memref<!tpu.dma_semaphore, #tpu.memory_space<semaphore_mem>>)
      %scan3A_193 = arith.constant 0 : i32
      %scan3A_194 = arith.constant 0 : i32
      %scan3A_195 = arith.constant 12 : i32
      %scan3A_196 = arith.addi %scan3A_194, %scan3A_195 : i32
      %scan3A_197 = arith.constant 1 : i32
      scf.for %scan3A_234 = %scan3A_194 to %scan3A_196 step %scan3A_197  : i32 {
        %mul3A_235 = arith.constant 2 : i32
        %mul3A_236 = arith.muli %mul3A_235, %scan3A_234 : i32
        %add3A_237 = arith.constant 1 : i32
        %add3A_238 = arith.addi %mul3A_236, %add3A_237 : i32
        %add3A_239 = arith.constant 2 : i32
        %add3A_240 = arith.addi %mul3A_236, %add3A_239 : i32
        %min3A_241 = arith.constant 23 : i32
        %min3A_242 = arith.minsi %add3A_240, %min3A_241 : i32
        %add3A_243 = arith.constant 3 : i32
        %add3A_244 = arith.addi %mul3A_236, %add3A_243 : i32
        %min3A_245 = arith.constant 23 : i32
        %min3A_246 = arith.minsi %add3A_244, %min3A_245 : i32
        %dma_wait3A_247 = arith.constant 0 : i32
        %dma_wait3A_248 = tpu.memref_slice %arg9[%mul3A_236, %dma_wait3A_247] : memref<24x105xi32, #tpu.memory_space<vmem>> -> memref<1x105xi32, #tpu.memory_space<vmem>>
        %dma_wait3A_249 = tpu.memref_squeeze %dma_wait3A_248 : memref<1x105xi32, #tpu.memory_space<vmem>> -> memref<105xi32, #tpu.memory_space<vmem>>
        %dma_wait3A_250 = arith.constant 0 : i32
        %dma_wait3A_251 = arith.constant 0 : i32
        %dma_wait3A_252 = tpu.memref_slice %arg2[%dma_wait3A_250, %dma_wait3A_251] : memref<10000x128xf32, #tpu.memory_space<hbm>> -> memref<10000x128xf32, #tpu.memory_space<hbm>>
        tpu.wait_indirect_dma semaphore(%arg15 : memref<!tpu.dma_semaphore, #tpu.memory_space<semaphore_mem>>) src(%dma_wait3A_252 : memref<10000x128xf32, #tpu.memory_space<hbm>>) dst(%arg11 : memref<105x128xf32, #tpu.memory_space<vmem>>)
        %dma_start3A_253 = arith.constant 0 : i32
        %dma_start3A_254 = tpu.memref_slice %arg10[%mul3A_236, %dma_start3A_253] : memref<24x105xi32, #tpu.memory_space<vmem>> -> memref<1x105xi32, #tpu.memory_space<vmem>>
        %dma_start3A_255 = tpu.memref_squeeze %dma_start3A_254 : memref<1x105xi32, #tpu.memory_space<vmem>> -> memref<105xi32, #tpu.memory_space<vmem>>
        %dma_start3A_256 = arith.constant 0 : i32
        %dma_start3A_257 = arith.constant 0 : i32
        %dma_start3A_258 = tpu.memref_slice %arg19[%dma_start3A_256, %dma_start3A_257] : memref<10008x128xf32, #tpu.memory_space<vmem_shared>> -> memref<10008x128xf32, #tpu.memory_space<vmem_shared>>
        tpu.enqueue_indirect_dma source(%arg11 : memref<105x128xf32, #tpu.memory_space<vmem>>) target(%dma_start3A_258 : memref<10008x128xf32, #tpu.memory_space<vmem_shared>>) offsets(%dma_start3A_255 : memref<105xi32, #tpu.memory_space<vmem>>) semaphore(%arg17 : memref<!tpu.dma_semaphore, #tpu.memory_space<semaphore_mem>>) {add = true}
        %dma_wait3A_259 = arith.constant 0 : i32
        %dma_wait3A_260 = tpu.memref_slice %arg9[%add3A_238, %dma_wait3A_259] : memref<24x105xi32, #tpu.memory_space<vmem>> -> memref<1x105xi32, #tpu.memory_space<vmem>>
        %dma_wait3A_261 = tpu.memref_squeeze %dma_wait3A_260 : memref<1x105xi32, #tpu.memory_space<vmem>> -> memref<105xi32, #tpu.memory_space<vmem>>
        %dma_wait3A_262 = arith.constant 0 : i32
        %dma_wait3A_263 = arith.constant 0 : i32
        %dma_wait3A_264 = tpu.memref_slice %arg2[%dma_wait3A_262, %dma_wait3A_263] : memref<10000x128xf32, #tpu.memory_space<hbm>> -> memref<10000x128xf32, #tpu.memory_space<hbm>>
        tpu.wait_indirect_dma semaphore(%arg16 : memref<!tpu.dma_semaphore, #tpu.memory_space<semaphore_mem>>) src(%dma_wait3A_264 : memref<10000x128xf32, #tpu.memory_space<hbm>>) dst(%arg12 : memref<105x128xf32, #tpu.memory_space<vmem>>)
        %dma_start3A_265 = arith.constant 0 : i32
        %dma_start3A_266 = tpu.memref_slice %arg10[%add3A_238, %dma_start3A_265] : memref<24x105xi32, #tpu.memory_space<vmem>> -> memref<1x105xi32, #tpu.memory_space<vmem>>
        %dma_start3A_267 = tpu.memref_squeeze %dma_start3A_266 : memref<1x105xi32, #tpu.memory_space<vmem>> -> memref<105xi32, #tpu.memory_space<vmem>>
        %dma_start3A_268 = arith.constant 0 : i32
        %dma_start3A_269 = arith.constant 0 : i32
        %dma_start3A_270 = tpu.memref_slice %arg19[%dma_start3A_268, %dma_start3A_269] : memref<10008x128xf32, #tpu.memory_space<vmem_shared>> -> memref<10008x128xf32, #tpu.memory_space<vmem_shared>>
        tpu.enqueue_indirect_dma source(%arg12 : memref<105x128xf32, #tpu.memory_space<vmem>>) target(%dma_start3A_270 : memref<10008x128xf32, #tpu.memory_space<vmem_shared>>) offsets(%dma_start3A_267 : memref<105xi32, #tpu.memory_space<vmem>>) semaphore(%arg18 : memref<!tpu.dma_semaphore, #tpu.memory_space<semaphore_mem>>) {add = true}
        %dma_wait3A_271 = arith.constant 0 : i32
        %dma_wait3A_272 = tpu.memref_slice %arg10[%mul3A_236, %dma_wait3A_271] : memref<24x105xi32, #tpu.memory_space<vmem>> -> memref<1x105xi32, #tpu.memory_space<vmem>>
        %dma_wait3A_273 = tpu.memref_squeeze %dma_wait3A_272 : memref<1x105xi32, #tpu.memory_space<vmem>> -> memref<105xi32, #tpu.memory_space<vmem>>
        %dma_wait3A_274 = arith.constant 0 : i32
        %dma_wait3A_275 = arith.constant 0 : i32
        %dma_wait3A_276 = tpu.memref_slice %arg19[%dma_wait3A_274, %dma_wait3A_275] : memref<10008x128xf32, #tpu.memory_space<vmem_shared>> -> memref<10008x128xf32, #tpu.memory_space<vmem_shared>>
        tpu.wait_indirect_dma semaphore(%arg17 : memref<!tpu.dma_semaphore, #tpu.memory_space<semaphore_mem>>) src(%arg11 : memref<105x128xf32, #tpu.memory_space<vmem>>) dst(%dma_wait3A_276 : memref<10008x128xf32, #tpu.memory_space<vmem_shared>>)
        %dma_start3A_277 = arith.constant 0 : i32
        %dma_start3A_278 = tpu.memref_slice %arg9[%min3A_242, %dma_start3A_277] : memref<24x105xi32, #tpu.memory_space<vmem>> -> memref<1x105xi32, #tpu.memory_space<vmem>>
        %dma_start3A_279 = tpu.memref_squeeze %dma_start3A_278 : memref<1x105xi32, #tpu.memory_space<vmem>> -> memref<105xi32, #tpu.memory_space<vmem>>
        %dma_start3A_280 = arith.constant 0 : i32
        %dma_start3A_281 = arith.constant 0 : i32
        %dma_start3A_282 = tpu.memref_slice %arg2[%dma_start3A_280, %dma_start3A_281] : memref<10000x128xf32, #tpu.memory_space<hbm>> -> memref<10000x128xf32, #tpu.memory_space<hbm>>
        tpu.enqueue_indirect_dma source(%dma_start3A_282 : memref<10000x128xf32, #tpu.memory_space<hbm>>) target(%arg11 : memref<105x128xf32, #tpu.memory_space<vmem>>) offsets(%dma_start3A_279 : memref<105xi32, #tpu.memory_space<vmem>>) semaphore(%arg15 : memref<!tpu.dma_semaphore, #tpu.memory_space<semaphore_mem>>)
        %dma_wait3A_283 = arith.constant 0 : i32
        %dma_wait3A_284 = tpu.memref_slice %arg10[%add3A_238, %dma_wait3A_283] : memref<24x105xi32, #tpu.memory_space<vmem>> -> memref<1x105xi32, #tpu.memory_space<vmem>>
        %dma_wait3A_285 = tpu.memref_squeeze %dma_wait3A_284 : memref<1x105xi32, #tpu.memory_space<vmem>> -> memref<105xi32, #tpu.memory_space<vmem>>
        %dma_wait3A_286 = arith.constant 0 : i32
        %dma_wait3A_287 = arith.constant 0 : i32
        %dma_wait3A_288 = tpu.memref_slice %arg19[%dma_wait3A_286, %dma_wait3A_287] : memref<10008x128xf32, #tpu.memory_space<vmem_shared>> -> memref<10008x128xf32, #tpu.memory_space<vmem_shared>>
        tpu.wait_indirect_dma semaphore(%arg18 : memref<!tpu.dma_semaphore, #tpu.memory_space<semaphore_mem>>) src(%arg12 : memref<105x128xf32, #tpu.memory_space<vmem>>) dst(%dma_wait3A_288 : memref<10008x128xf32, #tpu.memory_space<vmem_shared>>)
        %dma_start3A_289 = arith.constant 0 : i32
        %dma_start3A_290 = tpu.memref_slice %arg9[%min3A_246, %dma_start3A_289] : memref<24x105xi32, #tpu.memory_space<vmem>> -> memref<1x105xi32, #tpu.memory_space<vmem>>
        %dma_start3A_291 = tpu.memref_squeeze %dma_start3A_290 : memref<1x105xi32, #tpu.memory_space<vmem>> -> memref<105xi32, #tpu.memory_space<vmem>>
        %dma_start3A_292 = arith.constant 0 : i32
        %dma_start3A_293 = arith.constant 0 : i32
        %dma_start3A_294 = tpu.memref_slice %arg2[%dma_start3A_292, %dma_start3A_293] : memref<10000x128xf32, #tpu.memory_space<hbm>> -> memref<10000x128xf32, #tpu.memory_space<hbm>>
        tpu.enqueue_indirect_dma source(%dma_start3A_294 : memref<10000x128xf32, #tpu.memory_space<hbm>>) target(%arg12 : memref<105x128xf32, #tpu.memory_space<vmem>>) offsets(%dma_start3A_291 : memref<105xi32, #tpu.memory_space<vmem>>) semaphore(%arg16 : memref<!tpu.dma_semaphore, #tpu.memory_space<semaphore_mem>>)
      }
      %scan3A_198 = arith.constant 12 : i32
      %dma_wait3A_199 = arith.constant 23 : i32
      %dma_wait3A_200 = arith.constant 0 : i32
      %dma_wait3A_201 = tpu.memref_slice %arg9[%dma_wait3A_199, %dma_wait3A_200] : memref<24x105xi32, #tpu.memory_space<vmem>> -> memref<1x105xi32, #tpu.memory_space<vmem>>
      %dma_wait3A_202 = tpu.memref_squeeze %dma_wait3A_201 : memref<1x105xi32, #tpu.memory_space<vmem>> -> memref<105xi32, #tpu.memory_space<vmem>>
      %dma_wait3A_203 = arith.constant 0 : i32
      %dma_wait3A_204 = arith.constant 0 : i32
      %dma_wait3A_205 = tpu.memref_slice %arg2[%dma_wait3A_203, %dma_wait3A_204] : memref<10000x128xf32, #tpu.memory_space<hbm>> -> memref<10000x128xf32, #tpu.memory_space<hbm>>
      tpu.wait_indirect_dma semaphore(%arg15 : memref<!tpu.dma_semaphore, #tpu.memory_space<semaphore_mem>>) src(%dma_wait3A_205 : memref<10000x128xf32, #tpu.memory_space<hbm>>) dst(%arg11 : memref<105x128xf32, #tpu.memory_space<vmem>>)
      %dma_wait3A_206 = arith.constant 23 : i32
      %dma_wait3A_207 = arith.constant 0 : i32
      %dma_wait3A_208 = tpu.memref_slice %arg9[%dma_wait3A_206, %dma_wait3A_207] : memref<24x105xi32, #tpu.memory_space<vmem>> -> memref<1x105xi32, #tpu.memory_space<vmem>>
      %dma_wait3A_209 = tpu.memref_squeeze %dma_wait3A_208 : memref<1x105xi32, #tpu.memory_space<vmem>> -> memref<105xi32, #tpu.memory_space<vmem>>
      %dma_wait3A_210 = arith.constant 0 : i32
      %dma_wait3A_211 = arith.constant 0 : i32
      %dma_wait3A_212 = tpu.memref_slice %arg2[%dma_wait3A_210, %dma_wait3A_211] : memref<10000x128xf32, #tpu.memory_space<hbm>> -> memref<10000x128xf32, #tpu.memory_space<hbm>>
      tpu.wait_indirect_dma semaphore(%arg16 : memref<!tpu.dma_semaphore, #tpu.memory_space<semaphore_mem>>) src(%dma_wait3A_212 : memref<10000x128xf32, #tpu.memory_space<hbm>>) dst(%arg12 : memref<105x128xf32, #tpu.memory_space<vmem>>)
      %mul3A_213 = arith.constant 2 : i32
      %mul3A_214 = arith.muli %mul3A_213, %while3A_102 : i32
      %add3A_215 = arith.constant 3 : i32
      %add3A_216 = arith.addi %mul3A_214, %add3A_215 : i32
      %sub3A_217 = arith.constant 1 : i32
      %sub3A_218 = arith.subi %select_n3A_8, %sub3A_217 : i32
      %min3A_219 = arith.minsi %add3A_216, %sub3A_218 : i32
      %mul3A_220 = arith.constant 24 : i32
      %mul3A_221 = arith.muli %min3A_219, %mul3A_220 : i32
      %add3A_222 = arith.addi %select_n3A, %mul3A_221 : i32
      %dma_start3A_223 = arith.constant 0 : i32
      %dma_start3A_224 = tpu.memref_slice %arg3[%add3A_222, %dma_start3A_223] : memref<3168x105xi32, #tpu.memory_space<hbm>> -> memref<24x105xi32, #tpu.memory_space<hbm>>
      %dma_start3A_225 = arith.constant 0 : i32
      %dma_start3A_226 = tpu.memref_slice %arg3[%add3A_222, %dma_start3A_225] : memref<3168x105xi32, #tpu.memory_space<hbm>> -> memref<24x105xi32, #tpu.memory_space<hbm>>
      tpu.enqueue_dma source(%dma_start3A_226 : memref<24x105xi32, #tpu.memory_space<hbm>>) target(%arg9 : memref<24x105xi32, #tpu.memory_space<vmem>>) target_semaphore(%arg14 : memref<!tpu.dma_semaphore, #tpu.memory_space<semaphore_mem>>)
      %mul3A_227 = arith.constant 24 : i32
      %mul3A_228 = arith.muli %min3A_219, %mul3A_227 : i32
      %add3A_229 = arith.addi %select_n3A, %mul3A_228 : i32
      %dma_start3A_230 = arith.constant 0 : i32
      %dma_start3A_231 = tpu.memref_slice %arg4[%add3A_229, %dma_start3A_230] : memref<3168x105xi32, #tpu.memory_space<hbm>> -> memref<24x105xi32, #tpu.memory_space<hbm>>
      %dma_start3A_232 = arith.constant 0 : i32
      %dma_start3A_233 = tpu.memref_slice %arg4[%add3A_229, %dma_start3A_232] : memref<3168x105xi32, #tpu.memory_space<hbm>> -> memref<24x105xi32, #tpu.memory_space<hbm>>
      tpu.enqueue_dma source(%dma_start3A_233 : memref<24x105xi32, #tpu.memory_space<hbm>>) target(%arg10 : memref<24x105xi32, #tpu.memory_space<vmem>>) target_semaphore(%arg14 : memref<!tpu.dma_semaphore, #tpu.memory_space<semaphore_mem>>)
    }
    %dma_wait3A = arith.constant 0 : i32
    %dma_wait3A_68 = arith.constant 0 : i32
    %dma_wait3A_69 = tpu.memref_slice %arg3[%dma_wait3A, %dma_wait3A_68] : memref<3168x105xi32, #tpu.memory_space<hbm>> -> memref<24x105xi32, #tpu.memory_space<hbm>>
    %dma_wait3A_70 = arith.constant 0 : i32
    %dma_wait3A_71 = arith.constant 0 : i32
    %dma_wait3A_72 = tpu.memref_slice %arg3[%dma_wait3A_70, %dma_wait3A_71] : memref<3168x105xi32, #tpu.memory_space<hbm>> -> memref<24x105xi32, #tpu.memory_space<hbm>>
    tpu.wait_dma2 semaphore(%arg13 : memref<!tpu.dma_semaphore, #tpu.memory_space<semaphore_mem>>) src(%dma_wait3A_72 : memref<24x105xi32, #tpu.memory_space<hbm>>) dst(%arg7 : memref<24x105xi32, #tpu.memory_space<vmem>>)
    %dma_wait3A_73 = arith.constant 0 : i32
    %dma_wait3A_74 = arith.constant 0 : i32
    %dma_wait3A_75 = tpu.memref_slice %arg4[%dma_wait3A_73, %dma_wait3A_74] : memref<3168x105xi32, #tpu.memory_space<hbm>> -> memref<24x105xi32, #tpu.memory_space<hbm>>
    %dma_wait3A_76 = arith.constant 0 : i32
    %dma_wait3A_77 = arith.constant 0 : i32
    %dma_wait3A_78 = tpu.memref_slice %arg4[%dma_wait3A_76, %dma_wait3A_77] : memref<3168x105xi32, #tpu.memory_space<hbm>> -> memref<24x105xi32, #tpu.memory_space<hbm>>
    tpu.wait_dma2 semaphore(%arg13 : memref<!tpu.dma_semaphore, #tpu.memory_space<semaphore_mem>>) src(%dma_wait3A_78 : memref<24x105xi32, #tpu.memory_space<hbm>>) dst(%arg8 : memref<24x105xi32, #tpu.memory_space<vmem>>)
    %dma_wait3A_79 = arith.constant 0 : i32
    %dma_wait3A_80 = arith.constant 0 : i32
    %dma_wait3A_81 = tpu.memref_slice %arg3[%dma_wait3A_79, %dma_wait3A_80] : memref<3168x105xi32, #tpu.memory_space<hbm>> -> memref<24x105xi32, #tpu.memory_space<hbm>>
    %dma_wait3A_82 = arith.constant 0 : i32
    %dma_wait3A_83 = arith.constant 0 : i32
    %dma_wait3A_84 = tpu.memref_slice %arg3[%dma_wait3A_82, %dma_wait3A_83] : memref<3168x105xi32, #tpu.memory_space<hbm>> -> memref<24x105xi32, #tpu.memory_space<hbm>>
    tpu.wait_dma2 semaphore(%arg14 : memref<!tpu.dma_semaphore, #tpu.memory_space<semaphore_mem>>) src(%dma_wait3A_84 : memref<24x105xi32, #tpu.memory_space<hbm>>) dst(%arg9 : memref<24x105xi32, #tpu.memory_space<vmem>>)
    %dma_wait3A_85 = arith.constant 0 : i32
    %dma_wait3A_86 = arith.constant 0 : i32
    %dma_wait3A_87 = tpu.memref_slice %arg4[%dma_wait3A_85, %dma_wait3A_86] : memref<3168x105xi32, #tpu.memory_space<hbm>> -> memref<24x105xi32, #tpu.memory_space<hbm>>
    %dma_wait3A_88 = arith.constant 0 : i32
    %dma_wait3A_89 = arith.constant 0 : i32
    %dma_wait3A_90 = tpu.memref_slice %arg4[%dma_wait3A_88, %dma_wait3A_89] : memref<3168x105xi32, #tpu.memory_space<hbm>> -> memref<24x105xi32, #tpu.memory_space<hbm>>
    tpu.wait_dma2 semaphore(%arg14 : memref<!tpu.dma_semaphore, #tpu.memory_space<semaphore_mem>>) src(%dma_wait3A_90 : memref<24x105xi32, #tpu.memory_space<hbm>>) dst(%arg10 : memref<24x105xi32, #tpu.memory_space<vmem>>)
    %barrier3A_91 = arith.constant 0 : index
    tpu.barrier barrier_id(%barrier3A_91)
    %eq3A_92 = arith.constant 15 : i32
    %eq3A_93 = arith.cmpi eq, %arg1, %eq3A_92 : i32
    %not3A_94 = arith.constant true
    %not3A_95 = arith.xori %eq3A_93, %not3A_94 : i1
    %convert_element_type3A_96 = arith.extui %not3A_95 : i1 to i32
    %cond3A_97 = arith.constant 0 : i32
    %cond3A_98 = arith.cmpi ne, %convert_element_type3A_96, %cond3A_97 : i32
    scf.if %cond3A_98 {
      %mul3A_102 = arith.constant 632 : i32
      %mul3A_103 = arith.muli %arg1, %mul3A_102 : i32
      %mul3A_104 = arith.constant 632 : i32
      %mul3A_105 = arith.muli %arg1, %mul3A_104 : i32
      "tpu.region"() ({
        %run_scoped3A = tpu.sem_alloc : memref<!tpu.dma_semaphore, #tpu.memory_space<semaphore_mem>>
        %dma_start3A_106 = arith.constant 0 : i32
        %dma_start3A_107 = tpu.memref_slice %arg6[%arg0, %mul3A_105, %dma_start3A_106] : memref<2x10008x128xf32, #tpu.memory_space<hbm>> -> memref<1x632x128xf32, #tpu.memory_space<hbm>>
        %dma_start3A_108 = tpu.memref_squeeze %dma_start3A_107 : memref<1x632x128xf32, #tpu.memory_space<hbm>> -> memref<632x128xf32, #tpu.memory_space<hbm>>
        %dma_start3A_109 = arith.constant 0 : i32
        %dma_start3A_110 = tpu.memref_slice %arg19[%mul3A_103, %dma_start3A_109] : memref<10008x128xf32, #tpu.memory_space<vmem_shared>> -> memref<632x128xf32, #tpu.memory_space<vmem_shared>>
        tpu.enqueue_dma source(%dma_start3A_110 : memref<632x128xf32, #tpu.memory_space<vmem_shared>>) target(%dma_start3A_108 : memref<632x128xf32, #tpu.memory_space<hbm>>) target_semaphore(%run_scoped3A : memref<!tpu.dma_semaphore, #tpu.memory_space<semaphore_mem>>)
        %dma_wait3A_111 = arith.constant 0 : i32
        %dma_wait3A_112 = tpu.memref_slice %arg6[%arg0, %mul3A_105, %dma_wait3A_111] : memref<2x10008x128xf32, #tpu.memory_space<hbm>> -> memref<1x632x128xf32, #tpu.memory_space<hbm>>
        %dma_wait3A_113 = tpu.memref_squeeze %dma_wait3A_112 : memref<1x632x128xf32, #tpu.memory_space<hbm>> -> memref<632x128xf32, #tpu.memory_space<hbm>>
        %dma_wait3A_114 = arith.constant 0 : i32
        %dma_wait3A_115 = tpu.memref_slice %arg19[%mul3A_103, %dma_wait3A_114] : memref<10008x128xf32, #tpu.memory_space<vmem_shared>> -> memref<632x128xf32, #tpu.memory_space<vmem_shared>>
        tpu.wait_dma2 semaphore(%run_scoped3A : memref<!tpu.dma_semaphore, #tpu.memory_space<semaphore_mem>>) src(%dma_wait3A_115 : memref<632x128xf32, #tpu.memory_space<vmem_shared>>) dst(%dma_wait3A_113 : memref<632x128xf32, #tpu.memory_space<hbm>>)
        tpu.yield
      }) : () -> ()
    } else {
    }
    %convert_element_type3A_99 = arith.extui %eq3A_93 : i1 to i32
    %cond3A_100 = arith.constant 0 : i32
    %cond3A_101 = arith.cmpi ne, %convert_element_type3A_99, %cond3A_100 : i32
    scf.if %cond3A_101 {
      "tpu.region"() ({
        %run_scoped3A = tpu.sem_alloc : memref<!tpu.dma_semaphore, #tpu.memory_space<semaphore_mem>>
        %dma_start3A_102 = arith.constant 9480 : i32
        %dma_start3A_103 = arith.constant 0 : i32
        %dma_start3A_104 = tpu.memref_slice %arg6[%arg0, %dma_start3A_102, %dma_start3A_103] : memref<2x10008x128xf32, #tpu.memory_space<hbm>> -> memref<1x528x128xf32, #tpu.memory_space<hbm>>
        %dma_start3A_105 = tpu.memref_squeeze %dma_start3A_104 : memref<1x528x128xf32, #tpu.memory_space<hbm>> -> memref<528x128xf32, #tpu.memory_space<hbm>>
        %dma_start3A_106 = arith.constant 9480 : i32
        %dma_start3A_107 = arith.constant 0 : i32
        %dma_start3A_108 = tpu.memref_slice %arg19[%dma_start3A_106, %dma_start3A_107] : memref<10008x128xf32, #tpu.memory_space<vmem_shared>> -> memref<528x128xf32, #tpu.memory_space<vmem_shared>>
        tpu.enqueue_dma source(%dma_start3A_108 : memref<528x128xf32, #tpu.memory_space<vmem_shared>>) target(%dma_start3A_105 : memref<528x128xf32, #tpu.memory_space<hbm>>) target_semaphore(%run_scoped3A : memref<!tpu.dma_semaphore, #tpu.memory_space<semaphore_mem>>)
        %dma_wait3A_109 = arith.constant 9480 : i32
        %dma_wait3A_110 = arith.constant 0 : i32
        %dma_wait3A_111 = tpu.memref_slice %arg6[%arg0, %dma_wait3A_109, %dma_wait3A_110] : memref<2x10008x128xf32, #tpu.memory_space<hbm>> -> memref<1x528x128xf32, #tpu.memory_space<hbm>>
        %dma_wait3A_112 = tpu.memref_squeeze %dma_wait3A_111 : memref<1x528x128xf32, #tpu.memory_space<hbm>> -> memref<528x128xf32, #tpu.memory_space<hbm>>
        %dma_wait3A_113 = arith.constant 9480 : i32
        %dma_wait3A_114 = arith.constant 0 : i32
        %dma_wait3A_115 = tpu.memref_slice %arg19[%dma_wait3A_113, %dma_wait3A_114] : memref<10008x128xf32, #tpu.memory_space<vmem_shared>> -> memref<528x128xf32, #tpu.memory_space<vmem_shared>>
        tpu.wait_dma2 semaphore(%run_scoped3A : memref<!tpu.dma_semaphore, #tpu.memory_space<semaphore_mem>>) src(%dma_wait3A_115 : memref<528x128xf32, #tpu.memory_space<vmem_shared>>) dst(%dma_wait3A_112 : memref<528x128xf32, #tpu.memory_space<hbm>>)
        tpu.yield
      }) : () -> ()
    } else {
    }
    return
  }
}

module attributes {stable_mosaic.version = 14 : i64} {
  func.func @_tc_mid_body(%arg0: i32, %arg1: memref<2000x128xf32, #tpu.memory_space<vmem>>, %arg2: memref<2x2000x128xf32, #tpu.memory_space<vmem>>, %arg3: memref<2x2000x128xf32, #tpu.memory_space<vmem>>, %arg4: memref<1x128xf32, #tpu.memory_space<vmem>>, %arg5: memref<1x128xf32, #tpu.memory_space<vmem>>, %arg6: memref<1x128xf32, #tpu.memory_space<vmem>>, %arg7: memref<128x128xf32, #tpu.memory_space<vmem>>, %arg8: memref<2000x128xf32, #tpu.memory_space<vmem>>, %arg9: memref<2000x128xf32, #tpu.memory_space<vmem>>) attributes {dimension_semantics = [#tpu.dimension_semantics<arbitrary>], iteration_bounds = array<i64: 5>, scalar_prefetch = 0 : i64, scratch_operands = 0 : i64, tpu.core_type = #tpu.core_type<tc>, window_params = [{transform_indices = @transform_0, window_bounds = array<i64: 2000, 128>}, {transform_indices = @transform_1, window_bounds = array<i64: 2, 2000, 128>}, {transform_indices = @transform_2, window_bounds = array<i64: 2, 2000, 128>}, {pipeline_mode = #tpu.pipeline_mode<synchronous>, transform_indices = @transform_3, window_bounds = array<i64: 1, 128>}, {pipeline_mode = #tpu.pipeline_mode<synchronous>, transform_indices = @transform_4, window_bounds = array<i64: 1, 128>}, {pipeline_mode = #tpu.pipeline_mode<synchronous>, transform_indices = @transform_5, window_bounds = array<i64: 1, 128>}, {pipeline_mode = #tpu.pipeline_mode<synchronous>, transform_indices = @transform_6, window_bounds = array<i64: 128, 128>}, {transform_indices = @transform_7, window_bounds = array<i64: 2000, 128>}, {transform_indices = @transform_8, window_bounds = array<i64: 2000, 128>}]} {
    %get3A = arith.constant 0 : index
    %get3A_0 = arith.constant 0 : index
    %get3A_1 = arith.constant 0 : index
    %get3A_2 = vector.load %arg3[%get3A, %get3A_0, %get3A_1] : memref<2x2000x128xf32, #tpu.memory_space<vmem>>, vector<1x2000x1xf32>
    %get3A_3 = vector.shape_cast %get3A_2 : vector<1x2000x1xf32> to vector<2000x1xf32>
    %get3A_4 = arith.constant 1 : index
    %get3A_5 = arith.constant 0 : index
    %get3A_6 = arith.constant 0 : index
    %get3A_7 = vector.load %arg3[%get3A_4, %get3A_5, %get3A_6] : memref<2x2000x128xf32, #tpu.memory_space<vmem>>, vector<1x2000x1xf32>
    %get3A_8 = vector.shape_cast %get3A_7 : vector<1x2000x1xf32> to vector<2000x1xf32>
    %add3A = arith.addf %get3A_3, %get3A_8 : vector<2000x1xf32>
    %rsqrt3A = math.rsqrt %add3A : vector<2000x1xf32>
    %get3A_9 = arith.constant 0 : index
    %get3A_10 = arith.constant 0 : index
    %get3A_11 = arith.constant 0 : index
    %get3A_12 = vector.load %arg2[%get3A_9, %get3A_10, %get3A_11] : memref<2x2000x128xf32, #tpu.memory_space<vmem>>, vector<1x2000x128xf32>
    %get3A_13 = vector.shape_cast %get3A_12 : vector<1x2000x128xf32> to vector<2000x128xf32>
    %get3A_14 = arith.constant 1 : index
    %get3A_15 = arith.constant 0 : index
    %get3A_16 = arith.constant 0 : index
    %get3A_17 = vector.load %arg2[%get3A_14, %get3A_15, %get3A_16] : memref<2x2000x128xf32, #tpu.memory_space<vmem>>, vector<1x2000x128xf32>
    %get3A_18 = vector.shape_cast %get3A_17 : vector<1x2000x128xf32> to vector<2000x128xf32>
    %add3A_19 = arith.addf %get3A_13, %get3A_18 : vector<2000x128xf32>
    %mul3A = vector.broadcast %rsqrt3A : vector<2000x1xf32> to vector<2000x128xf32>
    %mul3A_20 = arith.mulf %mul3A, %add3A_19 : vector<2000x128xf32>
    %get3A_21 = arith.constant 0 : index
    %get3A_22 = arith.constant 0 : index
    %get3A_23 = vector.load %arg4[%get3A_21, %get3A_22] : memref<1x128xf32, #tpu.memory_space<vmem>>, vector<1x128xf32>
    %add3A_24 = vector.broadcast %get3A_23 : vector<1x128xf32> to vector<2000x128xf32>
    %add3A_25 = arith.addf %mul3A_20, %add3A_24 : vector<2000x128xf32>
    %mul3A_26 = arith.constant 5.000000e-01 : f32
    %mul3A_27 = vector.broadcast %mul3A_26 : f32 to vector<2000x128xf32>
    %mul3A_28 = arith.mulf %mul3A_27, %add3A_25 : vector<2000x128xf32>
    %mul3A_29 = arith.constant 0.707106769 : f32
    %mul3A_30 = vector.broadcast %mul3A_29 : f32 to vector<2000x128xf32>
    %mul3A_31 = arith.mulf %add3A_25, %mul3A_30 : vector<2000x128xf32>
    %erf3A = math.erf %mul3A_31 : vector<2000x128xf32>
    %add3A_32 = arith.constant 1.000000e+00 : f32
    %add3A_33 = vector.broadcast %add3A_32 : f32 to vector<2000x128xf32>
    %add3A_34 = arith.addf %add3A_33, %erf3A : vector<2000x128xf32>
    %mul3A_35 = arith.mulf %mul3A_28, %add3A_34 : vector<2000x128xf32>
    %get3A_36 = arith.constant 0 : index
    %get3A_37 = arith.constant 0 : index
    %get3A_38 = vector.load %arg1[%get3A_36, %get3A_37] : memref<2000x128xf32, #tpu.memory_space<vmem>>, vector<2000x128xf32>
    %add3A_39 = arith.addf %get3A_38, %mul3A_35 : vector<2000x128xf32>
    %get3A_40 = arith.constant 0 : index
    %get3A_41 = arith.constant 0 : index
    %get3A_42 = vector.load %arg5[%get3A_40, %get3A_41] : memref<1x128xf32, #tpu.memory_space<vmem>>, vector<1x128xf32>
    %get3A_43 = arith.constant 0 : index
    %get3A_44 = arith.constant 0 : index
    %get3A_45 = vector.load %arg6[%get3A_43, %get3A_44] : memref<1x128xf32, #tpu.memory_space<vmem>>, vector<1x128xf32>
    %reduce_sum3A = arith.constant dense<0.000000e+00> : vector<2000xf32>
    %reduce_sum3A_46 = vector.multi_reduction <add>, %add3A_39, %reduce_sum3A [1] : vector<2000x128xf32> to vector<2000xf32>
    %broadcast_in_dim3A = vector.shape_cast %reduce_sum3A_46 : vector<2000xf32> to vector<2000x1xf32>
    %div3A = arith.constant 1.280000e+02 : f32
    %div3A_47 = vector.broadcast %div3A : f32 to vector<2000x1xf32>
    %div3A_48 = arith.divf %broadcast_in_dim3A, %div3A_47 : vector<2000x1xf32>
    %sub3A = vector.broadcast %div3A_48 : vector<2000x1xf32> to vector<2000x128xf32>
    %sub3A_49 = arith.subf %add3A_39, %sub3A : vector<2000x128xf32>
    %mul3A_50 = arith.mulf %sub3A_49, %sub3A_49 : vector<2000x128xf32>
    %reduce_sum3A_51 = arith.constant dense<0.000000e+00> : vector<2000xf32>
    %reduce_sum3A_52 = vector.multi_reduction <add>, %mul3A_50, %reduce_sum3A_51 [1] : vector<2000x128xf32> to vector<2000xf32>
    %broadcast_in_dim3A_53 = vector.shape_cast %reduce_sum3A_52 : vector<2000xf32> to vector<2000x1xf32>
    %div3A_54 = arith.constant 1.280000e+02 : f32
    %div3A_55 = vector.broadcast %div3A_54 : f32 to vector<2000x1xf32>
    %div3A_56 = arith.divf %broadcast_in_dim3A_53, %div3A_55 : vector<2000x1xf32>
    %add3A_57 = arith.constant 9.99999974E-6 : f32
    %add3A_58 = vector.broadcast %add3A_57 : f32 to vector<2000x1xf32>
    %add3A_59 = arith.addf %div3A_56, %add3A_58 : vector<2000x1xf32>
    %rsqrt3A_60 = math.rsqrt %add3A_59 : vector<2000x1xf32>
    %mul3A_61 = vector.broadcast %rsqrt3A_60 : vector<2000x1xf32> to vector<2000x128xf32>
    %mul3A_62 = arith.mulf %sub3A_49, %mul3A_61 : vector<2000x128xf32>
    %mul3A_63 = vector.broadcast %get3A_42 : vector<1x128xf32> to vector<2000x128xf32>
    %mul3A_64 = arith.mulf %mul3A_62, %mul3A_63 : vector<2000x128xf32>
    %add3A_65 = vector.broadcast %get3A_45 : vector<1x128xf32> to vector<2000x128xf32>
    %add3A_66 = arith.addf %mul3A_64, %add3A_65 : vector<2000x128xf32>
    %swap3A = arith.constant 0 : index
    %swap3A_67 = arith.constant 0 : index
    %swap3A_68 = vector.load %arg8[%swap3A, %swap3A_67] : memref<2000x128xf32, #tpu.memory_space<vmem>>, vector<2000x128xf32>
    tpu.vector_store %arg8[%swap3A, %swap3A_67], %add3A_66 {strides = array<i32>} : memref<2000x128xf32, #tpu.memory_space<vmem>>, vector<2000x128xf32>,
    %get3A_69 = arith.constant 0 : index
    %get3A_70 = arith.constant 0 : index
    %get3A_71 = vector.load %arg7[%get3A_69, %get3A_70] : memref<128x128xf32, #tpu.memory_space<vmem>>, vector<128x128xf32>
    %dot_general3A = arith.constant dense<0.000000e+00> : vector<2000x128xf32>
    %dot_general3A_72 = tpu.matmul %add3A_66, %get3A_71, %dot_general3A {dimension_numbers = #tpu.dot_dimension_numbers<[1], [1], [0], [0], [0, 0, 1, 0], [], []>, transpose_lhs_hint = false} : vector<2000x128xf32>, vector<128x128xf32>, vector<2000x128xf32> -> vector<2000x128xf32>
    %mul3A_73 = vector.broadcast %rsqrt3A : vector<2000x1xf32> to vector<2000x128xf32>
    %mul3A_74 = arith.mulf %mul3A_73, %dot_general3A_72 : vector<2000x128xf32>
    %swap3A_75 = arith.constant 0 : index
    %swap3A_76 = arith.constant 0 : index
    %swap3A_77 = vector.load %arg9[%swap3A_75, %swap3A_76] : memref<2000x128xf32, #tpu.memory_space<vmem>>, vector<2000x128xf32>
    tpu.vector_store %arg9[%swap3A_75, %swap3A_76], %mul3A_74 {strides = array<i32>} : memref<2000x128xf32, #tpu.memory_space<vmem>>, vector<2000x128xf32>,
    return
  }
  func.func @transform_0(%arg0: i32) -> (i32, i32) {
    %c0_i32 = arith.constant 0 : i32
    %c0_i32_0 = arith.constant 0 : i32
    return %arg0, %c0_i32 : i32, i32
  }
  func.func @transform_1(%arg0: i32) -> (i32, i32, i32) {
    %c0_i32 = arith.constant 0 : i32
    %c0_i32_0 = arith.constant 0 : i32
    %c0_i32_1 = arith.constant 0 : i32
    return %c0_i32, %arg0, %c0_i32_0 : i32, i32, i32
  }
  func.func @transform_2(%arg0: i32) -> (i32, i32, i32) {
    %c0_i32 = arith.constant 0 : i32
    %c0_i32_0 = arith.constant 0 : i32
    %c0_i32_1 = arith.constant 0 : i32
    return %c0_i32, %arg0, %c0_i32_0 : i32, i32, i32
  }
  func.func @transform_3(%arg0: i32) -> (i32, i32) {
    %c0_i32 = arith.constant 0 : i32
    %c0_i32_0 = arith.constant 0 : i32
    %c0_i32_1 = arith.constant 0 : i32
    return %c0_i32, %c0_i32_0 : i32, i32
  }
  func.func @transform_4(%arg0: i32) -> (i32, i32) {
    %c0_i32 = arith.constant 0 : i32
    %c0_i32_0 = arith.constant 0 : i32
    %c0_i32_1 = arith.constant 0 : i32
    return %c0_i32, %c0_i32_0 : i32, i32
  }
  func.func @transform_5(%arg0: i32) -> (i32, i32) {
    %c0_i32 = arith.constant 0 : i32
    %c0_i32_0 = arith.constant 0 : i32
    %c0_i32_1 = arith.constant 0 : i32
    return %c0_i32, %c0_i32_0 : i32, i32
  }
  func.func @transform_6(%arg0: i32) -> (i32, i32) {
    %c0_i32 = arith.constant 0 : i32
    %c0_i32_0 = arith.constant 0 : i32
    %c0_i32_1 = arith.constant 0 : i32
    return %c0_i32, %c0_i32_0 : i32, i32
  }
  func.func @transform_7(%arg0: i32) -> (i32, i32) {
    %c0_i32 = arith.constant 0 : i32
    %c0_i32_0 = arith.constant 0 : i32
    return %arg0, %c0_i32 : i32, i32
  }
  func.func @transform_8(%arg0: i32) -> (i32, i32) {
    %c0_i32 = arith.constant 0 : i32
    %c0_i32_0 = arith.constant 0 : i32
    return %arg0, %c0_i32 : i32, i32
  }
}

module attributes {stable_mosaic.version = 14 : i64} {
  func.func @_tc1_body(%arg0: i32, %arg1: memref<2000x128xf32, #tpu.memory_space<vmem>>, %arg2: memref<128x128xf32, #tpu.memory_space<vmem>>, %arg3: memref<1x128xf32, #tpu.memory_space<vmem>>, %arg4: memref<1x128xf32, #tpu.memory_space<vmem>>, %arg5: memref<1x128xf32, #tpu.memory_space<vmem>>, %arg6: memref<128x128xf32, #tpu.memory_space<vmem>>, %arg7: memref<2x2000x128xf32, #tpu.memory_space<vmem>>, %arg8: memref<2000x128xf32, #tpu.memory_space<vmem>>, %arg9: memref<2000x128xf32, #tpu.memory_space<vmem>>) attributes {dimension_semantics = [#tpu.dimension_semantics<arbitrary>], iteration_bounds = array<i64: 5>, scalar_prefetch = 0 : i64, scratch_operands = 0 : i64, tpu.core_type = #tpu.core_type<tc>, window_params = [{transform_indices = @transform_0, window_bounds = array<i64: 2000, 128>}, {pipeline_mode = #tpu.pipeline_mode<synchronous>, transform_indices = @transform_1, window_bounds = array<i64: 128, 128>}, {pipeline_mode = #tpu.pipeline_mode<synchronous>, transform_indices = @transform_2, window_bounds = array<i64: 1, 128>}, {pipeline_mode = #tpu.pipeline_mode<synchronous>, transform_indices = @transform_3, window_bounds = array<i64: 1, 128>}, {pipeline_mode = #tpu.pipeline_mode<synchronous>, transform_indices = @transform_4, window_bounds = array<i64: 1, 128>}, {pipeline_mode = #tpu.pipeline_mode<synchronous>, transform_indices = @transform_5, window_bounds = array<i64: 128, 128>}, {transform_indices = @transform_6, window_bounds = array<i64: 2, 2000, 128>}, {transform_indices = @transform_7, window_bounds = array<i64: 2000, 128>}, {transform_indices = @transform_8, window_bounds = array<i64: 2000, 128>}]} {
    %get3A = arith.constant 0 : index
    %get3A_0 = arith.constant 0 : index
    %get3A_1 = vector.load %arg1[%get3A, %get3A_0] : memref<2000x128xf32, #tpu.memory_space<vmem>>, vector<2000x128xf32>
    %get3A_2 = arith.constant 0 : index
    %get3A_3 = arith.constant 0 : index
    %get3A_4 = vector.load %arg2[%get3A_2, %get3A_3] : memref<128x128xf32, #tpu.memory_space<vmem>>, vector<128x128xf32>
    %dot_general3A = arith.constant dense<0.000000e+00> : vector<2000x128xf32>
    %dot_general3A_5 = tpu.matmul %get3A_1, %get3A_4, %dot_general3A {dimension_numbers = #tpu.dot_dimension_numbers<[1], [1], [0], [0], [0, 0, 1, 0], [], []>, transpose_lhs_hint = false} : vector<2000x128xf32>, vector<128x128xf32>, vector<2000x128xf32> -> vector<2000x128xf32>
    %get3A_6 = arith.constant 0 : index
    %get3A_7 = arith.constant 0 : index
    %get3A_8 = vector.load %arg3[%get3A_6, %get3A_7] : memref<1x128xf32, #tpu.memory_space<vmem>>, vector<1x128xf32>
    %add3A = vector.broadcast %get3A_8 : vector<1x128xf32> to vector<2000x128xf32>
    %add3A_9 = arith.addf %dot_general3A_5, %add3A : vector<2000x128xf32>
    %get3A_10 = arith.constant 0 : index
    %get3A_11 = arith.constant 0 : index
    %get3A_12 = vector.load %arg4[%get3A_10, %get3A_11] : memref<1x128xf32, #tpu.memory_space<vmem>>, vector<1x128xf32>
    %get3A_13 = arith.constant 0 : index
    %get3A_14 = arith.constant 0 : index
    %get3A_15 = vector.load %arg5[%get3A_13, %get3A_14] : memref<1x128xf32, #tpu.memory_space<vmem>>, vector<1x128xf32>
    %reduce_sum3A = arith.constant dense<0.000000e+00> : vector<2000xf32>
    %reduce_sum3A_16 = vector.multi_reduction <add>, %add3A_9, %reduce_sum3A [1] : vector<2000x128xf32> to vector<2000xf32>
    %broadcast_in_dim3A = vector.shape_cast %reduce_sum3A_16 : vector<2000xf32> to vector<2000x1xf32>
    %div3A = arith.constant 1.280000e+02 : f32
    %div3A_17 = vector.broadcast %div3A : f32 to vector<2000x1xf32>
    %div3A_18 = arith.divf %broadcast_in_dim3A, %div3A_17 : vector<2000x1xf32>
    %sub3A = vector.broadcast %div3A_18 : vector<2000x1xf32> to vector<2000x128xf32>
    %sub3A_19 = arith.subf %add3A_9, %sub3A : vector<2000x128xf32>
    %mul3A = arith.mulf %sub3A_19, %sub3A_19 : vector<2000x128xf32>
    %reduce_sum3A_20 = arith.constant dense<0.000000e+00> : vector<2000xf32>
    %reduce_sum3A_21 = vector.multi_reduction <add>, %mul3A, %reduce_sum3A_20 [1] : vector<2000x128xf32> to vector<2000xf32>
    %broadcast_in_dim3A_22 = vector.shape_cast %reduce_sum3A_21 : vector<2000xf32> to vector<2000x1xf32>
    %div3A_23 = arith.constant 1.280000e+02 : f32
    %div3A_24 = vector.broadcast %div3A_23 : f32 to vector<2000x1xf32>
    %div3A_25 = arith.divf %broadcast_in_dim3A_22, %div3A_24 : vector<2000x1xf32>
    %add3A_26 = arith.constant 9.99999974E-6 : f32
    %add3A_27 = vector.broadcast %add3A_26 : f32 to vector<2000x1xf32>
    %add3A_28 = arith.addf %div3A_25, %add3A_27 : vector<2000x1xf32>
    %rsqrt3A = math.rsqrt %add3A_28 : vector<2000x1xf32>
    %mul3A_29 = vector.broadcast %rsqrt3A : vector<2000x1xf32> to vector<2000x128xf32>
    %mul3A_30 = arith.mulf %sub3A_19, %mul3A_29 : vector<2000x128xf32>
    %mul3A_31 = vector.broadcast %get3A_12 : vector<1x128xf32> to vector<2000x128xf32>
    %mul3A_32 = arith.mulf %mul3A_30, %mul3A_31 : vector<2000x128xf32>
    %add3A_33 = vector.broadcast %get3A_15 : vector<1x128xf32> to vector<2000x128xf32>
    %add3A_34 = arith.addf %mul3A_32, %add3A_33 : vector<2000x128xf32>
    %swap3A = arith.constant 0 : index
    %swap3A_35 = arith.constant 0 : index
    %swap3A_36 = vector.load %arg8[%swap3A, %swap3A_35] : memref<2000x128xf32, #tpu.memory_space<vmem>>, vector<2000x128xf32>
    tpu.vector_store %arg8[%swap3A, %swap3A_35], %add3A_34 {strides = array<i32>} : memref<2000x128xf32, #tpu.memory_space<vmem>>, vector<2000x128xf32>,
    %get3A_37 = arith.constant 0 : index
    %get3A_38 = arith.constant 0 : index
    %get3A_39 = arith.constant 0 : index
    %get3A_40 = vector.load %arg7[%get3A_37, %get3A_38, %get3A_39] : memref<2x2000x128xf32, #tpu.memory_space<vmem>>, vector<1x2000x1xf32>
    %get3A_41 = vector.shape_cast %get3A_40 : vector<1x2000x1xf32> to vector<2000x1xf32>
    %get3A_42 = arith.constant 1 : index
    %get3A_43 = arith.constant 0 : index
    %get3A_44 = arith.constant 0 : index
    %get3A_45 = vector.load %arg7[%get3A_42, %get3A_43, %get3A_44] : memref<2x2000x128xf32, #tpu.memory_space<vmem>>, vector<1x2000x1xf32>
    %get3A_46 = vector.shape_cast %get3A_45 : vector<1x2000x1xf32> to vector<2000x1xf32>
    %add3A_47 = arith.addf %get3A_41, %get3A_46 : vector<2000x1xf32>
    %rsqrt3A_48 = math.rsqrt %add3A_47 : vector<2000x1xf32>
    %get3A_49 = arith.constant 0 : index
    %get3A_50 = arith.constant 0 : index
    %get3A_51 = vector.load %arg6[%get3A_49, %get3A_50] : memref<128x128xf32, #tpu.memory_space<vmem>>, vector<128x128xf32>
    %dot_general3A_52 = arith.constant dense<0.000000e+00> : vector<2000x128xf32>
    %dot_general3A_53 = tpu.matmul %add3A_34, %get3A_51, %dot_general3A_52 {dimension_numbers = #tpu.dot_dimension_numbers<[1], [1], [0], [0], [0, 0, 1, 0], [], []>, transpose_lhs_hint = false} : vector<2000x128xf32>, vector<128x128xf32>, vector<2000x128xf32> -> vector<2000x128xf32>
    %mul3A_54 = vector.broadcast %rsqrt3A_48 : vector<2000x1xf32> to vector<2000x128xf32>
    %mul3A_55 = arith.mulf %mul3A_54, %dot_general3A_53 : vector<2000x128xf32>
    %swap3A_56 = arith.constant 0 : index
    %swap3A_57 = arith.constant 0 : index
    %swap3A_58 = vector.load %arg9[%swap3A_56, %swap3A_57] : memref<2000x128xf32, #tpu.memory_space<vmem>>, vector<2000x128xf32>
    tpu.vector_store %arg9[%swap3A_56, %swap3A_57], %mul3A_55 {strides = array<i32>} : memref<2000x128xf32, #tpu.memory_space<vmem>>, vector<2000x128xf32>,
    return
  }
  func.func @transform_0(%arg0: i32) -> (i32, i32) {
    %c0_i32 = arith.constant 0 : i32
    %c0_i32_0 = arith.constant 0 : i32
    return %arg0, %c0_i32 : i32, i32
  }
  func.func @transform_1(%arg0: i32) -> (i32, i32) {
    %c0_i32 = arith.constant 0 : i32
    %c0_i32_0 = arith.constant 0 : i32
    %c0_i32_1 = arith.constant 0 : i32
    return %c0_i32, %c0_i32_0 : i32, i32
  }
  func.func @transform_2(%arg0: i32) -> (i32, i32) {
    %c0_i32 = arith.constant 0 : i32
    %c0_i32_0 = arith.constant 0 : i32
    %c0_i32_1 = arith.constant 0 : i32
    return %c0_i32, %c0_i32_0 : i32, i32
  }
  func.func @transform_3(%arg0: i32) -> (i32, i32) {
    %c0_i32 = arith.constant 0 : i32
    %c0_i32_0 = arith.constant 0 : i32
    %c0_i32_1 = arith.constant 0 : i32
    return %c0_i32, %c0_i32_0 : i32, i32
  }
  func.func @transform_4(%arg0: i32) -> (i32, i32) {
    %c0_i32 = arith.constant 0 : i32
    %c0_i32_0 = arith.constant 0 : i32
    %c0_i32_1 = arith.constant 0 : i32
    return %c0_i32, %c0_i32_0 : i32, i32
  }
  func.func @transform_5(%arg0: i32) -> (i32, i32) {
    %c0_i32 = arith.constant 0 : i32
    %c0_i32_0 = arith.constant 0 : i32
    %c0_i32_1 = arith.constant 0 : i32
    return %c0_i32, %c0_i32_0 : i32, i32
  }
  func.func @transform_6(%arg0: i32) -> (i32, i32, i32) {
    %c0_i32 = arith.constant 0 : i32
    %c0_i32_0 = arith.constant 0 : i32
    %c0_i32_1 = arith.constant 0 : i32
    return %c0_i32, %arg0, %c0_i32_0 : i32, i32, i32
  }
  func.func @transform_7(%arg0: i32) -> (i32, i32) {
    %c0_i32 = arith.constant 0 : i32
    %c0_i32_0 = arith.constant 0 : i32
    return %arg0, %c0_i32 : i32, i32
  }
  func.func @transform_8(%arg0: i32) -> (i32, i32) {
    %c0_i32 = arith.constant 0 : i32
    %c0_i32_0 = arith.constant 0 : i32
    return %arg0, %c0_i32 : i32, i32
  }
}

module attributes {stable_mosaic.version = 14 : i64} {
  func.func @_tc_fin_body(%arg0: i32, %arg1: memref<2000x128xf32, #tpu.memory_space<vmem>>, %arg2: memref<2x2000x128xf32, #tpu.memory_space<vmem>>, %arg3: memref<2x2000x128xf32, #tpu.memory_space<vmem>>, %arg4: memref<1x128xf32, #tpu.memory_space<vmem>>, %arg5: memref<1x128xf32, #tpu.memory_space<vmem>>, %arg6: memref<1x128xf32, #tpu.memory_space<vmem>>, %arg7: memref<2000x128xf32, #tpu.memory_space<vmem>>) attributes {dimension_semantics = [#tpu.dimension_semantics<arbitrary>], iteration_bounds = array<i64: 5>, scalar_prefetch = 0 : i64, scratch_operands = 0 : i64, tpu.core_type = #tpu.core_type<tc>, window_params = [{transform_indices = @transform_0, window_bounds = array<i64: 2000, 128>}, {transform_indices = @transform_1, window_bounds = array<i64: 2, 2000, 128>}, {transform_indices = @transform_2, window_bounds = array<i64: 2, 2000, 128>}, {pipeline_mode = #tpu.pipeline_mode<synchronous>, transform_indices = @transform_3, window_bounds = array<i64: 1, 128>}, {pipeline_mode = #tpu.pipeline_mode<synchronous>, transform_indices = @transform_4, window_bounds = array<i64: 1, 128>}, {pipeline_mode = #tpu.pipeline_mode<synchronous>, transform_indices = @transform_5, window_bounds = array<i64: 1, 128>}, {transform_indices = @transform_6, window_bounds = array<i64: 2000, 128>}]} {
    %get3A = arith.constant 0 : index
    %get3A_0 = arith.constant 0 : index
    %get3A_1 = arith.constant 0 : index
    %get3A_2 = vector.load %arg3[%get3A, %get3A_0, %get3A_1] : memref<2x2000x128xf32, #tpu.memory_space<vmem>>, vector<1x2000x1xf32>
    %get3A_3 = vector.shape_cast %get3A_2 : vector<1x2000x1xf32> to vector<2000x1xf32>
    %get3A_4 = arith.constant 1 : index
    %get3A_5 = arith.constant 0 : index
    %get3A_6 = arith.constant 0 : index
    %get3A_7 = vector.load %arg3[%get3A_4, %get3A_5, %get3A_6] : memref<2x2000x128xf32, #tpu.memory_space<vmem>>, vector<1x2000x1xf32>
    %get3A_8 = vector.shape_cast %get3A_7 : vector<1x2000x1xf32> to vector<2000x1xf32>
    %add3A = arith.addf %get3A_3, %get3A_8 : vector<2000x1xf32>
    %rsqrt3A = math.rsqrt %add3A : vector<2000x1xf32>
    %get3A_9 = arith.constant 0 : index
    %get3A_10 = arith.constant 0 : index
    %get3A_11 = arith.constant 0 : index
    %get3A_12 = vector.load %arg2[%get3A_9, %get3A_10, %get3A_11] : memref<2x2000x128xf32, #tpu.memory_space<vmem>>, vector<1x2000x128xf32>
    %get3A_13 = vector.shape_cast %get3A_12 : vector<1x2000x128xf32> to vector<2000x128xf32>
    %get3A_14 = arith.constant 1 : index
    %get3A_15 = arith.constant 0 : index
    %get3A_16 = arith.constant 0 : index
    %get3A_17 = vector.load %arg2[%get3A_14, %get3A_15, %get3A_16] : memref<2x2000x128xf32, #tpu.memory_space<vmem>>, vector<1x2000x128xf32>
    %get3A_18 = vector.shape_cast %get3A_17 : vector<1x2000x128xf32> to vector<2000x128xf32>
    %add3A_19 = arith.addf %get3A_13, %get3A_18 : vector<2000x128xf32>
    %mul3A = vector.broadcast %rsqrt3A : vector<2000x1xf32> to vector<2000x128xf32>
    %mul3A_20 = arith.mulf %mul3A, %add3A_19 : vector<2000x128xf32>
    %get3A_21 = arith.constant 0 : index
    %get3A_22 = arith.constant 0 : index
    %get3A_23 = vector.load %arg4[%get3A_21, %get3A_22] : memref<1x128xf32, #tpu.memory_space<vmem>>, vector<1x128xf32>
    %add3A_24 = vector.broadcast %get3A_23 : vector<1x128xf32> to vector<2000x128xf32>
    %add3A_25 = arith.addf %mul3A_20, %add3A_24 : vector<2000x128xf32>
    %mul3A_26 = arith.constant 5.000000e-01 : f32
    %mul3A_27 = vector.broadcast %mul3A_26 : f32 to vector<2000x128xf32>
    %mul3A_28 = arith.mulf %mul3A_27, %add3A_25 : vector<2000x128xf32>
    %mul3A_29 = arith.constant 0.707106769 : f32
    %mul3A_30 = vector.broadcast %mul3A_29 : f32 to vector<2000x128xf32>
    %mul3A_31 = arith.mulf %add3A_25, %mul3A_30 : vector<2000x128xf32>
    %erf3A = math.erf %mul3A_31 : vector<2000x128xf32>
    %add3A_32 = arith.constant 1.000000e+00 : f32
    %add3A_33 = vector.broadcast %add3A_32 : f32 to vector<2000x128xf32>
    %add3A_34 = arith.addf %add3A_33, %erf3A : vector<2000x128xf32>
    %mul3A_35 = arith.mulf %mul3A_28, %add3A_34 : vector<2000x128xf32>
    %get3A_36 = arith.constant 0 : index
    %get3A_37 = arith.constant 0 : index
    %get3A_38 = vector.load %arg1[%get3A_36, %get3A_37] : memref<2000x128xf32, #tpu.memory_space<vmem>>, vector<2000x128xf32>
    %add3A_39 = arith.addf %get3A_38, %mul3A_35 : vector<2000x128xf32>
    %get3A_40 = arith.constant 0 : index
    %get3A_41 = arith.constant 0 : index
    %get3A_42 = vector.load %arg5[%get3A_40, %get3A_41] : memref<1x128xf32, #tpu.memory_space<vmem>>, vector<1x128xf32>
    %get3A_43 = arith.constant 0 : index
    %get3A_44 = arith.constant 0 : index
    %get3A_45 = vector.load %arg6[%get3A_43, %get3A_44] : memref<1x128xf32, #tpu.memory_space<vmem>>, vector<1x128xf32>
    %reduce_sum3A = arith.constant dense<0.000000e+00> : vector<2000xf32>
    %reduce_sum3A_46 = vector.multi_reduction <add>, %add3A_39, %reduce_sum3A [1] : vector<2000x128xf32> to vector<2000xf32>
    %broadcast_in_dim3A = vector.shape_cast %reduce_sum3A_46 : vector<2000xf32> to vector<2000x1xf32>
    %div3A = arith.constant 1.280000e+02 : f32
    %div3A_47 = vector.broadcast %div3A : f32 to vector<2000x1xf32>
    %div3A_48 = arith.divf %broadcast_in_dim3A, %div3A_47 : vector<2000x1xf32>
    %sub3A = vector.broadcast %div3A_48 : vector<2000x1xf32> to vector<2000x128xf32>
    %sub3A_49 = arith.subf %add3A_39, %sub3A : vector<2000x128xf32>
    %mul3A_50 = arith.mulf %sub3A_49, %sub3A_49 : vector<2000x128xf32>
    %reduce_sum3A_51 = arith.constant dense<0.000000e+00> : vector<2000xf32>
    %reduce_sum3A_52 = vector.multi_reduction <add>, %mul3A_50, %reduce_sum3A_51 [1] : vector<2000x128xf32> to vector<2000xf32>
    %broadcast_in_dim3A_53 = vector.shape_cast %reduce_sum3A_52 : vector<2000xf32> to vector<2000x1xf32>
    %div3A_54 = arith.constant 1.280000e+02 : f32
    %div3A_55 = vector.broadcast %div3A_54 : f32 to vector<2000x1xf32>
    %div3A_56 = arith.divf %broadcast_in_dim3A_53, %div3A_55 : vector<2000x1xf32>
    %add3A_57 = arith.constant 9.99999974E-6 : f32
    %add3A_58 = vector.broadcast %add3A_57 : f32 to vector<2000x1xf32>
    %add3A_59 = arith.addf %div3A_56, %add3A_58 : vector<2000x1xf32>
    %rsqrt3A_60 = math.rsqrt %add3A_59 : vector<2000x1xf32>
    %mul3A_61 = vector.broadcast %rsqrt3A_60 : vector<2000x1xf32> to vector<2000x128xf32>
    %mul3A_62 = arith.mulf %sub3A_49, %mul3A_61 : vector<2000x128xf32>
    %mul3A_63 = vector.broadcast %get3A_42 : vector<1x128xf32> to vector<2000x128xf32>
    %mul3A_64 = arith.mulf %mul3A_62, %mul3A_63 : vector<2000x128xf32>
    %add3A_65 = vector.broadcast %get3A_45 : vector<1x128xf32> to vector<2000x128xf32>
    %add3A_66 = arith.addf %mul3A_64, %add3A_65 : vector<2000x128xf32>
    %swap3A = arith.constant 0 : index
    %swap3A_67 = arith.constant 0 : index
    %swap3A_68 = vector.load %arg7[%swap3A, %swap3A_67] : memref<2000x128xf32, #tpu.memory_space<vmem>>, vector<2000x128xf32>
    tpu.vector_store %arg7[%swap3A, %swap3A_67], %add3A_66 {strides = array<i32>} : memref<2000x128xf32, #tpu.memory_space<vmem>>, vector<2000x128xf32>,
    return
  }
  func.func @transform_0(%arg0: i32) -> (i32, i32) {
    %c0_i32 = arith.constant 0 : i32
    %c0_i32_0 = arith.constant 0 : i32
    return %arg0, %c0_i32 : i32, i32
  }
  func.func @transform_1(%arg0: i32) -> (i32, i32, i32) {
    %c0_i32 = arith.constant 0 : i32
    %c0_i32_0 = arith.constant 0 : i32
    %c0_i32_1 = arith.constant 0 : i32
    return %c0_i32, %arg0, %c0_i32_0 : i32, i32, i32
  }
  func.func @transform_2(%arg0: i32) -> (i32, i32, i32) {
    %c0_i32 = arith.constant 0 : i32
    %c0_i32_0 = arith.constant 0 : i32
    %c0_i32_1 = arith.constant 0 : i32
    return %c0_i32, %arg0, %c0_i32_0 : i32, i32, i32
  }
  func.func @transform_3(%arg0: i32) -> (i32, i32) {
    %c0_i32 = arith.constant 0 : i32
    %c0_i32_0 = arith.constant 0 : i32
    %c0_i32_1 = arith.constant 0 : i32
    return %c0_i32, %c0_i32_0 : i32, i32
  }
  func.func @transform_4(%arg0: i32) -> (i32, i32) {
    %c0_i32 = arith.constant 0 : i32
    %c0_i32_0 = arith.constant 0 : i32
    %c0_i32_1 = arith.constant 0 : i32
    return %c0_i32, %c0_i32_0 : i32, i32
  }
  func.func @transform_5(%arg0: i32) -> (i32, i32) {
    %c0_i32 = arith.constant 0 : i32
    %c0_i32_0 = arith.constant 0 : i32
    %c0_i32_1 = arith.constant 0 : i32
    return %c0_i32, %c0_i32_0 : i32, i32
  }
  func.func @transform_6(%arg0: i32) -> (i32, i32) {
    %c0_i32 = arith.constant 0 : i32
    %c0_i32_0 = arith.constant 0 : i32
    return %arg0, %c0_i32 : i32, i32
  }
}

</mosaic_0001>

<sc_bundles>
// kernel: kernel.10.cloned.1.call-start
scs
__scs_entry_jumppad:
0x0: {  	(pc) =	sbr.rel $0x88, $3  }
0x1: {  	(tag) =	ssettag $0x0;
	lr =	simm.s32 $0x1  }
0x2: {  	[smem:$0x3F8F] =	sst lr;
	_ =	strace $0xD0000000  }
0x3: {  	_ = 	snop  }
0x4: {  	_ = 	snop  }
0x5: {  	_ = 	snop  }
0x6: {  	_ = 	snop  }
0x7: {  	_ = 	snop  }
__scs_overlays_trampoline_lowered:
0x8: {  	[smem:$0x3F9E] =	sst s0  }
0x9: {  	[smem:$0x3F9F] =	sst s1  }
0xa: {  	[smem:$0x3FA0] =	sst s2  }
0xb: {  	[smem:$0x3FA1] =	sst s3  }
0xc: {  	[smem:$0x3FA2] =	sst s4  }
0xd: {  	[smem:$0x3FA3] =	sst s5  }
0xe: {  	[smem:$0x3FA4] =	sst s6  }
0xf: {  	[smem:$0x3FA5] =	sst s7  }
0x10: {  	[smem:$0x3FA6] =	sst s8  }
0x11: {  	[smem:$0x3FA7] =	sst s9;
	s0 =	simm.s32 @!p0 $0x0  }
0x12: {  	s1 =	sld [smem:$0x3F8D];
	s0 =	simm.s32 @p0 $0x1  }
0x13: {  	[smem:$0x3FA8] =	sst s0;
	s0 =	simm.s32 @!p1 $0x0  }
0x14: {  	s2 =	sld [smem:$0x3F8C];
	s0 =	simm.s32 @p1 $0x1  }
0x15: {  	[smem:$0x3FA9] =	sst s0;
	s0 =	simm.s32 @!p2 $0x0  }
0x16: {  	s3 =	sld [smem:$0x3FDB];
	s0 =	simm.s32 @p2 $0x1  }
0x17: {  	s4 =	simm.s32 $0x1BF5;
	[smem:$0x3FAB] =	sst s0  }
0x18: {  	s0 =	sld [smem:$0x3F8E];
	_ =	swait.ge [sflag:s4], $0x0  }
0x19: {  	s7 =	sld [smem:$0x3F8F]  }
0x1a: {  	s8 =	sadd.s32 $0xFFFFE003, lr  }
0x1b: {  	s9 =	sadd.s32 $0xFFFFFEF7, lr;
	s5 =	simm.s32 $0xFFFFFFFF;
	p2 =	slt.u32 s8, $0xFFFFF086  }
0x1c: {  	p1 =	slt.u32 s9, $0xF7A;
	s5 =	simm.s32 @!p2 $0x0  }
0x1d: {  	s5 =	simm.s32 @p1 $0x1;
	p0 =	seq.s32 s7, s2  }
0x1e: {  	s7 =	smul.u32 @!p0 $0xF7A, s2;
	p2 =	seq.s32 @!p0 s5, $0x0  }
0x1f: {  	s9 =	smul.u32 $0xF7A, s1;
	s8 =	simm.s32 @!p0 $0x1BF5;
	p2 =	por !p2, p0  }
0x20: {  	[sflag:s8] =	ssyncset.s32 @!p0 $0xFFFFF086;
	s6 =	sadd.s32 @!p0 s3, s7;
	s7 =	simm.s32 @!p0 $0x108  }
0x21: {  	s3 =	sadd.s32 s3, s9;
	s6 =	sadd.s32 @!p0 $0x88, s6;
	s7 =	simm.s32 @p2 $0x1082  }
0x22: {  	[simem:s7], [sflag:s8] =	dma.local @!p0 [hbm:s6], $0xF7A  }
0x23: {  	s9 =	sor.u32 $0xD0000000, s2;
	s6 =	simm.s32 $0x108;
	_ =	swait.ge @!p0 [sflag:s8], $0x0  }
0x24: {  	s3 =	sadd.s32 $0x88, s3;
	s6 =	simm.s32 @!p1 $0x1082;
	[sflag:s4] =	ssyncset.s32 $0xFFFFF086  }
0x25: {  	[simem:s6], [sflag:s4] =	dma.local [hbm:s3], $0xF7A  }
0x26: {  	[smem:$0x3F8F] =	sst s1;
	(tag) =	ssettag s2;
	_ =	strace s9  }
0x27: {  	s1 =	sld [smem:$0x3F9F]  }
0x28: {  	s2 =	sld [smem:$0x3FA0]  }
0x29: {  	s4 =	sld [smem:$0x3FA2]  }
0x2a: {  	p0 =	seq.s32 s5, $0x0;
	s5 =	sld [smem:$0x3FA3]  }
0x2b: {  	s6 =	sld [smem:$0x3FA4]  }
0x2c: {  	s7 =	sld [smem:$0x3FA5]  }
0x2d: {  	s3 =	simm.s32 $0x108;
	s8 =	sld [smem:$0x3FA6]  }
0x2e: {  	s3 =	simm.s32 @!p0 $0x1082;
	s9 =	sld [smem:$0x3FA7]  }
0x2f: {  	lr =	sadd.s32 s0, s3;
	s0 =	sld [smem:$0x3F9E]  }
0x30: {  	s3 =	sld [smem:$0x3FA1]  }
0x31: {  	[smem:$0x3FAA] =	sst s10  }
0x32: {  	s10 =	sld [smem:$0x3FA8];
	_ =	sdelay $0x3  }
0x33: {  	p0 =	seq.s32 s10, $0x1;
	s10 =	sld [smem:$0x3FAA];
	_ =	sdelay $0x3  }
0x34: {  	[smem:$0x3FAA] =	sst s10  }
0x35: {  	s10 =	sld [smem:$0x3FA9];
	_ =	sdelay $0x3  }
0x36: {  	p1 =	seq.s32 s10, $0x1;
	s10 =	sld [smem:$0x3FAA];
	_ =	sdelay $0x3  }
0x37: {  	[smem:$0x3FAA] =	sst s10  }
0x38: {  	s10 =	sld [smem:$0x3FAB]  }
0x39: {  	_ = 	snop;
	(pc) =	sbr.ind lr, $3  }
0x3a: {  	_ = 	snop  }
0x3b: {  	_ = 	snop  }
0x3c: {  	p2 =	seq.s32 s10, $0x1;
	s10 =	sld [smem:$0x3FAA]  }
0x3d: {  	_ =	shalt  }
0x3e: {  	_ =	shalt  }
0x3f: {  	_ =	shalt  }
0x40: {  	_ =	shalt  }
0x41: {  	_ =	shalt  }
0x42: {  	_ =	shalt  }
0x43: {  	_ =	shalt  }
0x44: {  	_ =	shalt  }
0x45: {  	_ =	shalt  }
0x46: {  	_ =	shalt  }
0x47: {  	_ =	shalt  }
0x48: {  	_ =	shalt  }
0x49: {  	_ =	shalt  }
0x4a: {  	_ =	shalt  }
0x4b: {  	_ =	shalt  }
0x4c: {  	_ =	shalt  }
0x4d: {  	_ =	shalt  }
0x4e: {  	_ =	shalt  }
0x4f: {  	_ =	shalt  }
0x50: {  	_ =	shalt  }
0x51: {  	_ =	shalt  }
0x52: {  	_ =	shalt  }
0x53: {  	_ =	shalt  }
0x54: {  	_ =	shalt  }
0x55: {  	_ =	shalt  }
0x56: {  	_ =	shalt  }
0x57: {  	_ =	shalt  }
0x58: {  	_ =	shalt  }
0x59: {  	_ =	shalt  }
0x5a: {  	_ =	shalt  }
0x5b: {  	_ =	shalt  }
0x5c: {  	_ =	shalt  }
0x5d: {  	_ =	shalt  }
0x5e: {  	_ =	shalt  }
0x5f: {  	_ =	shalt  }
0x60: {  	_ =	shalt  }
0x61: {  	_ =	shalt  }
0x62: {  	_ =	shalt  }
0x63: {  	_ =	shalt  }
0x64: {  	_ =	shalt  }
0x65: {  	_ =	shalt  }
0x66: {  	_ =	shalt  }
0x67: {  	_ =	shalt  }
0x68: {  	_ =	shalt  }
0x69: {  	_ =	shalt  }
0x6a: {  	_ =	shalt  }
0x6b: {  	_ =	shalt  }
0x6c: {  	_ =	shalt  }
0x6d: {  	_ =	shalt  }
0x6e: {  	_ =	shalt  }
0x6f: {  	_ =	shalt  }
0x70: {  	_ =	shalt  }
0x71: {  	_ =	shalt  }
0x72: {  	_ =	shalt  }
0x73: {  	_ =	shalt  }
0x74: {  	_ =	shalt  }
0x75: {  	_ =	shalt  }
0x76: {  	_ =	shalt  }
0x77: {  	_ =	shalt  }
0x78: {  	_ =	shalt  }
0x79: {  	_ =	shalt  }
0x7a: {  	_ =	shalt  }
0x7b: {  	_ =	shalt  }
0x7c: {  	_ =	shalt  }
0x7d: {  	_ =	shalt  }
0x7e: {  	_ =	shalt  }
0x7f: {  	_ =	shalt  }
0x80: {  	_ =	shalt  }
0x81: {  	_ =	shalt  }
0x82: {  	_ =	shalt  }
0x83: {  	_ =	shalt  }
0x84: {  	_ =	shalt  }
0x85: {  	_ =	shalt  }
0x86: {  	_ =	shalt  }
0x87: {  	_ =	shalt  }
.Lfunc_end0:
.L_simem_size_0:
called_computation_lowered:
.L_overlay_start_0:
0x88: {  	s2 =	sld [smem:$0x3FD9]  }
0x89: {  	s3 =	sld [smem:$0x3FFE];
	_ =	sdelay $0x1  }
0x8a: {  	s1 =	srdreg.scid  }
0x8b: {  	s0 =	sand.u32 $0x1, s1  }
0x8c: {  	s17 =	sshll.u32 s0, $0xA;
	s2 =	sadd.s32 s3, s2  }
0x8d: {  	s2 =	sadd.s32 s2, s17  }
0x8e: {  	[smem:$0x3FB6] =	sst s2  }
0x8f: {  	_ = 	snop  }
0x90: {  	s2 =	sld [smem:$0x3FD0];
	(tm) =	ssettm $0x1  }
0x91: {  	s18 =	sld [smem:$0x3FFB];
	_ =	sdelay $0x3  }
0x92: {  	_ =	strace s18  }
0x93: {  	s3 =	sld [smem:$0x3FFC];
	_ =	sdelay $0x3  }
0x94: {  	_ =	strace s3  }
0x95: {  	s3 =	sld [smem:$0x3FFD];
	_ =	sdelay $0x3  }
0x96: {  	_ =	strace s3  }
0x97: {  	_ =	strace $0x8FFFFFFF  }
0x98: {  	s19 =	sld [smem:$0x3FDB];
	_ =	sdelay $0x1  }
0x99: {  	s4 =	simm.s32 $_scs_section_size  }
0x9a: {  	s5 =	simm.s32 $_size__tile_overlayer_lowered;
	s6 =	simm.s32 $_tile_overlayer_lowered  }
0x9b: {  	s22 =	simm.s32 $0x1BFF;
	s21 =	sshll.u32 s6, $0x1;
	s3 =	sadd.s32 s4, s19  }
0x9c: {  	s7 =	simm.s32 $0x0;
	s20 =	sshll.u32 s5, $0x1;
	s5 =	sadd.s32 s21, s3  }
0x9d: {  	[timem:s7], [sflag:s22] =	dma.local [hbm:s5], s20  }
0x9e: {  	_ =	swait.ge [sflag:s22], s20  }
0x9f: {  	s4 =	ssub.s32 $0x0, s20;
	[sflag:s22] =	ssyncset.done $0x0  }
0xa0: {  	[sflag:s22] =	ssyncadd.s32 s4;
	_ =	sdelay $0x1  }
0xa1: {  	s23 =	simm.s32 $0x1B8B  }
0xa2: {  	_ =	swait.ge [sflag:s23], $0x1  }
0xa3: {  	[sflag:s23] =	ssyncset.done $0x0  }
0xa4: {  	s25 =	simm.s32 $0x1B8E;
	s24 =	sld [smem:$0x3FFE];
	[sflag:s23] =	ssyncadd.s32 $0xFFFFFFFF  }
0xa5: {  	s26 =	simm.s32 $execute0_lowered;
	[smem:$0x3FD2] =	sst s25  }
0xa6: {  	s5 =	sshll.u32 s26, $0x1;
	_ =	strace $0x80000046;
	[dreg:$0x1] =	wrdreg $0xFFFFFFFF  }
0xa7: {  	s28 =	simm.s32 $_size_execute0_lowered;
	s3 =	sadd.s32 s3, s5;
	[dreg:$0x0] =	wrdreg $0x0  }
0xa8: {  	s5 =	sshll.u32 s28, $0x1;
	[dreg:$0x2] =	wrdreg s3  }
0xa9: {  	[dreg:$0x3] =	wrdreg s5  }
0xaa: {  	[dreg:$0x4] =	wrdreg $0xC0  }
0xab: {  	_ =	task [dreg:s7], $0x5FFFF  }
0xac: {  	[dreg:$0x1] =	wrdreg $0xFFFFFFFF  }
0xad: {  	[dreg:$0x0] =	wrdreg $0x60  }
0xae: {  	[dreg:$0x2] =	wrdreg s2  }
0xaf: {  	[dreg:$0x3] =	wrdreg s24  }
0xb0: {  	[dreg:$0x4] =	wrdreg $0x68000  }
0xb1: {  	[dreg:$0x5] =	wrdreg $0x9  }
0xb2: {  	_ =	task.clear_ibuf [dreg:s7], $0x6FFFF;
	_ =	strace $0x90000046  }
0xb3: {  	s29 =	simm.s32 $0x9;
	_ =	strace $0x80000048  }
0xb4: {  	_ =	swait.ge [sflag:s29], $0x1  }
0xb5: {  	[sflag:s29] =	ssyncadd.s32 $0xFFFFFFFF  }
0xb6: {  	_ =	strace $0x90000048  }
0xb7: {  	_ =	sfence  }
0xb8: {  	s30 =	sld [smem:$0x0];
	_ =	sdelay $0x2  }
0xb9: {  	s31 =	sshll.u32 s1, $0xD;
	s1 =	sshrl.u32 s1, $0x2  }
0xba: {  	s3 =	sand.u32 $0x4000, s31;
	s1 =	sadd.s32 s1, s30  }
0xbb: {  	s0 =	sor.u32 s3, s0;
	s1 =	sshll.u32 s1, $0x11  }
0xbc: {  	s0 =	sor.u32 s1, s0  }
0xbd: {  	s0 =	sadd.s32 $0x8F2B, s0  }
0xbe: {  	[sflag:s0] =	ssyncadd.remote.s32 $0x1  }
0xbf: {  	_ =	sfence.sel $0xFFFF  }
0xc0: {  	[dreg:$0x0] =	wrdreg $0xFFFFFFFF;
	(pc) =	sbr.abs _section_cstart, $3  }
0xc1: {  	[dreg:$0x1] =	wrdreg $0xFFFFFFFF  }
0xc2: {  	_ =	task.clear_ibuf [dreg:s7], $0x2FFFF;
	_ =	strace $0x9FFFFFFF  }
0xc3: {  	(tm) =	ssettm $0x7FFFFFFF  }
tec
execute0_lowered:
.L_overlay_start_1:
0x0: {  	(tag) =	ssettag $0x1  }
0x1: {  	s1 =	rddreg [dreg:$0x0]  }
0x2: {  	s9 =	rddreg [dreg:$0x1]  }
0x3: {  	s0 =	srdreg.scid;
	s3 =	rddreg [dreg:$0x2]  }
0x4: {  	s4 =	simm.s32 $0x0;
	s22 =	simm.s32 $0x69;
	s23 =	simm.s32 $0x1  }
0x5: {  	s24 =	simm.s32 $0x1FC2;
	s25 =	simm.s32 $0x0;
	s8 =	sand.u32 $0x1, s0  }
0x6: {  	s0 =	stileid.u32;
	[smem:$0x7FF] =	sst s4;
	s13 =	sadd.s32 $0x37600, s9  }
0x7: {  	s2 =	sshll.u32 s8, $0x4;
	s10 =	smul.u32 $0x2780, s0;
	s29 =	ssub.s32 $0x2, s8  }
0x8: {  	p0 =	seq.s32 s0, $0xF;
	p1 =	seq.s32 s8, $0x0;
	s7 =	smul.u32 $0x4F000, s0  }
0x9: {  	p3 =	sne.s32 s0, $0xF;
	p6 =	seq.s32 s8, $0x1;
	s15 =	smul.u32 $0x138C00, s8  }
0xa: {  	s16 =	smul.u32 $0x13C00, s0;
	s31 =	sshll.u32 s0, $0x6;
	s5 =	sor.u32 s0, s2  }
0xb: {  	s2 =	rddreg [dreg:$0x3];
	_ =	strace $0x80000047;
	s6 =	sshrl.u32 s29, $0x1  }
0xc: {  	p2 =	por !p1, !p3;
	p4 =	por !p1, !p0;
	p3 =	por !p3, !p6  }
0xd: {  	s5 =	smul.u32 $0x600, s5;
	s12 =	sadd.s32 s10, s9;
	s14 =	ssub.s32 s29, s6  }
0xe: {  	p1 =	por !p2, !p2;
	p2 =	por !p4, !p4;
	s6 =	sadd.s32 $0x25080, s1  }
0xf: {  	s7 =	sshrl.u32 s7, $0x2;
	s8 =	sadd.s32 s1, s10;
	p3 =	por !p3, !p3  }
0x10: {  	s17 =	sshrl.u32 s15, $0x3;
	s15 =	sadd.s32 s16, s15;
	p4 =	por !p0, !p6  }
0x11: {  	s16 =	simm.s32 $0x2;
	s7 =	sadd.s32 s7, s3;
	s10 =	sadd.s32 $0x10400, s12  }
0x12: {  	s30 =	sadd.s32 s13, s17;
	s15 =	sshrl.u32 s15, $0x3;
	s14 =	smax.u32 s14, $0x1  }
0x13: {  	p4 =	por !p4, !p4;
	s17 =	sor.u32 $0x1C02, s31;
	s20 =	sshll.u32 @p3 s0, $0x6  }
0x14: {  	s11 =	sadd.s32 s5, s9;
	s5 =	sadd.s32 $0x128400, s3;
	s9 =	sadd.s32 $0x35480, s9  }
0x15: {  	s12 =	sadd.s32 $0x25080, s30;
	s13 =	sadd.s32 s13, s15;
	s15 =	simm.s32 $0x3000  }
0x16: {  	p4 =	por !p4, p3;
	s18 =	sshrl.u32 s7, $0x3;
	s20 =	sor.u32 @p3 $0x1C02, s20  }
0x17: {  	s21 =	sshrl.u32 @p3 s7, $0x3;
	s11 =	sadd.s32 $0x3E00, s11;
	s19 =	sshrl.u32 @!p4 s5, $0x3  }
.LBB2_1:
.Ltmp0:
0x18: {  	(pc) =	sbr.rel @!p1 .LBB2_4-.Ltmp0, $4  }
0x19: {  	[tilespmem:s15], [sflag:$0x2] =	stream.linear.gather [hbm4b:s1+s4], $0x3800, $0x38;
	[tilespmem:$0x1A0C0] =	vst v63  }
0x1a: {  	_ =	swait.ge [sflag:s16], $0x3800  }
0x1b: {  	[sflag:s16] =	ssyncset.done $0x0  }
0x1c: {  	[sflag:s16] =	ssyncadd.s32 $0xFFFFC800  }
.Ltmp1:
0x1d: {  	(pc) =	sbr.rel .LBB2_3-.Ltmp1, $4  }
0x1e: {  	[spmem:s18], [sflag:s17] =	dma.local [hbm:s8], $0x2780  }
0x1f: {  	_ =	swait.ge [sflag:s16], $0x2780  }
0x20: {  	[sflag:s16] =	ssyncset.done $0x0  }
0x21: {  	[sflag:s16] =	ssyncadd.s32 $0xFFFFD880  }
.LBB2_4:
.Ltmp2:
0x22: {  	(pc) =	sbr.rel @!p2 .LBB2_3-.Ltmp2, $1  }
0x23: {  	_ =	sdelay $0x3  }
.Ltmp3:
0x24: {  	s26 =	sshrl.u32 s5, $0x3;
	(pc) =	sbr.rel .LBB2_6-.Ltmp3, $4  }
0x25: {  	[spmem:s26], [sflag:s24] =	dma.local [hbm:s6], $0x2080  }
0x26: {  	_ =	swait.ge [sflag:s16], $0x2080  }
0x27: {  	[sflag:s16] =	ssyncset.done $0x0  }
0x28: {  	[sflag:s16] =	ssyncadd.s32 $0xFFFFDF80  }
.LBB2_3:
0x29: {  	s26 =	simm.s32 @!p4 $0x1FC2  }
0x2a: {  	[spmem:s19], [sflag:s26] =	dma.local @!p4 [hbm:s9], $0x2100  }
0x2b: {  	s26 =	simm.s32 @!p4 $0x2  }
0x2c: {  	_ =	swait.ge @!p4 [sflag:s26], $0x2100  }
0x2d: {  	[sflag:s26] =	ssyncset.done @!p4 $0x0  }
0x2e: {  	[sflag:s26] =	ssyncadd.s32 @!p4 $0xFFFFDF00;
	s26 =	simm.s32 @p3 $0x2  }
0x2f: {  	[spmem:s21], [sflag:s20] =	dma.local @p3 [hbm:s10], $0x2780  }
0x30: {  	_ =	swait.ge @p3 [sflag:s26], $0x2780  }
0x31: {  	[sflag:s26] =	ssyncset.done @p3 $0x0  }
0x32: {  	[sflag:s26] =	ssyncadd.s32 @p3 $0xFFFFD880  }
.LBB2_6:
0x33: {  	s26 =	simm.s32 $0x0  }
0x34: {  	[tilespmem:s26], [sflag:$0x2] =	stream.linear.gather [hbm4b:s11+s26], $0x3000, $0x38;
	[tilespmem:$0x1A0C0] =	vst v63  }
0x35: {  	_ =	swait.ge [sflag:s16], $0x3000  }
0x36: {  	[sflag:s16] =	ssyncset.done $0x0  }
0x37: {  	[sflag:s16] =	ssyncadd.s32 $0xFFFFD000  }
0x38: {  	[bflag:$0x0] =	sbarrier.arrive $0xFFFF  }
.LBB2_7:
0x39: {  	p5 =	sne.s32 s26, $0xBE00  }
.Ltmp4:
0x3a: {  	_ = 	snop;
	(pc) =	sbr.rel @p5 .LBB2_7-.Ltmp4, $3  }
0x3b: {  	_ =	sdelay $0x1  }
0x3c: {  	s28 =	sshra.s32 s26, $0x2;
	s26 =	sadd.s32 $0x200, s26  }
0x3d: {  	[spmem:s3] =	stream.indirect.scatter.add.f32 [tilespmem:s15], [sflag:$0x1], $0x80, s28, s22, $0xb8;
	[tilespmem:$0x1A0C0] =	vst v63  }
0x3e: {  	_ =	swait.ge [sflag:s23], $0x3480  }
0x3f: {  	s26 =	simm.s32 $0x5F;
	[sflag:s23] =	ssyncset.done $0x0  }
.LBB2_9:
0x40: {  	p5 =	sne.s32 s26, $0x1;
	s26 =	sadd.s32 $0xFFFFFFFF, s26;
	[sflag:s23] =	ssyncadd.s32 $0xFFFFCB80  }
.Ltmp5:
0x41: {  	(pc) =	sbr.rel @p5 .LBB2_9-.Ltmp5, $3  }
0x42: {  	_ =	sdelay $0x1  }
0x43: {  	_ =	swait.ge [sflag:s23], $0x3480  }
0x44: {  	[sflag:s23] =	ssyncset.done $0x0  }
0x45: {  	[sflag:s23] =	ssyncadd.s32 $0xFFFFCB80  }
0x46: {  	s26 =	sshrl.u32 @p0 s5, $0x3;
	s28 =	simm.s32 @p0 $0x1FC2;
	[bflag:$0x0] =	sbarrier.arrive $0xFFFF  }
0x47: {  	[hbm:s12], [sflag:s28] =	dma.local @p0 [spmem:s26], $0x2100  }
0x48: {  	s26 =	simm.s32 @p0 $0x2  }
0x49: {  	s25 =	sadd.s32 $0x1, s25;
	_ =	swait.ge @p0 [sflag:s26], $0x2100  }
0x4a: {  	p5 =	sne.s32 s25, s14;
	s28 =	sshll.u32 @!p0 s0, $0x6;
	[sflag:s26] =	ssyncset.done @p0 $0x0  }
0x4b: {  	[sflag:s26] =	ssyncadd.s32 @p0 $0xFFFFDF00;
	s26 =	sor.u32 @!p0 $0x1C02, s28;
	s28 =	sshrl.u32 @!p0 s7, $0x3  }
0x4c: {  	[hbm:s13], [sflag:s26] =	dma.local @!p0 [spmem:s28], $0x2780  }
.Ltmp6:
0x4d: {  	_ = 	snop;
	(pc) =	sbr.rel @p5 .LBB2_1-.Ltmp6, $4  }
0x4e: {  	s26 =	simm.s32 @!p0 $0x2  }
0x4f: {  	_ =	swait.ge @!p0 [sflag:s26], $0x2780  }
0x50: {  	[sflag:s26] =	ssyncset.done @!p0 $0x0  }
0x51: {  	[sflag:s26] =	ssyncadd.s32 @!p0 $0xFFFFD880  }
0x52: {  	_ =	sfence.sel $0x180000  }
0x53: {  	[bflag:$0x0] =	sbarrier.arrive $0xFFFF  }
0x54: {  	p0 =	sne.s32 s0, $0x0;
	_ =	strace $0x90000047  }
0x55: {  	s0 =	sadd.s32 @!p0 $0x100000, s2;
	[bflag:$0x2] =	sbarrier.arrive $0xFFFF  }
0x56: {  	[sflag:s0] =	ssyncadd.tile.s32 @!p0 $0x1;
	_ =	shalt  }
.Lfunc_end2:
_tile_overlayer_lowered:
.L_overlay_start_2:
0x57: {  	(tag) =	ssettag $0x2  }
0x58: {  	s0 =	rddreg [dreg:$0x0];
	s2 =	stileid.u32  }
0x59: {  	s1 =	rddreg [dreg:$0x1];
	p0 =	sne.s32 s2, $0x0  }
0x5a: {  	s3 =	rddreg [dreg:$0x2];
	[bflag:$0x3] =	sbarrier.arrive $0xFFFF;
	s2 =	simm.s32 @!p0 $0x1C02  }
0x5b: {  	[timem:s3], [sflag:s2] =	dma.local @!p0 [hbm:s0], s1  }
0x5c: {  	s0 =	simm.s32 @!p0 $0x2  }
0x5d: {  	_ =	swait.ge @!p0 [sflag:s0], s1  }
0x5e: {  	s1 =	ssub.s32 @!p0 $0x0, s1;
	[sflag:s0] =	ssyncset.done @!p0 $0x0  }
0x5f: {  	[sflag:s0] =	ssyncadd.s32 @!p0 s1  }
0x60: {  	[bflag:$0x3] =	sbarrier.arrive $0xFFFF  }
0x61: {  	_ =	shalt  }

// kernel: kernel.13.cloned.1.call-start
scs
__scs_entry_jumppad:
0x0: {  	(pc) =	sbr.rel $0x88, $3  }
0x1: {  	(tag) =	ssettag $0x0;
	lr =	simm.s32 $0x1  }
0x2: {  	[smem:$0x3F8F] =	sst lr;
	_ =	strace $0xD0000000  }
0x3: {  	_ = 	snop  }
0x4: {  	_ = 	snop  }
0x5: {  	_ = 	snop  }
0x6: {  	_ = 	snop  }
0x7: {  	_ = 	snop  }
__scs_overlays_trampoline_lowered:
0x8: {  	[smem:$0x3F9E] =	sst s0  }
0x9: {  	[smem:$0x3F9F] =	sst s1  }
0xa: {  	[smem:$0x3FA0] =	sst s2  }
0xb: {  	[smem:$0x3FA1] =	sst s3  }
0xc: {  	[smem:$0x3FA2] =	sst s4  }
0xd: {  	[smem:$0x3FA3] =	sst s5  }
0xe: {  	[smem:$0x3FA4] =	sst s6  }
0xf: {  	[smem:$0x3FA5] =	sst s7  }
0x10: {  	[smem:$0x3FA6] =	sst s8  }
0x11: {  	[smem:$0x3FA7] =	sst s9;
	s0 =	simm.s32 @!p0 $0x0  }
0x12: {  	s1 =	sld [smem:$0x3F8D];
	s0 =	simm.s32 @p0 $0x1  }
0x13: {  	[smem:$0x3FA8] =	sst s0;
	s0 =	simm.s32 @!p1 $0x0  }
0x14: {  	s2 =	sld [smem:$0x3F8C];
	s0 =	simm.s32 @p1 $0x1  }
0x15: {  	[smem:$0x3FA9] =	sst s0;
	s0 =	simm.s32 @!p2 $0x0  }
0x16: {  	s3 =	sld [smem:$0x3FDB];
	s0 =	simm.s32 @p2 $0x1  }
0x17: {  	s4 =	simm.s32 $0x1BF5;
	[smem:$0x3FAB] =	sst s0  }
0x18: {  	s0 =	sld [smem:$0x3F8E];
	_ =	swait.ge [sflag:s4], $0x0  }
0x19: {  	s7 =	sld [smem:$0x3F8F]  }
0x1a: {  	s8 =	sadd.s32 $0xFFFFE003, lr  }
0x1b: {  	s9 =	sadd.s32 $0xFFFFFEF7, lr;
	s5 =	simm.s32 $0xFFFFFFFF;
	p2 =	slt.u32 s8, $0xFFFFF086  }
0x1c: {  	p1 =	slt.u32 s9, $0xF7A;
	s5 =	simm.s32 @!p2 $0x0  }
0x1d: {  	s5 =	simm.s32 @p1 $0x1;
	p0 =	seq.s32 s7, s2  }
0x1e: {  	s7 =	smul.u32 @!p0 $0xF7A, s2;
	p2 =	seq.s32 @!p0 s5, $0x0  }
0x1f: {  	s9 =	smul.u32 $0xF7A, s1;
	s8 =	simm.s32 @!p0 $0x1BF5;
	p2 =	por !p2, p0  }
0x20: {  	[sflag:s8] =	ssyncset.s32 @!p0 $0xFFFFF086;
	s6 =	sadd.s32 @!p0 s3, s7;
	s7 =	simm.s32 @!p0 $0x108  }
0x21: {  	s3 =	sadd.s32 s3, s9;
	s6 =	sadd.s32 @!p0 $0x88, s6;
	s7 =	simm.s32 @p2 $0x1082  }
0x22: {  	[simem:s7], [sflag:s8] =	dma.local @!p0 [hbm:s6], $0xF7A  }
0x23: {  	s9 =	sor.u32 $0xD0000000, s2;
	s6 =	simm.s32 $0x108;
	_ =	swait.ge @!p0 [sflag:s8], $0x0  }
0x24: {  	s3 =	sadd.s32 $0x88, s3;
	s6 =	simm.s32 @!p1 $0x1082;
	[sflag:s4] =	ssyncset.s32 $0xFFFFF086  }
0x25: {  	[simem:s6], [sflag:s4] =	dma.local [hbm:s3], $0xF7A  }
0x26: {  	[smem:$0x3F8F] =	sst s1;
	(tag) =	ssettag s2;
	_ =	strace s9  }
0x27: {  	s1 =	sld [smem:$0x3F9F]  }
0x28: {  	s2 =	sld [smem:$0x3FA0]  }
0x29: {  	s4 =	sld [smem:$0x3FA2]  }
0x2a: {  	p0 =	seq.s32 s5, $0x0;
	s5 =	sld [smem:$0x3FA3]  }
0x2b: {  	s6 =	sld [smem:$0x3FA4]  }
0x2c: {  	s7 =	sld [smem:$0x3FA5]  }
0x2d: {  	s3 =	simm.s32 $0x108;
	s8 =	sld [smem:$0x3FA6]  }
0x2e: {  	s3 =	simm.s32 @!p0 $0x1082;
	s9 =	sld [smem:$0x3FA7]  }
0x2f: {  	lr =	sadd.s32 s0, s3;
	s0 =	sld [smem:$0x3F9E]  }
0x30: {  	s3 =	sld [smem:$0x3FA1]  }
0x31: {  	[smem:$0x3FAA] =	sst s10  }
0x32: {  	s10 =	sld [smem:$0x3FA8];
	_ =	sdelay $0x3  }
0x33: {  	p0 =	seq.s32 s10, $0x1;
	s10 =	sld [smem:$0x3FAA];
	_ =	sdelay $0x3  }
0x34: {  	[smem:$0x3FAA] =	sst s10  }
0x35: {  	s10 =	sld [smem:$0x3FA9];
	_ =	sdelay $0x3  }
0x36: {  	p1 =	seq.s32 s10, $0x1;
	s10 =	sld [smem:$0x3FAA];
	_ =	sdelay $0x3  }
0x37: {  	[smem:$0x3FAA] =	sst s10  }
0x38: {  	s10 =	sld [smem:$0x3FAB]  }
0x39: {  	_ = 	snop;
	(pc) =	sbr.ind lr, $3  }
0x3a: {  	_ = 	snop  }
0x3b: {  	_ = 	snop  }
0x3c: {  	p2 =	seq.s32 s10, $0x1;
	s10 =	sld [smem:$0x3FAA]  }
0x3d: {  	_ =	shalt  }
0x3e: {  	_ =	shalt  }
0x3f: {  	_ =	shalt  }
0x40: {  	_ =	shalt  }
0x41: {  	_ =	shalt  }
0x42: {  	_ =	shalt  }
0x43: {  	_ =	shalt  }
0x44: {  	_ =	shalt  }
0x45: {  	_ =	shalt  }
0x46: {  	_ =	shalt  }
0x47: {  	_ =	shalt  }
0x48: {  	_ =	shalt  }
0x49: {  	_ =	shalt  }
0x4a: {  	_ =	shalt  }
0x4b: {  	_ =	shalt  }
0x4c: {  	_ =	shalt  }
0x4d: {  	_ =	shalt  }
0x4e: {  	_ =	shalt  }
0x4f: {  	_ =	shalt  }
0x50: {  	_ =	shalt  }
0x51: {  	_ =	shalt  }
0x52: {  	_ =	shalt  }
0x53: {  	_ =	shalt  }
0x54: {  	_ =	shalt  }
0x55: {  	_ =	shalt  }
0x56: {  	_ =	shalt  }
0x57: {  	_ =	shalt  }
0x58: {  	_ =	shalt  }
0x59: {  	_ =	shalt  }
0x5a: {  	_ =	shalt  }
0x5b: {  	_ =	shalt  }
0x5c: {  	_ =	shalt  }
0x5d: {  	_ =	shalt  }
0x5e: {  	_ =	shalt  }
0x5f: {  	_ =	shalt  }
0x60: {  	_ =	shalt  }
0x61: {  	_ =	shalt  }
0x62: {  	_ =	shalt  }
0x63: {  	_ =	shalt  }
0x64: {  	_ =	shalt  }
0x65: {  	_ =	shalt  }
0x66: {  	_ =	shalt  }
0x67: {  	_ =	shalt  }
0x68: {  	_ =	shalt  }
0x69: {  	_ =	shalt  }
0x6a: {  	_ =	shalt  }
0x6b: {  	_ =	shalt  }
0x6c: {  	_ =	shalt  }
0x6d: {  	_ =	shalt  }
0x6e: {  	_ =	shalt  }
0x6f: {  	_ =	shalt  }
0x70: {  	_ =	shalt  }
0x71: {  	_ =	shalt  }
0x72: {  	_ =	shalt  }
0x73: {  	_ =	shalt  }
0x74: {  	_ =	shalt  }
0x75: {  	_ =	shalt  }
0x76: {  	_ =	shalt  }
0x77: {  	_ =	shalt  }
0x78: {  	_ =	shalt  }
0x79: {  	_ =	shalt  }
0x7a: {  	_ =	shalt  }
0x7b: {  	_ =	shalt  }
0x7c: {  	_ =	shalt  }
0x7d: {  	_ =	shalt  }
0x7e: {  	_ =	shalt  }
0x7f: {  	_ =	shalt  }
0x80: {  	_ =	shalt  }
0x81: {  	_ =	shalt  }
0x82: {  	_ =	shalt  }
0x83: {  	_ =	shalt  }
0x84: {  	_ =	shalt  }
0x85: {  	_ =	shalt  }
0x86: {  	_ =	shalt  }
0x87: {  	_ =	shalt  }
.Lfunc_end0:
.L_simem_size_0:
called_computation.1_lowered:
.L_overlay_start_0:
0x88: {  	s2 =	sld [smem:$0x3FD9]  }
0x89: {  	s3 =	sld [smem:$0x3FFE];
	_ =	sdelay $0x1  }
0x8a: {  	s1 =	srdreg.scid  }
0x8b: {  	s0 =	sand.u32 $0x1, s1  }
0x8c: {  	s17 =	sshll.u32 s0, $0xA;
	s2 =	sadd.s32 s3, s2  }
0x8d: {  	s2 =	sadd.s32 s2, s17  }
0x8e: {  	[smem:$0x3FB6] =	sst s2  }
0x8f: {  	_ = 	snop  }
0x90: {  	s2 =	sld [smem:$0x3FD0];
	(tm) =	ssettm $0x1  }
0x91: {  	s18 =	sld [smem:$0x3FFB];
	_ =	sdelay $0x3  }
0x92: {  	_ =	strace s18  }
0x93: {  	s3 =	sld [smem:$0x3FFC];
	_ =	sdelay $0x3  }
0x94: {  	_ =	strace s3  }
0x95: {  	s3 =	sld [smem:$0x3FFD];
	_ =	sdelay $0x3  }
0x96: {  	_ =	strace s3  }
0x97: {  	_ =	strace $0x8FFFFFFF  }
0x98: {  	s19 =	sld [smem:$0x3FDB];
	_ =	sdelay $0x1  }
0x99: {  	s4 =	simm.s32 $_scs_section_size  }
0x9a: {  	s5 =	simm.s32 $_size__tile_overlayer_lowered;
	s6 =	simm.s32 $_tile_overlayer_lowered  }
0x9b: {  	s22 =	simm.s32 $0x1BFF;
	s21 =	sshll.u32 s6, $0x1;
	s3 =	sadd.s32 s4, s19  }
0x9c: {  	s7 =	simm.s32 $0x0;
	s20 =	sshll.u32 s5, $0x1;
	s5 =	sadd.s32 s21, s3  }
0x9d: {  	[timem:s7], [sflag:s22] =	dma.local [hbm:s5], s20  }
0x9e: {  	_ =	swait.ge [sflag:s22], s20  }
0x9f: {  	s4 =	ssub.s32 $0x0, s20;
	[sflag:s22] =	ssyncset.done $0x0  }
0xa0: {  	[sflag:s22] =	ssyncadd.s32 s4;
	_ =	sdelay $0x1  }
0xa1: {  	s23 =	simm.s32 $0x1B8B  }
0xa2: {  	_ =	swait.ge [sflag:s23], $0x1  }
0xa3: {  	[sflag:s23] =	ssyncset.done $0x0  }
0xa4: {  	s25 =	simm.s32 $0x1B8E;
	s24 =	sld [smem:$0x3FFE];
	[sflag:s23] =	ssyncadd.s32 $0xFFFFFFFF  }
0xa5: {  	s26 =	simm.s32 $execute0_lowered;
	[smem:$0x3FD2] =	sst s25  }
0xa6: {  	s5 =	sshll.u32 s26, $0x1;
	_ =	strace $0x80000049;
	[dreg:$0x1] =	wrdreg $0xFFFFFFFF  }
0xa7: {  	s28 =	simm.s32 $_size_execute0_lowered;
	s3 =	sadd.s32 s3, s5;
	[dreg:$0x0] =	wrdreg $0x0  }
0xa8: {  	s5 =	sshll.u32 s28, $0x1;
	[dreg:$0x2] =	wrdreg s3  }
0xa9: {  	[dreg:$0x3] =	wrdreg s5  }
0xaa: {  	[dreg:$0x4] =	wrdreg $0xC0  }
0xab: {  	_ =	task [dreg:s7], $0x5FFFF  }
0xac: {  	[dreg:$0x1] =	wrdreg $0xFFFFFFFF  }
0xad: {  	[dreg:$0x0] =	wrdreg $0x60  }
0xae: {  	[dreg:$0x2] =	wrdreg s2  }
0xaf: {  	[dreg:$0x3] =	wrdreg s24  }
0xb0: {  	[dreg:$0x4] =	wrdreg $0xA0000  }
0xb1: {  	[dreg:$0x5] =	wrdreg $0x9  }
0xb2: {  	_ =	task.clear_ibuf [dreg:s7], $0x6FFFF;
	_ =	strace $0x90000049  }
0xb3: {  	s29 =	simm.s32 $0x9;
	_ =	strace $0x8000004B  }
0xb4: {  	_ =	swait.ge [sflag:s29], $0x1  }
0xb5: {  	[sflag:s29] =	ssyncadd.s32 $0xFFFFFFFF  }
0xb6: {  	_ =	strace $0x9000004B  }
0xb7: {  	_ =	sfence  }
0xb8: {  	s30 =	sld [smem:$0x0];
	_ =	sdelay $0x2  }
0xb9: {  	s31 =	sshll.u32 s1, $0xD;
	s1 =	sshrl.u32 s1, $0x2  }
0xba: {  	s3 =	sand.u32 $0x4000, s31;
	s1 =	sadd.s32 s1, s30  }
0xbb: {  	s0 =	sor.u32 s3, s0;
	s1 =	sshll.u32 s1, $0x11  }
0xbc: {  	s0 =	sor.u32 s1, s0  }
0xbd: {  	s0 =	sadd.s32 $0x8F2B, s0  }
0xbe: {  	[sflag:s0] =	ssyncadd.remote.s32 $0x1  }
0xbf: {  	_ =	sfence.sel $0xFFFF  }
0xc0: {  	[dreg:$0x0] =	wrdreg $0xFFFFFFFF;
	(pc) =	sbr.abs _section_cstart, $3  }
0xc1: {  	[dreg:$0x1] =	wrdreg $0xFFFFFFFF  }
0xc2: {  	_ =	task.clear_ibuf [dreg:s7], $0x2FFFF;
	_ =	strace $0x9FFFFFFF  }
0xc3: {  	(tm) =	ssettm $0x7FFFFFFF  }
tec
execute0_lowered:
.L_overlay_start_1:
0x0: {  	(tag) =	ssettag $0x1  }
0x1: {  	s1 =	rddreg [dreg:$0x0]  }
0x2: {  	s0 =	rddreg [dreg:$0x1]  }
0x3: {  	s3 =	rddreg [dreg:$0x2];
	s4 =	simm.s32 $0x0;
	s17 =	stileid.u32  }
0x4: {  	s7 =	srdreg.scid;
	s28 =	simm.s32 $0x1;
	s29 =	simm.s32 $0x69  }
0x5: {  	s30 =	simm.s32 $0x3000;
	[smem:$0x7FF] =	sst s4;
	s2 =	smul.u32 $0x2780, s17  }
0x6: {  	s5 =	sadd.s32 $0x85A00, s0;
	s8 =	smul.u32 $0x30, s17;
	s6 =	sadd.s32 $0x3E00, s0  }
0x7: {  	s9 =	sand.u32 $0x1, s7;
	s10 =	smul.u32 $0x90, s17;
	p0 =	seq.s32 s17, $0xF  }
0x8: {  	p3 =	sne.s32 s17, $0xF;
	s16 =	smul.u32 $0x4F000, s17;
	s20 =	sadd.s32 $0x128400, s3  }
0x9: {  	s19 =	sadd.s32 $0x25080, s1;
	s23 =	smul.u32 $0x13C00, s17;
	_ =	strace $0x8000004A  }
0xa: {  	s11 =	ssub.s32 $0x2, s9;
	p4 =	seq.s32 s9, $0x0;
	p5 =	seq.s32 s9, $0x1  }
0xb: {  	[dreg:$0x9] =	wrdreg s19;
	s21 =	smul.u32 $0x138C00, s9;
	s19 =	simm.s32 $0x5  }
0xc: {  	[dreg:$0x8] =	wrdreg s20;
	s7 =	sadd.s32 $0x900, s8;
	s25 =	sadd.s32 s2, s0  }
0xd: {  	s12 =	sshrl.u32 s11, $0x1;
	p1 =	por !p4, !p3;
	p2 =	por !p4, !p0  }
0xe: {  	s18 =	sshrl.u32 s16, $0x2;
	p3 =	por !p3, !p5;
	s2 =	sadd.s32 s1, s2  }
0xf: {  	s19 =	simm.s32 @!p4 $0x1;
	p6 =	por !p0, !p5;
	s16 =	simm.s32 $0x6  }
0x10: {  	s7 =	smov.u32 @p4 s10;
	s10 =	sadd.s32 $0x92000, s0;
	s11 =	ssub.s32 s11, s12  }
0x11: {  	p1 =	por !p1, !p1;
	p2 =	por !p2, !p2;
	s31 =	sadd.s32 s18, s3  }
0x12: {  	[dreg:$0xb] =	wrdreg s2;
	p3 =	por !p3, !p3;
	s0 =	sadd.s32 $0x35480, s0  }
0x13: {  	s22 =	sadd.s32 $0x10400, s25;
	s18 =	simm.s32 $0x5;
	s24 =	sshrl.u32 s21, $0x3  }
0x14: {  	p5 =	por !p6, !p6;
	p4 =	sne.s32 s9, $0x0;
	[dreg:$0xc] =	wrdreg s0  }
0x15: {  	s2 =	simm.s32 $0x2E00;
	s26 =	sshll.u32 s7, $0x4;
	[dreg:$0xd] =	wrdreg s22  }
0x16: {  	s8 =	sadd.s32 s10, s24;
	s0 =	sadd.s32 s23, s21;
	s24 =	simm.s32 $0x1800  }
0x17: {  	p5 =	por !p5, p3;
	s21 =	simm.s32 $0x2;
	s22 =	simm.s32 $0x1880  }
0x18: {  	s23 =	simm.s32 $0x2F00;
	[dreg:$0xa] =	wrdreg s31;
	s13 =	sadd.s32 s5, s26  }
0x19: {  	s14 =	sadd.s32 s6, s26;
	s12 =	sadd.s32 $0x180, s26;
	[dreg:$0x4] =	wrdreg s13  }
0x1a: {  	s25 =	sadd.s32 $0x25080, s8;
	s0 =	sshrl.u32 s0, $0x3;
	[dreg:$0x5] =	wrdreg s14  }
0x1b: {  	s26 =	smax.u32 s11, $0x1;
	s11 =	simm.s32 $0x0;
	[dreg:$0xe] =	wrdreg s25  }
0x1c: {  	s15 =	sadd.s32 s5, s12;
	s12 =	sadd.s32 s6, s12;
	[dreg:$0x10] =	wrdreg s26  }
0x1d: {  	s0 =	sadd.s32 s10, s0;
	s13 =	simm.s32 $0x3;
	[dreg:$0x6] =	wrdreg s15  }
0x1e: {  	s10 =	simm.s32 $0xB80;
	s26 =	simm.s32 $0x2E80;
	[dreg:$0x7] =	wrdreg s12  }
0x1f: {  	s14 =	simm.s32 $0x2380;
	s25 =	simm.s32 $0x2F80;
	[dreg:$0xf] =	wrdreg s0  }
0x20: {  	s0 =	simm.s32 $0x6800;
	s15 =	simm.s32 $0x4;
	s12 =	simm.s32 $0x2300  }
.LBB2_1:
0x21: {  	s8 =	rddreg [dreg:$0x4]  }
0x22: {  	[tilespmem:s4], [sflag:$0x1] =	stream.linear.gather [hbm4b:s8+s4], $0xC00, $0x38;
	[tilespmem:$0x1D8C0] =	vst v63  }
0x23: {  	s9 =	simm.s32 $0xC00;
	s8 =	rddreg [dreg:$0x5]  }
0x24: {  	[tilespmem:s9], [sflag:$0x1] =	stream.linear.gather [hbm4b:s8+s4], $0xC00, $0x38;
	[tilespmem:$0x1D8C0] =	vst v63  }
.Ltmp0:
0x25: {  	[dreg:$0x11] =	wrdreg s11;
	(pc) =	sbr.rel @!p1 .LBB2_4-.Ltmp0, $4  }
0x26: {  	s9 =	rddreg [dreg:$0x6]  }
0x27: {  	[tilespmem:s24], [sflag:$0x2] =	stream.linear.gather [hbm4b:s9+s4], $0xC00, $0x38;
	[tilespmem:$0x1D8C0] =	vst v63  }
0x28: {  	s8 =	rddreg [dreg:$0x7];
	s9 =	simm.s32 $0x2400  }
0x29: {  	[tilespmem:s9], [sflag:$0x2] =	stream.linear.gather [hbm4b:s8+s4], $0xC00, $0x38;
	[tilespmem:$0x1D8C0] =	vst v63  }
0x2a: {  	s8 =	sshll.u32 s17, $0x6  }
0x2b: {  	s9 =	sshrl.u32 s31, $0x3;
	s11 =	rddreg [dreg:$0xb];
	s8 =	sor.u32 $0x1C07, s8  }
0x2c: {  	[spmem:s9], [sflag:s8] =	dma.local [hbm:s11], $0x2780  }
.Ltmp1:
0x2d: {  	_ = 	snop;
	(pc) =	sbr.rel .LBB2_3-.Ltmp1, $4  }
0x2e: {  	s11 =	simm.s32 $0x7  }
0x2f: {  	_ =	swait.ge [sflag:s11], $0x2780  }
0x30: {  	[sflag:s11] =	ssyncset.done $0x0  }
0x31: {  	[sflag:s11] =	ssyncadd.s32 $0xFFFFD880  }
.LBB2_4:
.Ltmp2:
0x32: {  	(pc) =	sbr.rel @!p2 .LBB2_3-.Ltmp2, $1  }
0x33: {  	_ =	sdelay $0x3  }
0x34: {  	s8 =	sshrl.u32 s20, $0x3;
	s9 =	rddreg [dreg:$0x9]  }
.Ltmp3:
0x35: {  	s11 =	simm.s32 $0x1FC7;
	s31 =	simm.s32 $0x7;
	(pc) =	sbr.rel .LBB2_6-.Ltmp3, $4  }
0x36: {  	[spmem:s8], [sflag:s11] =	dma.local [hbm:s9], $0x2080  }
0x37: {  	_ =	swait.ge [sflag:s31], $0x2080  }
0x38: {  	[sflag:s31] =	ssyncset.done $0x0  }
0x39: {  	[sflag:s31] =	ssyncadd.s32 $0xFFFFDF80  }
.LBB2_3:
0x3a: {  	s8 =	sshrl.u32 @!p5 s20, $0x3;
	s9 =	simm.s32 @!p5 $0x1FC7;
	s11 =	rddreg [dreg:$0xc]  }
0x3b: {  	[spmem:s8], [sflag:s9] =	dma.local @!p5 [hbm:s11], $0x2100  }
0x3c: {  	s8 =	simm.s32 @!p5 $0x7  }
0x3d: {  	_ =	swait.ge @!p5 [sflag:s8], $0x2100  }
0x3e: {  	s9 =	sshll.u32 @p3 s17, $0x6;
	[sflag:s8] =	ssyncset.done @!p5 $0x0;
	s11 =	rddreg [dreg:$0xd]  }
0x3f: {  	[sflag:s8] =	ssyncadd.s32 @!p5 $0xFFFFDF00;
	s8 =	sor.u32 @p3 $0x1C07, s9;
	s9 =	sshrl.u32 @p3 s31, $0x3  }
0x40: {  	[spmem:s9], [sflag:s8] =	dma.local @p3 [hbm:s11], $0x2780  }
0x41: {  	s8 =	simm.s32 @p3 $0x7  }
0x42: {  	_ =	swait.ge @p3 [sflag:s8], $0x2780  }
0x43: {  	[sflag:s8] =	ssyncset.done @p3 $0x0  }
0x44: {  	[sflag:s8] =	ssyncadd.s32 @p3 $0xFFFFD880  }
.LBB2_6:
0x45: {  	[bflag:$0x0] =	sbarrier.arrive $0xFFFF;
	s31 =	simm.s32 $0x0;
	s17 =	simm.s32 $0x0  }
.LBB2_7:
0x46: {  	_ =	swait.ge [sflag:s28], $0xC00  }
0x47: {  	[sflag:s28] =	ssyncset.done $0x0  }
0x48: {  	[sflag:s28] =	ssyncadd.s32 $0xFFFFF400  }
0x49: {  	_ =	swait.ge [sflag:s28], $0xC00  }
0x4a: {  	[sflag:s28] =	ssyncset.done $0x0  }
0x4b: {  	[sflag:s28] =	ssyncadd.s32 $0xFFFFF400  }
0x4c: {  	[tilespmem:s30], [sflag:$0x3] =	stream.indirect.gather [hbm4b:s1+s29], $0x80, s31, s29, $0xb8;
	[tilespmem:$0x1D8C0] =	vst v63  }
0x4d: {  	s8 =	simm.s32 $0x80  }
0x4e: {  	[tilespmem:s0], [sflag:$0x4] =	stream.indirect.gather [hbm4b:s1+s29], $0x80, s8, s29, $0xb8;
	[tilespmem:$0x1D8C0] =	vst v63  }
0x4f: {  	_ =	swait.ge [sflag:s13], $0x3480  }
0x50: {  	[sflag:s13] =	ssyncset.done $0x0  }
0x51: {  	s9 =	simm.s32 $0xC00;
	[sflag:s13] =	ssyncadd.s32 $0xFFFFCB80  }
0x52: {  	[spmem:s3] =	stream.indirect.scatter.add.f32 [tilespmem:s30], [sflag:$0x5], $0x80, s9, s29, $0xb8;
	[tilespmem:$0x1D8C0] =	vst v63  }
0x53: {  	_ =	swait.ge [sflag:s15], $0x3480  }
0x54: {  	[sflag:s15] =	ssyncset.done $0x0  }
0x55: {  	s11 =	simm.s32 $0xC80;
	[sflag:s15] =	ssyncadd.s32 $0xFFFFCB80  }
0x56: {  	[spmem:s3] =	stream.indirect.scatter.add.f32 [tilespmem:s0], [sflag:$0x6], $0x80, s11, s29, $0xb8;
	[tilespmem:$0x1D8C0] =	vst v63  }
0x57: {  	_ =	swait.ge [sflag:s18], $0x3480  }
0x58: {  	[sflag:s18] =	ssyncset.done $0x0  }
0x59: {  	s20 =	simm.s32 $0x100;
	[sflag:s18] =	ssyncadd.s32 $0xFFFFCB80  }
0x5a: {  	[tilespmem:s30], [sflag:$0x3] =	stream.indirect.gather [hbm4b:s1+s29], $0x80, s20, s29, $0xb8;
	[tilespmem:$0x1D8C0] =	vst v63  }
0x5b: {  	_ =	swait.ge [sflag:s16], $0x3480  }
0x5c: {  	[sflag:s16] =	ssyncset.done $0x0  }
0x5d: {  	s8 =	simm.s32 $0x400;
	s9 =	simm.s32 $0x180;
	[sflag:s16] =	ssyncadd.s32 $0xFFFFCB80  }
.LBB2_8:
0x5e: {  	[tilespmem:s0], [sflag:$0x4] =	stream.indirect.gather [hbm4b:s1+s29], $0x80, s9, s29, $0xb8;
	[tilespmem:$0x1D8C0] =	vst v63  }
0x5f: {  	s9 =	smov.u32 s8  }
0x60: {  	p6 =	sne.s32 s8, $0x2400;
	s8 =	sadd.s32 $0x400, s8;
	_ =	swait.ge [sflag:s13], $0x3480  }
0x61: {  	s9 =	sshra.s32 s9, $0x2;
	[sflag:s13] =	ssyncset.done $0x0  }
0x62: {  	s11 =	sadd.s32 $0xC00, s9;
	[sflag:s13] =	ssyncadd.s32 $0xFFFFCB80  }
0x63: {  	[spmem:s3] =	stream.indirect.scatter.add.f32 [tilespmem:s30], [sflag:$0x5], $0x80, s11, s29, $0xb8;
	[tilespmem:$0x1D8C0] =	vst v63  }
0x64: {  	_ =	swait.ge [sflag:s15], $0x3480  }
0x65: {  	[sflag:s15] =	ssyncset.done $0x0  }
0x66: {  	s11 =	sadd.s32 $0xC80, s9;
	[sflag:s15] =	ssyncadd.s32 $0xFFFFCB80  }
0x67: {  	[spmem:s3] =	stream.indirect.scatter.add.f32 [tilespmem:s0], [sflag:$0x6], $0x80, s11, s29, $0xb8;
	[tilespmem:$0x1D8C0] =	vst v63  }
0x68: {  	_ =	swait.ge [sflag:s18], $0x3480  }
0x69: {  	[sflag:s18] =	ssyncset.done $0x0  }
.Ltmp4:
0x6a: {  	s11 =	sadd.s32 $0x100, s9;
	[sflag:s18] =	ssyncadd.s32 $0xFFFFCB80;
	(pc) =	sbr.rel @p6 .LBB2_8-.Ltmp4, $4  }
0x6b: {  	[tilespmem:s30], [sflag:$0x3] =	stream.indirect.gather [hbm4b:s1+s29], $0x80, s11, s29, $0xb8;
	[tilespmem:$0x1D8C0] =	vst v63  }
0x6c: {  	_ =	swait.ge [sflag:s16], $0x3480  }
0x6d: {  	[sflag:s16] =	ssyncset.done $0x0  }
0x6e: {  	s9 =	sadd.s32 $0x180, s9;
	[sflag:s16] =	ssyncadd.s32 $0xFFFFCB80  }
0x6f: {  	[tilespmem:s0], [sflag:$0x4] =	stream.indirect.gather [hbm4b:s1+s29], $0x80, s9, s29, $0xb8;
	[tilespmem:$0x1D8C0] =	vst v63  }
0x70: {  	_ =	swait.ge [sflag:s13], $0x3480  }
0x71: {  	[sflag:s13] =	ssyncset.done $0x0  }
0x72: {  	s8 =	simm.s32 $0x1600;
	[sflag:s13] =	ssyncadd.s32 $0xFFFFCB80  }
0x73: {  	[spmem:s3] =	stream.indirect.scatter.add.f32 [tilespmem:s30], [sflag:$0x5], $0x80, s8, s29, $0xb8;
	[tilespmem:$0x1D8C0] =	vst v63  }
0x74: {  	_ =	swait.ge [sflag:s15], $0x3480  }
0x75: {  	[sflag:s15] =	ssyncset.done $0x0  }
0x76: {  	s9 =	simm.s32 $0x1680;
	[sflag:s15] =	ssyncadd.s32 $0xFFFFCB80  }
0x77: {  	[spmem:s3] =	stream.indirect.scatter.add.f32 [tilespmem:s0], [sflag:$0x6], $0x80, s9, s29, $0xb8;
	[tilespmem:$0x1D8C0] =	vst v63  }
0x78: {  	_ =	swait.ge [sflag:s18], $0x3480  }
0x79: {  	[sflag:s18] =	ssyncset.done $0x0  }
0x7a: {  	s11 =	simm.s32 $0xB00;
	[sflag:s18] =	ssyncadd.s32 $0xFFFFCB80  }
0x7b: {  	[tilespmem:s30], [sflag:$0x3] =	stream.indirect.gather [hbm4b:s1+s29], $0x80, s11, s29, $0xb8;
	[tilespmem:$0x1D8C0] =	vst v63  }
0x7c: {  	_ =	swait.ge [sflag:s16], $0x3480  }
0x7d: {  	[sflag:s16] =	ssyncset.done $0x0  }
0x7e: {  	[sflag:s16] =	ssyncadd.s32 $0xFFFFCB80  }
0x7f: {  	[tilespmem:s0], [sflag:$0x4] =	stream.indirect.gather [hbm4b:s1+s29], $0x80, s10, s29, $0xb8;
	[tilespmem:$0x1D8C0] =	vst v63  }
0x80: {  	_ =	swait.ge [sflag:s13], $0x3480  }
0x81: {  	[sflag:s13] =	ssyncset.done $0x0  }
0x82: {  	s20 =	simm.s32 $0x1700;
	[sflag:s13] =	ssyncadd.s32 $0xFFFFCB80  }
0x83: {  	[spmem:s3] =	stream.indirect.scatter.add.f32 [tilespmem:s30], [sflag:$0x5], $0x80, s20, s29, $0xb8;
	[tilespmem:$0x1D8C0] =	vst v63  }
0x84: {  	_ =	swait.ge [sflag:s15], $0x3480  }
0x85: {  	[sflag:s15] =	ssyncset.done $0x0  }
0x86: {  	s9 =	simm.s32 $0x1780;
	[sflag:s15] =	ssyncadd.s32 $0xFFFFCB80  }
0x87: {  	[spmem:s3] =	stream.indirect.scatter.add.f32 [tilespmem:s0], [sflag:$0x6], $0x80, s9, s29, $0xb8;
	[tilespmem:$0x1D8C0] =	vst v63  }
0x88: {  	_ =	swait.ge [sflag:s18], $0x3480  }
0x89: {  	[sflag:s18] =	ssyncset.done $0x0  }
0x8a: {  	[sflag:s18] =	ssyncadd.s32 $0xFFFFCB80  }
0x8b: {  	[tilespmem:s30], [sflag:$0x3] =	stream.indirect.gather [hbm4b:s1+s29], $0x80, s10, s29, $0xb8;
	[tilespmem:$0x1D8C0] =	vst v63  }
0x8c: {  	_ =	swait.ge [sflag:s16], $0x3480  }
0x8d: {  	s8 =	sshll.u32 s17, $0x1;
	[sflag:s16] =	ssyncset.done $0x0  }
0x8e: {  	s11 =	sadd.s32 $0x2, s8;
	[sflag:s16] =	ssyncadd.s32 $0xFFFFCB80  }
0x8f: {  	[tilespmem:s0], [sflag:$0x4] =	stream.indirect.gather [hbm4b:s1+s29], $0x80, s10, s29, $0xb8;
	[tilespmem:$0x1D8C0] =	vst v63  }
0x90: {  	s9 =	smin.u32 s11, s19;
	_ =	swait.ge [sflag:s13], $0x3480  }
0x91: {  	s9 =	smul.u32 $0x18, s9;
	[sflag:s13] =	ssyncset.done $0x0  }
0x92: {  	[sflag:s13] =	ssyncadd.s32 $0xFFFFCB80  }
0x93: {  	s9 =	sadd.s32 s7, s9;
	_ =	swait.ge [sflag:s15], $0x3480  }
0x94: {  	s9 =	sshll.u32 s9, $0x4;
	[sflag:s15] =	ssyncset.done $0x0  }
0x95: {  	s20 =	simm.s32 $0x0;
	s11 =	sadd.s32 s5, s9;
	[sflag:s15] =	ssyncadd.s32 $0xFFFFCB80  }
0x96: {  	[tilespmem:s20], [sflag:$0x1] =	stream.linear.gather [hbm4b:s11+s20], $0xC00, $0x38;
	[tilespmem:$0x1D8C0] =	vst v63  }
0x97: {  	s9 =	sadd.s32 s6, s9;
	s11 =	simm.s32 $0xC00  }
0x98: {  	[tilespmem:s11], [sflag:$0x1] =	stream.linear.gather [hbm4b:s9+s20], $0xC00, $0x38;
	[tilespmem:$0x1D8C0] =	vst v63  }
0x99: {  	_ =	swait.ge [sflag:s21], $0xC00  }
0x9a: {  	[sflag:s21] =	ssyncset.done $0x0  }
0x9b: {  	[sflag:s21] =	ssyncadd.s32 $0xFFFFF400  }
0x9c: {  	_ =	swait.ge [sflag:s21], $0xC00  }
0x9d: {  	[sflag:s21] =	ssyncset.done $0x0  }
0x9e: {  	[sflag:s21] =	ssyncadd.s32 $0xFFFFF400  }
0x9f: {  	[tilespmem:s30], [sflag:$0x3] =	stream.indirect.gather [hbm4b:s1+s29], $0x80, s24, s29, $0xb8;
	[tilespmem:$0x1D8C0] =	vst v63  }
0xa0: {  	_ = 	snop  }
0xa1: {  	[tilespmem:s0], [sflag:$0x4] =	stream.indirect.gather [hbm4b:s1+s29], $0x80, s22, s29, $0xb8;
	[tilespmem:$0x1D8C0] =	vst v63  }
0xa2: {  	_ =	swait.ge [sflag:s13], $0x3480  }
0xa3: {  	[sflag:s13] =	ssyncset.done $0x0  }
0xa4: {  	s20 =	simm.s32 $0x2400;
	[sflag:s13] =	ssyncadd.s32 $0xFFFFCB80  }
0xa5: {  	[spmem:s3] =	stream.indirect.scatter.add.f32 [tilespmem:s30], [sflag:$0x5], $0x80, s20, s29, $0xb8;
	[tilespmem:$0x1D8C0] =	vst v63  }
0xa6: {  	_ =	swait.ge [sflag:s15], $0x3480  }
0xa7: {  	[sflag:s15] =	ssyncset.done $0x0  }
0xa8: {  	s11 =	simm.s32 $0x2480;
	[sflag:s15] =	ssyncadd.s32 $0xFFFFCB80  }
0xa9: {  	[spmem:s3] =	stream.indirect.scatter.add.f32 [tilespmem:s0], [sflag:$0x6], $0x80, s11, s29, $0xb8;
	[tilespmem:$0x1D8C0] =	vst v63  }
0xaa: {  	_ =	swait.ge [sflag:s18], $0x3480  }
0xab: {  	[sflag:s18] =	ssyncset.done $0x0  }
0xac: {  	s20 =	simm.s32 $0x1900;
	[sflag:s18] =	ssyncadd.s32 $0xFFFFCB80  }
0xad: {  	[tilespmem:s30], [sflag:$0x3] =	stream.indirect.gather [hbm4b:s1+s29], $0x80, s20, s29, $0xb8;
	[tilespmem:$0x1D8C0] =	vst v63  }
0xae: {  	_ =	swait.ge [sflag:s16], $0x3480  }
0xaf: {  	[sflag:s16] =	ssyncset.done $0x0  }
0xb0: {  	s9 =	simm.s32 $0x400;
	s11 =	simm.s32 $0x1980;
	[sflag:s16] =	ssyncadd.s32 $0xFFFFCB80  }
.LBB2_10:
0xb1: {  	[tilespmem:s0], [sflag:$0x4] =	stream.indirect.gather [hbm4b:s1+s29], $0x80, s11, s29, $0xb8;
	[tilespmem:$0x1D8C0] =	vst v63  }
0xb2: {  	s11 =	smov.u32 s9  }
0xb3: {  	p6 =	sne.s32 s9, $0x2400;
	s9 =	sadd.s32 $0x400, s9;
	_ =	swait.ge [sflag:s13], $0x3480  }
0xb4: {  	s11 =	sshra.s32 s11, $0x2;
	[sflag:s13] =	ssyncset.done $0x0  }
0xb5: {  	s20 =	sadd.s32 $0x2400, s11;
	[sflag:s13] =	ssyncadd.s32 $0xFFFFCB80  }
0xb6: {  	[spmem:s3] =	stream.indirect.scatter.add.f32 [tilespmem:s30], [sflag:$0x5], $0x80, s20, s29, $0xb8;
	[tilespmem:$0x1D8C0] =	vst v63  }
0xb7: {  	_ =	swait.ge [sflag:s15], $0x3480  }
0xb8: {  	[sflag:s15] =	ssyncset.done $0x0  }
0xb9: {  	s20 =	sadd.s32 $0x2480, s11;
	[sflag:s15] =	ssyncadd.s32 $0xFFFFCB80  }
0xba: {  	[spmem:s3] =	stream.indirect.scatter.add.f32 [tilespmem:s0], [sflag:$0x6], $0x80, s20, s29, $0xb8;
	[tilespmem:$0x1D8C0] =	vst v63  }
0xbb: {  	_ =	swait.ge [sflag:s18], $0x3480  }
0xbc: {  	[sflag:s18] =	ssyncset.done $0x0  }
.Ltmp5:
0xbd: {  	s20 =	sadd.s32 $0x1900, s11;
	[sflag:s18] =	ssyncadd.s32 $0xFFFFCB80;
	(pc) =	sbr.rel @p6 .LBB2_10-.Ltmp5, $4  }
0xbe: {  	[tilespmem:s30], [sflag:$0x3] =	stream.indirect.gather [hbm4b:s1+s29], $0x80, s20, s29, $0xb8;
	[tilespmem:$0x1D8C0] =	vst v63  }
0xbf: {  	_ =	swait.ge [sflag:s16], $0x3480  }
0xc0: {  	[sflag:s16] =	ssyncset.done $0x0  }
0xc1: {  	s11 =	sadd.s32 $0x1980, s11;
	[sflag:s16] =	ssyncadd.s32 $0xFFFFCB80  }
0xc2: {  	[tilespmem:s0], [sflag:$0x4] =	stream.indirect.gather [hbm4b:s1+s29], $0x80, s11, s29, $0xb8;
	[tilespmem:$0x1D8C0] =	vst v63  }
0xc3: {  	_ =	swait.ge [sflag:s13], $0x3480  }
0xc4: {  	[sflag:s13] =	ssyncset.done $0x0  }
0xc5: {  	[sflag:s13] =	ssyncadd.s32 $0xFFFFCB80  }
0xc6: {  	[spmem:s3] =	stream.indirect.scatter.add.f32 [tilespmem:s30], [sflag:$0x5], $0x80, s2, s29, $0xb8;
	[tilespmem:$0x1D8C0] =	vst v63  }
0xc7: {  	_ =	swait.ge [sflag:s15], $0x3480  }
0xc8: {  	[sflag:s15] =	ssyncset.done $0x0  }
0xc9: {  	[sflag:s15] =	ssyncadd.s32 $0xFFFFCB80  }
0xca: {  	[spmem:s3] =	stream.indirect.scatter.add.f32 [tilespmem:s0], [sflag:$0x6], $0x80, s26, s29, $0xb8;
	[tilespmem:$0x1D8C0] =	vst v63  }
0xcb: {  	_ =	swait.ge [sflag:s18], $0x3480  }
0xcc: {  	[sflag:s18] =	ssyncset.done $0x0  }
0xcd: {  	[sflag:s18] =	ssyncadd.s32 $0xFFFFCB80  }
0xce: {  	[tilespmem:s30], [sflag:$0x3] =	stream.indirect.gather [hbm4b:s1+s29], $0x80, s12, s29, $0xb8;
	[tilespmem:$0x1D8C0] =	vst v63  }
0xcf: {  	_ =	swait.ge [sflag:s16], $0x3480  }
0xd0: {  	[sflag:s16] =	ssyncset.done $0x0  }
0xd1: {  	[sflag:s16] =	ssyncadd.s32 $0xFFFFCB80  }
0xd2: {  	[tilespmem:s0], [sflag:$0x4] =	stream.indirect.gather [hbm4b:s1+s29], $0x80, s14, s29, $0xb8;
	[tilespmem:$0x1D8C0] =	vst v63  }
0xd3: {  	_ =	swait.ge [sflag:s13], $0x3480  }
0xd4: {  	[sflag:s13] =	ssyncset.done $0x0  }
0xd5: {  	[sflag:s13] =	ssyncadd.s32 $0xFFFFCB80  }
0xd6: {  	[spmem:s3] =	stream.indirect.scatter.add.f32 [tilespmem:s30], [sflag:$0x5], $0x80, s23, s29, $0xb8;
	[tilespmem:$0x1D8C0] =	vst v63  }
0xd7: {  	_ =	swait.ge [sflag:s15], $0x3480  }
0xd8: {  	[sflag:s15] =	ssyncset.done $0x0  }
0xd9: {  	[sflag:s15] =	ssyncadd.s32 $0xFFFFCB80  }
0xda: {  	[spmem:s3] =	stream.indirect.scatter.add.f32 [tilespmem:s0], [sflag:$0x6], $0x80, s25, s29, $0xb8;
	[tilespmem:$0x1D8C0] =	vst v63  }
0xdb: {  	_ =	swait.ge [sflag:s18], $0x3480  }
0xdc: {  	[sflag:s18] =	ssyncset.done $0x0  }
0xdd: {  	[sflag:s18] =	ssyncadd.s32 $0xFFFFCB80  }
0xde: {  	[tilespmem:s30], [sflag:$0x3] =	stream.indirect.gather [hbm4b:s1+s29], $0x80, s14, s29, $0xb8;
	[tilespmem:$0x1D8C0] =	vst v63  }
0xdf: {  	_ =	swait.ge [sflag:s16], $0x3480  }
0xe0: {  	[sflag:s16] =	ssyncset.done $0x0  }
0xe1: {  	s8 =	sadd.s32 $0x3, s8;
	[sflag:s16] =	ssyncadd.s32 $0xFFFFCB80  }
0xe2: {  	[tilespmem:s0], [sflag:$0x4] =	stream.indirect.gather [hbm4b:s1+s29], $0x80, s14, s29, $0xb8;
	[tilespmem:$0x1D8C0] =	vst v63  }
0xe3: {  	s8 =	smin.u32 s8, s19;
	_ =	swait.ge [sflag:s13], $0x3480  }
0xe4: {  	s8 =	smul.u32 $0x18, s8;
	[sflag:s13] =	ssyncset.done $0x0  }
0xe5: {  	p6 =	slt.u32 @!p4 s17, $0x2;
	[sflag:s13] =	ssyncadd.s32 $0xFFFFCB80  }
0xe6: {  	p6 =	por p4, !p6;
	s8 =	sadd.s32 s7, s8;
	_ =	swait.ge [sflag:s15], $0x3480  }
.Ltmp6:
0xe7: {  	s8 =	sshll.u32 s8, $0x4;
	[sflag:s15] =	ssyncset.done $0x0;
	(pc) =	sbr.rel @!p6 .LBB2_7-.Ltmp6, $4  }
0xe8: {  	s9 =	sadd.s32 s5, s8;
	[sflag:s15] =	ssyncadd.s32 $0xFFFFCB80  }
0xe9: {  	[tilespmem:s24], [sflag:$0x2] =	stream.linear.gather [hbm4b:s9+s4], $0xC00, $0x38;
	[tilespmem:$0x1D8C0] =	vst v63  }
0xea: {  	s20 =	simm.s32 $0x2400;
	s17 =	sadd.s32 $0x1, s17;
	s8 =	sadd.s32 s6, s8  }
0xeb: {  	[tilespmem:s20], [sflag:$0x2] =	stream.linear.gather [hbm4b:s8+s4], $0xC00, $0x38;
	[tilespmem:$0x1D8C0] =	vst v63  }
0xec: {  	_ =	swait.ge [sflag:s28], $0xC00  }
0xed: {  	[sflag:s28] =	ssyncset.done $0x0  }
0xee: {  	[sflag:s28] =	ssyncadd.s32 $0xFFFFF400  }
0xef: {  	_ =	swait.ge [sflag:s28], $0xC00  }
0xf0: {  	[sflag:s28] =	ssyncset.done $0x0  }
0xf1: {  	[sflag:s28] =	ssyncadd.s32 $0xFFFFF400  }
0xf2: {  	_ =	swait.ge [sflag:s21], $0xC00  }
0xf3: {  	[sflag:s21] =	ssyncset.done $0x0  }
0xf4: {  	[sflag:s21] =	ssyncadd.s32 $0xFFFFF400  }
0xf5: {  	_ =	swait.ge [sflag:s21], $0xC00  }
0xf6: {  	[sflag:s21] =	ssyncset.done $0x0  }
0xf7: {  	[sflag:s21] =	ssyncadd.s32 $0xFFFFF400  }
0xf8: {  	[bflag:$0x0] =	sbarrier.arrive $0xFFFF  }
0xf9: {  	s20 =	rddreg [dreg:$0x8]  }
0xfa: {  	s9 =	simm.s32 @p0 $0x1FC7;
	s11 =	rddreg [dreg:$0xe];
	s8 =	sshrl.u32 @p0 s20, $0x3  }
0xfb: {  	[hbm:s11], [sflag:s9] =	dma.local @p0 [spmem:s8], $0x2100  }
0xfc: {  	s8 =	simm.s32 @p0 $0x7  }
0xfd: {  	_ =	swait.ge @p0 [sflag:s8], $0x2100  }
0xfe: {  	s17 =	stileid.u32;
	s31 =	rddreg [dreg:$0xa]  }
0xff: {  	s9 =	sshll.u32 @!p0 s17, $0x6;
	[sflag:s8] =	ssyncset.done @p0 $0x0;
	s11 =	rddreg [dreg:$0xf]  }
0x100: {  	[sflag:s8] =	ssyncadd.s32 @p0 $0xFFFFDF00;
	s8 =	sor.u32 @!p0 $0x1C07, s9;
	s9 =	sshrl.u32 @!p0 s31, $0x3  }
0x101: {  	[hbm:s11], [sflag:s8] =	dma.local @!p0 [spmem:s9], $0x2780  }
0x102: {  	s8 =	simm.s32 @!p0 $0x7  }
0x103: {  	_ =	swait.ge @!p0 [sflag:s8], $0x2780  }
0x104: {  	s9 =	rddreg [dreg:$0x11]  }
0x105: {  	s11 =	sadd.s32 $0x1, s9;
	s9 =	rddreg [dreg:$0x10]  }
0x106: {  	p6 =	sne.s32 s11, s9  }
.Ltmp7:
0x107: {  	_ = 	snop;
	(pc) =	sbr.rel @p6 .LBB2_1-.Ltmp7, $3  }
0x108: {  	_ =	sdelay $0x1  }
0x109: {  	[sflag:s8] =	ssyncset.done @!p0 $0x0  }
0x10a: {  	[sflag:s8] =	ssyncadd.s32 @!p0 $0xFFFFD880  }
0x10b: {  	_ =	sfence.sel $0x180000  }
0x10c: {  	[bflag:$0x0] =	sbarrier.arrive $0xFFFF  }
0x10d: {  	_ =	strace $0x9000004A  }
0x10e: {  	[bflag:$0x2] =	sbarrier.arrive $0xFFFF  }
0x10f: {  	p0 =	sne.s32 s17, $0x0;
	s0 =	rddreg [dreg:$0x3]  }
0x110: {  	s0 =	sadd.s32 @!p0 $0x100000, s0  }
0x111: {  	[sflag:s0] =	ssyncadd.tile.s32 @!p0 $0x1;
	_ =	shalt  }
.Lfunc_end2:
_tile_overlayer_lowered:
.L_overlay_start_2:
0x112: {  	(tag) =	ssettag $0x2  }
0x113: {  	s0 =	rddreg [dreg:$0x0];
	s2 =	stileid.u32  }
0x114: {  	s1 =	rddreg [dreg:$0x1];
	p0 =	sne.s32 s2, $0x0  }
0x115: {  	s3 =	rddreg [dreg:$0x2];
	[bflag:$0x3] =	sbarrier.arrive $0xFFFF;
	s2 =	simm.s32 @!p0 $0x1C07  }
0x116: {  	[timem:s3], [sflag:s2] =	dma.local @!p0 [hbm:s0], s1  }
0x117: {  	s0 =	simm.s32 @!p0 $0x7  }
0x118: {  	_ =	swait.ge @!p0 [sflag:s0], s1  }
0x119: {  	s1 =	ssub.s32 @!p0 $0x0, s1;
	[sflag:s0] =	ssyncset.done @!p0 $0x0  }
0x11a: {  	[sflag:s0] =	ssyncadd.s32 @!p0 s1  }
0x11b: {  	[bflag:$0x3] =	sbarrier.arrive $0xFFFF  }
0x11c: {  	_ =	shalt  }

// kernel: kernel.16.cloned.1.call-start
scs
__scs_entry_jumppad:
0x0: {  	(pc) =	sbr.rel $0x88, $3  }
0x1: {  	(tag) =	ssettag $0x0;
	lr =	simm.s32 $0x1  }
0x2: {  	[smem:$0x3F8F] =	sst lr;
	_ =	strace $0xD0000000  }
0x3: {  	_ = 	snop  }
0x4: {  	_ = 	snop  }
0x5: {  	_ = 	snop  }
0x6: {  	_ = 	snop  }
0x7: {  	_ = 	snop  }
__scs_overlays_trampoline_lowered:
0x8: {  	[smem:$0x3F9E] =	sst s0  }
0x9: {  	[smem:$0x3F9F] =	sst s1  }
0xa: {  	[smem:$0x3FA0] =	sst s2  }
0xb: {  	[smem:$0x3FA1] =	sst s3  }
0xc: {  	[smem:$0x3FA2] =	sst s4  }
0xd: {  	[smem:$0x3FA3] =	sst s5  }
0xe: {  	[smem:$0x3FA4] =	sst s6  }
0xf: {  	[smem:$0x3FA5] =	sst s7  }
0x10: {  	[smem:$0x3FA6] =	sst s8  }
0x11: {  	[smem:$0x3FA7] =	sst s9;
	s0 =	simm.s32 @!p0 $0x0  }
0x12: {  	s1 =	sld [smem:$0x3F8D];
	s0 =	simm.s32 @p0 $0x1  }
0x13: {  	[smem:$0x3FA8] =	sst s0;
	s0 =	simm.s32 @!p1 $0x0  }
0x14: {  	s2 =	sld [smem:$0x3F8C];
	s0 =	simm.s32 @p1 $0x1  }
0x15: {  	[smem:$0x3FA9] =	sst s0;
	s0 =	simm.s32 @!p2 $0x0  }
0x16: {  	s3 =	sld [smem:$0x3FDB];
	s0 =	simm.s32 @p2 $0x1  }
0x17: {  	s4 =	simm.s32 $0x1BF5;
	[smem:$0x3FAB] =	sst s0  }
0x18: {  	s0 =	sld [smem:$0x3F8E];
	_ =	swait.ge [sflag:s4], $0x0  }
0x19: {  	s7 =	sld [smem:$0x3F8F]  }
0x1a: {  	s8 =	sadd.s32 $0xFFFFE003, lr  }
0x1b: {  	s9 =	sadd.s32 $0xFFFFFEF7, lr;
	s5 =	simm.s32 $0xFFFFFFFF;
	p2 =	slt.u32 s8, $0xFFFFF086  }
0x1c: {  	p1 =	slt.u32 s9, $0xF7A;
	s5 =	simm.s32 @!p2 $0x0  }
0x1d: {  	s5 =	simm.s32 @p1 $0x1;
	p0 =	seq.s32 s7, s2  }
0x1e: {  	s7 =	smul.u32 @!p0 $0xF7A, s2;
	p2 =	seq.s32 @!p0 s5, $0x0  }
0x1f: {  	s9 =	smul.u32 $0xF7A, s1;
	s8 =	simm.s32 @!p0 $0x1BF5;
	p2 =	por !p2, p0  }
0x20: {  	[sflag:s8] =	ssyncset.s32 @!p0 $0xFFFFF086;
	s6 =	sadd.s32 @!p0 s3, s7;
	s7 =	simm.s32 @!p0 $0x108  }
0x21: {  	s3 =	sadd.s32 s3, s9;
	s6 =	sadd.s32 @!p0 $0x88, s6;
	s7 =	simm.s32 @p2 $0x1082  }
0x22: {  	[simem:s7], [sflag:s8] =	dma.local @!p0 [hbm:s6], $0xF7A  }
0x23: {  	s9 =	sor.u32 $0xD0000000, s2;
	s6 =	simm.s32 $0x108;
	_ =	swait.ge @!p0 [sflag:s8], $0x0  }
0x24: {  	s3 =	sadd.s32 $0x88, s3;
	s6 =	simm.s32 @!p1 $0x1082;
	[sflag:s4] =	ssyncset.s32 $0xFFFFF086  }
0x25: {  	[simem:s6], [sflag:s4] =	dma.local [hbm:s3], $0xF7A  }
0x26: {  	[smem:$0x3F8F] =	sst s1;
	(tag) =	ssettag s2;
	_ =	strace s9  }
0x27: {  	s1 =	sld [smem:$0x3F9F]  }
0x28: {  	s2 =	sld [smem:$0x3FA0]  }
0x29: {  	s4 =	sld [smem:$0x3FA2]  }
0x2a: {  	p0 =	seq.s32 s5, $0x0;
	s5 =	sld [smem:$0x3FA3]  }
0x2b: {  	s6 =	sld [smem:$0x3FA4]  }
0x2c: {  	s7 =	sld [smem:$0x3FA5]  }
0x2d: {  	s3 =	simm.s32 $0x108;
	s8 =	sld [smem:$0x3FA6]  }
0x2e: {  	s3 =	simm.s32 @!p0 $0x1082;
	s9 =	sld [smem:$0x3FA7]  }
0x2f: {  	lr =	sadd.s32 s0, s3;
	s0 =	sld [smem:$0x3F9E]  }
0x30: {  	s3 =	sld [smem:$0x3FA1]  }
0x31: {  	[smem:$0x3FAA] =	sst s10  }
0x32: {  	s10 =	sld [smem:$0x3FA8];
	_ =	sdelay $0x3  }
0x33: {  	p0 =	seq.s32 s10, $0x1;
	s10 =	sld [smem:$0x3FAA];
	_ =	sdelay $0x3  }
0x34: {  	[smem:$0x3FAA] =	sst s10  }
0x35: {  	s10 =	sld [smem:$0x3FA9];
	_ =	sdelay $0x3  }
0x36: {  	p1 =	seq.s32 s10, $0x1;
	s10 =	sld [smem:$0x3FAA];
	_ =	sdelay $0x3  }
0x37: {  	[smem:$0x3FAA] =	sst s10  }
0x38: {  	s10 =	sld [smem:$0x3FAB]  }
0x39: {  	_ = 	snop;
	(pc) =	sbr.ind lr, $3  }
0x3a: {  	_ = 	snop  }
0x3b: {  	_ = 	snop  }
0x3c: {  	p2 =	seq.s32 s10, $0x1;
	s10 =	sld [smem:$0x3FAA]  }
0x3d: {  	_ =	shalt  }
0x3e: {  	_ =	shalt  }
0x3f: {  	_ =	shalt  }
0x40: {  	_ =	shalt  }
0x41: {  	_ =	shalt  }
0x42: {  	_ =	shalt  }
0x43: {  	_ =	shalt  }
0x44: {  	_ =	shalt  }
0x45: {  	_ =	shalt  }
0x46: {  	_ =	shalt  }
0x47: {  	_ =	shalt  }
0x48: {  	_ =	shalt  }
0x49: {  	_ =	shalt  }
0x4a: {  	_ =	shalt  }
0x4b: {  	_ =	shalt  }
0x4c: {  	_ =	shalt  }
0x4d: {  	_ =	shalt  }
0x4e: {  	_ =	shalt  }
0x4f: {  	_ =	shalt  }
0x50: {  	_ =	shalt  }
0x51: {  	_ =	shalt  }
0x52: {  	_ =	shalt  }
0x53: {  	_ =	shalt  }
0x54: {  	_ =	shalt  }
0x55: {  	_ =	shalt  }
0x56: {  	_ =	shalt  }
0x57: {  	_ =	shalt  }
0x58: {  	_ =	shalt  }
0x59: {  	_ =	shalt  }
0x5a: {  	_ =	shalt  }
0x5b: {  	_ =	shalt  }
0x5c: {  	_ =	shalt  }
0x5d: {  	_ =	shalt  }
0x5e: {  	_ =	shalt  }
0x5f: {  	_ =	shalt  }
0x60: {  	_ =	shalt  }
0x61: {  	_ =	shalt  }
0x62: {  	_ =	shalt  }
0x63: {  	_ =	shalt  }
0x64: {  	_ =	shalt  }
0x65: {  	_ =	shalt  }
0x66: {  	_ =	shalt  }
0x67: {  	_ =	shalt  }
0x68: {  	_ =	shalt  }
0x69: {  	_ =	shalt  }
0x6a: {  	_ =	shalt  }
0x6b: {  	_ =	shalt  }
0x6c: {  	_ =	shalt  }
0x6d: {  	_ =	shalt  }
0x6e: {  	_ =	shalt  }
0x6f: {  	_ =	shalt  }
0x70: {  	_ =	shalt  }
0x71: {  	_ =	shalt  }
0x72: {  	_ =	shalt  }
0x73: {  	_ =	shalt  }
0x74: {  	_ =	shalt  }
0x75: {  	_ =	shalt  }
0x76: {  	_ =	shalt  }
0x77: {  	_ =	shalt  }
0x78: {  	_ =	shalt  }
0x79: {  	_ =	shalt  }
0x7a: {  	_ =	shalt  }
0x7b: {  	_ =	shalt  }
0x7c: {  	_ =	shalt  }
0x7d: {  	_ =	shalt  }
0x7e: {  	_ =	shalt  }
0x7f: {  	_ =	shalt  }
0x80: {  	_ =	shalt  }
0x81: {  	_ =	shalt  }
0x82: {  	_ =	shalt  }
0x83: {  	_ =	shalt  }
0x84: {  	_ =	shalt  }
0x85: {  	_ =	shalt  }
0x86: {  	_ =	shalt  }
0x87: {  	_ =	shalt  }
.Lfunc_end0:
.L_simem_size_0:
called_computation.2_lowered:
.L_overlay_start_0:
0x88: {  	s2 =	sld [smem:$0x3FD9]  }
0x89: {  	s3 =	sld [smem:$0x3FFE];
	_ =	sdelay $0x1  }
0x8a: {  	s1 =	srdreg.scid  }
0x8b: {  	s0 =	sand.u32 $0x1, s1  }
0x8c: {  	s17 =	sshll.u32 s0, $0xA;
	s2 =	sadd.s32 s3, s2  }
0x8d: {  	s2 =	sadd.s32 s2, s17  }
0x8e: {  	[smem:$0x3FB6] =	sst s2  }
0x8f: {  	_ = 	snop  }
0x90: {  	s2 =	sld [smem:$0x3FD0];
	(tm) =	ssettm $0x1  }
0x91: {  	s18 =	sld [smem:$0x3FFB];
	_ =	sdelay $0x3  }
0x92: {  	_ =	strace s18  }
0x93: {  	s3 =	sld [smem:$0x3FFC];
	_ =	sdelay $0x3  }
0x94: {  	_ =	strace s3  }
0x95: {  	s3 =	sld [smem:$0x3FFD];
	_ =	sdelay $0x3  }
0x96: {  	_ =	strace s3  }
0x97: {  	_ =	strace $0x8FFFFFFF  }
0x98: {  	s19 =	sld [smem:$0x3FDB];
	_ =	sdelay $0x1  }
0x99: {  	s4 =	simm.s32 $_scs_section_size  }
0x9a: {  	s5 =	simm.s32 $_size__tile_overlayer_lowered;
	s6 =	simm.s32 $_tile_overlayer_lowered  }
0x9b: {  	s22 =	simm.s32 $0x1BFF;
	s21 =	sshll.u32 s6, $0x1;
	s3 =	sadd.s32 s4, s19  }
0x9c: {  	s7 =	simm.s32 $0x0;
	s20 =	sshll.u32 s5, $0x1;
	s5 =	sadd.s32 s21, s3  }
0x9d: {  	[timem:s7], [sflag:s22] =	dma.local [hbm:s5], s20  }
0x9e: {  	_ =	swait.ge [sflag:s22], s20  }
0x9f: {  	s4 =	ssub.s32 $0x0, s20;
	[sflag:s22] =	ssyncset.done $0x0  }
0xa0: {  	[sflag:s22] =	ssyncadd.s32 s4;
	_ =	sdelay $0x1  }
0xa1: {  	s23 =	simm.s32 $0x1B8B  }
0xa2: {  	_ =	swait.ge [sflag:s23], $0x1  }
0xa3: {  	[sflag:s23] =	ssyncset.done $0x0  }
0xa4: {  	s25 =	simm.s32 $0x1B8E;
	s24 =	sld [smem:$0x3FFE];
	[sflag:s23] =	ssyncadd.s32 $0xFFFFFFFF  }
0xa5: {  	s26 =	simm.s32 $execute0_lowered;
	[smem:$0x3FD2] =	sst s25  }
0xa6: {  	s5 =	sshll.u32 s26, $0x1;
	_ =	strace $0x8000004C;
	[dreg:$0x1] =	wrdreg $0xFFFFFFFF  }
0xa7: {  	s28 =	simm.s32 $_size_execute0_lowered;
	s3 =	sadd.s32 s3, s5;
	[dreg:$0x0] =	wrdreg $0x0  }
0xa8: {  	s5 =	sshll.u32 s28, $0x1;
	[dreg:$0x2] =	wrdreg s3  }
0xa9: {  	[dreg:$0x3] =	wrdreg s5  }
0xaa: {  	[dreg:$0x4] =	wrdreg $0xC0  }
0xab: {  	_ =	task [dreg:s7], $0x5FFFF  }
0xac: {  	[dreg:$0x1] =	wrdreg $0xFFFFFFFF  }
0xad: {  	[dreg:$0x0] =	wrdreg $0x60  }
0xae: {  	[dreg:$0x2] =	wrdreg s2  }
0xaf: {  	[dreg:$0x3] =	wrdreg s24  }
0xb0: {  	[dreg:$0x4] =	wrdreg $0xA0000  }
0xb1: {  	[dreg:$0x5] =	wrdreg $0x9  }
0xb2: {  	_ =	task.clear_ibuf [dreg:s7], $0x6FFFF;
	_ =	strace $0x9000004C  }
0xb3: {  	s29 =	simm.s32 $0x9;
	_ =	strace $0x8000004E  }
0xb4: {  	_ =	swait.ge [sflag:s29], $0x1  }
0xb5: {  	[sflag:s29] =	ssyncadd.s32 $0xFFFFFFFF  }
0xb6: {  	_ =	strace $0x9000004E  }
0xb7: {  	_ =	sfence  }
0xb8: {  	s30 =	sld [smem:$0x0];
	_ =	sdelay $0x2  }
0xb9: {  	s31 =	sshll.u32 s1, $0xD;
	s1 =	sshrl.u32 s1, $0x2  }
0xba: {  	s3 =	sand.u32 $0x4000, s31;
	s1 =	sadd.s32 s1, s30  }
0xbb: {  	s0 =	sor.u32 s3, s0;
	s1 =	sshll.u32 s1, $0x11  }
0xbc: {  	s0 =	sor.u32 s1, s0  }
0xbd: {  	s0 =	sadd.s32 $0x8F2B, s0  }
0xbe: {  	[sflag:s0] =	ssyncadd.remote.s32 $0x1  }
0xbf: {  	_ =	sfence.sel $0xFFFF  }
0xc0: {  	[dreg:$0x0] =	wrdreg $0xFFFFFFFF;
	(pc) =	sbr.abs _section_cstart, $3  }
0xc1: {  	[dreg:$0x1] =	wrdreg $0xFFFFFFFF  }
0xc2: {  	_ =	task.clear_ibuf [dreg:s7], $0x2FFFF;
	_ =	strace $0x9FFFFFFF  }
0xc3: {  	(tm) =	ssettm $0x7FFFFFFF  }
tec
execute0_lowered:
.L_overlay_start_1:
0x0: {  	(tag) =	ssettag $0x1  }
0x1: {  	s1 =	rddreg [dreg:$0x0]  }
0x2: {  	s0 =	rddreg [dreg:$0x1]  }
0x3: {  	s3 =	rddreg [dreg:$0x2];
	s4 =	simm.s32 $0x0;
	s17 =	stileid.u32  }
0x4: {  	s7 =	srdreg.scid;
	s28 =	simm.s32 $0x1;
	s29 =	simm.s32 $0x69  }
0x5: {  	s30 =	simm.s32 $0x3000;
	[smem:$0x7FF] =	sst s4;
	s2 =	smul.u32 $0x2780, s17  }
0x6: {  	s5 =	sadd.s32 $0x85A00, s0;
	s8 =	smul.u32 $0x30, s17;
	s6 =	sadd.s32 $0x3E00, s0  }
0x7: {  	s9 =	sand.u32 $0x1, s7;
	s10 =	smul.u32 $0x90, s17;
	p0 =	seq.s32 s17, $0xF  }
0x8: {  	p3 =	sne.s32 s17, $0xF;
	s16 =	smul.u32 $0x4F000, s17;
	s20 =	sadd.s32 $0x128400, s3  }
0x9: {  	s19 =	sadd.s32 $0x25080, s1;
	s23 =	smul.u32 $0x13C00, s17;
	_ =	strace $0x8000004D  }
0xa: {  	s11 =	ssub.s32 $0x2, s9;
	p4 =	seq.s32 s9, $0x0;
	p5 =	seq.s32 s9, $0x1  }
0xb: {  	[dreg:$0x9] =	wrdreg s19;
	s21 =	smul.u32 $0x138C00, s9;
	s19 =	simm.s32 $0x5  }
0xc: {  	[dreg:$0x8] =	wrdreg s20;
	s7 =	sadd.s32 $0x900, s8;
	s25 =	sadd.s32 s2, s0  }
0xd: {  	s12 =	sshrl.u32 s11, $0x1;
	p1 =	por !p4, !p3;
	p2 =	por !p4, !p0  }
0xe: {  	s18 =	sshrl.u32 s16, $0x2;
	p3 =	por !p3, !p5;
	s2 =	sadd.s32 s1, s2  }
0xf: {  	s19 =	simm.s32 @!p4 $0x1;
	p6 =	por !p0, !p5;
	s16 =	simm.s32 $0x6  }
0x10: {  	s7 =	smov.u32 @p4 s10;
	s10 =	sadd.s32 $0x92000, s0;
	s11 =	ssub.s32 s11, s12  }
0x11: {  	p1 =	por !p1, !p1;
	p2 =	por !p2, !p2;
	s31 =	sadd.s32 s18, s3  }
0x12: {  	[dreg:$0xb] =	wrdreg s2;
	p3 =	por !p3, !p3;
	s0 =	sadd.s32 $0x35480, s0  }
0x13: {  	s22 =	sadd.s32 $0x10400, s25;
	s18 =	simm.s32 $0x5;
	s24 =	sshrl.u32 s21, $0x3  }
0x14: {  	p5 =	por !p6, !p6;
	p4 =	sne.s32 s9, $0x0;
	[dreg:$0xc] =	wrdreg s0  }
0x15: {  	s2 =	simm.s32 $0x2E00;
	s26 =	sshll.u32 s7, $0x4;
	[dreg:$0xd] =	wrdreg s22  }
0x16: {  	s8 =	sadd.s32 s10, s24;
	s0 =	sadd.s32 s23, s21;
	s24 =	simm.s32 $0x1800  }
0x17: {  	p5 =	por !p5, p3;
	s21 =	simm.s32 $0x2;
	s22 =	simm.s32 $0x1880  }
0x18: {  	s23 =	simm.s32 $0x2F00;
	[dreg:$0xa] =	wrdreg s31;
	s13 =	sadd.s32 s5, s26  }
0x19: {  	s14 =	sadd.s32 s6, s26;
	s12 =	sadd.s32 $0x180, s26;
	[dreg:$0x4] =	wrdreg s13  }
0x1a: {  	s25 =	sadd.s32 $0x25080, s8;
	s0 =	sshrl.u32 s0, $0x3;
	[dreg:$0x5] =	wrdreg s14  }
0x1b: {  	s26 =	smax.u32 s11, $0x1;
	s11 =	simm.s32 $0x0;
	[dreg:$0xe] =	wrdreg s25  }
0x1c: {  	s15 =	sadd.s32 s5, s12;
	s12 =	sadd.s32 s6, s12;
	[dreg:$0x10] =	wrdreg s26  }
0x1d: {  	s0 =	sadd.s32 s10, s0;
	s13 =	simm.s32 $0x3;
	[dreg:$0x6] =	wrdreg s15  }
0x1e: {  	s10 =	simm.s32 $0xB80;
	s26 =	simm.s32 $0x2E80;
	[dreg:$0x7] =	wrdreg s12  }
0x1f: {  	s14 =	simm.s32 $0x2380;
	s25 =	simm.s32 $0x2F80;
	[dreg:$0xf] =	wrdreg s0  }
0x20: {  	s0 =	simm.s32 $0x6800;
	s15 =	simm.s32 $0x4;
	s12 =	simm.s32 $0x2300  }
.LBB2_1:
0x21: {  	s8 =	rddreg [dreg:$0x4]  }
0x22: {  	[tilespmem:s4], [sflag:$0x1] =	stream.linear.gather [hbm4b:s8+s4], $0xC00, $0x38;
	[tilespmem:$0x1D8C0] =	vst v63  }
0x23: {  	s9 =	simm.s32 $0xC00;
	s8 =	rddreg [dreg:$0x5]  }
0x24: {  	[tilespmem:s9], [sflag:$0x1] =	stream.linear.gather [hbm4b:s8+s4], $0xC00, $0x38;
	[tilespmem:$0x1D8C0] =	vst v63  }
.Ltmp0:
0x25: {  	[dreg:$0x11] =	wrdreg s11;
	(pc) =	sbr.rel @!p1 .LBB2_4-.Ltmp0, $4  }
0x26: {  	s9 =	rddreg [dreg:$0x6]  }
0x27: {  	[tilespmem:s24], [sflag:$0x2] =	stream.linear.gather [hbm4b:s9+s4], $0xC00, $0x38;
	[tilespmem:$0x1D8C0] =	vst v63  }
0x28: {  	s8 =	rddreg [dreg:$0x7];
	s9 =	simm.s32 $0x2400  }
0x29: {  	[tilespmem:s9], [sflag:$0x2] =	stream.linear.gather [hbm4b:s8+s4], $0xC00, $0x38;
	[tilespmem:$0x1D8C0] =	vst v63  }
0x2a: {  	s8 =	sshll.u32 s17, $0x6  }
0x2b: {  	s9 =	sshrl.u32 s31, $0x3;
	s11 =	rddreg [dreg:$0xb];
	s8 =	sor.u32 $0x1C07, s8  }
0x2c: {  	[spmem:s9], [sflag:s8] =	dma.local [hbm:s11], $0x2780  }
.Ltmp1:
0x2d: {  	_ = 	snop;
	(pc) =	sbr.rel .LBB2_3-.Ltmp1, $4  }
0x2e: {  	s11 =	simm.s32 $0x7  }
0x2f: {  	_ =	swait.ge [sflag:s11], $0x2780  }
0x30: {  	[sflag:s11] =	ssyncset.done $0x0  }
0x31: {  	[sflag:s11] =	ssyncadd.s32 $0xFFFFD880  }
.LBB2_4:
.Ltmp2:
0x32: {  	(pc) =	sbr.rel @!p2 .LBB2_3-.Ltmp2, $1  }
0x33: {  	_ =	sdelay $0x3  }
0x34: {  	s8 =	sshrl.u32 s20, $0x3;
	s9 =	rddreg [dreg:$0x9]  }
.Ltmp3:
0x35: {  	s11 =	simm.s32 $0x1FC7;
	s31 =	simm.s32 $0x7;
	(pc) =	sbr.rel .LBB2_6-.Ltmp3, $4  }
0x36: {  	[spmem:s8], [sflag:s11] =	dma.local [hbm:s9], $0x2080  }
0x37: {  	_ =	swait.ge [sflag:s31], $0x2080  }
0x38: {  	[sflag:s31] =	ssyncset.done $0x0  }
0x39: {  	[sflag:s31] =	ssyncadd.s32 $0xFFFFDF80  }
.LBB2_3:
0x3a: {  	s8 =	sshrl.u32 @!p5 s20, $0x3;
	s9 =	simm.s32 @!p5 $0x1FC7;
	s11 =	rddreg [dreg:$0xc]  }
0x3b: {  	[spmem:s8], [sflag:s9] =	dma.local @!p5 [hbm:s11], $0x2100  }
0x3c: {  	s8 =	simm.s32 @!p5 $0x7  }
0x3d: {  	_ =	swait.ge @!p5 [sflag:s8], $0x2100  }
0x3e: {  	s9 =	sshll.u32 @p3 s17, $0x6;
	[sflag:s8] =	ssyncset.done @!p5 $0x0;
	s11 =	rddreg [dreg:$0xd]  }
0x3f: {  	[sflag:s8] =	ssyncadd.s32 @!p5 $0xFFFFDF00;
	s8 =	sor.u32 @p3 $0x1C07, s9;
	s9 =	sshrl.u32 @p3 s31, $0x3  }
0x40: {  	[spmem:s9], [sflag:s8] =	dma.local @p3 [hbm:s11], $0x2780  }
0x41: {  	s8 =	simm.s32 @p3 $0x7  }
0x42: {  	_ =	swait.ge @p3 [sflag:s8], $0x2780  }
0x43: {  	[sflag:s8] =	ssyncset.done @p3 $0x0  }
0x44: {  	[sflag:s8] =	ssyncadd.s32 @p3 $0xFFFFD880  }
.LBB2_6:
0x45: {  	[bflag:$0x0] =	sbarrier.arrive $0xFFFF;
	s31 =	simm.s32 $0x0;
	s17 =	simm.s32 $0x0  }
.LBB2_7:
0x46: {  	_ =	swait.ge [sflag:s28], $0xC00  }
0x47: {  	[sflag:s28] =	ssyncset.done $0x0  }
0x48: {  	[sflag:s28] =	ssyncadd.s32 $0xFFFFF400  }
0x49: {  	_ =	swait.ge [sflag:s28], $0xC00  }
0x4a: {  	[sflag:s28] =	ssyncset.done $0x0  }
0x4b: {  	[sflag:s28] =	ssyncadd.s32 $0xFFFFF400  }
0x4c: {  	[tilespmem:s30], [sflag:$0x3] =	stream.indirect.gather [hbm4b:s1+s29], $0x80, s31, s29, $0xb8;
	[tilespmem:$0x1D8C0] =	vst v63  }
0x4d: {  	s8 =	simm.s32 $0x80  }
0x4e: {  	[tilespmem:s0], [sflag:$0x4] =	stream.indirect.gather [hbm4b:s1+s29], $0x80, s8, s29, $0xb8;
	[tilespmem:$0x1D8C0] =	vst v63  }
0x4f: {  	_ =	swait.ge [sflag:s13], $0x3480  }
0x50: {  	[sflag:s13] =	ssyncset.done $0x0  }
0x51: {  	s9 =	simm.s32 $0xC00;
	[sflag:s13] =	ssyncadd.s32 $0xFFFFCB80  }
0x52: {  	[spmem:s3] =	stream.indirect.scatter.add.f32 [tilespmem:s30], [sflag:$0x5], $0x80, s9, s29, $0xb8;
	[tilespmem:$0x1D8C0] =	vst v63  }
0x53: {  	_ =	swait.ge [sflag:s15], $0x3480  }
0x54: {  	[sflag:s15] =	ssyncset.done $0x0  }
0x55: {  	s11 =	simm.s32 $0xC80;
	[sflag:s15] =	ssyncadd.s32 $0xFFFFCB80  }
0x56: {  	[spmem:s3] =	stream.indirect.scatter.add.f32 [tilespmem:s0], [sflag:$0x6], $0x80, s11, s29, $0xb8;
	[tilespmem:$0x1D8C0] =	vst v63  }
0x57: {  	_ =	swait.ge [sflag:s18], $0x3480  }
0x58: {  	[sflag:s18] =	ssyncset.done $0x0  }
0x59: {  	s20 =	simm.s32 $0x100;
	[sflag:s18] =	ssyncadd.s32 $0xFFFFCB80  }
0x5a: {  	[tilespmem:s30], [sflag:$0x3] =	stream.indirect.gather [hbm4b:s1+s29], $0x80, s20, s29, $0xb8;
	[tilespmem:$0x1D8C0] =	vst v63  }
0x5b: {  	_ =	swait.ge [sflag:s16], $0x3480  }
0x5c: {  	[sflag:s16] =	ssyncset.done $0x0  }
0x5d: {  	s8 =	simm.s32 $0x400;
	s9 =	simm.s32 $0x180;
	[sflag:s16] =	ssyncadd.s32 $0xFFFFCB80  }
.LBB2_8:
0x5e: {  	[tilespmem:s0], [sflag:$0x4] =	stream.indirect.gather [hbm4b:s1+s29], $0x80, s9, s29, $0xb8;
	[tilespmem:$0x1D8C0] =	vst v63  }
0x5f: {  	s9 =	smov.u32 s8  }
0x60: {  	p6 =	sne.s32 s8, $0x2400;
	s8 =	sadd.s32 $0x400, s8;
	_ =	swait.ge [sflag:s13], $0x3480  }
0x61: {  	s9 =	sshra.s32 s9, $0x2;
	[sflag:s13] =	ssyncset.done $0x0  }
0x62: {  	s11 =	sadd.s32 $0xC00, s9;
	[sflag:s13] =	ssyncadd.s32 $0xFFFFCB80  }
0x63: {  	[spmem:s3] =	stream.indirect.scatter.add.f32 [tilespmem:s30], [sflag:$0x5], $0x80, s11, s29, $0xb8;
	[tilespmem:$0x1D8C0] =	vst v63  }
0x64: {  	_ =	swait.ge [sflag:s15], $0x3480  }
0x65: {  	[sflag:s15] =	ssyncset.done $0x0  }
0x66: {  	s11 =	sadd.s32 $0xC80, s9;
	[sflag:s15] =	ssyncadd.s32 $0xFFFFCB80  }
0x67: {  	[spmem:s3] =	stream.indirect.scatter.add.f32 [tilespmem:s0], [sflag:$0x6], $0x80, s11, s29, $0xb8;
	[tilespmem:$0x1D8C0] =	vst v63  }
0x68: {  	_ =	swait.ge [sflag:s18], $0x3480  }
0x69: {  	[sflag:s18] =	ssyncset.done $0x0  }
.Ltmp4:
0x6a: {  	s11 =	sadd.s32 $0x100, s9;
	[sflag:s18] =	ssyncadd.s32 $0xFFFFCB80;
	(pc) =	sbr.rel @p6 .LBB2_8-.Ltmp4, $4  }
0x6b: {  	[tilespmem:s30], [sflag:$0x3] =	stream.indirect.gather [hbm4b:s1+s29], $0x80, s11, s29, $0xb8;
	[tilespmem:$0x1D8C0] =	vst v63  }
0x6c: {  	_ =	swait.ge [sflag:s16], $0x3480  }
0x6d: {  	[sflag:s16] =	ssyncset.done $0x0  }
0x6e: {  	s9 =	sadd.s32 $0x180, s9;
	[sflag:s16] =	ssyncadd.s32 $0xFFFFCB80  }
0x6f: {  	[tilespmem:s0], [sflag:$0x4] =	stream.indirect.gather [hbm4b:s1+s29], $0x80, s9, s29, $0xb8;
	[tilespmem:$0x1D8C0] =	vst v63  }
0x70: {  	_ =	swait.ge [sflag:s13], $0x3480  }
0x71: {  	[sflag:s13] =	ssyncset.done $0x0  }
0x72: {  	s8 =	simm.s32 $0x1600;
	[sflag:s13] =	ssyncadd.s32 $0xFFFFCB80  }
0x73: {  	[spmem:s3] =	stream.indirect.scatter.add.f32 [tilespmem:s30], [sflag:$0x5], $0x80, s8, s29, $0xb8;
	[tilespmem:$0x1D8C0] =	vst v63  }
0x74: {  	_ =	swait.ge [sflag:s15], $0x3480  }
0x75: {  	[sflag:s15] =	ssyncset.done $0x0  }
0x76: {  	s9 =	simm.s32 $0x1680;
	[sflag:s15] =	ssyncadd.s32 $0xFFFFCB80  }
0x77: {  	[spmem:s3] =	stream.indirect.scatter.add.f32 [tilespmem:s0], [sflag:$0x6], $0x80, s9, s29, $0xb8;
	[tilespmem:$0x1D8C0] =	vst v63  }
0x78: {  	_ =	swait.ge [sflag:s18], $0x3480  }
0x79: {  	[sflag:s18] =	ssyncset.done $0x0  }
0x7a: {  	s11 =	simm.s32 $0xB00;
	[sflag:s18] =	ssyncadd.s32 $0xFFFFCB80  }
0x7b: {  	[tilespmem:s30], [sflag:$0x3] =	stream.indirect.gather [hbm4b:s1+s29], $0x80, s11, s29, $0xb8;
	[tilespmem:$0x1D8C0] =	vst v63  }
0x7c: {  	_ =	swait.ge [sflag:s16], $0x3480  }
0x7d: {  	[sflag:s16] =	ssyncset.done $0x0  }
0x7e: {  	[sflag:s16] =	ssyncadd.s32 $0xFFFFCB80  }
0x7f: {  	[tilespmem:s0], [sflag:$0x4] =	stream.indirect.gather [hbm4b:s1+s29], $0x80, s10, s29, $0xb8;
	[tilespmem:$0x1D8C0] =	vst v63  }
0x80: {  	_ =	swait.ge [sflag:s13], $0x3480  }
0x81: {  	[sflag:s13] =	ssyncset.done $0x0  }
0x82: {  	s20 =	simm.s32 $0x1700;
	[sflag:s13] =	ssyncadd.s32 $0xFFFFCB80  }
0x83: {  	[spmem:s3] =	stream.indirect.scatter.add.f32 [tilespmem:s30], [sflag:$0x5], $0x80, s20, s29, $0xb8;
	[tilespmem:$0x1D8C0] =	vst v63  }
0x84: {  	_ =	swait.ge [sflag:s15], $0x3480  }
0x85: {  	[sflag:s15] =	ssyncset.done $0x0  }
0x86: {  	s9 =	simm.s32 $0x1780;
	[sflag:s15] =	ssyncadd.s32 $0xFFFFCB80  }
0x87: {  	[spmem:s3] =	stream.indirect.scatter.add.f32 [tilespmem:s0], [sflag:$0x6], $0x80, s9, s29, $0xb8;
	[tilespmem:$0x1D8C0] =	vst v63  }
0x88: {  	_ =	swait.ge [sflag:s18], $0x3480  }
0x89: {  	[sflag:s18] =	ssyncset.done $0x0  }
0x8a: {  	[sflag:s18] =	ssyncadd.s32 $0xFFFFCB80  }
0x8b: {  	[tilespmem:s30], [sflag:$0x3] =	stream.indirect.gather [hbm4b:s1+s29], $0x80, s10, s29, $0xb8;
	[tilespmem:$0x1D8C0] =	vst v63  }
0x8c: {  	_ =	swait.ge [sflag:s16], $0x3480  }
0x8d: {  	s8 =	sshll.u32 s17, $0x1;
	[sflag:s16] =	ssyncset.done $0x0  }
0x8e: {  	s11 =	sadd.s32 $0x2, s8;
	[sflag:s16] =	ssyncadd.s32 $0xFFFFCB80  }
0x8f: {  	[tilespmem:s0], [sflag:$0x4] =	stream.indirect.gather [hbm4b:s1+s29], $0x80, s10, s29, $0xb8;
	[tilespmem:$0x1D8C0] =	vst v63  }
0x90: {  	s9 =	smin.u32 s11, s19;
	_ =	swait.ge [sflag:s13], $0x3480  }
0x91: {  	s9 =	smul.u32 $0x18, s9;
	[sflag:s13] =	ssyncset.done $0x0  }
0x92: {  	[sflag:s13] =	ssyncadd.s32 $0xFFFFCB80  }
0x93: {  	s9 =	sadd.s32 s7, s9;
	_ =	swait.ge [sflag:s15], $0x3480  }
0x94: {  	s9 =	sshll.u32 s9, $0x4;
	[sflag:s15] =	ssyncset.done $0x0  }
0x95: {  	s20 =	simm.s32 $0x0;
	s11 =	sadd.s32 s5, s9;
	[sflag:s15] =	ssyncadd.s32 $0xFFFFCB80  }
0x96: {  	[tilespmem:s20], [sflag:$0x1] =	stream.linear.gather [hbm4b:s11+s20], $0xC00, $0x38;
	[tilespmem:$0x1D8C0] =	vst v63  }
0x97: {  	s9 =	sadd.s32 s6, s9;
	s11 =	simm.s32 $0xC00  }
0x98: {  	[tilespmem:s11], [sflag:$0x1] =	stream.linear.gather [hbm4b:s9+s20], $0xC00, $0x38;
	[tilespmem:$0x1D8C0] =	vst v63  }
0x99: {  	_ =	swait.ge [sflag:s21], $0xC00  }
0x9a: {  	[sflag:s21] =	ssyncset.done $0x0  }
0x9b: {  	[sflag:s21] =	ssyncadd.s32 $0xFFFFF400  }
0x9c: {  	_ =	swait.ge [sflag:s21], $0xC00  }
0x9d: {  	[sflag:s21] =	ssyncset.done $0x0  }
0x9e: {  	[sflag:s21] =	ssyncadd.s32 $0xFFFFF400  }
0x9f: {  	[tilespmem:s30], [sflag:$0x3] =	stream.indirect.gather [hbm4b:s1+s29], $0x80, s24, s29, $0xb8;
	[tilespmem:$0x1D8C0] =	vst v63  }
0xa0: {  	_ = 	snop  }
0xa1: {  	[tilespmem:s0], [sflag:$0x4] =	stream.indirect.gather [hbm4b:s1+s29], $0x80, s22, s29, $0xb8;
	[tilespmem:$0x1D8C0] =	vst v63  }
0xa2: {  	_ =	swait.ge [sflag:s13], $0x3480  }
0xa3: {  	[sflag:s13] =	ssyncset.done $0x0  }
0xa4: {  	s20 =	simm.s32 $0x2400;
	[sflag:s13] =	ssyncadd.s32 $0xFFFFCB80  }
0xa5: {  	[spmem:s3] =	stream.indirect.scatter.add.f32 [tilespmem:s30], [sflag:$0x5], $0x80, s20, s29, $0xb8;
	[tilespmem:$0x1D8C0] =	vst v63  }
0xa6: {  	_ =	swait.ge [sflag:s15], $0x3480  }
0xa7: {  	[sflag:s15] =	ssyncset.done $0x0  }
0xa8: {  	s11 =	simm.s32 $0x2480;
	[sflag:s15] =	ssyncadd.s32 $0xFFFFCB80  }
0xa9: {  	[spmem:s3] =	stream.indirect.scatter.add.f32 [tilespmem:s0], [sflag:$0x6], $0x80, s11, s29, $0xb8;
	[tilespmem:$0x1D8C0] =	vst v63  }
0xaa: {  	_ =	swait.ge [sflag:s18], $0x3480  }
0xab: {  	[sflag:s18] =	ssyncset.done $0x0  }
0xac: {  	s20 =	simm.s32 $0x1900;
	[sflag:s18] =	ssyncadd.s32 $0xFFFFCB80  }
0xad: {  	[tilespmem:s30], [sflag:$0x3] =	stream.indirect.gather [hbm4b:s1+s29], $0x80, s20, s29, $0xb8;
	[tilespmem:$0x1D8C0] =	vst v63  }
0xae: {  	_ =	swait.ge [sflag:s16], $0x3480  }
0xaf: {  	[sflag:s16] =	ssyncset.done $0x0  }
0xb0: {  	s9 =	simm.s32 $0x400;
	s11 =	simm.s32 $0x1980;
	[sflag:s16] =	ssyncadd.s32 $0xFFFFCB80  }
.LBB2_10:
0xb1: {  	[tilespmem:s0], [sflag:$0x4] =	stream.indirect.gather [hbm4b:s1+s29], $0x80, s11, s29, $0xb8;
	[tilespmem:$0x1D8C0] =	vst v63  }
0xb2: {  	s11 =	smov.u32 s9  }
0xb3: {  	p6 =	sne.s32 s9, $0x2400;
	s9 =	sadd.s32 $0x400, s9;
	_ =	swait.ge [sflag:s13], $0x3480  }
0xb4: {  	s11 =	sshra.s32 s11, $0x2;
	[sflag:s13] =	ssyncset.done $0x0  }
0xb5: {  	s20 =	sadd.s32 $0x2400, s11;
	[sflag:s13] =	ssyncadd.s32 $0xFFFFCB80  }
0xb6: {  	[spmem:s3] =	stream.indirect.scatter.add.f32 [tilespmem:s30], [sflag:$0x5], $0x80, s20, s29, $0xb8;
	[tilespmem:$0x1D8C0] =	vst v63  }
0xb7: {  	_ =	swait.ge [sflag:s15], $0x3480  }
0xb8: {  	[sflag:s15] =	ssyncset.done $0x0  }
0xb9: {  	s20 =	sadd.s32 $0x2480, s11;
	[sflag:s15] =	ssyncadd.s32 $0xFFFFCB80  }
0xba: {  	[spmem:s3] =	stream.indirect.scatter.add.f32 [tilespmem:s0], [sflag:$0x6], $0x80, s20, s29, $0xb8;
	[tilespmem:$0x1D8C0] =	vst v63  }
0xbb: {  	_ =	swait.ge [sflag:s18], $0x3480  }
0xbc: {  	[sflag:s18] =	ssyncset.done $0x0  }
.Ltmp5:
0xbd: {  	s20 =	sadd.s32 $0x1900, s11;
	[sflag:s18] =	ssyncadd.s32 $0xFFFFCB80;
	(pc) =	sbr.rel @p6 .LBB2_10-.Ltmp5, $4  }
0xbe: {  	[tilespmem:s30], [sflag:$0x3] =	stream.indirect.gather [hbm4b:s1+s29], $0x80, s20, s29, $0xb8;
	[tilespmem:$0x1D8C0] =	vst v63  }
0xbf: {  	_ =	swait.ge [sflag:s16], $0x3480  }
0xc0: {  	[sflag:s16] =	ssyncset.done $0x0  }
0xc1: {  	s11 =	sadd.s32 $0x1980, s11;
	[sflag:s16] =	ssyncadd.s32 $0xFFFFCB80  }
0xc2: {  	[tilespmem:s0], [sflag:$0x4] =	stream.indirect.gather [hbm4b:s1+s29], $0x80, s11, s29, $0xb8;
	[tilespmem:$0x1D8C0] =	vst v63  }
0xc3: {  	_ =	swait.ge [sflag:s13], $0x3480  }
0xc4: {  	[sflag:s13] =	ssyncset.done $0x0  }
0xc5: {  	[sflag:s13] =	ssyncadd.s32 $0xFFFFCB80  }
0xc6: {  	[spmem:s3] =	stream.indirect.scatter.add.f32 [tilespmem:s30], [sflag:$0x5], $0x80, s2, s29, $0xb8;
	[tilespmem:$0x1D8C0] =	vst v63  }
0xc7: {  	_ =	swait.ge [sflag:s15], $0x3480  }
0xc8: {  	[sflag:s15] =	ssyncset.done $0x0  }
0xc9: {  	[sflag:s15] =	ssyncadd.s32 $0xFFFFCB80  }
0xca: {  	[spmem:s3] =	stream.indirect.scatter.add.f32 [tilespmem:s0], [sflag:$0x6], $0x80, s26, s29, $0xb8;
	[tilespmem:$0x1D8C0] =	vst v63  }
0xcb: {  	_ =	swait.ge [sflag:s18], $0x3480  }
0xcc: {  	[sflag:s18] =	ssyncset.done $0x0  }
0xcd: {  	[sflag:s18] =	ssyncadd.s32 $0xFFFFCB80  }
0xce: {  	[tilespmem:s30], [sflag:$0x3] =	stream.indirect.gather [hbm4b:s1+s29], $0x80, s12, s29, $0xb8;
	[tilespmem:$0x1D8C0] =	vst v63  }
0xcf: {  	_ =	swait.ge [sflag:s16], $0x3480  }
0xd0: {  	[sflag:s16] =	ssyncset.done $0x0  }
0xd1: {  	[sflag:s16] =	ssyncadd.s32 $0xFFFFCB80  }
0xd2: {  	[tilespmem:s0], [sflag:$0x4] =	stream.indirect.gather [hbm4b:s1+s29], $0x80, s14, s29, $0xb8;
	[tilespmem:$0x1D8C0] =	vst v63  }
0xd3: {  	_ =	swait.ge [sflag:s13], $0x3480  }
0xd4: {  	[sflag:s13] =	ssyncset.done $0x0  }
0xd5: {  	[sflag:s13] =	ssyncadd.s32 $0xFFFFCB80  }
0xd6: {  	[spmem:s3] =	stream.indirect.scatter.add.f32 [tilespmem:s30], [sflag:$0x5], $0x80, s23, s29, $0xb8;
	[tilespmem:$0x1D8C0] =	vst v63  }
0xd7: {  	_ =	swait.ge [sflag:s15], $0x3480  }
0xd8: {  	[sflag:s15] =	ssyncset.done $0x0  }
0xd9: {  	[sflag:s15] =	ssyncadd.s32 $0xFFFFCB80  }
0xda: {  	[spmem:s3] =	stream.indirect.scatter.add.f32 [tilespmem:s0], [sflag:$0x6], $0x80, s25, s29, $0xb8;
	[tilespmem:$0x1D8C0] =	vst v63  }
0xdb: {  	_ =	swait.ge [sflag:s18], $0x3480  }
0xdc: {  	[sflag:s18] =	ssyncset.done $0x0  }
0xdd: {  	[sflag:s18] =	ssyncadd.s32 $0xFFFFCB80  }
0xde: {  	[tilespmem:s30], [sflag:$0x3] =	stream.indirect.gather [hbm4b:s1+s29], $0x80, s14, s29, $0xb8;
	[tilespmem:$0x1D8C0] =	vst v63  }
0xdf: {  	_ =	swait.ge [sflag:s16], $0x3480  }
0xe0: {  	[sflag:s16] =	ssyncset.done $0x0  }
0xe1: {  	s8 =	sadd.s32 $0x3, s8;
	[sflag:s16] =	ssyncadd.s32 $0xFFFFCB80  }
0xe2: {  	[tilespmem:s0], [sflag:$0x4] =	stream.indirect.gather [hbm4b:s1+s29], $0x80, s14, s29, $0xb8;
	[tilespmem:$0x1D8C0] =	vst v63  }
0xe3: {  	s8 =	smin.u32 s8, s19;
	_ =	swait.ge [sflag:s13], $0x3480  }
0xe4: {  	s8 =	smul.u32 $0x18, s8;
	[sflag:s13] =	ssyncset.done $0x0  }
0xe5: {  	p6 =	slt.u32 @!p4 s17, $0x2;
	[sflag:s13] =	ssyncadd.s32 $0xFFFFCB80  }
0xe6: {  	p6 =	por p4, !p6;
	s8 =	sadd.s32 s7, s8;
	_ =	swait.ge [sflag:s15], $0x3480  }
.Ltmp6:
0xe7: {  	s8 =	sshll.u32 s8, $0x4;
	[sflag:s15] =	ssyncset.done $0x0;
	(pc) =	sbr.rel @!p6 .LBB2_7-.Ltmp6, $4  }
0xe8: {  	s9 =	sadd.s32 s5, s8;
	[sflag:s15] =	ssyncadd.s32 $0xFFFFCB80  }
0xe9: {  	[tilespmem:s24], [sflag:$0x2] =	stream.linear.gather [hbm4b:s9+s4], $0xC00, $0x38;
	[tilespmem:$0x1D8C0] =	vst v63  }
0xea: {  	s20 =	simm.s32 $0x2400;
	s17 =	sadd.s32 $0x1, s17;
	s8 =	sadd.s32 s6, s8  }
0xeb: {  	[tilespmem:s20], [sflag:$0x2] =	stream.linear.gather [hbm4b:s8+s4], $0xC00, $0x38;
	[tilespmem:$0x1D8C0] =	vst v63  }
0xec: {  	_ =	swait.ge [sflag:s28], $0xC00  }
0xed: {  	[sflag:s28] =	ssyncset.done $0x0  }
0xee: {  	[sflag:s28] =	ssyncadd.s32 $0xFFFFF400  }
0xef: {  	_ =	swait.ge [sflag:s28], $0xC00  }
0xf0: {  	[sflag:s28] =	ssyncset.done $0x0  }
0xf1: {  	[sflag:s28] =	ssyncadd.s32 $0xFFFFF400  }
0xf2: {  	_ =	swait.ge [sflag:s21], $0xC00  }
0xf3: {  	[sflag:s21] =	ssyncset.done $0x0  }
0xf4: {  	[sflag:s21] =	ssyncadd.s32 $0xFFFFF400  }
0xf5: {  	_ =	swait.ge [sflag:s21], $0xC00  }
0xf6: {  	[sflag:s21] =	ssyncset.done $0x0  }
0xf7: {  	[sflag:s21] =	ssyncadd.s32 $0xFFFFF400  }
0xf8: {  	[bflag:$0x0] =	sbarrier.arrive $0xFFFF  }
0xf9: {  	s20 =	rddreg [dreg:$0x8]  }
0xfa: {  	s9 =	simm.s32 @p0 $0x1FC7;
	s11 =	rddreg [dreg:$0xe];
	s8 =	sshrl.u32 @p0 s20, $0x3  }
0xfb: {  	[hbm:s11], [sflag:s9] =	dma.local @p0 [spmem:s8], $0x2100  }
0xfc: {  	s8 =	simm.s32 @p0 $0x7  }
0xfd: {  	_ =	swait.ge @p0 [sflag:s8], $0x2100  }
0xfe: {  	s17 =	stileid.u32;
	s31 =	rddreg [dreg:$0xa]  }
0xff: {  	s9 =	sshll.u32 @!p0 s17, $0x6;
	[sflag:s8] =	ssyncset.done @p0 $0x0;
	s11 =	rddreg [dreg:$0xf]  }
0x100: {  	[sflag:s8] =	ssyncadd.s32 @p0 $0xFFFFDF00;
	s8 =	sor.u32 @!p0 $0x1C07, s9;
	s9 =	sshrl.u32 @!p0 s31, $0x3  }
0x101: {  	[hbm:s11], [sflag:s8] =	dma.local @!p0 [spmem:s9], $0x2780  }
0x102: {  	s8 =	simm.s32 @!p0 $0x7  }
0x103: {  	_ =	swait.ge @!p0 [sflag:s8], $0x2780  }
0x104: {  	s9 =	rddreg [dreg:$0x11]  }
0x105: {  	s11 =	sadd.s32 $0x1, s9;
	s9 =	rddreg [dreg:$0x10]  }
0x106: {  	p6 =	sne.s32 s11, s9  }
.Ltmp7:
0x107: {  	_ = 	snop;
	(pc) =	sbr.rel @p6 .LBB2_1-.Ltmp7, $3  }
0x108: {  	_ =	sdelay $0x1  }
0x109: {  	[sflag:s8] =	ssyncset.done @!p0 $0x0  }
0x10a: {  	[sflag:s8] =	ssyncadd.s32 @!p0 $0xFFFFD880  }
0x10b: {  	_ =	sfence.sel $0x180000  }
0x10c: {  	[bflag:$0x0] =	sbarrier.arrive $0xFFFF  }
0x10d: {  	_ =	strace $0x9000004D  }
0x10e: {  	[bflag:$0x2] =	sbarrier.arrive $0xFFFF  }
0x10f: {  	p0 =	sne.s32 s17, $0x0;
	s0 =	rddreg [dreg:$0x3]  }
0x110: {  	s0 =	sadd.s32 @!p0 $0x100000, s0  }
0x111: {  	[sflag:s0] =	ssyncadd.tile.s32 @!p0 $0x1;
	_ =	shalt  }
.Lfunc_end2:
_tile_overlayer_lowered:
.L_overlay_start_2:
0x112: {  	(tag) =	ssettag $0x2  }
0x113: {  	s0 =	rddreg [dreg:$0x0];
	s2 =	stileid.u32  }
0x114: {  	s1 =	rddreg [dreg:$0x1];
	p0 =	sne.s32 s2, $0x0  }
0x115: {  	s3 =	rddreg [dreg:$0x2];
	[bflag:$0x3] =	sbarrier.arrive $0xFFFF;
	s2 =	simm.s32 @!p0 $0x1C07  }
0x116: {  	[timem:s3], [sflag:s2] =	dma.local @!p0 [hbm:s0], s1  }
0x117: {  	s0 =	simm.s32 @!p0 $0x7  }
0x118: {  	_ =	swait.ge @!p0 [sflag:s0], s1  }
0x119: {  	s1 =	ssub.s32 @!p0 $0x0, s1;
	[sflag:s0] =	ssyncset.done @!p0 $0x0  }
0x11a: {  	[sflag:s0] =	ssyncadd.s32 @!p0 s1  }
0x11b: {  	[bflag:$0x3] =	sbarrier.arrive $0xFFFF  }
0x11c: {  	_ =	shalt  }

// kernel: kernel.19.cloned.1.call-start
scs
__scs_entry_jumppad:
0x0: {  	(pc) =	sbr.rel $0x88, $3  }
0x1: {  	(tag) =	ssettag $0x0;
	lr =	simm.s32 $0x1  }
0x2: {  	[smem:$0x3F8F] =	sst lr;
	_ =	strace $0xD0000000  }
0x3: {  	_ = 	snop  }
0x4: {  	_ = 	snop  }
0x5: {  	_ = 	snop  }
0x6: {  	_ = 	snop  }
0x7: {  	_ = 	snop  }
__scs_overlays_trampoline_lowered:
0x8: {  	[smem:$0x3F9E] =	sst s0  }
0x9: {  	[smem:$0x3F9F] =	sst s1  }
0xa: {  	[smem:$0x3FA0] =	sst s2  }
0xb: {  	[smem:$0x3FA1] =	sst s3  }
0xc: {  	[smem:$0x3FA2] =	sst s4  }
0xd: {  	[smem:$0x3FA3] =	sst s5  }
0xe: {  	[smem:$0x3FA4] =	sst s6  }
0xf: {  	[smem:$0x3FA5] =	sst s7  }
0x10: {  	[smem:$0x3FA6] =	sst s8  }
0x11: {  	[smem:$0x3FA7] =	sst s9;
	s0 =	simm.s32 @!p0 $0x0  }
0x12: {  	s1 =	sld [smem:$0x3F8D];
	s0 =	simm.s32 @p0 $0x1  }
0x13: {  	[smem:$0x3FA8] =	sst s0;
	s0 =	simm.s32 @!p1 $0x0  }
0x14: {  	s2 =	sld [smem:$0x3F8C];
	s0 =	simm.s32 @p1 $0x1  }
0x15: {  	[smem:$0x3FA9] =	sst s0;
	s0 =	simm.s32 @!p2 $0x0  }
0x16: {  	s3 =	sld [smem:$0x3FDB];
	s0 =	simm.s32 @p2 $0x1  }
0x17: {  	s4 =	simm.s32 $0x1BF5;
	[smem:$0x3FAB] =	sst s0  }
0x18: {  	s0 =	sld [smem:$0x3F8E];
	_ =	swait.ge [sflag:s4], $0x0  }
0x19: {  	s7 =	sld [smem:$0x3F8F]  }
0x1a: {  	s8 =	sadd.s32 $0xFFFFE003, lr  }
0x1b: {  	s9 =	sadd.s32 $0xFFFFFEF7, lr;
	s5 =	simm.s32 $0xFFFFFFFF;
	p2 =	slt.u32 s8, $0xFFFFF086  }
0x1c: {  	p1 =	slt.u32 s9, $0xF7A;
	s5 =	simm.s32 @!p2 $0x0  }
0x1d: {  	s5 =	simm.s32 @p1 $0x1;
	p0 =	seq.s32 s7, s2  }
0x1e: {  	s7 =	smul.u32 @!p0 $0xF7A, s2;
	p2 =	seq.s32 @!p0 s5, $0x0  }
0x1f: {  	s9 =	smul.u32 $0xF7A, s1;
	s8 =	simm.s32 @!p0 $0x1BF5;
	p2 =	por !p2, p0  }
0x20: {  	[sflag:s8] =	ssyncset.s32 @!p0 $0xFFFFF086;
	s6 =	sadd.s32 @!p0 s3, s7;
	s7 =	simm.s32 @!p0 $0x108  }
0x21: {  	s3 =	sadd.s32 s3, s9;
	s6 =	sadd.s32 @!p0 $0x88, s6;
	s7 =	simm.s32 @p2 $0x1082  }
0x22: {  	[simem:s7], [sflag:s8] =	dma.local @!p0 [hbm:s6], $0xF7A  }
0x23: {  	s9 =	sor.u32 $0xD0000000, s2;
	s6 =	simm.s32 $0x108;
	_ =	swait.ge @!p0 [sflag:s8], $0x0  }
0x24: {  	s3 =	sadd.s32 $0x88, s3;
	s6 =	simm.s32 @!p1 $0x1082;
	[sflag:s4] =	ssyncset.s32 $0xFFFFF086  }
0x25: {  	[simem:s6], [sflag:s4] =	dma.local [hbm:s3], $0xF7A  }
0x26: {  	[smem:$0x3F8F] =	sst s1;
	(tag) =	ssettag s2;
	_ =	strace s9  }
0x27: {  	s1 =	sld [smem:$0x3F9F]  }
0x28: {  	s2 =	sld [smem:$0x3FA0]  }
0x29: {  	s4 =	sld [smem:$0x3FA2]  }
0x2a: {  	p0 =	seq.s32 s5, $0x0;
	s5 =	sld [smem:$0x3FA3]  }
0x2b: {  	s6 =	sld [smem:$0x3FA4]  }
0x2c: {  	s7 =	sld [smem:$0x3FA5]  }
0x2d: {  	s3 =	simm.s32 $0x108;
	s8 =	sld [smem:$0x3FA6]  }
0x2e: {  	s3 =	simm.s32 @!p0 $0x1082;
	s9 =	sld [smem:$0x3FA7]  }
0x2f: {  	lr =	sadd.s32 s0, s3;
	s0 =	sld [smem:$0x3F9E]  }
0x30: {  	s3 =	sld [smem:$0x3FA1]  }
0x31: {  	[smem:$0x3FAA] =	sst s10  }
0x32: {  	s10 =	sld [smem:$0x3FA8];
	_ =	sdelay $0x3  }
0x33: {  	p0 =	seq.s32 s10, $0x1;
	s10 =	sld [smem:$0x3FAA];
	_ =	sdelay $0x3  }
0x34: {  	[smem:$0x3FAA] =	sst s10  }
0x35: {  	s10 =	sld [smem:$0x3FA9];
	_ =	sdelay $0x3  }
0x36: {  	p1 =	seq.s32 s10, $0x1;
	s10 =	sld [smem:$0x3FAA];
	_ =	sdelay $0x3  }
0x37: {  	[smem:$0x3FAA] =	sst s10  }
0x38: {  	s10 =	sld [smem:$0x3FAB]  }
0x39: {  	_ = 	snop;
	(pc) =	sbr.ind lr, $3  }
0x3a: {  	_ = 	snop  }
0x3b: {  	_ = 	snop  }
0x3c: {  	p2 =	seq.s32 s10, $0x1;
	s10 =	sld [smem:$0x3FAA]  }
0x3d: {  	_ =	shalt  }
0x3e: {  	_ =	shalt  }
0x3f: {  	_ =	shalt  }
0x40: {  	_ =	shalt  }
0x41: {  	_ =	shalt  }
0x42: {  	_ =	shalt  }
0x43: {  	_ =	shalt  }
0x44: {  	_ =	shalt  }
0x45: {  	_ =	shalt  }
0x46: {  	_ =	shalt  }
0x47: {  	_ =	shalt  }
0x48: {  	_ =	shalt  }
0x49: {  	_ =	shalt  }
0x4a: {  	_ =	shalt  }
0x4b: {  	_ =	shalt  }
0x4c: {  	_ =	shalt  }
0x4d: {  	_ =	shalt  }
0x4e: {  	_ =	shalt  }
0x4f: {  	_ =	shalt  }
0x50: {  	_ =	shalt  }
0x51: {  	_ =	shalt  }
0x52: {  	_ =	shalt  }
0x53: {  	_ =	shalt  }
0x54: {  	_ =	shalt  }
0x55: {  	_ =	shalt  }
0x56: {  	_ =	shalt  }
0x57: {  	_ =	shalt  }
0x58: {  	_ =	shalt  }
0x59: {  	_ =	shalt  }
0x5a: {  	_ =	shalt  }
0x5b: {  	_ =	shalt  }
0x5c: {  	_ =	shalt  }
0x5d: {  	_ =	shalt  }
0x5e: {  	_ =	shalt  }
0x5f: {  	_ =	shalt  }
0x60: {  	_ =	shalt  }
0x61: {  	_ =	shalt  }
0x62: {  	_ =	shalt  }
0x63: {  	_ =	shalt  }
0x64: {  	_ =	shalt  }
0x65: {  	_ =	shalt  }
0x66: {  	_ =	shalt  }
0x67: {  	_ =	shalt  }
0x68: {  	_ =	shalt  }
0x69: {  	_ =	shalt  }
0x6a: {  	_ =	shalt  }
0x6b: {  	_ =	shalt  }
0x6c: {  	_ =	shalt  }
0x6d: {  	_ =	shalt  }
0x6e: {  	_ =	shalt  }
0x6f: {  	_ =	shalt  }
0x70: {  	_ =	shalt  }
0x71: {  	_ =	shalt  }
0x72: {  	_ =	shalt  }
0x73: {  	_ =	shalt  }
0x74: {  	_ =	shalt  }
0x75: {  	_ =	shalt  }
0x76: {  	_ =	shalt  }
0x77: {  	_ =	shalt  }
0x78: {  	_ =	shalt  }
0x79: {  	_ =	shalt  }
0x7a: {  	_ =	shalt  }
0x7b: {  	_ =	shalt  }
0x7c: {  	_ =	shalt  }
0x7d: {  	_ =	shalt  }
0x7e: {  	_ =	shalt  }
0x7f: {  	_ =	shalt  }
0x80: {  	_ =	shalt  }
0x81: {  	_ =	shalt  }
0x82: {  	_ =	shalt  }
0x83: {  	_ =	shalt  }
0x84: {  	_ =	shalt  }
0x85: {  	_ =	shalt  }
0x86: {  	_ =	shalt  }
0x87: {  	_ =	shalt  }
.Lfunc_end0:
.L_simem_size_0:
called_computation.3_lowered:
.L_overlay_start_0:
0x88: {  	s2 =	sld [smem:$0x3FD9]  }
0x89: {  	s3 =	sld [smem:$0x3FFE];
	_ =	sdelay $0x1  }
0x8a: {  	s1 =	srdreg.scid  }
0x8b: {  	s0 =	sand.u32 $0x1, s1  }
0x8c: {  	s17 =	sshll.u32 s0, $0xA;
	s2 =	sadd.s32 s3, s2  }
0x8d: {  	s2 =	sadd.s32 s2, s17  }
0x8e: {  	[smem:$0x3FB6] =	sst s2  }
0x8f: {  	_ = 	snop  }
0x90: {  	s2 =	sld [smem:$0x3FD0];
	(tm) =	ssettm $0x1  }
0x91: {  	s18 =	sld [smem:$0x3FFB];
	_ =	sdelay $0x3  }
0x92: {  	_ =	strace s18  }
0x93: {  	s3 =	sld [smem:$0x3FFC];
	_ =	sdelay $0x3  }
0x94: {  	_ =	strace s3  }
0x95: {  	s3 =	sld [smem:$0x3FFD];
	_ =	sdelay $0x3  }
0x96: {  	_ =	strace s3  }
0x97: {  	_ =	strace $0x8FFFFFFF  }
0x98: {  	s19 =	sld [smem:$0x3FDB];
	_ =	sdelay $0x1  }
0x99: {  	s4 =	simm.s32 $_scs_section_size  }
0x9a: {  	s5 =	simm.s32 $_size__tile_overlayer_lowered;
	s6 =	simm.s32 $_tile_overlayer_lowered  }
0x9b: {  	s22 =	simm.s32 $0x1BFF;
	s21 =	sshll.u32 s6, $0x1;
	s3 =	sadd.s32 s4, s19  }
0x9c: {  	s7 =	simm.s32 $0x0;
	s20 =	sshll.u32 s5, $0x1;
	s5 =	sadd.s32 s21, s3  }
0x9d: {  	[timem:s7], [sflag:s22] =	dma.local [hbm:s5], s20  }
0x9e: {  	_ =	swait.ge [sflag:s22], s20  }
0x9f: {  	s4 =	ssub.s32 $0x0, s20;
	[sflag:s22] =	ssyncset.done $0x0  }
0xa0: {  	[sflag:s22] =	ssyncadd.s32 s4;
	_ =	sdelay $0x1  }
0xa1: {  	s23 =	simm.s32 $0x1B8B  }
0xa2: {  	_ =	swait.ge [sflag:s23], $0x1  }
0xa3: {  	[sflag:s23] =	ssyncset.done $0x0  }
0xa4: {  	s25 =	simm.s32 $0x1B8E;
	s24 =	sld [smem:$0x3FFE];
	[sflag:s23] =	ssyncadd.s32 $0xFFFFFFFF  }
0xa5: {  	s26 =	simm.s32 $execute0_lowered;
	[smem:$0x3FD2] =	sst s25  }
0xa6: {  	s5 =	sshll.u32 s26, $0x1;
	_ =	strace $0x8000004F;
	[dreg:$0x1] =	wrdreg $0xFFFFFFFF  }
0xa7: {  	s28 =	simm.s32 $_size_execute0_lowered;
	s3 =	sadd.s32 s3, s5;
	[dreg:$0x0] =	wrdreg $0x0  }
0xa8: {  	s5 =	sshll.u32 s28, $0x1;
	[dreg:$0x2] =	wrdreg s3  }
0xa9: {  	[dreg:$0x3] =	wrdreg s5  }
0xaa: {  	[dreg:$0x4] =	wrdreg $0xC0  }
0xab: {  	_ =	task [dreg:s7], $0x5FFFF  }
0xac: {  	[dreg:$0x1] =	wrdreg $0xFFFFFFFF  }
0xad: {  	[dreg:$0x0] =	wrdreg $0x60  }
0xae: {  	[dreg:$0x2] =	wrdreg s2  }
0xaf: {  	[dreg:$0x3] =	wrdreg s24  }
0xb0: {  	[dreg:$0x4] =	wrdreg $0xA0000  }
0xb1: {  	[dreg:$0x5] =	wrdreg $0x9  }
0xb2: {  	_ =	task.clear_ibuf [dreg:s7], $0x6FFFF;
	_ =	strace $0x9000004F  }
0xb3: {  	s29 =	simm.s32 $0x9;
	_ =	strace $0x80000051  }
0xb4: {  	_ =	swait.ge [sflag:s29], $0x1  }
0xb5: {  	[sflag:s29] =	ssyncadd.s32 $0xFFFFFFFF  }
0xb6: {  	_ =	strace $0x90000051  }
0xb7: {  	_ =	sfence  }
0xb8: {  	s30 =	sld [smem:$0x0];
	_ =	sdelay $0x2  }
0xb9: {  	s31 =	sshll.u32 s1, $0xD;
	s1 =	sshrl.u32 s1, $0x2  }
0xba: {  	s3 =	sand.u32 $0x4000, s31;
	s1 =	sadd.s32 s1, s30  }
0xbb: {  	s0 =	sor.u32 s3, s0;
	s1 =	sshll.u32 s1, $0x11  }
0xbc: {  	s0 =	sor.u32 s1, s0  }
0xbd: {  	s0 =	sadd.s32 $0x8F2B, s0  }
0xbe: {  	[sflag:s0] =	ssyncadd.remote.s32 $0x1  }
0xbf: {  	_ =	sfence.sel $0xFFFF  }
0xc0: {  	[dreg:$0x0] =	wrdreg $0xFFFFFFFF;
	(pc) =	sbr.abs _section_cstart, $3  }
0xc1: {  	[dreg:$0x1] =	wrdreg $0xFFFFFFFF  }
0xc2: {  	_ =	task.clear_ibuf [dreg:s7], $0x2FFFF;
	_ =	strace $0x9FFFFFFF  }
0xc3: {  	(tm) =	ssettm $0x7FFFFFFF  }
tec
execute0_lowered:
.L_overlay_start_1:
0x0: {  	(tag) =	ssettag $0x1  }
0x1: {  	s1 =	rddreg [dreg:$0x0]  }
0x2: {  	s0 =	rddreg [dreg:$0x1]  }
0x3: {  	s3 =	rddreg [dreg:$0x2];
	s4 =	simm.s32 $0x0;
	s17 =	stileid.u32  }
0x4: {  	s7 =	srdreg.scid;
	s28 =	simm.s32 $0x1;
	s29 =	simm.s32 $0x69  }
0x5: {  	s30 =	simm.s32 $0x3000;
	[smem:$0x7FF] =	sst s4;
	s2 =	smul.u32 $0x2780, s17  }
0x6: {  	s5 =	sadd.s32 $0x85A00, s0;
	s8 =	smul.u32 $0x30, s17;
	s6 =	sadd.s32 $0x3E00, s0  }
0x7: {  	s9 =	sand.u32 $0x1, s7;
	s10 =	smul.u32 $0x90, s17;
	p0 =	seq.s32 s17, $0xF  }
0x8: {  	p3 =	sne.s32 s17, $0xF;
	s16 =	smul.u32 $0x4F000, s17;
	s20 =	sadd.s32 $0x128400, s3  }
0x9: {  	s19 =	sadd.s32 $0x25080, s1;
	s23 =	smul.u32 $0x13C00, s17;
	_ =	strace $0x80000050  }
0xa: {  	s11 =	ssub.s32 $0x2, s9;
	p4 =	seq.s32 s9, $0x0;
	p5 =	seq.s32 s9, $0x1  }
0xb: {  	[dreg:$0x9] =	wrdreg s19;
	s21 =	smul.u32 $0x138C00, s9;
	s19 =	simm.s32 $0x5  }
0xc: {  	[dreg:$0x8] =	wrdreg s20;
	s7 =	sadd.s32 $0x900, s8;
	s25 =	sadd.s32 s2, s0  }
0xd: {  	s12 =	sshrl.u32 s11, $0x1;
	p1 =	por !p4, !p3;
	p2 =	por !p4, !p0  }
0xe: {  	s18 =	sshrl.u32 s16, $0x2;
	p3 =	por !p3, !p5;
	s2 =	sadd.s32 s1, s2  }
0xf: {  	s19 =	simm.s32 @!p4 $0x1;
	p6 =	por !p0, !p5;
	s16 =	simm.s32 $0x6  }
0x10: {  	s7 =	smov.u32 @p4 s10;
	s10 =	sadd.s32 $0x92000, s0;
	s11 =	ssub.s32 s11, s12  }
0x11: {  	p1 =	por !p1, !p1;
	p2 =	por !p2, !p2;
	s31 =	sadd.s32 s18, s3  }
0x12: {  	[dreg:$0xb] =	wrdreg s2;
	p3 =	por !p3, !p3;
	s0 =	sadd.s32 $0x35480, s0  }
0x13: {  	s22 =	sadd.s32 $0x10400, s25;
	s18 =	simm.s32 $0x5;
	s24 =	sshrl.u32 s21, $0x3  }
0x14: {  	p5 =	por !p6, !p6;
	p4 =	sne.s32 s9, $0x0;
	[dreg:$0xc] =	wrdreg s0  }
0x15: {  	s2 =	simm.s32 $0x2E00;
	s26 =	sshll.u32 s7, $0x4;
	[dreg:$0xd] =	wrdreg s22  }
0x16: {  	s8 =	sadd.s32 s10, s24;
	s0 =	sadd.s32 s23, s21;
	s24 =	simm.s32 $0x1800  }
0x17: {  	p5 =	por !p5, p3;
	s21 =	simm.s32 $0x2;
	s22 =	simm.s32 $0x1880  }
0x18: {  	s23 =	simm.s32 $0x2F00;
	[dreg:$0xa] =	wrdreg s31;
	s13 =	sadd.s32 s5, s26  }
0x19: {  	s14 =	sadd.s32 s6, s26;
	s12 =	sadd.s32 $0x180, s26;
	[dreg:$0x4] =	wrdreg s13  }
0x1a: {  	s25 =	sadd.s32 $0x25080, s8;
	s0 =	sshrl.u32 s0, $0x3;
	[dreg:$0x5] =	wrdreg s14  }
0x1b: {  	s26 =	smax.u32 s11, $0x1;
	s11 =	simm.s32 $0x0;
	[dreg:$0xe] =	wrdreg s25  }
0x1c: {  	s15 =	sadd.s32 s5, s12;
	s12 =	sadd.s32 s6, s12;
	[dreg:$0x10] =	wrdreg s26  }
0x1d: {  	s0 =	sadd.s32 s10, s0;
	s13 =	simm.s32 $0x3;
	[dreg:$0x6] =	wrdreg s15  }
0x1e: {  	s10 =	simm.s32 $0xB80;
	s26 =	simm.s32 $0x2E80;
	[dreg:$0x7] =	wrdreg s12  }
0x1f: {  	s14 =	simm.s32 $0x2380;
	s25 =	simm.s32 $0x2F80;
	[dreg:$0xf] =	wrdreg s0  }
0x20: {  	s0 =	simm.s32 $0x6800;
	s15 =	simm.s32 $0x4;
	s12 =	simm.s32 $0x2300  }
.LBB2_1:
0x21: {  	s8 =	rddreg [dreg:$0x4]  }
0x22: {  	[tilespmem:s4], [sflag:$0x1] =	stream.linear.gather [hbm4b:s8+s4], $0xC00, $0x38;
	[tilespmem:$0x1D8C0] =	vst v63  }
0x23: {  	s9 =	simm.s32 $0xC00;
	s8 =	rddreg [dreg:$0x5]  }
0x24: {  	[tilespmem:s9], [sflag:$0x1] =	stream.linear.gather [hbm4b:s8+s4], $0xC00, $0x38;
	[tilespmem:$0x1D8C0] =	vst v63  }
.Ltmp0:
0x25: {  	[dreg:$0x11] =	wrdreg s11;
	(pc) =	sbr.rel @!p1 .LBB2_4-.Ltmp0, $4  }
0x26: {  	s9 =	rddreg [dreg:$0x6]  }
0x27: {  	[tilespmem:s24], [sflag:$0x2] =	stream.linear.gather [hbm4b:s9+s4], $0xC00, $0x38;
	[tilespmem:$0x1D8C0] =	vst v63  }
0x28: {  	s8 =	rddreg [dreg:$0x7];
	s9 =	simm.s32 $0x2400  }
0x29: {  	[tilespmem:s9], [sflag:$0x2] =	stream.linear.gather [hbm4b:s8+s4], $0xC00, $0x38;
	[tilespmem:$0x1D8C0] =	vst v63  }
0x2a: {  	s8 =	sshll.u32 s17, $0x6  }
0x2b: {  	s9 =	sshrl.u32 s31, $0x3;
	s11 =	rddreg [dreg:$0xb];
	s8 =	sor.u32 $0x1C07, s8  }
0x2c: {  	[spmem:s9], [sflag:s8] =	dma.local [hbm:s11], $0x2780  }
.Ltmp1:
0x2d: {  	_ = 	snop;
	(pc) =	sbr.rel .LBB2_3-.Ltmp1, $4  }
0x2e: {  	s11 =	simm.s32 $0x7  }
0x2f: {  	_ =	swait.ge [sflag:s11], $0x2780  }
0x30: {  	[sflag:s11] =	ssyncset.done $0x0  }
0x31: {  	[sflag:s11] =	ssyncadd.s32 $0xFFFFD880  }
.LBB2_4:
.Ltmp2:
0x32: {  	(pc) =	sbr.rel @!p2 .LBB2_3-.Ltmp2, $1  }
0x33: {  	_ =	sdelay $0x3  }
0x34: {  	s8 =	sshrl.u32 s20, $0x3;
	s9 =	rddreg [dreg:$0x9]  }
.Ltmp3:
0x35: {  	s11 =	simm.s32 $0x1FC7;
	s31 =	simm.s32 $0x7;
	(pc) =	sbr.rel .LBB2_6-.Ltmp3, $4  }
0x36: {  	[spmem:s8], [sflag:s11] =	dma.local [hbm:s9], $0x2080  }
0x37: {  	_ =	swait.ge [sflag:s31], $0x2080  }
0x38: {  	[sflag:s31] =	ssyncset.done $0x0  }
0x39: {  	[sflag:s31] =	ssyncadd.s32 $0xFFFFDF80  }
.LBB2_3:
0x3a: {  	s8 =	sshrl.u32 @!p5 s20, $0x3;
	s9 =	simm.s32 @!p5 $0x1FC7;
	s11 =	rddreg [dreg:$0xc]  }
0x3b: {  	[spmem:s8], [sflag:s9] =	dma.local @!p5 [hbm:s11], $0x2100  }
0x3c: {  	s8 =	simm.s32 @!p5 $0x7  }
0x3d: {  	_ =	swait.ge @!p5 [sflag:s8], $0x2100  }
0x3e: {  	s9 =	sshll.u32 @p3 s17, $0x6;
	[sflag:s8] =	ssyncset.done @!p5 $0x0;
	s11 =	rddreg [dreg:$0xd]  }
0x3f: {  	[sflag:s8] =	ssyncadd.s32 @!p5 $0xFFFFDF00;
	s8 =	sor.u32 @p3 $0x1C07, s9;
	s9 =	sshrl.u32 @p3 s31, $0x3  }
0x40: {  	[spmem:s9], [sflag:s8] =	dma.local @p3 [hbm:s11], $0x2780  }
0x41: {  	s8 =	simm.s32 @p3 $0x7  }
0x42: {  	_ =	swait.ge @p3 [sflag:s8], $0x2780  }
0x43: {  	[sflag:s8] =	ssyncset.done @p3 $0x0  }
0x44: {  	[sflag:s8] =	ssyncadd.s32 @p3 $0xFFFFD880  }
.LBB2_6:
0x45: {  	[bflag:$0x0] =	sbarrier.arrive $0xFFFF;
	s31 =	simm.s32 $0x0;
	s17 =	simm.s32 $0x0  }
.LBB2_7:
0x46: {  	_ =	swait.ge [sflag:s28], $0xC00  }
0x47: {  	[sflag:s28] =	ssyncset.done $0x0  }
0x48: {  	[sflag:s28] =	ssyncadd.s32 $0xFFFFF400  }
0x49: {  	_ =	swait.ge [sflag:s28], $0xC00  }
0x4a: {  	[sflag:s28] =	ssyncset.done $0x0  }
0x4b: {  	[sflag:s28] =	ssyncadd.s32 $0xFFFFF400  }
0x4c: {  	[tilespmem:s30], [sflag:$0x3] =	stream.indirect.gather [hbm4b:s1+s29], $0x80, s31, s29, $0xb8;
	[tilespmem:$0x1D8C0] =	vst v63  }
0x4d: {  	s8 =	simm.s32 $0x80  }
0x4e: {  	[tilespmem:s0], [sflag:$0x4] =	stream.indirect.gather [hbm4b:s1+s29], $0x80, s8, s29, $0xb8;
	[tilespmem:$0x1D8C0] =	vst v63  }
0x4f: {  	_ =	swait.ge [sflag:s13], $0x3480  }
0x50: {  	[sflag:s13] =	ssyncset.done $0x0  }
0x51: {  	s9 =	simm.s32 $0xC00;
	[sflag:s13] =	ssyncadd.s32 $0xFFFFCB80  }
0x52: {  	[spmem:s3] =	stream.indirect.scatter.add.f32 [tilespmem:s30], [sflag:$0x5], $0x80, s9, s29, $0xb8;
	[tilespmem:$0x1D8C0] =	vst v63  }
0x53: {  	_ =	swait.ge [sflag:s15], $0x3480  }
0x54: {  	[sflag:s15] =	ssyncset.done $0x0  }
0x55: {  	s11 =	simm.s32 $0xC80;
	[sflag:s15] =	ssyncadd.s32 $0xFFFFCB80  }
0x56: {  	[spmem:s3] =	stream.indirect.scatter.add.f32 [tilespmem:s0], [sflag:$0x6], $0x80, s11, s29, $0xb8;
	[tilespmem:$0x1D8C0] =	vst v63  }
0x57: {  	_ =	swait.ge [sflag:s18], $0x3480  }
0x58: {  	[sflag:s18] =	ssyncset.done $0x0  }
0x59: {  	s20 =	simm.s32 $0x100;
	[sflag:s18] =	ssyncadd.s32 $0xFFFFCB80  }
0x5a: {  	[tilespmem:s30], [sflag:$0x3] =	stream.indirect.gather [hbm4b:s1+s29], $0x80, s20, s29, $0xb8;
	[tilespmem:$0x1D8C0] =	vst v63  }
0x5b: {  	_ =	swait.ge [sflag:s16], $0x3480  }
0x5c: {  	[sflag:s16] =	ssyncset.done $0x0  }
0x5d: {  	s8 =	simm.s32 $0x400;
	s9 =	simm.s32 $0x180;
	[sflag:s16] =	ssyncadd.s32 $0xFFFFCB80  }
.LBB2_8:
0x5e: {  	[tilespmem:s0], [sflag:$0x4] =	stream.indirect.gather [hbm4b:s1+s29], $0x80, s9, s29, $0xb8;
	[tilespmem:$0x1D8C0] =	vst v63  }
0x5f: {  	s9 =	smov.u32 s8  }
0x60: {  	p6 =	sne.s32 s8, $0x2400;
	s8 =	sadd.s32 $0x400, s8;
	_ =	swait.ge [sflag:s13], $0x3480  }
0x61: {  	s9 =	sshra.s32 s9, $0x2;
	[sflag:s13] =	ssyncset.done $0x0  }
0x62: {  	s11 =	sadd.s32 $0xC00, s9;
	[sflag:s13] =	ssyncadd.s32 $0xFFFFCB80  }
0x63: {  	[spmem:s3] =	stream.indirect.scatter.add.f32 [tilespmem:s30], [sflag:$0x5], $0x80, s11, s29, $0xb8;
	[tilespmem:$0x1D8C0] =	vst v63  }
0x64: {  	_ =	swait.ge [sflag:s15], $0x3480  }
0x65: {  	[sflag:s15] =	ssyncset.done $0x0  }
0x66: {  	s11 =	sadd.s32 $0xC80, s9;
	[sflag:s15] =	ssyncadd.s32 $0xFFFFCB80  }
0x67: {  	[spmem:s3] =	stream.indirect.scatter.add.f32 [tilespmem:s0], [sflag:$0x6], $0x80, s11, s29, $0xb8;
	[tilespmem:$0x1D8C0] =	vst v63  }
0x68: {  	_ =	swait.ge [sflag:s18], $0x3480  }
0x69: {  	[sflag:s18] =	ssyncset.done $0x0  }
.Ltmp4:
0x6a: {  	s11 =	sadd.s32 $0x100, s9;
	[sflag:s18] =	ssyncadd.s32 $0xFFFFCB80;
	(pc) =	sbr.rel @p6 .LBB2_8-.Ltmp4, $4  }
0x6b: {  	[tilespmem:s30], [sflag:$0x3] =	stream.indirect.gather [hbm4b:s1+s29], $0x80, s11, s29, $0xb8;
	[tilespmem:$0x1D8C0] =	vst v63  }
0x6c: {  	_ =	swait.ge [sflag:s16], $0x3480  }
0x6d: {  	[sflag:s16] =	ssyncset.done $0x0  }
0x6e: {  	s9 =	sadd.s32 $0x180, s9;
	[sflag:s16] =	ssyncadd.s32 $0xFFFFCB80  }
0x6f: {  	[tilespmem:s0], [sflag:$0x4] =	stream.indirect.gather [hbm4b:s1+s29], $0x80, s9, s29, $0xb8;
	[tilespmem:$0x1D8C0] =	vst v63  }
0x70: {  	_ =	swait.ge [sflag:s13], $0x3480  }
0x71: {  	[sflag:s13] =	ssyncset.done $0x0  }
0x72: {  	s8 =	simm.s32 $0x1600;
	[sflag:s13] =	ssyncadd.s32 $0xFFFFCB80  }
0x73: {  	[spmem:s3] =	stream.indirect.scatter.add.f32 [tilespmem:s30], [sflag:$0x5], $0x80, s8, s29, $0xb8;
	[tilespmem:$0x1D8C0] =	vst v63  }
0x74: {  	_ =	swait.ge [sflag:s15], $0x3480  }
0x75: {  	[sflag:s15] =	ssyncset.done $0x0  }
0x76: {  	s9 =	simm.s32 $0x1680;
	[sflag:s15] =	ssyncadd.s32 $0xFFFFCB80  }
0x77: {  	[spmem:s3] =	stream.indirect.scatter.add.f32 [tilespmem:s0], [sflag:$0x6], $0x80, s9, s29, $0xb8;
	[tilespmem:$0x1D8C0] =	vst v63  }
0x78: {  	_ =	swait.ge [sflag:s18], $0x3480  }
0x79: {  	[sflag:s18] =	ssyncset.done $0x0  }
0x7a: {  	s11 =	simm.s32 $0xB00;
	[sflag:s18] =	ssyncadd.s32 $0xFFFFCB80  }
0x7b: {  	[tilespmem:s30], [sflag:$0x3] =	stream.indirect.gather [hbm4b:s1+s29], $0x80, s11, s29, $0xb8;
	[tilespmem:$0x1D8C0] =	vst v63  }
0x7c: {  	_ =	swait.ge [sflag:s16], $0x3480  }
0x7d: {  	[sflag:s16] =	ssyncset.done $0x0  }
0x7e: {  	[sflag:s16] =	ssyncadd.s32 $0xFFFFCB80  }
0x7f: {  	[tilespmem:s0], [sflag:$0x4] =	stream.indirect.gather [hbm4b:s1+s29], $0x80, s10, s29, $0xb8;
	[tilespmem:$0x1D8C0] =	vst v63  }
0x80: {  	_ =	swait.ge [sflag:s13], $0x3480  }
0x81: {  	[sflag:s13] =	ssyncset.done $0x0  }
0x82: {  	s20 =	simm.s32 $0x1700;
	[sflag:s13] =	ssyncadd.s32 $0xFFFFCB80  }
0x83: {  	[spmem:s3] =	stream.indirect.scatter.add.f32 [tilespmem:s30], [sflag:$0x5], $0x80, s20, s29, $0xb8;
	[tilespmem:$0x1D8C0] =	vst v63  }
0x84: {  	_ =	swait.ge [sflag:s15], $0x3480  }
0x85: {  	[sflag:s15] =	ssyncset.done $0x0  }
0x86: {  	s9 =	simm.s32 $0x1780;
	[sflag:s15] =	ssyncadd.s32 $0xFFFFCB80  }
0x87: {  	[spmem:s3] =	stream.indirect.scatter.add.f32 [tilespmem:s0], [sflag:$0x6], $0x80, s9, s29, $0xb8;
	[tilespmem:$0x1D8C0] =	vst v63  }
0x88: {  	_ =	swait.ge [sflag:s18], $0x3480  }
0x89: {  	[sflag:s18] =	ssyncset.done $0x0  }
0x8a: {  	[sflag:s18] =	ssyncadd.s32 $0xFFFFCB80  }
0x8b: {  	[tilespmem:s30], [sflag:$0x3] =	stream.indirect.gather [hbm4b:s1+s29], $0x80, s10, s29, $0xb8;
	[tilespmem:$0x1D8C0] =	vst v63  }
0x8c: {  	_ =	swait.ge [sflag:s16], $0x3480  }
0x8d: {  	s8 =	sshll.u32 s17, $0x1;
	[sflag:s16] =	ssyncset.done $0x0  }
0x8e: {  	s11 =	sadd.s32 $0x2, s8;
	[sflag:s16] =	ssyncadd.s32 $0xFFFFCB80  }
0x8f: {  	[tilespmem:s0], [sflag:$0x4] =	stream.indirect.gather [hbm4b:s1+s29], $0x80, s10, s29, $0xb8;
	[tilespmem:$0x1D8C0] =	vst v63  }
0x90: {  	s9 =	smin.u32 s11, s19;
	_ =	swait.ge [sflag:s13], $0x3480  }
0x91: {  	s9 =	smul.u32 $0x18, s9;
	[sflag:s13] =	ssyncset.done $0x0  }
0x92: {  	[sflag:s13] =	ssyncadd.s32 $0xFFFFCB80  }
0x93: {  	s9 =	sadd.s32 s7, s9;
	_ =	swait.ge [sflag:s15], $0x3480  }
0x94: {  	s9 =	sshll.u32 s9, $0x4;
	[sflag:s15] =	ssyncset.done $0x0  }
0x95: {  	s20 =	simm.s32 $0x0;
	s11 =	sadd.s32 s5, s9;
	[sflag:s15] =	ssyncadd.s32 $0xFFFFCB80  }
0x96: {  	[tilespmem:s20], [sflag:$0x1] =	stream.linear.gather [hbm4b:s11+s20], $0xC00, $0x38;
	[tilespmem:$0x1D8C0] =	vst v63  }
0x97: {  	s9 =	sadd.s32 s6, s9;
	s11 =	simm.s32 $0xC00  }
0x98: {  	[tilespmem:s11], [sflag:$0x1] =	stream.linear.gather [hbm4b:s9+s20], $0xC00, $0x38;
	[tilespmem:$0x1D8C0] =	vst v63  }
0x99: {  	_ =	swait.ge [sflag:s21], $0xC00  }
0x9a: {  	[sflag:s21] =	ssyncset.done $0x0  }
0x9b: {  	[sflag:s21] =	ssyncadd.s32 $0xFFFFF400  }
0x9c: {  	_ =	swait.ge [sflag:s21], $0xC00  }
0x9d: {  	[sflag:s21] =	ssyncset.done $0x0  }
0x9e: {  	[sflag:s21] =	ssyncadd.s32 $0xFFFFF400  }
0x9f: {  	[tilespmem:s30], [sflag:$0x3] =	stream.indirect.gather [hbm4b:s1+s29], $0x80, s24, s29, $0xb8;
	[tilespmem:$0x1D8C0] =	vst v63  }
0xa0: {  	_ = 	snop  }
0xa1: {  	[tilespmem:s0], [sflag:$0x4] =	stream.indirect.gather [hbm4b:s1+s29], $0x80, s22, s29, $0xb8;
	[tilespmem:$0x1D8C0] =	vst v63  }
0xa2: {  	_ =	swait.ge [sflag:s13], $0x3480  }
0xa3: {  	[sflag:s13] =	ssyncset.done $0x0  }
0xa4: {  	s20 =	simm.s32 $0x2400;
	[sflag:s13] =	ssyncadd.s32 $0xFFFFCB80  }
0xa5: {  	[spmem:s3] =	stream.indirect.scatter.add.f32 [tilespmem:s30], [sflag:$0x5], $0x80, s20, s29, $0xb8;
	[tilespmem:$0x1D8C0] =	vst v63  }
0xa6: {  	_ =	swait.ge [sflag:s15], $0x3480  }
0xa7: {  	[sflag:s15] =	ssyncset.done $0x0  }
0xa8: {  	s11 =	simm.s32 $0x2480;
	[sflag:s15] =	ssyncadd.s32 $0xFFFFCB80  }
0xa9: {  	[spmem:s3] =	stream.indirect.scatter.add.f32 [tilespmem:s0], [sflag:$0x6], $0x80, s11, s29, $0xb8;
	[tilespmem:$0x1D8C0] =	vst v63  }
0xaa: {  	_ =	swait.ge [sflag:s18], $0x3480  }
0xab: {  	[sflag:s18] =	ssyncset.done $0x0  }
0xac: {  	s20 =	simm.s32 $0x1900;
	[sflag:s18] =	ssyncadd.s32 $0xFFFFCB80  }
0xad: {  	[tilespmem:s30], [sflag:$0x3] =	stream.indirect.gather [hbm4b:s1+s29], $0x80, s20, s29, $0xb8;
	[tilespmem:$0x1D8C0] =	vst v63  }
0xae: {  	_ =	swait.ge [sflag:s16], $0x3480  }
0xaf: {  	[sflag:s16] =	ssyncset.done $0x0  }
0xb0: {  	s9 =	simm.s32 $0x400;
	s11 =	simm.s32 $0x1980;
	[sflag:s16] =	ssyncadd.s32 $0xFFFFCB80  }
.LBB2_10:
0xb1: {  	[tilespmem:s0], [sflag:$0x4] =	stream.indirect.gather [hbm4b:s1+s29], $0x80, s11, s29, $0xb8;
	[tilespmem:$0x1D8C0] =	vst v63  }
0xb2: {  	s11 =	smov.u32 s9  }
0xb3: {  	p6 =	sne.s32 s9, $0x2400;
	s9 =	sadd.s32 $0x400, s9;
	_ =	swait.ge [sflag:s13], $0x3480  }
0xb4: {  	s11 =	sshra.s32 s11, $0x2;
	[sflag:s13] =	ssyncset.done $0x0  }
0xb5: {  	s20 =	sadd.s32 $0x2400, s11;
	[sflag:s13] =	ssyncadd.s32 $0xFFFFCB80  }
0xb6: {  	[spmem:s3] =	stream.indirect.scatter.add.f32 [tilespmem:s30], [sflag:$0x5], $0x80, s20, s29, $0xb8;
	[tilespmem:$0x1D8C0] =	vst v63  }
0xb7: {  	_ =	swait.ge [sflag:s15], $0x3480  }
0xb8: {  	[sflag:s15] =	ssyncset.done $0x0  }
0xb9: {  	s20 =	sadd.s32 $0x2480, s11;
	[sflag:s15] =	ssyncadd.s32 $0xFFFFCB80  }
0xba: {  	[spmem:s3] =	stream.indirect.scatter.add.f32 [tilespmem:s0], [sflag:$0x6], $0x80, s20, s29, $0xb8;
	[tilespmem:$0x1D8C0] =	vst v63  }
0xbb: {  	_ =	swait.ge [sflag:s18], $0x3480  }
0xbc: {  	[sflag:s18] =	ssyncset.done $0x0  }
.Ltmp5:
0xbd: {  	s20 =	sadd.s32 $0x1900, s11;
	[sflag:s18] =	ssyncadd.s32 $0xFFFFCB80;
	(pc) =	sbr.rel @p6 .LBB2_10-.Ltmp5, $4  }
0xbe: {  	[tilespmem:s30], [sflag:$0x3] =	stream.indirect.gather [hbm4b:s1+s29], $0x80, s20, s29, $0xb8;
	[tilespmem:$0x1D8C0] =	vst v63  }
0xbf: {  	_ =	swait.ge [sflag:s16], $0x3480  }
0xc0: {  	[sflag:s16] =	ssyncset.done $0x0  }
0xc1: {  	s11 =	sadd.s32 $0x1980, s11;
	[sflag:s16] =	ssyncadd.s32 $0xFFFFCB80  }
0xc2: {  	[tilespmem:s0], [sflag:$0x4] =	stream.indirect.gather [hbm4b:s1+s29], $0x80, s11, s29, $0xb8;
	[tilespmem:$0x1D8C0] =	vst v63  }
0xc3: {  	_ =	swait.ge [sflag:s13], $0x3480  }
0xc4: {  	[sflag:s13] =	ssyncset.done $0x0  }
0xc5: {  	[sflag:s13] =	ssyncadd.s32 $0xFFFFCB80  }
0xc6: {  	[spmem:s3] =	stream.indirect.scatter.add.f32 [tilespmem:s30], [sflag:$0x5], $0x80, s2, s29, $0xb8;
	[tilespmem:$0x1D8C0] =	vst v63  }
0xc7: {  	_ =	swait.ge [sflag:s15], $0x3480  }
0xc8: {  	[sflag:s15] =	ssyncset.done $0x0  }
0xc9: {  	[sflag:s15] =	ssyncadd.s32 $0xFFFFCB80  }
0xca: {  	[spmem:s3] =	stream.indirect.scatter.add.f32 [tilespmem:s0], [sflag:$0x6], $0x80, s26, s29, $0xb8;
	[tilespmem:$0x1D8C0] =	vst v63  }
0xcb: {  	_ =	swait.ge [sflag:s18], $0x3480  }
0xcc: {  	[sflag:s18] =	ssyncset.done $0x0  }
0xcd: {  	[sflag:s18] =	ssyncadd.s32 $0xFFFFCB80  }
0xce: {  	[tilespmem:s30], [sflag:$0x3] =	stream.indirect.gather [hbm4b:s1+s29], $0x80, s12, s29, $0xb8;
	[tilespmem:$0x1D8C0] =	vst v63  }
0xcf: {  	_ =	swait.ge [sflag:s16], $0x3480  }
0xd0: {  	[sflag:s16] =	ssyncset.done $0x0  }
0xd1: {  	[sflag:s16] =	ssyncadd.s32 $0xFFFFCB80  }
0xd2: {  	[tilespmem:s0], [sflag:$0x4] =	stream.indirect.gather [hbm4b:s1+s29], $0x80, s14, s29, $0xb8;
	[tilespmem:$0x1D8C0] =	vst v63  }
0xd3: {  	_ =	swait.ge [sflag:s13], $0x3480  }
0xd4: {  	[sflag:s13] =	ssyncset.done $0x0  }
0xd5: {  	[sflag:s13] =	ssyncadd.s32 $0xFFFFCB80  }
0xd6: {  	[spmem:s3] =	stream.indirect.scatter.add.f32 [tilespmem:s30], [sflag:$0x5], $0x80, s23, s29, $0xb8;
	[tilespmem:$0x1D8C0] =	vst v63  }
0xd7: {  	_ =	swait.ge [sflag:s15], $0x3480  }
0xd8: {  	[sflag:s15] =	ssyncset.done $0x0  }
0xd9: {  	[sflag:s15] =	ssyncadd.s32 $0xFFFFCB80  }
0xda: {  	[spmem:s3] =	stream.indirect.scatter.add.f32 [tilespmem:s0], [sflag:$0x6], $0x80, s25, s29, $0xb8;
	[tilespmem:$0x1D8C0] =	vst v63  }
0xdb: {  	_ =	swait.ge [sflag:s18], $0x3480  }
0xdc: {  	[sflag:s18] =	ssyncset.done $0x0  }
0xdd: {  	[sflag:s18] =	ssyncadd.s32 $0xFFFFCB80  }
0xde: {  	[tilespmem:s30], [sflag:$0x3] =	stream.indirect.gather [hbm4b:s1+s29], $0x80, s14, s29, $0xb8;
	[tilespmem:$0x1D8C0] =	vst v63  }
0xdf: {  	_ =	swait.ge [sflag:s16], $0x3480  }
0xe0: {  	[sflag:s16] =	ssyncset.done $0x0  }
0xe1: {  	s8 =	sadd.s32 $0x3, s8;
	[sflag:s16] =	ssyncadd.s32 $0xFFFFCB80  }
0xe2: {  	[tilespmem:s0], [sflag:$0x4] =	stream.indirect.gather [hbm4b:s1+s29], $0x80, s14, s29, $0xb8;
	[tilespmem:$0x1D8C0] =	vst v63  }
0xe3: {  	s8 =	smin.u32 s8, s19;
	_ =	swait.ge [sflag:s13], $0x3480  }
0xe4: {  	s8 =	smul.u32 $0x18, s8;
	[sflag:s13] =	ssyncset.done $0x0  }
0xe5: {  	p6 =	slt.u32 @!p4 s17, $0x2;
	[sflag:s13] =	ssyncadd.s32 $0xFFFFCB80  }
0xe6: {  	p6 =	por p4, !p6;
	s8 =	sadd.s32 s7, s8;
	_ =	swait.ge [sflag:s15], $0x3480  }
.Ltmp6:
0xe7: {  	s8 =	sshll.u32 s8, $0x4;
	[sflag:s15] =	ssyncset.done $0x0;
	(pc) =	sbr.rel @!p6 .LBB2_7-.Ltmp6, $4  }
0xe8: {  	s9 =	sadd.s32 s5, s8;
	[sflag:s15] =	ssyncadd.s32 $0xFFFFCB80  }
0xe9: {  	[tilespmem:s24], [sflag:$0x2] =	stream.linear.gather [hbm4b:s9+s4], $0xC00, $0x38;
	[tilespmem:$0x1D8C0] =	vst v63  }
0xea: {  	s20 =	simm.s32 $0x2400;
	s17 =	sadd.s32 $0x1, s17;
	s8 =	sadd.s32 s6, s8  }
0xeb: {  	[tilespmem:s20], [sflag:$0x2] =	stream.linear.gather [hbm4b:s8+s4], $0xC00, $0x38;
	[tilespmem:$0x1D8C0] =	vst v63  }
0xec: {  	_ =	swait.ge [sflag:s28], $0xC00  }
0xed: {  	[sflag:s28] =	ssyncset.done $0x0  }
0xee: {  	[sflag:s28] =	ssyncadd.s32 $0xFFFFF400  }
0xef: {  	_ =	swait.ge [sflag:s28], $0xC00  }
0xf0: {  	[sflag:s28] =	ssyncset.done $0x0  }
0xf1: {  	[sflag:s28] =	ssyncadd.s32 $0xFFFFF400  }
0xf2: {  	_ =	swait.ge [sflag:s21], $0xC00  }
0xf3: {  	[sflag:s21] =	ssyncset.done $0x0  }
0xf4: {  	[sflag:s21] =	ssyncadd.s32 $0xFFFFF400  }
0xf5: {  	_ =	swait.ge [sflag:s21], $0xC00  }
0xf6: {  	[sflag:s21] =	ssyncset.done $0x0  }
0xf7: {  	[sflag:s21] =	ssyncadd.s32 $0xFFFFF400  }
0xf8: {  	[bflag:$0x0] =	sbarrier.arrive $0xFFFF  }
0xf9: {  	s20 =	rddreg [dreg:$0x8]  }
0xfa: {  	s9 =	simm.s32 @p0 $0x1FC7;
	s11 =	rddreg [dreg:$0xe];
	s8 =	sshrl.u32 @p0 s20, $0x3  }
0xfb: {  	[hbm:s11], [sflag:s9] =	dma.local @p0 [spmem:s8], $0x2100  }
0xfc: {  	s8 =	simm.s32 @p0 $0x7  }
0xfd: {  	_ =	swait.ge @p0 [sflag:s8], $0x2100  }
0xfe: {  	s17 =	stileid.u32;
	s31 =	rddreg [dreg:$0xa]  }
0xff: {  	s9 =	sshll.u32 @!p0 s17, $0x6;
	[sflag:s8] =	ssyncset.done @p0 $0x0;
	s11 =	rddreg [dreg:$0xf]  }
0x100: {  	[sflag:s8] =	ssyncadd.s32 @p0 $0xFFFFDF00;
	s8 =	sor.u32 @!p0 $0x1C07, s9;
	s9 =	sshrl.u32 @!p0 s31, $0x3  }
0x101: {  	[hbm:s11], [sflag:s8] =	dma.local @!p0 [spmem:s9], $0x2780  }
0x102: {  	s8 =	simm.s32 @!p0 $0x7  }
0x103: {  	_ =	swait.ge @!p0 [sflag:s8], $0x2780  }
0x104: {  	s9 =	rddreg [dreg:$0x11]  }
0x105: {  	s11 =	sadd.s32 $0x1, s9;
	s9 =	rddreg [dreg:$0x10]  }
0x106: {  	p6 =	sne.s32 s11, s9  }
.Ltmp7:
0x107: {  	_ = 	snop;
	(pc) =	sbr.rel @p6 .LBB2_1-.Ltmp7, $3  }
0x108: {  	_ =	sdelay $0x1  }
0x109: {  	[sflag:s8] =	ssyncset.done @!p0 $0x0  }
0x10a: {  	[sflag:s8] =	ssyncadd.s32 @!p0 $0xFFFFD880  }
0x10b: {  	_ =	sfence.sel $0x180000  }
0x10c: {  	[bflag:$0x0] =	sbarrier.arrive $0xFFFF  }
0x10d: {  	_ =	strace $0x90000050  }
0x10e: {  	[bflag:$0x2] =	sbarrier.arrive $0xFFFF  }
0x10f: {  	p0 =	sne.s32 s17, $0x0;
	s0 =	rddreg [dreg:$0x3]  }
0x110: {  	s0 =	sadd.s32 @!p0 $0x100000, s0  }
0x111: {  	[sflag:s0] =	ssyncadd.tile.s32 @!p0 $0x1;
	_ =	shalt  }
.Lfunc_end2:
_tile_overlayer_lowered:
.L_overlay_start_2:
0x112: {  	(tag) =	ssettag $0x2  }
0x113: {  	s0 =	rddreg [dreg:$0x0];
	s2 =	stileid.u32  }
0x114: {  	s1 =	rddreg [dreg:$0x1];
	p0 =	sne.s32 s2, $0x0  }
0x115: {  	s3 =	rddreg [dreg:$0x2];
	[bflag:$0x3] =	sbarrier.arrive $0xFFFF;
	s2 =	simm.s32 @!p0 $0x1C07  }
0x116: {  	[timem:s3], [sflag:s2] =	dma.local @!p0 [hbm:s0], s1  }
0x117: {  	s0 =	simm.s32 @!p0 $0x7  }
0x118: {  	_ =	swait.ge @!p0 [sflag:s0], s1  }
0x119: {  	s1 =	ssub.s32 @!p0 $0x0, s1;
	[sflag:s0] =	ssyncset.done @!p0 $0x0  }
0x11a: {  	[sflag:s0] =	ssyncadd.s32 @!p0 s1  }
0x11b: {  	[bflag:$0x3] =	sbarrier.arrive $0xFFFF  }
0x11c: {  	_ =	shalt  }

</sc_bundles>
